<compile_context>
chip_gen: v7x
topology: tpu7x:2x2x1
jax: 0.10.2.dev20260603
libtpu: 0.0.44.dev20260713+nightly
codegen_flags: <defaults>
</compile_context>

<pallas_src>
import jax
import jax.numpy as jnp
from jax import lax
from jax.experimental import pallas as pl
from jax.experimental.pallas import tpu as pltpu
from jax.experimental.pallas import tpu_sc as plsc

N = 10000
D = 128
H = 256
OUT = 64
E = 320000
EPAD = 327680
NPAD = 10112
EB = 128
K = 2
NB = 160
NG = NB // K

_mesh = plsc.VectorSubcoreMesh(core_axis_name="c", subcore_axis_name="s")


def _wb(s, sh, out, c):
    @pl.when(s < 15)
    def _():
        pltpu.sync_copy(sh.at[pl.ds(s * 632, 632)],
                        out.at[c].at[pl.ds(s * 632, 632)])

    @pl.when(s == 15)
    def _():
        pltpu.sync_copy(sh.at[pl.ds(9480, 520)],
                        out.at[c].at[pl.ds(9480, 520)])


def _drain(src_dummy, dst_ref, sem):
    pltpu.make_async_copy(src_dummy, dst_ref, sem).wait()


def _gather_scatter_loop(base, table, srcf, dstf, shf,
                         srcv, dstv, rows, zf_hbm, isem, gsem, ssem):
    for q in range(3):
        off = base + q * EB
        pltpu.async_copy(srcf.at[pl.ds(off, EB)], srcv.at[q], isem)
        pltpu.async_copy(dstf.at[pl.ds(off, EB)], dstv.at[q], isem)
    pltpu.sync_copy(zf_hbm.at[pl.ds(0, EB)], rows.at[1])
    _drain(srcf.at[pl.ds(base, EB)], srcv.at[0], isem)
    _drain(dstf.at[pl.ds(base, EB)], dstv.at[0], isem)
    pltpu.async_copy(table.at[srcv.at[0]], rows.at[0], gsem)
    pltpu.async_copy(rows.at[1], shf.at[dstv.at[0]], ssem, add=True)

    def batch(t, u):
        q, p, qn, qf = u, u % 2, (u + 1) % 4, (u + 3) % 4
        _drain(table.at[pl.ds(0, EB)], rows.at[p], gsem)
        pltpu.async_copy(rows.at[p], shf.at[dstv.at[q]], ssem, add=True)
        _drain(table.at[pl.ds(0, EB)], rows.at[1 - p], ssem)
        _drain(srcf.at[pl.ds(base, EB)], srcv.at[qn], isem)
        _drain(dstf.at[pl.ds(base, EB)], dstv.at[qn], isem)
        pltpu.async_copy(table.at[srcv.at[qn]], rows.at[1 - p], gsem)
        off = base + (4 * t + u + 3) * EB
        pltpu.async_copy(srcf.at[pl.ds(off, EB)], srcv.at[qf], isem)
        pltpu.async_copy(dstf.at[pl.ds(off, EB)], dstv.at[qf], isem)

    def quad(t, carry):
        for u in range(4):
            batch(t, u)
        return carry

    lax.fori_loop(0, NB // 4, quad, 0)
    _drain(table.at[pl.ds(0, EB)], rows.at[0], gsem)
    _drain(table.at[pl.ds(0, EB)], rows.at[1], ssem)
    for q in range(2):
        _drain(srcf.at[pl.ds(base, EB)], srcv.at[q], isem)
        _drain(dstf.at[pl.ds(base, EB)], dstv.at[q], isem)


def _fire_dst(base, g, half, dstf, dstv, isem):
    for b in range(K):
        off = base + (g * K + b) * EB
        pltpu.async_copy(dstf.at[pl.ds(off, EB)], dstv.at[half * K + b], isem)


def _count_loop(base, dstf, shf, zf_hbm, ones_v, dstv, isem, ssem):
    _fire_dst(base, 0, 0, dstf, dstv, isem)

    def one_group(j, half):
        for b in range(K):
            _drain(dstf.at[pl.ds(base, EB)], dstv.at[half * K + b], isem)
        _fire_dst(base, j + 1, 1 - half, dstf, dstv, isem)
        for b in range(K):
            pltpu.async_copy(ones_v, shf.at[dstv.at[half * K + b]],
                             ssem, add=True)
        for b in range(K):
            _drain(zf_hbm.at[pl.ds(0, EB)], ones_v, ssem)

    def pair(t, carry):
        one_group(2 * t, 0)
        one_group(2 * t + 1, 1)
        return carry

    lax.fori_loop(0, NG // 2, pair, 0)
    for b in range(K):
        _drain(dstf.at[pl.ds(base, EB)], dstv.at[b], isem)


def _sc_seg_cnt(srcf_hbm, dstf_hbm, table_hbm, zf_hbm, ones_hbm,
                agg_out, cnt_out,
                shf, srcv, dstv, rows, isem, gsem, ssem):
    c = lax.axis_index("c")
    s = lax.axis_index("s")
    pltpu.sync_copy(zf_hbm.at[pl.ds(s * 632, 632)], shf.at[pl.ds(s * 632, 632)])
    plsc.subcore_barrier()
    base = c * EPAD + s * 20480
    _gather_scatter_loop(base, table_hbm, srcf_hbm, dstf_hbm, shf,
                         srcv, dstv, rows, zf_hbm, isem, gsem, ssem)
    plsc.subcore_barrier()
    _wb(s, shf, agg_out, c)
    plsc.subcore_barrier()
    pltpu.sync_copy(zf_hbm.at[pl.ds(s * 632, 632)], shf.at[pl.ds(s * 632, 632)])
    pltpu.sync_copy(ones_hbm, rows.at[0])
    plsc.subcore_barrier()
    _count_loop(base, dstf_hbm, shf, zf_hbm, rows.at[0], dstv, isem, ssem)
    plsc.subcore_barrier()
    _wb(s, shf, cnt_out, c)


def _sc_seg(srcf_hbm, dstf_hbm, table_hbm, zf_hbm,
            agg_out,
            shf, srcv, dstv, rows, isem, gsem, ssem):
    c = lax.axis_index("c")
    s = lax.axis_index("s")
    pltpu.sync_copy(zf_hbm.at[pl.ds(s * 632, 632)], shf.at[pl.ds(s * 632, 632)])
    plsc.subcore_barrier()
    base = c * EPAD + s * 20480
    _gather_scatter_loop(base, table_hbm, srcf_hbm, dstf_hbm, shf,
                         srcv, dstv, rows, zf_hbm, isem, gsem, ssem)
    plsc.subcore_barrier()
    _wb(s, shf, agg_out, c)


_SC_SCRATCH = (
    pltpu.VMEM_SHARED((NPAD, D), jnp.float32),
    pltpu.VMEM((4, EB), jnp.int32),
    pltpu.VMEM((4, EB), jnp.int32),
    pltpu.VMEM((K, EB, D), jnp.float32),
)
_SEMS = (pltpu.SemaphoreType.DMA,) * 3


def _seg_cnt(srcf, dstf, table, zf, ones):
    return pl.kernel(
        _sc_seg_cnt,
        out_type=(
            jax.ShapeDtypeStruct((2, N, D), jnp.float32),
            jax.ShapeDtypeStruct((2, N, D), jnp.float32),
        ),
        mesh=_mesh,
        scratch_types=_SC_SCRATCH + _SEMS,
    )(srcf, dstf, table, zf, ones)


def _seg(srcf, dstf, table, zf):
    return pl.kernel(
        _sc_seg,
        out_type=jax.ShapeDtypeStruct((2, N, D), jnp.float32),
        mesh=_mesh,
        scratch_types=_SC_SCRATCH + _SEMS,
    )(srcf, dstf, table, zf)


BN = 1000


def _tc1_body(p_ref, cp_ref, x_ref, wl_ref, wr_ref, b_ref, out_ref):
    cnt = cp_ref[0, :, 0:1]
    inv = 1.0 / jnp.maximum(cnt, 1.0)
    mean = p_ref[0] * inv
    r = (jnp.dot(mean, wl_ref[...], preferred_element_type=jnp.float32)
         + jnp.dot(x_ref[...], wr_ref[...], preferred_element_type=jnp.float32)
         + b_ref[...])
    h = jnp.maximum(r, 0.0)
    out_ref[0] = h[:, :D]
    out_ref[1] = h[:, D:]


def _tc1(rel, p, cp, x, wlT, wrT, b):
    return pl.pallas_call(
        _tc1_body,
        grid=(N // BN,),
        in_specs=[
            pl.BlockSpec((1, BN, D), lambda i, r=rel: (r, i, 0)),
            pl.BlockSpec((1, BN, D), lambda i, r=rel: (r, i, 0)),
            pl.BlockSpec((BN, D), lambda i: (i, 0)),
            pl.BlockSpec((D, H), lambda i: (0, 0)),
            pl.BlockSpec((D, H), lambda i: (0, 0)),
            pl.BlockSpec((1, H), lambda i: (0, 0)),
        ],
        out_specs=pl.BlockSpec((2, BN, D), lambda i: (0, i, 0)),
        out_shape=jax.ShapeDtypeStruct((2, N, D), jnp.float32),
    )(p, cp, x, wlT, wrT, b)


def _tc2_body(a_ref, cp_ref, h_ref, wl_ref, wr_ref, b_ref, out_ref):
    cnt = cp_ref[0, :, 0:1]
    inv = 1.0 / jnp.maximum(cnt, 1.0)
    r = (jnp.dot(a_ref[0] * inv, wl_ref[:D], preferred_element_type=jnp.float32)
         + jnp.dot(a_ref[1] * inv, wl_ref[D:], preferred_element_type=jnp.float32)
         + jnp.dot(h_ref[0], wr_ref[:D], preferred_element_type=jnp.float32)
         + jnp.dot(h_ref[1], wr_ref[D:], preferred_element_type=jnp.float32)
         + b_ref[...])
    out_ref[...] = jnp.maximum(r, 0.0)


def _tc2(rel, a, cp, h, wlT, wrT, b):
    return pl.pallas_call(
        _tc2_body,
        grid=(N // BN,),
        in_specs=[
            pl.BlockSpec((2, BN, D), lambda i: (0, i, 0)),
            pl.BlockSpec((1, BN, D), lambda i, r=rel: (r, i, 0)),
            pl.BlockSpec((2, BN, D), lambda i: (0, i, 0)),
            pl.BlockSpec((H, H), lambda i: (0, 0)),
            pl.BlockSpec((H, H), lambda i: (0, 0)),
            pl.BlockSpec((1, H), lambda i: (0, 0)),
        ],
        out_specs=pl.BlockSpec((BN, H), lambda i: (i, 0)),
        out_shape=jax.ShapeDtypeStruct((N, H), jnp.float32),
    )(a, cp, h, wlT, wrT, b)


def _tc2fin_body(a_ref, cp_ref, h_ref, wl_ref, wr_ref, b_ref, wlin_ref,
                 blin_ref, out_ref, log_ref):
    cnt = cp_ref[0, :, 0:1]
    inv = 1.0 / jnp.maximum(cnt, 1.0)
    r = (jnp.dot(a_ref[0] * inv, wl_ref[:D], preferred_element_type=jnp.float32)
         + jnp.dot(a_ref[1] * inv, wl_ref[D:], preferred_element_type=jnp.float32)
         + jnp.dot(h_ref[0], wr_ref[:D], preferred_element_type=jnp.float32)
         + jnp.dot(h_ref[1], wr_ref[D:], preferred_element_type=jnp.float32)
         + b_ref[...])
    c2 = jnp.maximum(r, 0.0)
    out_ref[...] = c2
    log_ref[...] = (jnp.dot(c2, wlin_ref[...], preferred_element_type=jnp.float32)
                    + blin_ref[...])


def _tc2fin(rel, a, cp, h, wlT, wrT, b, wlinT, blin):
    return pl.pallas_call(
        _tc2fin_body,
        grid=(N // BN,),
        in_specs=[
            pl.BlockSpec((2, BN, D), lambda i: (0, i, 0)),
            pl.BlockSpec((1, BN, D), lambda i, r=rel: (r, i, 0)),
            pl.BlockSpec((2, BN, D), lambda i: (0, i, 0)),
            pl.BlockSpec((H, H), lambda i: (0, 0)),
            pl.BlockSpec((H, H), lambda i: (0, 0)),
            pl.BlockSpec((1, H), lambda i: (0, 0)),
            pl.BlockSpec((H, OUT), lambda i: (0, 0)),
            pl.BlockSpec((1, OUT), lambda i: (0, 0)),
        ],
        out_specs=(
            pl.BlockSpec((BN, H), lambda i: (i, 0)),
            pl.BlockSpec((BN, OUT), lambda i: (i, 0)),
        ),
        out_shape=(
            jax.ShapeDtypeStruct((N, H), jnp.float32),
            jax.ShapeDtypeStruct((N, OUT), jnp.float32),
        ),
    )(a, cp, h, wlT, wrT, b, wlinT, blin)


def kernel(x_cell, x_gene, edge_index_ce, edge_index_ec,
           Wl1_cg, bl1_cg, Wr1_cg, Wl1_gc, bl1_gc, Wr1_gc,
           Wl2_cg, bl2_cg, Wr2_cg, Wl2_gc, bl2_gc, Wr2_gc,
           W_lin, b_lin):
    npad = EPAD - E
    tail = 4 * EB
    pad_src = jnp.zeros((npad,), jnp.int32)
    pad_dst = jnp.full((npad,), N, jnp.int32)
    zpad = jnp.zeros((tail,), jnp.int32)

    src_ce = jnp.concatenate([edge_index_ce[0].astype(jnp.int32), pad_src])
    dst_ce = jnp.concatenate([edge_index_ce[1].astype(jnp.int32), pad_dst])
    src_ec = jnp.concatenate([edge_index_ec[0].astype(jnp.int32), pad_src])
    dst_ec = jnp.concatenate([edge_index_ec[1].astype(jnp.int32), pad_dst])

    zf = jnp.zeros((NPAD, D), jnp.float32)
    ones = jnp.ones((EB, D), jnp.float32)

    x_both = jnp.concatenate([x_cell, x_gene], axis=0)
    src1 = jnp.concatenate([src_ce, src_ec + N, zpad])
    dst1 = jnp.concatenate([dst_ce, dst_ec, zpad])
    agg1, cnt1 = _seg_cnt(src1, dst1, x_both, zf, ones)

    g1 = _tc1(0, agg1, cnt1, x_gene, Wl1_cg.T, Wr1_cg.T, bl1_cg.reshape(1, H))
    c1 = _tc1(1, agg1, cnt1, x_cell, Wl1_gc.T, Wr1_gc.T, bl1_gc.reshape(1, H))

    src2_ce = jnp.concatenate([src_ce, src_ce + N, zpad])
    dst2_ce = jnp.concatenate([dst_ce, dst_ce, zpad])
    src2_ec = jnp.concatenate([src_ec, src_ec + N, zpad])
    dst2_ec = jnp.concatenate([dst_ec, dst_ec, zpad])
    a2g = _seg(src2_ce, dst2_ce, c1.reshape(2 * N, D), zf)
    a2c = _seg(src2_ec, dst2_ec, g1.reshape(2 * N, D), zf)

    g2 = _tc2(0, a2g, cnt1, g1, Wl2_cg.T, Wr2_cg.T, bl2_cg.reshape(1, H))
    c2, logits = _tc2fin(1, a2c, cnt1, c1, Wl2_gc.T, Wr2_gc.T,
                         bl2_gc.reshape(1, H), W_lin.T, b_lin.reshape(1, OUT))
    return (logits, c2, g2)

# --- scband reference (transcript-rebuilt; emitter-appended) ---
"""Pipeline reference for scband-hetero-gnn-17360257811163 (READ-ONLY COPY).

The authoritative reference and input builder live on the scoring server;
editing this copy changes nothing except your own understanding.
"""

import jax, jax.numpy as jnp
import numpy as np

N_CELL = 10000
N_GENE = 10000
N_EDGE = 320000
D_CELL = 128
D_GENE = 128
H = 256
OUT = 64


def _sage(x_src, x_dst, ei, Wl, bl, Wr, num_dst):
    # PyG SAGEConv with aggr='mean': out = lin_l(mean_j x_src[j]) + lin_r(x_dst)
    src, dst = ei[0], ei[1]
    msg = x_src[src]
    agg = jax.ops.segment_sum(msg, dst, num_segments=num_dst)
    cnt = jax.ops.segment_sum(jnp.ones((ei.shape[1],), msg.dtype), dst, num_segments=num_dst)
    mean = agg / jnp.maximum(cnt, 1.0)[:, None]
    return mean @ Wl.T + bl + x_dst @ Wr.T


def setup_inputs(seed: int = 0):
    key = jax.random.key(seed)
    ks = jax.random.split(key, 16)
    s = 0.02
    inp = {}
    inp['x_cell'] = jax.random.normal(ks[0], (N_CELL, D_CELL), jnp.float32)
    inp['x_gene'] = jax.random.normal(ks[1], (N_GENE, D_GENE), jnp.float32)
    inp['edge_index_ce'] = jax.random.randint(ks[2], (2, N_EDGE), 0, N_CELL)  # row0: cell src < N_CELL, row1: gene dst < N_GENE
    inp['edge_index_ec'] = jax.random.randint(ks[3], (2, N_EDGE), 0, N_GENE)  # row0: gene src < N_GENE, row1: cell dst < N_CELL
    # conv1 params
    inp['Wl1_cg'] = jax.random.normal(ks[4], (H, D_CELL), jnp.float32) * s
    inp['bl1_cg'] = jnp.zeros((H,), jnp.float32)
    inp['Wr1_cg'] = jax.random.normal(ks[5], (H, D_GENE), jnp.float32) * s
    inp['Wl1_gc'] = jax.random.normal(ks[6], (H, D_GENE), jnp.float32) * s
    inp['bl1_gc'] = jnp.zeros((H,), jnp.float32)
    inp['Wr1_gc'] = jax.random.normal(ks[7], (H, D_CELL), jnp.float32) * s
    # conv2 params
    inp['Wl2_cg'] = jax.random.normal(ks[8], (H, H), jnp.float32) * s
    inp['bl2_cg'] = jnp.zeros((H,), jnp.float32)
    inp['Wr2_cg'] = jax.random.normal(ks[9], (H, H), jnp.float32) * s
    inp['Wl2_gc'] = jax.random.normal(ks[10], (H, H), jnp.float32) * s
    inp['bl2_gc'] = jnp.zeros((H,), jnp.float32)
    inp['Wr2_gc'] = jax.random.normal(ks[11], (H, H), jnp.float32) * s
    # final linear
    inp['W_lin'] = jax.random.normal(ks[12], (OUT, H), jnp.float32) * s
    inp['b_lin'] = jnp.zeros((OUT,), jnp.float32)
    return inp


def reference(x_cell, x_gene, edge_index_ce, edge_index_ec,
              Wl1_cg, bl1_cg, Wr1_cg, Wl1_gc, bl1_gc, Wr1_gc,
              Wl2_cg, bl2_cg, Wr2_cg, Wl2_gc, bl2_gc, Wr2_gc,
              W_lin, b_lin):
    # layer 1 (HeteroConv aggr='mean' is identity here: one relation per dst type)
    g1 = _sage(x_cell, x_gene, edge_index_ce, Wl1_cg, bl1_cg, Wr1_cg, N_GENE)
    c1 = _sage(x_gene, x_cell, edge_index_ec, Wl1_gc, bl1_gc, Wr1_gc, N_CELL)
    g1 = jax.nn.relu(g1)
    c1 = jax.nn.relu(c1)
    # layer 2
    g2 = _sage(c1, g1, edge_index_ce, Wl2_cg, bl2_cg, Wr2_cg, N_GENE)
    c2 = _sage(g1, c1, edge_index_ec, Wl2_gc, bl2_gc, Wr2_gc, N_CELL)
    g2 = jax.nn.relu(g2)
    c2 = jax.nn.relu(c2)
    logits = c2 @ W_lin.T + b_lin
    return (logits, c2, g2)

if __name__ == "__main__":
    import jax
    _d = setup_inputs()
    print(jax.jit(kernel)(*tuple(_d.values())))

</pallas_src>

<mosaic_0001>
#map = affine_map<(d0, d1) -> (0)>
#map1 = affine_map<(d0, d1) -> (0, 0)>
#map2 = affine_map<(d0, d1) -> (0, 0, 0)>
module attributes {stable_mosaic.version = 14 : i64} {
  func.func @_sc_seg(%arg0: i32, %arg1: i32, %arg2: memref<655872xi32, #tpu.memory_space<hbm>>, %arg3: memref<655872xi32, #tpu.memory_space<hbm>>, %arg4: memref<20000x128xf32, #tpu.memory_space<hbm>>, %arg5: memref<10112x128xf32, #tpu.memory_space<hbm>>, %arg6: memref<2x10000x128xf32, #tpu.memory_space<hbm>>, %arg7: memref<10112x128xf32, #tpu.memory_space<vmem_shared>>, %arg8: memref<4x128xi32, #tpu.memory_space<vmem>>, %arg9: memref<4x128xi32, #tpu.memory_space<vmem>>, %arg10: memref<2x128x128xf32, #tpu.memory_space<vmem>>, %arg11: memref<!tpu.dma_semaphore, #tpu.memory_space<semaphore_mem>>, %arg12: memref<!tpu.dma_semaphore, #tpu.memory_space<semaphore_mem>>, %arg13: memref<!tpu.dma_semaphore, #tpu.memory_space<semaphore_mem>>) attributes {dimension_semantics = [#tpu.dimension_semantics<core_parallel>, #tpu.dimension_semantics<subcore_parallel>], iteration_bounds = array<i64: 2, 16>, scalar_prefetch = 0 : i64, scratch_operands = 7 : i64, tpu.core_type = #tpu.core_type<sc_vector_subcore>, window_params = [{transform_indices = #map}, {transform_indices = #map}, {transform_indices = #map1}, {transform_indices = #map1}, {transform_indices = #map2}]} {
    %mul3A = arith.constant 632 : i32
    %mul3A_0 = arith.muli %arg1, %mul3A : i32
    %mul3A_1 = arith.constant 632 : i32
    %mul3A_2 = arith.muli %arg1, %mul3A_1 : i32
    "tpu.region"() ({
      %run_scoped3A_185 = tpu.sem_alloc : memref<!tpu.dma_semaphore, #tpu.memory_space<semaphore_mem>>
      %dma_start3A_186 = arith.constant 0 : i32
      %dma_start3A_187 = tpu.memref_slice %arg7[%mul3A_2, %dma_start3A_186] : memref<10112x128xf32, #tpu.memory_space<vmem_shared>> -> memref<632x128xf32, #tpu.memory_space<vmem_shared>>
      %dma_start3A_188 = arith.constant 0 : i32
      %dma_start3A_189 = tpu.memref_slice %arg5[%mul3A_0, %dma_start3A_188] : memref<10112x128xf32, #tpu.memory_space<hbm>> -> memref<632x128xf32, #tpu.memory_space<hbm>>
      tpu.enqueue_dma source(%dma_start3A_189 : memref<632x128xf32, #tpu.memory_space<hbm>>) target(%dma_start3A_187 : memref<632x128xf32, #tpu.memory_space<vmem_shared>>) target_semaphore(%run_scoped3A_185 : memref<!tpu.dma_semaphore, #tpu.memory_space<semaphore_mem>>)
      %dma_wait3A_190 = arith.constant 0 : i32
      %dma_wait3A_191 = tpu.memref_slice %arg7[%mul3A_2, %dma_wait3A_190] : memref<10112x128xf32, #tpu.memory_space<vmem_shared>> -> memref<632x128xf32, #tpu.memory_space<vmem_shared>>
      %dma_wait3A_192 = arith.constant 0 : i32
      %dma_wait3A_193 = tpu.memref_slice %arg5[%mul3A_0, %dma_wait3A_192] : memref<10112x128xf32, #tpu.memory_space<hbm>> -> memref<632x128xf32, #tpu.memory_space<hbm>>
      tpu.wait_dma2 semaphore(%run_scoped3A_185 : memref<!tpu.dma_semaphore, #tpu.memory_space<semaphore_mem>>) src(%dma_wait3A_193 : memref<632x128xf32, #tpu.memory_space<hbm>>) dst(%dma_wait3A_191 : memref<632x128xf32, #tpu.memory_space<vmem_shared>>)
      tpu.yield
    }) : () -> ()
    %barrier3A = arith.constant 0 : index
    tpu.barrier barrier_id(%barrier3A)
    %mul3A_3 = arith.constant 327680 : i32
    %mul3A_4 = arith.muli %arg0, %mul3A_3 : i32
    %mul3A_5 = arith.constant 20480 : i32
    %mul3A_6 = arith.muli %arg1, %mul3A_5 : i32
    %add3A = arith.addi %mul3A_4, %mul3A_6 : i32
    %add3A_7 = arith.constant 0 : i32
    %add3A_8 = arith.addi %add3A, %add3A_7 : i32
    %dma_start3A = arith.constant 0 : i32
    %dma_start3A_9 = arith.constant 0 : i32
    %dma_start3A_10 = tpu.memref_slice %arg8[%dma_start3A, %dma_start3A_9] : memref<4x128xi32, #tpu.memory_space<vmem>> -> memref<1x128xi32, #tpu.memory_space<vmem>>
    %dma_start3A_11 = tpu.memref_squeeze %dma_start3A_10 : memref<1x128xi32, #tpu.memory_space<vmem>> -> memref<128xi32, #tpu.memory_space<vmem>>
    %dma_start3A_12 = tpu.memref_slice %arg2[%add3A_8] : memref<655872xi32, #tpu.memory_space<hbm>> -> memref<128xi32, #tpu.memory_space<hbm>>
    %dma_start3A_13 = arith.constant 0 : i32
    %dma_start3A_14 = tpu.memref_slice %arg8[%dma_start3A, %dma_start3A_13] : memref<4x128xi32, #tpu.memory_space<vmem>> -> memref<1x128xi32, #tpu.memory_space<vmem>>
    %dma_start3A_15 = tpu.memref_squeeze %dma_start3A_14 : memref<1x128xi32, #tpu.memory_space<vmem>> -> memref<128xi32, #tpu.memory_space<vmem>>
    %dma_start3A_16 = tpu.memref_slice %arg2[%add3A_8] : memref<655872xi32, #tpu.memory_space<hbm>> -> memref<128xi32, #tpu.memory_space<hbm>>
    tpu.enqueue_dma source(%dma_start3A_16 : memref<128xi32, #tpu.memory_space<hbm>>) target(%dma_start3A_15 : memref<128xi32, #tpu.memory_space<vmem>>) target_semaphore(%arg11 : memref<!tpu.dma_semaphore, #tpu.memory_space<semaphore_mem>>)
    %dma_start3A_17 = arith.constant 0 : i32
    %dma_start3A_18 = arith.constant 0 : i32
    %dma_start3A_19 = tpu.memref_slice %arg9[%dma_start3A_17, %dma_start3A_18] : memref<4x128xi32, #tpu.memory_space<vmem>> -> memref<1x128xi32, #tpu.memory_space<vmem>>
    %dma_start3A_20 = tpu.memref_squeeze %dma_start3A_19 : memref<1x128xi32, #tpu.memory_space<vmem>> -> memref<128xi32, #tpu.memory_space<vmem>>
    %dma_start3A_21 = tpu.memref_slice %arg3[%add3A_8] : memref<655872xi32, #tpu.memory_space<hbm>> -> memref<128xi32, #tpu.memory_space<hbm>>
    %dma_start3A_22 = arith.constant 0 : i32
    %dma_start3A_23 = tpu.memref_slice %arg9[%dma_start3A_17, %dma_start3A_22] : memref<4x128xi32, #tpu.memory_space<vmem>> -> memref<1x128xi32, #tpu.memory_space<vmem>>
    %dma_start3A_24 = tpu.memref_squeeze %dma_start3A_23 : memref<1x128xi32, #tpu.memory_space<vmem>> -> memref<128xi32, #tpu.memory_space<vmem>>
    %dma_start3A_25 = tpu.memref_slice %arg3[%add3A_8] : memref<655872xi32, #tpu.memory_space<hbm>> -> memref<128xi32, #tpu.memory_space<hbm>>
    tpu.enqueue_dma source(%dma_start3A_25 : memref<128xi32, #tpu.memory_space<hbm>>) target(%dma_start3A_24 : memref<128xi32, #tpu.memory_space<vmem>>) target_semaphore(%arg11 : memref<!tpu.dma_semaphore, #tpu.memory_space<semaphore_mem>>)
    %add3A_26 = arith.constant 128 : i32
    %add3A_27 = arith.addi %add3A, %add3A_26 : i32
    %dma_start3A_28 = arith.constant 1 : i32
    %dma_start3A_29 = arith.constant 0 : i32
    %dma_start3A_30 = tpu.memref_slice %arg8[%dma_start3A_28, %dma_start3A_29] : memref<4x128xi32, #tpu.memory_space<vmem>> -> memref<1x128xi32, #tpu.memory_space<vmem>>
    %dma_start3A_31 = tpu.memref_squeeze %dma_start3A_30 : memref<1x128xi32, #tpu.memory_space<vmem>> -> memref<128xi32, #tpu.memory_space<vmem>>
    %dma_start3A_32 = tpu.memref_slice %arg2[%add3A_27] : memref<655872xi32, #tpu.memory_space<hbm>> -> memref<128xi32, #tpu.memory_space<hbm>>
    %dma_start3A_33 = arith.constant 0 : i32
    %dma_start3A_34 = tpu.memref_slice %arg8[%dma_start3A_28, %dma_start3A_33] : memref<4x128xi32, #tpu.memory_space<vmem>> -> memref<1x128xi32, #tpu.memory_space<vmem>>
    %dma_start3A_35 = tpu.memref_squeeze %dma_start3A_34 : memref<1x128xi32, #tpu.memory_space<vmem>> -> memref<128xi32, #tpu.memory_space<vmem>>
    %dma_start3A_36 = tpu.memref_slice %arg2[%add3A_27] : memref<655872xi32, #tpu.memory_space<hbm>> -> memref<128xi32, #tpu.memory_space<hbm>>
    tpu.enqueue_dma source(%dma_start3A_36 : memref<128xi32, #tpu.memory_space<hbm>>) target(%dma_start3A_35 : memref<128xi32, #tpu.memory_space<vmem>>) target_semaphore(%arg11 : memref<!tpu.dma_semaphore, #tpu.memory_space<semaphore_mem>>)
    %dma_start3A_37 = arith.constant 1 : i32
    %dma_start3A_38 = arith.constant 0 : i32
    %dma_start3A_39 = tpu.memref_slice %arg9[%dma_start3A_37, %dma_start3A_38] : memref<4x128xi32, #tpu.memory_space<vmem>> -> memref<1x128xi32, #tpu.memory_space<vmem>>
    %dma_start3A_40 = tpu.memref_squeeze %dma_start3A_39 : memref<1x128xi32, #tpu.memory_space<vmem>> -> memref<128xi32, #tpu.memory_space<vmem>>
    %dma_start3A_41 = tpu.memref_slice %arg3[%add3A_27] : memref<655872xi32, #tpu.memory_space<hbm>> -> memref<128xi32, #tpu.memory_space<hbm>>
    %dma_start3A_42 = arith.constant 0 : i32
    %dma_start3A_43 = tpu.memref_slice %arg9[%dma_start3A_37, %dma_start3A_42] : memref<4x128xi32, #tpu.memory_space<vmem>> -> memref<1x128xi32, #tpu.memory_space<vmem>>
    %dma_start3A_44 = tpu.memref_squeeze %dma_start3A_43 : memref<1x128xi32, #tpu.memory_space<vmem>> -> memref<128xi32, #tpu.memory_space<vmem>>
    %dma_start3A_45 = tpu.memref_slice %arg3[%add3A_27] : memref<655872xi32, #tpu.memory_space<hbm>> -> memref<128xi32, #tpu.memory_space<hbm>>
    tpu.enqueue_dma source(%dma_start3A_45 : memref<128xi32, #tpu.memory_space<hbm>>) target(%dma_start3A_44 : memref<128xi32, #tpu.memory_space<vmem>>) target_semaphore(%arg11 : memref<!tpu.dma_semaphore, #tpu.memory_space<semaphore_mem>>)
    %add3A_46 = arith.constant 256 : i32
    %add3A_47 = arith.addi %add3A, %add3A_46 : i32
    %dma_start3A_48 = arith.constant 2 : i32
    %dma_start3A_49 = arith.constant 0 : i32
    %dma_start3A_50 = tpu.memref_slice %arg8[%dma_start3A_48, %dma_start3A_49] : memref<4x128xi32, #tpu.memory_space<vmem>> -> memref<1x128xi32, #tpu.memory_space<vmem>>
    %dma_start3A_51 = tpu.memref_squeeze %dma_start3A_50 : memref<1x128xi32, #tpu.memory_space<vmem>> -> memref<128xi32, #tpu.memory_space<vmem>>
    %dma_start3A_52 = tpu.memref_slice %arg2[%add3A_47] : memref<655872xi32, #tpu.memory_space<hbm>> -> memref<128xi32, #tpu.memory_space<hbm>>
    %dma_start3A_53 = arith.constant 0 : i32
    %dma_start3A_54 = tpu.memref_slice %arg8[%dma_start3A_48, %dma_start3A_53] : memref<4x128xi32, #tpu.memory_space<vmem>> -> memref<1x128xi32, #tpu.memory_space<vmem>>
    %dma_start3A_55 = tpu.memref_squeeze %dma_start3A_54 : memref<1x128xi32, #tpu.memory_space<vmem>> -> memref<128xi32, #tpu.memory_space<vmem>>
    %dma_start3A_56 = tpu.memref_slice %arg2[%add3A_47] : memref<655872xi32, #tpu.memory_space<hbm>> -> memref<128xi32, #tpu.memory_space<hbm>>
    tpu.enqueue_dma source(%dma_start3A_56 : memref<128xi32, #tpu.memory_space<hbm>>) target(%dma_start3A_55 : memref<128xi32, #tpu.memory_space<vmem>>) target_semaphore(%arg11 : memref<!tpu.dma_semaphore, #tpu.memory_space<semaphore_mem>>)
    %dma_start3A_57 = arith.constant 2 : i32
    %dma_start3A_58 = arith.constant 0 : i32
    %dma_start3A_59 = tpu.memref_slice %arg9[%dma_start3A_57, %dma_start3A_58] : memref<4x128xi32, #tpu.memory_space<vmem>> -> memref<1x128xi32, #tpu.memory_space<vmem>>
    %dma_start3A_60 = tpu.memref_squeeze %dma_start3A_59 : memref<1x128xi32, #tpu.memory_space<vmem>> -> memref<128xi32, #tpu.memory_space<vmem>>
    %dma_start3A_61 = tpu.memref_slice %arg3[%add3A_47] : memref<655872xi32, #tpu.memory_space<hbm>> -> memref<128xi32, #tpu.memory_space<hbm>>
    %dma_start3A_62 = arith.constant 0 : i32
    %dma_start3A_63 = tpu.memref_slice %arg9[%dma_start3A_57, %dma_start3A_62] : memref<4x128xi32, #tpu.memory_space<vmem>> -> memref<1x128xi32, #tpu.memory_space<vmem>>
    %dma_start3A_64 = tpu.memref_squeeze %dma_start3A_63 : memref<1x128xi32, #tpu.memory_space<vmem>> -> memref<128xi32, #tpu.memory_space<vmem>>
    %dma_start3A_65 = tpu.memref_slice %arg3[%add3A_47] : memref<655872xi32, #tpu.memory_space<hbm>> -> memref<128xi32, #tpu.memory_space<hbm>>
    tpu.enqueue_dma source(%dma_start3A_65 : memref<128xi32, #tpu.memory_space<hbm>>) target(%dma_start3A_64 : memref<128xi32, #tpu.memory_space<vmem>>) target_semaphore(%arg11 : memref<!tpu.dma_semaphore, #tpu.memory_space<semaphore_mem>>)
    %run_scoped3A = arith.constant 1 : i32
    "tpu.region"() ({
      %run_scoped3A_185 = tpu.sem_alloc : memref<!tpu.dma_semaphore, #tpu.memory_space<semaphore_mem>>
      %dma_start3A_186 = arith.constant 0 : i32
      %dma_start3A_187 = arith.constant 0 : i32
      %dma_start3A_188 = tpu.memref_slice %arg10[%run_scoped3A, %dma_start3A_186, %dma_start3A_187] : memref<2x128x128xf32, #tpu.memory_space<vmem>> -> memref<1x128x128xf32, #tpu.memory_space<vmem>>
      %dma_start3A_189 = tpu.memref_squeeze %dma_start3A_188 : memref<1x128x128xf32, #tpu.memory_space<vmem>> -> memref<128x128xf32, #tpu.memory_space<vmem>>
      %dma_start3A_190 = arith.constant 0 : i32
      %dma_start3A_191 = arith.constant 0 : i32
      %dma_start3A_192 = tpu.memref_slice %arg5[%dma_start3A_190, %dma_start3A_191] : memref<10112x128xf32, #tpu.memory_space<hbm>> -> memref<128x128xf32, #tpu.memory_space<hbm>>
      %dma_start3A_193 = arith.constant 0 : i32
      %dma_start3A_194 = arith.constant 0 : i32
      %dma_start3A_195 = tpu.memref_slice %arg10[%run_scoped3A, %dma_start3A_193, %dma_start3A_194] : memref<2x128x128xf32, #tpu.memory_space<vmem>> -> memref<1x128x128xf32, #tpu.memory_space<vmem>>
      %dma_start3A_196 = tpu.memref_squeeze %dma_start3A_195 : memref<1x128x128xf32, #tpu.memory_space<vmem>> -> memref<128x128xf32, #tpu.memory_space<vmem>>
      %dma_start3A_197 = arith.constant 0 : i32
      %dma_start3A_198 = arith.constant 0 : i32
      %dma_start3A_199 = tpu.memref_slice %arg5[%dma_start3A_197, %dma_start3A_198] : memref<10112x128xf32, #tpu.memory_space<hbm>> -> memref<128x128xf32, #tpu.memory_space<hbm>>
      tpu.enqueue_dma source(%dma_start3A_199 : memref<128x128xf32, #tpu.memory_space<hbm>>) target(%dma_start3A_196 : memref<128x128xf32, #tpu.memory_space<vmem>>) target_semaphore(%run_scoped3A_185 : memref<!tpu.dma_semaphore, #tpu.memory_space<semaphore_mem>>)
      %dma_wait3A_200 = arith.constant 0 : i32
      %dma_wait3A_201 = arith.constant 0 : i32
      %dma_wait3A_202 = tpu.memref_slice %arg10[%run_scoped3A, %dma_wait3A_200, %dma_wait3A_201] : memref<2x128x128xf32, #tpu.memory_space<vmem>> -> memref<1x128x128xf32, #tpu.memory_space<vmem>>
      %dma_wait3A_203 = tpu.memref_squeeze %dma_wait3A_202 : memref<1x128x128xf32, #tpu.memory_space<vmem>> -> memref<128x128xf32, #tpu.memory_space<vmem>>
      %dma_wait3A_204 = arith.constant 0 : i32
      %dma_wait3A_205 = arith.constant 0 : i32
      %dma_wait3A_206 = tpu.memref_slice %arg5[%dma_wait3A_204, %dma_wait3A_205] : memref<10112x128xf32, #tpu.memory_space<hbm>> -> memref<128x128xf32, #tpu.memory_space<hbm>>
      %dma_wait3A_207 = arith.constant 0 : i32
      %dma_wait3A_208 = arith.constant 0 : i32
      %dma_wait3A_209 = tpu.memref_slice %arg10[%run_scoped3A, %dma_wait3A_207, %dma_wait3A_208] : memref<2x128x128xf32, #tpu.memory_space<vmem>> -> memref<1x128x128xf32, #tpu.memory_space<vmem>>
      %dma_wait3A_210 = tpu.memref_squeeze %dma_wait3A_209 : memref<1x128x128xf32, #tpu.memory_space<vmem>> -> memref<128x128xf32, #tpu.memory_space<vmem>>
      %dma_wait3A_211 = arith.constant 0 : i32
      %dma_wait3A_212 = arith.constant 0 : i32
      %dma_wait3A_213 = tpu.memref_slice %arg5[%dma_wait3A_211, %dma_wait3A_212] : memref<10112x128xf32, #tpu.memory_space<hbm>> -> memref<128x128xf32, #tpu.memory_space<hbm>>
      tpu.wait_dma2 semaphore(%run_scoped3A_185 : memref<!tpu.dma_semaphore, #tpu.memory_space<semaphore_mem>>) src(%dma_wait3A_213 : memref<128x128xf32, #tpu.memory_space<hbm>>) dst(%dma_wait3A_210 : memref<128x128xf32, #tpu.memory_space<vmem>>)
      tpu.yield
    }) : () -> ()
    %dma_wait3A = arith.constant 0 : i32
    %dma_wait3A_66 = arith.constant 0 : i32
    %dma_wait3A_67 = tpu.memref_slice %arg8[%dma_wait3A, %dma_wait3A_66] : memref<4x128xi32, #tpu.memory_space<vmem>> -> memref<1x128xi32, #tpu.memory_space<vmem>>
    %dma_wait3A_68 = tpu.memref_squeeze %dma_wait3A_67 : memref<1x128xi32, #tpu.memory_space<vmem>> -> memref<128xi32, #tpu.memory_space<vmem>>
    %dma_wait3A_69 = tpu.memref_slice %arg2[%add3A] : memref<655872xi32, #tpu.memory_space<hbm>> -> memref<128xi32, #tpu.memory_space<hbm>>
    %dma_wait3A_70 = arith.constant 0 : i32
    %dma_wait3A_71 = tpu.memref_slice %arg8[%dma_wait3A, %dma_wait3A_70] : memref<4x128xi32, #tpu.memory_space<vmem>> -> memref<1x128xi32, #tpu.memory_space<vmem>>
    %dma_wait3A_72 = tpu.memref_squeeze %dma_wait3A_71 : memref<1x128xi32, #tpu.memory_space<vmem>> -> memref<128xi32, #tpu.memory_space<vmem>>
    %dma_wait3A_73 = tpu.memref_slice %arg2[%add3A] : memref<655872xi32, #tpu.memory_space<hbm>> -> memref<128xi32, #tpu.memory_space<hbm>>
    tpu.wait_dma2 semaphore(%arg11 : memref<!tpu.dma_semaphore, #tpu.memory_space<semaphore_mem>>) src(%dma_wait3A_73 : memref<128xi32, #tpu.memory_space<hbm>>) dst(%dma_wait3A_72 : memref<128xi32, #tpu.memory_space<vmem>>)
    %dma_wait3A_74 = arith.constant 0 : i32
    %dma_wait3A_75 = arith.constant 0 : i32
    %dma_wait3A_76 = tpu.memref_slice %arg9[%dma_wait3A_74, %dma_wait3A_75] : memref<4x128xi32, #tpu.memory_space<vmem>> -> memref<1x128xi32, #tpu.memory_space<vmem>>
    %dma_wait3A_77 = tpu.memref_squeeze %dma_wait3A_76 : memref<1x128xi32, #tpu.memory_space<vmem>> -> memref<128xi32, #tpu.memory_space<vmem>>
    %dma_wait3A_78 = tpu.memref_slice %arg3[%add3A] : memref<655872xi32, #tpu.memory_space<hbm>> -> memref<128xi32, #tpu.memory_space<hbm>>
    %dma_wait3A_79 = arith.constant 0 : i32
    %dma_wait3A_80 = tpu.memref_slice %arg9[%dma_wait3A_74, %dma_wait3A_79] : memref<4x128xi32, #tpu.memory_space<vmem>> -> memref<1x128xi32, #tpu.memory_space<vmem>>
    %dma_wait3A_81 = tpu.memref_squeeze %dma_wait3A_80 : memref<1x128xi32, #tpu.memory_space<vmem>> -> memref<128xi32, #tpu.memory_space<vmem>>
    %dma_wait3A_82 = tpu.memref_slice %arg3[%add3A] : memref<655872xi32, #tpu.memory_space<hbm>> -> memref<128xi32, #tpu.memory_space<hbm>>
    tpu.wait_dma2 semaphore(%arg11 : memref<!tpu.dma_semaphore, #tpu.memory_space<semaphore_mem>>) src(%dma_wait3A_82 : memref<128xi32, #tpu.memory_space<hbm>>) dst(%dma_wait3A_81 : memref<128xi32, #tpu.memory_space<vmem>>)
    %dma_start3A_83 = arith.constant 0 : i32
    %dma_start3A_84 = arith.constant 0 : i32
    %dma_start3A_85 = arith.constant 0 : i32
    %dma_start3A_86 = arith.constant 0 : i32
    %dma_start3A_87 = tpu.memref_slice %arg10[%dma_start3A_84, %dma_start3A_85, %dma_start3A_86] : memref<2x128x128xf32, #tpu.memory_space<vmem>> -> memref<1x128x128xf32, #tpu.memory_space<vmem>>
    %dma_start3A_88 = tpu.memref_squeeze %dma_start3A_87 : memref<1x128x128xf32, #tpu.memory_space<vmem>> -> memref<128x128xf32, #tpu.memory_space<vmem>>
    %dma_start3A_89 = arith.constant 0 : i32
    %dma_start3A_90 = tpu.memref_slice %arg8[%dma_start3A_83, %dma_start3A_89] : memref<4x128xi32, #tpu.memory_space<vmem>> -> memref<1x128xi32, #tpu.memory_space<vmem>>
    %dma_start3A_91 = tpu.memref_squeeze %dma_start3A_90 : memref<1x128xi32, #tpu.memory_space<vmem>> -> memref<128xi32, #tpu.memory_space<vmem>>
    %dma_start3A_92 = arith.constant 0 : i32
    %dma_start3A_93 = arith.constant 0 : i32
    %dma_start3A_94 = tpu.memref_slice %arg4[%dma_start3A_92, %dma_start3A_93] : memref<20000x128xf32, #tpu.memory_space<hbm>> -> memref<20000x128xf32, #tpu.memory_space<hbm>>
    tpu.enqueue_indirect_dma source(%dma_start3A_94 : memref<20000x128xf32, #tpu.memory_space<hbm>>) target(%dma_start3A_88 : memref<128x128xf32, #tpu.memory_space<vmem>>) offsets(%dma_start3A_91 : memref<128xi32, #tpu.memory_space<vmem>>) semaphore(%arg12 : memref<!tpu.dma_semaphore, #tpu.memory_space<semaphore_mem>>)
    %dma_start3A_95 = arith.constant 1 : i32
    %dma_start3A_96 = arith.constant 0 : i32
    %dma_start3A_97 = arith.constant 0 : i32
    %dma_start3A_98 = arith.constant 0 : i32
    %dma_start3A_99 = tpu.memref_slice %arg10[%dma_start3A_95, %dma_start3A_97, %dma_start3A_98] : memref<2x128x128xf32, #tpu.memory_space<vmem>> -> memref<1x128x128xf32, #tpu.memory_space<vmem>>
    %dma_start3A_100 = tpu.memref_squeeze %dma_start3A_99 : memref<1x128x128xf32, #tpu.memory_space<vmem>> -> memref<128x128xf32, #tpu.memory_space<vmem>>
    %dma_start3A_101 = arith.constant 0 : i32
    %dma_start3A_102 = tpu.memref_slice %arg9[%dma_start3A_96, %dma_start3A_101] : memref<4x128xi32, #tpu.memory_space<vmem>> -> memref<1x128xi32, #tpu.memory_space<vmem>>
    %dma_start3A_103 = tpu.memref_squeeze %dma_start3A_102 : memref<1x128xi32, #tpu.memory_space<vmem>> -> memref<128xi32, #tpu.memory_space<vmem>>
    %dma_start3A_104 = arith.constant 0 : i32
    %dma_start3A_105 = arith.constant 0 : i32
    %dma_start3A_106 = tpu.memref_slice %arg7[%dma_start3A_104, %dma_start3A_105] : memref<10112x128xf32, #tpu.memory_space<vmem_shared>> -> memref<10112x128xf32, #tpu.memory_space<vmem_shared>>
    tpu.enqueue_indirect_dma source(%dma_start3A_100 : memref<128x128xf32, #tpu.memory_space<vmem>>) target(%dma_start3A_106 : memref<10112x128xf32, #tpu.memory_space<vmem_shared>>) offsets(%dma_start3A_103 : memref<128xi32, #tpu.memory_space<vmem>>) semaphore(%arg13 : memref<!tpu.dma_semaphore, #tpu.memory_space<semaphore_mem>>) {add = true}
    %scan3A = arith.constant 0 : i32
    %scan3A_107 = arith.constant 0 : i32
    %scan3A_108 = arith.constant 40 : i32
    %scan3A_109 = arith.addi %scan3A_107, %scan3A_108 : i32
    %scan3A_110 = arith.constant 1 : i32
    scf.for %scan3A_185 = %scan3A_107 to %scan3A_109 step %scan3A_110  : i32 {
      %dma_wait3A_186 = arith.constant 0 : i32
      %dma_wait3A_187 = arith.constant 0 : i32
      %dma_wait3A_188 = arith.constant 0 : i32
      %dma_wait3A_189 = tpu.memref_slice %arg10[%dma_wait3A_186, %dma_wait3A_187, %dma_wait3A_188] : memref<2x128x128xf32, #tpu.memory_space<vmem>> -> memref<1x128x128xf32, #tpu.memory_space<vmem>>
      %dma_wait3A_190 = tpu.memref_squeeze %dma_wait3A_189 : memref<1x128x128xf32, #tpu.memory_space<vmem>> -> memref<128x128xf32, #tpu.memory_space<vmem>>
      %dma_wait3A_191 = arith.constant 0 : i32
      %dma_wait3A_192 = arith.constant 0 : i32
      %dma_wait3A_193 = tpu.memref_slice %arg4[%dma_wait3A_191, %dma_wait3A_192] : memref<20000x128xf32, #tpu.memory_space<hbm>> -> memref<128x128xf32, #tpu.memory_space<hbm>>
      %dma_wait3A_194 = arith.constant 0 : i32
      %dma_wait3A_195 = arith.constant 0 : i32
      %dma_wait3A_196 = tpu.memref_slice %arg10[%dma_wait3A_186, %dma_wait3A_194, %dma_wait3A_195] : memref<2x128x128xf32, #tpu.memory_space<vmem>> -> memref<1x128x128xf32, #tpu.memory_space<vmem>>
      %dma_wait3A_197 = tpu.memref_squeeze %dma_wait3A_196 : memref<1x128x128xf32, #tpu.memory_space<vmem>> -> memref<128x128xf32, #tpu.memory_space<vmem>>
      %dma_wait3A_198 = arith.constant 0 : i32
      %dma_wait3A_199 = arith.constant 0 : i32
      %dma_wait3A_200 = tpu.memref_slice %arg4[%dma_wait3A_198, %dma_wait3A_199] : memref<20000x128xf32, #tpu.memory_space<hbm>> -> memref<128x128xf32, #tpu.memory_space<hbm>>
      tpu.wait_dma2 semaphore(%arg12 : memref<!tpu.dma_semaphore, #tpu.memory_space<semaphore_mem>>) src(%dma_wait3A_200 : memref<128x128xf32, #tpu.memory_space<hbm>>) dst(%dma_wait3A_197 : memref<128x128xf32, #tpu.memory_space<vmem>>)
      %dma_start3A_201 = arith.constant 0 : i32
      %dma_start3A_202 = arith.constant 0 : i32
      %dma_start3A_203 = arith.constant 0 : i32
      %dma_start3A_204 = arith.constant 0 : i32
      %dma_start3A_205 = tpu.memref_slice %arg10[%dma_start3A_201, %dma_start3A_203, %dma_start3A_204] : memref<2x128x128xf32, #tpu.memory_space<vmem>> -> memref<1x128x128xf32, #tpu.memory_space<vmem>>
      %dma_start3A_206 = tpu.memref_squeeze %dma_start3A_205 : memref<1x128x128xf32, #tpu.memory_space<vmem>> -> memref<128x128xf32, #tpu.memory_space<vmem>>
      %dma_start3A_207 = arith.constant 0 : i32
      %dma_start3A_208 = tpu.memref_slice %arg9[%dma_start3A_202, %dma_start3A_207] : memref<4x128xi32, #tpu.memory_space<vmem>> -> memref<1x128xi32, #tpu.memory_space<vmem>>
      %dma_start3A_209 = tpu.memref_squeeze %dma_start3A_208 : memref<1x128xi32, #tpu.memory_space<vmem>> -> memref<128xi32, #tpu.memory_space<vmem>>
      %dma_start3A_210 = arith.constant 0 : i32
      %dma_start3A_211 = arith.constant 0 : i32
      %dma_start3A_212 = tpu.memref_slice %arg7[%dma_start3A_210, %dma_start3A_211] : memref<10112x128xf32, #tpu.memory_space<vmem_shared>> -> memref<10112x128xf32, #tpu.memory_space<vmem_shared>>
      tpu.enqueue_indirect_dma source(%dma_start3A_206 : memref<128x128xf32, #tpu.memory_space<vmem>>) target(%dma_start3A_212 : memref<10112x128xf32, #tpu.memory_space<vmem_shared>>) offsets(%dma_start3A_209 : memref<128xi32, #tpu.memory_space<vmem>>) semaphore(%arg13 : memref<!tpu.dma_semaphore, #tpu.memory_space<semaphore_mem>>) {add = true}
      %dma_wait3A_213 = arith.constant 1 : i32
      %dma_wait3A_214 = arith.constant 0 : i32
      %dma_wait3A_215 = arith.constant 0 : i32
      %dma_wait3A_216 = tpu.memref_slice %arg10[%dma_wait3A_213, %dma_wait3A_214, %dma_wait3A_215] : memref<2x128x128xf32, #tpu.memory_space<vmem>> -> memref<1x128x128xf32, #tpu.memory_space<vmem>>
      %dma_wait3A_217 = tpu.memref_squeeze %dma_wait3A_216 : memref<1x128x128xf32, #tpu.memory_space<vmem>> -> memref<128x128xf32, #tpu.memory_space<vmem>>
      %dma_wait3A_218 = arith.constant 0 : i32
      %dma_wait3A_219 = arith.constant 0 : i32
      %dma_wait3A_220 = tpu.memref_slice %arg4[%dma_wait3A_218, %dma_wait3A_219] : memref<20000x128xf32, #tpu.memory_space<hbm>> -> memref<128x128xf32, #tpu.memory_space<hbm>>
      %dma_wait3A_221 = arith.constant 0 : i32
      %dma_wait3A_222 = arith.constant 0 : i32
      %dma_wait3A_223 = tpu.memref_slice %arg10[%dma_wait3A_213, %dma_wait3A_221, %dma_wait3A_222] : memref<2x128x128xf32, #tpu.memory_space<vmem>> -> memref<1x128x128xf32, #tpu.memory_space<vmem>>
      %dma_wait3A_224 = tpu.memref_squeeze %dma_wait3A_223 : memref<1x128x128xf32, #tpu.memory_space<vmem>> -> memref<128x128xf32, #tpu.memory_space<vmem>>
      %dma_wait3A_225 = arith.constant 0 : i32
      %dma_wait3A_226 = arith.constant 0 : i32
      %dma_wait3A_227 = tpu.memref_slice %arg4[%dma_wait3A_225, %dma_wait3A_226] : memref<20000x128xf32, #tpu.memory_space<hbm>> -> memref<128x128xf32, #tpu.memory_space<hbm>>
      tpu.wait_dma2 semaphore(%arg13 : memref<!tpu.dma_semaphore, #tpu.memory_space<semaphore_mem>>) src(%dma_wait3A_227 : memref<128x128xf32, #tpu.memory_space<hbm>>) dst(%dma_wait3A_224 : memref<128x128xf32, #tpu.memory_space<vmem>>)
      %dma_wait3A_228 = arith.constant 1 : i32
      %dma_wait3A_229 = arith.constant 0 : i32
      %dma_wait3A_230 = tpu.memref_slice %arg8[%dma_wait3A_228, %dma_wait3A_229] : memref<4x128xi32, #tpu.memory_space<vmem>> -> memref<1x128xi32, #tpu.memory_space<vmem>>
      %dma_wait3A_231 = tpu.memref_squeeze %dma_wait3A_230 : memref<1x128xi32, #tpu.memory_space<vmem>> -> memref<128xi32, #tpu.memory_space<vmem>>
      %dma_wait3A_232 = tpu.memref_slice %arg2[%add3A] : memref<655872xi32, #tpu.memory_space<hbm>> -> memref<128xi32, #tpu.memory_space<hbm>>
      %dma_wait3A_233 = arith.constant 0 : i32
      %dma_wait3A_234 = tpu.memref_slice %arg8[%dma_wait3A_228, %dma_wait3A_233] : memref<4x128xi32, #tpu.memory_space<vmem>> -> memref<1x128xi32, #tpu.memory_space<vmem>>
      %dma_wait3A_235 = tpu.memref_squeeze %dma_wait3A_234 : memref<1x128xi32, #tpu.memory_space<vmem>> -> memref<128xi32, #tpu.memory_space<vmem>>
      %dma_wait3A_236 = tpu.memref_slice %arg2[%add3A] : memref<655872xi32, #tpu.memory_space<hbm>> -> memref<128xi32, #tpu.memory_space<hbm>>
      tpu.wait_dma2 semaphore(%arg11 : memref<!tpu.dma_semaphore, #tpu.memory_space<semaphore_mem>>) src(%dma_wait3A_236 : memref<128xi32, #tpu.memory_space<hbm>>) dst(%dma_wait3A_235 : memref<128xi32, #tpu.memory_space<vmem>>)
      %dma_wait3A_237 = arith.constant 1 : i32
      %dma_wait3A_238 = arith.constant 0 : i32
      %dma_wait3A_239 = tpu.memref_slice %arg9[%dma_wait3A_237, %dma_wait3A_238] : memref<4x128xi32, #tpu.memory_space<vmem>> -> memref<1x128xi32, #tpu.memory_space<vmem>>
      %dma_wait3A_240 = tpu.memref_squeeze %dma_wait3A_239 : memref<1x128xi32, #tpu.memory_space<vmem>> -> memref<128xi32, #tpu.memory_space<vmem>>
      %dma_wait3A_241 = tpu.memref_slice %arg3[%add3A] : memref<655872xi32, #tpu.memory_space<hbm>> -> memref<128xi32, #tpu.memory_space<hbm>>
      %dma_wait3A_242 = arith.constant 0 : i32
      %dma_wait3A_243 = tpu.memref_slice %arg9[%dma_wait3A_237, %dma_wait3A_242] : memref<4x128xi32, #tpu.memory_space<vmem>> -> memref<1x128xi32, #tpu.memory_space<vmem>>
      %dma_wait3A_244 = tpu.memref_squeeze %dma_wait3A_243 : memref<1x128xi32, #tpu.memory_space<vmem>> -> memref<128xi32, #tpu.memory_space<vmem>>
      %dma_wait3A_245 = tpu.memref_slice %arg3[%add3A] : memref<655872xi32, #tpu.memory_space<hbm>> -> memref<128xi32, #tpu.memory_space<hbm>>
      tpu.wait_dma2 semaphore(%arg11 : memref<!tpu.dma_semaphore, #tpu.memory_space<semaphore_mem>>) src(%dma_wait3A_245 : memref<128xi32, #tpu.memory_space<hbm>>) dst(%dma_wait3A_244 : memref<128xi32, #tpu.memory_space<vmem>>)
      %dma_start3A_246 = arith.constant 1 : i32
      %dma_start3A_247 = arith.constant 1 : i32
      %dma_start3A_248 = arith.constant 0 : i32
      %dma_start3A_249 = arith.constant 0 : i32
      %dma_start3A_250 = tpu.memref_slice %arg10[%dma_start3A_247, %dma_start3A_248, %dma_start3A_249] : memref<2x128x128xf32, #tpu.memory_space<vmem>> -> memref<1x128x128xf32, #tpu.memory_space<vmem>>
      %dma_start3A_251 = tpu.memref_squeeze %dma_start3A_250 : memref<1x128x128xf32, #tpu.memory_space<vmem>> -> memref<128x128xf32, #tpu.memory_space<vmem>>
      %dma_start3A_252 = arith.constant 0 : i32
      %dma_start3A_253 = tpu.memref_slice %arg8[%dma_start3A_246, %dma_start3A_252] : memref<4x128xi32, #tpu.memory_space<vmem>> -> memref<1x128xi32, #tpu.memory_space<vmem>>
      %dma_start3A_254 = tpu.memref_squeeze %dma_start3A_253 : memref<1x128xi32, #tpu.memory_space<vmem>> -> memref<128xi32, #tpu.memory_space<vmem>>
      %dma_start3A_255 = arith.constant 0 : i32
      %dma_start3A_256 = arith.constant 0 : i32
      %dma_start3A_257 = tpu.memref_slice %arg4[%dma_start3A_255, %dma_start3A_256] : memref<20000x128xf32, #tpu.memory_space<hbm>> -> memref<20000x128xf32, #tpu.memory_space<hbm>>
      tpu.enqueue_indirect_dma source(%dma_start3A_257 : memref<20000x128xf32, #tpu.memory_space<hbm>>) target(%dma_start3A_251 : memref<128x128xf32, #tpu.memory_space<vmem>>) offsets(%dma_start3A_254 : memref<128xi32, #tpu.memory_space<vmem>>) semaphore(%arg12 : memref<!tpu.dma_semaphore, #tpu.memory_space<semaphore_mem>>)
      %mul3A_258 = arith.constant 4 : i32
      %mul3A_259 = arith.muli %mul3A_258, %scan3A_185 : i32
      %add3A_260 = arith.constant 0 : i32
      %add3A_261 = arith.addi %mul3A_259, %add3A_260 : i32
      %add3A_262 = arith.constant 3 : i32
      %add3A_263 = arith.addi %add3A_261, %add3A_262 : i32
      %mul3A_264 = arith.constant 128 : i32
      %mul3A_265 = arith.muli %add3A_263, %mul3A_264 : i32
      %add3A_266 = arith.addi %add3A, %mul3A_265 : i32
      %dma_start3A_267 = arith.constant 3 : i32
      %dma_start3A_268 = arith.constant 0 : i32
      %dma_start3A_269 = tpu.memref_slice %arg8[%dma_start3A_267, %dma_start3A_268] : memref<4x128xi32, #tpu.memory_space<vmem>> -> memref<1x128xi32, #tpu.memory_space<vmem>>
      %dma_start3A_270 = tpu.memref_squeeze %dma_start3A_269 : memref<1x128xi32, #tpu.memory_space<vmem>> -> memref<128xi32, #tpu.memory_space<vmem>>
      %dma_start3A_271 = tpu.memref_slice %arg2[%add3A_266] : memref<655872xi32, #tpu.memory_space<hbm>> -> memref<128xi32, #tpu.memory_space<hbm>>
      %dma_start3A_272 = arith.constant 0 : i32
      %dma_start3A_273 = tpu.memref_slice %arg8[%dma_start3A_267, %dma_start3A_272] : memref<4x128xi32, #tpu.memory_space<vmem>> -> memref<1x128xi32, #tpu.memory_space<vmem>>
      %dma_start3A_274 = tpu.memref_squeeze %dma_start3A_273 : memref<1x128xi32, #tpu.memory_space<vmem>> -> memref<128xi32, #tpu.memory_space<vmem>>
      %dma_start3A_275 = tpu.memref_slice %arg2[%add3A_266] : memref<655872xi32, #tpu.memory_space<hbm>> -> memref<128xi32, #tpu.memory_space<hbm>>
      tpu.enqueue_dma source(%dma_start3A_275 : memref<128xi32, #tpu.memory_space<hbm>>) target(%dma_start3A_274 : memref<128xi32, #tpu.memory_space<vmem>>) target_semaphore(%arg11 : memref<!tpu.dma_semaphore, #tpu.memory_space<semaphore_mem>>)
      %dma_start3A_276 = arith.constant 3 : i32
      %dma_start3A_277 = arith.constant 0 : i32
      %dma_start3A_278 = tpu.memref_slice %arg9[%dma_start3A_276, %dma_start3A_277] : memref<4x128xi32, #tpu.memory_space<vmem>> -> memref<1x128xi32, #tpu.memory_space<vmem>>
      %dma_start3A_279 = tpu.memref_squeeze %dma_start3A_278 : memref<1x128xi32, #tpu.memory_space<vmem>> -> memref<128xi32, #tpu.memory_space<vmem>>
      %dma_start3A_280 = tpu.memref_slice %arg3[%add3A_266] : memref<655872xi32, #tpu.memory_space<hbm>> -> memref<128xi32, #tpu.memory_space<hbm>>
      %dma_start3A_281 = arith.constant 0 : i32
      %dma_start3A_282 = tpu.memref_slice %arg9[%dma_start3A_276, %dma_start3A_281] : memref<4x128xi32, #tpu.memory_space<vmem>> -> memref<1x128xi32, #tpu.memory_space<vmem>>
      %dma_start3A_283 = tpu.memref_squeeze %dma_start3A_282 : memref<1x128xi32, #tpu.memory_space<vmem>> -> memref<128xi32, #tpu.memory_space<vmem>>
      %dma_start3A_284 = tpu.memref_slice %arg3[%add3A_266] : memref<655872xi32, #tpu.memory_space<hbm>> -> memref<128xi32, #tpu.memory_space<hbm>>
      tpu.enqueue_dma source(%dma_start3A_284 : memref<128xi32, #tpu.memory_space<hbm>>) target(%dma_start3A_283 : memref<128xi32, #tpu.memory_space<vmem>>) target_semaphore(%arg11 : memref<!tpu.dma_semaphore, #tpu.memory_space<semaphore_mem>>)
      %dma_wait3A_285 = arith.constant 1 : i32
      %dma_wait3A_286 = arith.constant 0 : i32
      %dma_wait3A_287 = arith.constant 0 : i32
      %dma_wait3A_288 = tpu.memref_slice %arg10[%dma_wait3A_285, %dma_wait3A_286, %dma_wait3A_287] : memref<2x128x128xf32, #tpu.memory_space<vmem>> -> memref<1x128x128xf32, #tpu.memory_space<vmem>>
      %dma_wait3A_289 = tpu.memref_squeeze %dma_wait3A_288 : memref<1x128x128xf32, #tpu.memory_space<vmem>> -> memref<128x128xf32, #tpu.memory_space<vmem>>
      %dma_wait3A_290 = arith.constant 0 : i32
      %dma_wait3A_291 = arith.constant 0 : i32
      %dma_wait3A_292 = tpu.memref_slice %arg4[%dma_wait3A_290, %dma_wait3A_291] : memref<20000x128xf32, #tpu.memory_space<hbm>> -> memref<128x128xf32, #tpu.memory_space<hbm>>
      %dma_wait3A_293 = arith.constant 0 : i32
      %dma_wait3A_294 = arith.constant 0 : i32
      %dma_wait3A_295 = tpu.memref_slice %arg10[%dma_wait3A_285, %dma_wait3A_293, %dma_wait3A_294] : memref<2x128x128xf32, #tpu.memory_space<vmem>> -> memref<1x128x128xf32, #tpu.memory_space<vmem>>
      %dma_wait3A_296 = tpu.memref_squeeze %dma_wait3A_295 : memref<1x128x128xf32, #tpu.memory_space<vmem>> -> memref<128x128xf32, #tpu.memory_space<vmem>>
      %dma_wait3A_297 = arith.constant 0 : i32
      %dma_wait3A_298 = arith.constant 0 : i32
      %dma_wait3A_299 = tpu.memref_slice %arg4[%dma_wait3A_297, %dma_wait3A_298] : memref<20000x128xf32, #tpu.memory_space<hbm>> -> memref<128x128xf32, #tpu.memory_space<hbm>>
      tpu.wait_dma2 semaphore(%arg12 : memref<!tpu.dma_semaphore, #tpu.memory_space<semaphore_mem>>) src(%dma_wait3A_299 : memref<128x128xf32, #tpu.memory_space<hbm>>) dst(%dma_wait3A_296 : memref<128x128xf32, #tpu.memory_space<vmem>>)
      %dma_start3A_300 = arith.constant 1 : i32
      %dma_start3A_301 = arith.constant 1 : i32
      %dma_start3A_302 = arith.constant 0 : i32
      %dma_start3A_303 = arith.constant 0 : i32
      %dma_start3A_304 = tpu.memref_slice %arg10[%dma_start3A_300, %dma_start3A_302, %dma_start3A_303] : memref<2x128x128xf32, #tpu.memory_space<vmem>> -> memref<1x128x128xf32, #tpu.memory_space<vmem>>
      %dma_start3A_305 = tpu.memref_squeeze %dma_start3A_304 : memref<1x128x128xf32, #tpu.memory_space<vmem>> -> memref<128x128xf32, #tpu.memory_space<vmem>>
      %dma_start3A_306 = arith.constant 0 : i32
      %dma_start3A_307 = tpu.memref_slice %arg9[%dma_start3A_301, %dma_start3A_306] : memref<4x128xi32, #tpu.memory_space<vmem>> -> memref<1x128xi32, #tpu.memory_space<vmem>>
      %dma_start3A_308 = tpu.memref_squeeze %dma_start3A_307 : memref<1x128xi32, #tpu.memory_space<vmem>> -> memref<128xi32, #tpu.memory_space<vmem>>
      %dma_start3A_309 = arith.constant 0 : i32
      %dma_start3A_310 = arith.constant 0 : i32
      %dma_start3A_311 = tpu.memref_slice %arg7[%dma_start3A_309, %dma_start3A_310] : memref<10112x128xf32, #tpu.memory_space<vmem_shared>> -> memref<10112x128xf32, #tpu.memory_space<vmem_shared>>
      tpu.enqueue_indirect_dma source(%dma_start3A_305 : memref<128x128xf32, #tpu.memory_space<vmem>>) target(%dma_start3A_311 : memref<10112x128xf32, #tpu.memory_space<vmem_shared>>) offsets(%dma_start3A_308 : memref<128xi32, #tpu.memory_space<vmem>>) semaphore(%arg13 : memref<!tpu.dma_semaphore, #tpu.memory_space<semaphore_mem>>) {add = true}
      %dma_wait3A_312 = arith.constant 0 : i32
      %dma_wait3A_313 = arith.constant 0 : i32
      %dma_wait3A_314 = arith.constant 0 : i32
      %dma_wait3A_315 = tpu.memref_slice %arg10[%dma_wait3A_312, %dma_wait3A_313, %dma_wait3A_314] : memref<2x128x128xf32, #tpu.memory_space<vmem>> -> memref<1x128x128xf32, #tpu.memory_space<vmem>>
      %dma_wait3A_316 = tpu.memref_squeeze %dma_wait3A_315 : memref<1x128x128xf32, #tpu.memory_space<vmem>> -> memref<128x128xf32, #tpu.memory_space<vmem>>
      %dma_wait3A_317 = arith.constant 0 : i32
      %dma_wait3A_318 = arith.constant 0 : i32
      %dma_wait3A_319 = tpu.memref_slice %arg4[%dma_wait3A_317, %dma_wait3A_318] : memref<20000x128xf32, #tpu.memory_space<hbm>> -> memref<128x128xf32, #tpu.memory_space<hbm>>
      %dma_wait3A_320 = arith.constant 0 : i32
      %dma_wait3A_321 = arith.constant 0 : i32
      %dma_wait3A_322 = tpu.memref_slice %arg10[%dma_wait3A_312, %dma_wait3A_320, %dma_wait3A_321] : memref<2x128x128xf32, #tpu.memory_space<vmem>> -> memref<1x128x128xf32, #tpu.memory_space<vmem>>
      %dma_wait3A_323 = tpu.memref_squeeze %dma_wait3A_322 : memref<1x128x128xf32, #tpu.memory_space<vmem>> -> memref<128x128xf32, #tpu.memory_space<vmem>>
      %dma_wait3A_324 = arith.constant 0 : i32
      %dma_wait3A_325 = arith.constant 0 : i32
      %dma_wait3A_326 = tpu.memref_slice %arg4[%dma_wait3A_324, %dma_wait3A_325] : memref<20000x128xf32, #tpu.memory_space<hbm>> -> memref<128x128xf32, #tpu.memory_space<hbm>>
      tpu.wait_dma2 semaphore(%arg13 : memref<!tpu.dma_semaphore, #tpu.memory_space<semaphore_mem>>) src(%dma_wait3A_326 : memref<128x128xf32, #tpu.memory_space<hbm>>) dst(%dma_wait3A_323 : memref<128x128xf32, #tpu.memory_space<vmem>>)
      %dma_wait3A_327 = arith.constant 2 : i32
      %dma_wait3A_328 = arith.constant 0 : i32
      %dma_wait3A_329 = tpu.memref_slice %arg8[%dma_wait3A_327, %dma_wait3A_328] : memref<4x128xi32, #tpu.memory_space<vmem>> -> memref<1x128xi32, #tpu.memory_space<vmem>>
      %dma_wait3A_330 = tpu.memref_squeeze %dma_wait3A_329 : memref<1x128xi32, #tpu.memory_space<vmem>> -> memref<128xi32, #tpu.memory_space<vmem>>
      %dma_wait3A_331 = tpu.memref_slice %arg2[%add3A] : memref<655872xi32, #tpu.memory_space<hbm>> -> memref<128xi32, #tpu.memory_space<hbm>>
      %dma_wait3A_332 = arith.constant 0 : i32
      %dma_wait3A_333 = tpu.memref_slice %arg8[%dma_wait3A_327, %dma_wait3A_332] : memref<4x128xi32, #tpu.memory_space<vmem>> -> memref<1x128xi32, #tpu.memory_space<vmem>>
      %dma_wait3A_334 = tpu.memref_squeeze %dma_wait3A_333 : memref<1x128xi32, #tpu.memory_space<vmem>> -> memref<128xi32, #tpu.memory_space<vmem>>
      %dma_wait3A_335 = tpu.memref_slice %arg2[%add3A] : memref<655872xi32, #tpu.memory_space<hbm>> -> memref<128xi32, #tpu.memory_space<hbm>>
      tpu.wait_dma2 semaphore(%arg11 : memref<!tpu.dma_semaphore, #tpu.memory_space<semaphore_mem>>) src(%dma_wait3A_335 : memref<128xi32, #tpu.memory_space<hbm>>) dst(%dma_wait3A_334 : memref<128xi32, #tpu.memory_space<vmem>>)
      %dma_wait3A_336 = arith.constant 2 : i32
      %dma_wait3A_337 = arith.constant 0 : i32
      %dma_wait3A_338 = tpu.memref_slice %arg9[%dma_wait3A_336, %dma_wait3A_337] : memref<4x128xi32, #tpu.memory_space<vmem>> -> memref<1x128xi32, #tpu.memory_space<vmem>>
      %dma_wait3A_339 = tpu.memref_squeeze %dma_wait3A_338 : memref<1x128xi32, #tpu.memory_space<vmem>> -> memref<128xi32, #tpu.memory_space<vmem>>
      %dma_wait3A_340 = tpu.memref_slice %arg3[%add3A] : memref<655872xi32, #tpu.memory_space<hbm>> -> memref<128xi32, #tpu.memory_space<hbm>>
      %dma_wait3A_341 = arith.constant 0 : i32
      %dma_wait3A_342 = tpu.memref_slice %arg9[%dma_wait3A_336, %dma_wait3A_341] : memref<4x128xi32, #tpu.memory_space<vmem>> -> memref<1x128xi32, #tpu.memory_space<vmem>>
      %dma_wait3A_343 = tpu.memref_squeeze %dma_wait3A_342 : memref<1x128xi32, #tpu.memory_space<vmem>> -> memref<128xi32, #tpu.memory_space<vmem>>
      %dma_wait3A_344 = tpu.memref_slice %arg3[%add3A] : memref<655872xi32, #tpu.memory_space<hbm>> -> memref<128xi32, #tpu.memory_space<hbm>>
      tpu.wait_dma2 semaphore(%arg11 : memref<!tpu.dma_semaphore, #tpu.memory_space<semaphore_mem>>) src(%dma_wait3A_344 : memref<128xi32, #tpu.memory_space<hbm>>) dst(%dma_wait3A_343 : memref<128xi32, #tpu.memory_space<vmem>>)
      %dma_start3A_345 = arith.constant 2 : i32
      %dma_start3A_346 = arith.constant 0 : i32
      %dma_start3A_347 = arith.constant 0 : i32
      %dma_start3A_348 = arith.constant 0 : i32
      %dma_start3A_349 = tpu.memref_slice %arg10[%dma_start3A_346, %dma_start3A_347, %dma_start3A_348] : memref<2x128x128xf32, #tpu.memory_space<vmem>> -> memref<1x128x128xf32, #tpu.memory_space<vmem>>
      %dma_start3A_350 = tpu.memref_squeeze %dma_start3A_349 : memref<1x128x128xf32, #tpu.memory_space<vmem>> -> memref<128x128xf32, #tpu.memory_space<vmem>>
      %dma_start3A_351 = arith.constant 0 : i32
      %dma_start3A_352 = tpu.memref_slice %arg8[%dma_start3A_345, %dma_start3A_351] : memref<4x128xi32, #tpu.memory_space<vmem>> -> memref<1x128xi32, #tpu.memory_space<vmem>>
      %dma_start3A_353 = tpu.memref_squeeze %dma_start3A_352 : memref<1x128xi32, #tpu.memory_space<vmem>> -> memref<128xi32, #tpu.memory_space<vmem>>
      %dma_start3A_354 = arith.constant 0 : i32
      %dma_start3A_355 = arith.constant 0 : i32
      %dma_start3A_356 = tpu.memref_slice %arg4[%dma_start3A_354, %dma_start3A_355] : memref<20000x128xf32, #tpu.memory_space<hbm>> -> memref<20000x128xf32, #tpu.memory_space<hbm>>
      tpu.enqueue_indirect_dma source(%dma_start3A_356 : memref<20000x128xf32, #tpu.memory_space<hbm>>) target(%dma_start3A_350 : memref<128x128xf32, #tpu.memory_space<vmem>>) offsets(%dma_start3A_353 : memref<128xi32, #tpu.memory_space<vmem>>) semaphore(%arg12 : memref<!tpu.dma_semaphore, #tpu.memory_space<semaphore_mem>>)
      %mul3A_357 = arith.constant 4 : i32
      %mul3A_358 = arith.muli %mul3A_357, %scan3A_185 : i32
      %add3A_359 = arith.constant 1 : i32
      %add3A_360 = arith.addi %mul3A_358, %add3A_359 : i32
      %add3A_361 = arith.constant 3 : i32
      %add3A_362 = arith.addi %add3A_360, %add3A_361 : i32
      %mul3A_363 = arith.constant 128 : i32
      %mul3A_364 = arith.muli %add3A_362, %mul3A_363 : i32
      %add3A_365 = arith.addi %add3A, %mul3A_364 : i32
      %dma_start3A_366 = arith.constant 0 : i32
      %dma_start3A_367 = arith.constant 0 : i32
      %dma_start3A_368 = tpu.memref_slice %arg8[%dma_start3A_366, %dma_start3A_367] : memref<4x128xi32, #tpu.memory_space<vmem>> -> memref<1x128xi32, #tpu.memory_space<vmem>>
      %dma_start3A_369 = tpu.memref_squeeze %dma_start3A_368 : memref<1x128xi32, #tpu.memory_space<vmem>> -> memref<128xi32, #tpu.memory_space<vmem>>
      %dma_start3A_370 = tpu.memref_slice %arg2[%add3A_365] : memref<655872xi32, #tpu.memory_space<hbm>> -> memref<128xi32, #tpu.memory_space<hbm>>
      %dma_start3A_371 = arith.constant 0 : i32
      %dma_start3A_372 = tpu.memref_slice %arg8[%dma_start3A_366, %dma_start3A_371] : memref<4x128xi32, #tpu.memory_space<vmem>> -> memref<1x128xi32, #tpu.memory_space<vmem>>
      %dma_start3A_373 = tpu.memref_squeeze %dma_start3A_372 : memref<1x128xi32, #tpu.memory_space<vmem>> -> memref<128xi32, #tpu.memory_space<vmem>>
      %dma_start3A_374 = tpu.memref_slice %arg2[%add3A_365] : memref<655872xi32, #tpu.memory_space<hbm>> -> memref<128xi32, #tpu.memory_space<hbm>>
      tpu.enqueue_dma source(%dma_start3A_374 : memref<128xi32, #tpu.memory_space<hbm>>) target(%dma_start3A_373 : memref<128xi32, #tpu.memory_space<vmem>>) target_semaphore(%arg11 : memref<!tpu.dma_semaphore, #tpu.memory_space<semaphore_mem>>)
      %dma_start3A_375 = arith.constant 0 : i32
      %dma_start3A_376 = arith.constant 0 : i32
      %dma_start3A_377 = tpu.memref_slice %arg9[%dma_start3A_375, %dma_start3A_376] : memref<4x128xi32, #tpu.memory_space<vmem>> -> memref<1x128xi32, #tpu.memory_space<vmem>>
      %dma_start3A_378 = tpu.memref_squeeze %dma_start3A_377 : memref<1x128xi32, #tpu.memory_space<vmem>> -> memref<128xi32, #tpu.memory_space<vmem>>
      %dma_start3A_379 = tpu.memref_slice %arg3[%add3A_365] : memref<655872xi32, #tpu.memory_space<hbm>> -> memref<128xi32, #tpu.memory_space<hbm>>
      %dma_start3A_380 = arith.constant 0 : i32
      %dma_start3A_381 = tpu.memref_slice %arg9[%dma_start3A_375, %dma_start3A_380] : memref<4x128xi32, #tpu.memory_space<vmem>> -> memref<1x128xi32, #tpu.memory_space<vmem>>
      %dma_start3A_382 = tpu.memref_squeeze %dma_start3A_381 : memref<1x128xi32, #tpu.memory_space<vmem>> -> memref<128xi32, #tpu.memory_space<vmem>>
      %dma_start3A_383 = tpu.memref_slice %arg3[%add3A_365] : memref<655872xi32, #tpu.memory_space<hbm>> -> memref<128xi32, #tpu.memory_space<hbm>>
      tpu.enqueue_dma source(%dma_start3A_383 : memref<128xi32, #tpu.memory_space<hbm>>) target(%dma_start3A_382 : memref<128xi32, #tpu.memory_space<vmem>>) target_semaphore(%arg11 : memref<!tpu.dma_semaphore, #tpu.memory_space<semaphore_mem>>)
      %dma_wait3A_384 = arith.constant 0 : i32
      %dma_wait3A_385 = arith.constant 0 : i32
      %dma_wait3A_386 = arith.constant 0 : i32
      %dma_wait3A_387 = tpu.memref_slice %arg10[%dma_wait3A_384, %dma_wait3A_385, %dma_wait3A_386] : memref<2x128x128xf32, #tpu.memory_space<vmem>> -> memref<1x128x128xf32, #tpu.memory_space<vmem>>
      %dma_wait3A_388 = tpu.memref_squeeze %dma_wait3A_387 : memref<1x128x128xf32, #tpu.memory_space<vmem>> -> memref<128x128xf32, #tpu.memory_space<vmem>>
      %dma_wait3A_389 = arith.constant 0 : i32
      %dma_wait3A_390 = arith.constant 0 : i32
      %dma_wait3A_391 = tpu.memref_slice %arg4[%dma_wait3A_389, %dma_wait3A_390] : memref<20000x128xf32, #tpu.memory_space<hbm>> -> memref<128x128xf32, #tpu.memory_space<hbm>>
      %dma_wait3A_392 = arith.constant 0 : i32
      %dma_wait3A_393 = arith.constant 0 : i32
      %dma_wait3A_394 = tpu.memref_slice %arg10[%dma_wait3A_384, %dma_wait3A_392, %dma_wait3A_393] : memref<2x128x128xf32, #tpu.memory_space<vmem>> -> memref<1x128x128xf32, #tpu.memory_space<vmem>>
      %dma_wait3A_395 = tpu.memref_squeeze %dma_wait3A_394 : memref<1x128x128xf32, #tpu.memory_space<vmem>> -> memref<128x128xf32, #tpu.memory_space<vmem>>
      %dma_wait3A_396 = arith.constant 0 : i32
      %dma_wait3A_397 = arith.constant 0 : i32
      %dma_wait3A_398 = tpu.memref_slice %arg4[%dma_wait3A_396, %dma_wait3A_397] : memref<20000x128xf32, #tpu.memory_space<hbm>> -> memref<128x128xf32, #tpu.memory_space<hbm>>
      tpu.wait_dma2 semaphore(%arg12 : memref<!tpu.dma_semaphore, #tpu.memory_space<semaphore_mem>>) src(%dma_wait3A_398 : memref<128x128xf32, #tpu.memory_space<hbm>>) dst(%dma_wait3A_395 : memref<128x128xf32, #tpu.memory_space<vmem>>)
      %dma_start3A_399 = arith.constant 0 : i32
      %dma_start3A_400 = arith.constant 2 : i32
      %dma_start3A_401 = arith.constant 0 : i32
      %dma_start3A_402 = arith.constant 0 : i32
      %dma_start3A_403 = tpu.memref_slice %arg10[%dma_start3A_399, %dma_start3A_401, %dma_start3A_402] : memref<2x128x128xf32, #tpu.memory_space<vmem>> -> memref<1x128x128xf32, #tpu.memory_space<vmem>>
      %dma_start3A_404 = tpu.memref_squeeze %dma_start3A_403 : memref<1x128x128xf32, #tpu.memory_space<vmem>> -> memref<128x128xf32, #tpu.memory_space<vmem>>
      %dma_start3A_405 = arith.constant 0 : i32
      %dma_start3A_406 = tpu.memref_slice %arg9[%dma_start3A_400, %dma_start3A_405] : memref<4x128xi32, #tpu.memory_space<vmem>> -> memref<1x128xi32, #tpu.memory_space<vmem>>
      %dma_start3A_407 = tpu.memref_squeeze %dma_start3A_406 : memref<1x128xi32, #tpu.memory_space<vmem>> -> memref<128xi32, #tpu.memory_space<vmem>>
      %dma_start3A_408 = arith.constant 0 : i32
      %dma_start3A_409 = arith.constant 0 : i32
      %dma_start3A_410 = tpu.memref_slice %arg7[%dma_start3A_408, %dma_start3A_409] : memref<10112x128xf32, #tpu.memory_space<vmem_shared>> -> memref<10112x128xf32, #tpu.memory_space<vmem_shared>>
      tpu.enqueue_indirect_dma source(%dma_start3A_404 : memref<128x128xf32, #tpu.memory_space<vmem>>) target(%dma_start3A_410 : memref<10112x128xf32, #tpu.memory_space<vmem_shared>>) offsets(%dma_start3A_407 : memref<128xi32, #tpu.memory_space<vmem>>) semaphore(%arg13 : memref<!tpu.dma_semaphore, #tpu.memory_space<semaphore_mem>>) {add = true}
      %dma_wait3A_411 = arith.constant 1 : i32
      %dma_wait3A_412 = arith.constant 0 : i32
      %dma_wait3A_413 = arith.constant 0 : i32
      %dma_wait3A_414 = tpu.memref_slice %arg10[%dma_wait3A_411, %dma_wait3A_412, %dma_wait3A_413] : memref<2x128x128xf32, #tpu.memory_space<vmem>> -> memref<1x128x128xf32, #tpu.memory_space<vmem>>
      %dma_wait3A_415 = tpu.memref_squeeze %dma_wait3A_414 : memref<1x128x128xf32, #tpu.memory_space<vmem>> -> memref<128x128xf32, #tpu.memory_space<vmem>>
      %dma_wait3A_416 = arith.constant 0 : i32
      %dma_wait3A_417 = arith.constant 0 : i32
      %dma_wait3A_418 = tpu.memref_slice %arg4[%dma_wait3A_416, %dma_wait3A_417] : memref<20000x128xf32, #tpu.memory_space<hbm>> -> memref<128x128xf32, #tpu.memory_space<hbm>>
      %dma_wait3A_419 = arith.constant 0 : i32
      %dma_wait3A_420 = arith.constant 0 : i32
      %dma_wait3A_421 = tpu.memref_slice %arg10[%dma_wait3A_411, %dma_wait3A_419, %dma_wait3A_420] : memref<2x128x128xf32, #tpu.memory_space<vmem>> -> memref<1x128x128xf32, #tpu.memory_space<vmem>>
      %dma_wait3A_422 = tpu.memref_squeeze %dma_wait3A_421 : memref<1x128x128xf32, #tpu.memory_space<vmem>> -> memref<128x128xf32, #tpu.memory_space<vmem>>
      %dma_wait3A_423 = arith.constant 0 : i32
      %dma_wait3A_424 = arith.constant 0 : i32
      %dma_wait3A_425 = tpu.memref_slice %arg4[%dma_wait3A_423, %dma_wait3A_424] : memref<20000x128xf32, #tpu.memory_space<hbm>> -> memref<128x128xf32, #tpu.memory_space<hbm>>
      tpu.wait_dma2 semaphore(%arg13 : memref<!tpu.dma_semaphore, #tpu.memory_space<semaphore_mem>>) src(%dma_wait3A_425 : memref<128x128xf32, #tpu.memory_space<hbm>>) dst(%dma_wait3A_422 : memref<128x128xf32, #tpu.memory_space<vmem>>)
      %dma_wait3A_426 = arith.constant 3 : i32
      %dma_wait3A_427 = arith.constant 0 : i32
      %dma_wait3A_428 = tpu.memref_slice %arg8[%dma_wait3A_426, %dma_wait3A_427] : memref<4x128xi32, #tpu.memory_space<vmem>> -> memref<1x128xi32, #tpu.memory_space<vmem>>
      %dma_wait3A_429 = tpu.memref_squeeze %dma_wait3A_428 : memref<1x128xi32, #tpu.memory_space<vmem>> -> memref<128xi32, #tpu.memory_space<vmem>>
      %dma_wait3A_430 = tpu.memref_slice %arg2[%add3A] : memref<655872xi32, #tpu.memory_space<hbm>> -> memref<128xi32, #tpu.memory_space<hbm>>
      %dma_wait3A_431 = arith.constant 0 : i32
      %dma_wait3A_432 = tpu.memref_slice %arg8[%dma_wait3A_426, %dma_wait3A_431] : memref<4x128xi32, #tpu.memory_space<vmem>> -> memref<1x128xi32, #tpu.memory_space<vmem>>
      %dma_wait3A_433 = tpu.memref_squeeze %dma_wait3A_432 : memref<1x128xi32, #tpu.memory_space<vmem>> -> memref<128xi32, #tpu.memory_space<vmem>>
      %dma_wait3A_434 = tpu.memref_slice %arg2[%add3A] : memref<655872xi32, #tpu.memory_space<hbm>> -> memref<128xi32, #tpu.memory_space<hbm>>
      tpu.wait_dma2 semaphore(%arg11 : memref<!tpu.dma_semaphore, #tpu.memory_space<semaphore_mem>>) src(%dma_wait3A_434 : memref<128xi32, #tpu.memory_space<hbm>>) dst(%dma_wait3A_433 : memref<128xi32, #tpu.memory_space<vmem>>)
      %dma_wait3A_435 = arith.constant 3 : i32
      %dma_wait3A_436 = arith.constant 0 : i32
      %dma_wait3A_437 = tpu.memref_slice %arg9[%dma_wait3A_435, %dma_wait3A_436] : memref<4x128xi32, #tpu.memory_space<vmem>> -> memref<1x128xi32, #tpu.memory_space<vmem>>
      %dma_wait3A_438 = tpu.memref_squeeze %dma_wait3A_437 : memref<1x128xi32, #tpu.memory_space<vmem>> -> memref<128xi32, #tpu.memory_space<vmem>>
      %dma_wait3A_439 = tpu.memref_slice %arg3[%add3A] : memref<655872xi32, #tpu.memory_space<hbm>> -> memref<128xi32, #tpu.memory_space<hbm>>
      %dma_wait3A_440 = arith.constant 0 : i32
      %dma_wait3A_441 = tpu.memref_slice %arg9[%dma_wait3A_435, %dma_wait3A_440] : memref<4x128xi32, #tpu.memory_space<vmem>> -> memref<1x128xi32, #tpu.memory_space<vmem>>
      %dma_wait3A_442 = tpu.memref_squeeze %dma_wait3A_441 : memref<1x128xi32, #tpu.memory_space<vmem>> -> memref<128xi32, #tpu.memory_space<vmem>>
      %dma_wait3A_443 = tpu.memref_slice %arg3[%add3A] : memref<655872xi32, #tpu.memory_space<hbm>> -> memref<128xi32, #tpu.memory_space<hbm>>
      tpu.wait_dma2 semaphore(%arg11 : memref<!tpu.dma_semaphore, #tpu.memory_space<semaphore_mem>>) src(%dma_wait3A_443 : memref<128xi32, #tpu.memory_space<hbm>>) dst(%dma_wait3A_442 : memref<128xi32, #tpu.memory_space<vmem>>)
      %dma_start3A_444 = arith.constant 3 : i32
      %dma_start3A_445 = arith.constant 1 : i32
      %dma_start3A_446 = arith.constant 0 : i32
      %dma_start3A_447 = arith.constant 0 : i32
      %dma_start3A_448 = tpu.memref_slice %arg10[%dma_start3A_445, %dma_start3A_446, %dma_start3A_447] : memref<2x128x128xf32, #tpu.memory_space<vmem>> -> memref<1x128x128xf32, #tpu.memory_space<vmem>>
      %dma_start3A_449 = tpu.memref_squeeze %dma_start3A_448 : memref<1x128x128xf32, #tpu.memory_space<vmem>> -> memref<128x128xf32, #tpu.memory_space<vmem>>
      %dma_start3A_450 = arith.constant 0 : i32
      %dma_start3A_451 = tpu.memref_slice %arg8[%dma_start3A_444, %dma_start3A_450] : memref<4x128xi32, #tpu.memory_space<vmem>> -> memref<1x128xi32, #tpu.memory_space<vmem>>
      %dma_start3A_452 = tpu.memref_squeeze %dma_start3A_451 : memref<1x128xi32, #tpu.memory_space<vmem>> -> memref<128xi32, #tpu.memory_space<vmem>>
      %dma_start3A_453 = arith.constant 0 : i32
      %dma_start3A_454 = arith.constant 0 : i32
      %dma_start3A_455 = tpu.memref_slice %arg4[%dma_start3A_453, %dma_start3A_454] : memref<20000x128xf32, #tpu.memory_space<hbm>> -> memref<20000x128xf32, #tpu.memory_space<hbm>>
      tpu.enqueue_indirect_dma source(%dma_start3A_455 : memref<20000x128xf32, #tpu.memory_space<hbm>>) target(%dma_start3A_449 : memref<128x128xf32, #tpu.memory_space<vmem>>) offsets(%dma_start3A_452 : memref<128xi32, #tpu.memory_space<vmem>>) semaphore(%arg12 : memref<!tpu.dma_semaphore, #tpu.memory_space<semaphore_mem>>)
      %mul3A_456 = arith.constant 4 : i32
      %mul3A_457 = arith.muli %mul3A_456, %scan3A_185 : i32
      %add3A_458 = arith.constant 2 : i32
      %add3A_459 = arith.addi %mul3A_457, %add3A_458 : i32
      %add3A_460 = arith.constant 3 : i32
      %add3A_461 = arith.addi %add3A_459, %add3A_460 : i32
      %mul3A_462 = arith.constant 128 : i32
      %mul3A_463 = arith.muli %add3A_461, %mul3A_462 : i32
      %add3A_464 = arith.addi %add3A, %mul3A_463 : i32
      %dma_start3A_465 = arith.constant 1 : i32
      %dma_start3A_466 = arith.constant 0 : i32
      %dma_start3A_467 = tpu.memref_slice %arg8[%dma_start3A_465, %dma_start3A_466] : memref<4x128xi32, #tpu.memory_space<vmem>> -> memref<1x128xi32, #tpu.memory_space<vmem>>
      %dma_start3A_468 = tpu.memref_squeeze %dma_start3A_467 : memref<1x128xi32, #tpu.memory_space<vmem>> -> memref<128xi32, #tpu.memory_space<vmem>>
      %dma_start3A_469 = tpu.memref_slice %arg2[%add3A_464] : memref<655872xi32, #tpu.memory_space<hbm>> -> memref<128xi32, #tpu.memory_space<hbm>>
      %dma_start3A_470 = arith.constant 0 : i32
      %dma_start3A_471 = tpu.memref_slice %arg8[%dma_start3A_465, %dma_start3A_470] : memref<4x128xi32, #tpu.memory_space<vmem>> -> memref<1x128xi32, #tpu.memory_space<vmem>>
      %dma_start3A_472 = tpu.memref_squeeze %dma_start3A_471 : memref<1x128xi32, #tpu.memory_space<vmem>> -> memref<128xi32, #tpu.memory_space<vmem>>
      %dma_start3A_473 = tpu.memref_slice %arg2[%add3A_464] : memref<655872xi32, #tpu.memory_space<hbm>> -> memref<128xi32, #tpu.memory_space<hbm>>
      tpu.enqueue_dma source(%dma_start3A_473 : memref<128xi32, #tpu.memory_space<hbm>>) target(%dma_start3A_472 : memref<128xi32, #tpu.memory_space<vmem>>) target_semaphore(%arg11 : memref<!tpu.dma_semaphore, #tpu.memory_space<semaphore_mem>>)
      %dma_start3A_474 = arith.constant 1 : i32
      %dma_start3A_475 = arith.constant 0 : i32
      %dma_start3A_476 = tpu.memref_slice %arg9[%dma_start3A_474, %dma_start3A_475] : memref<4x128xi32, #tpu.memory_space<vmem>> -> memref<1x128xi32, #tpu.memory_space<vmem>>
      %dma_start3A_477 = tpu.memref_squeeze %dma_start3A_476 : memref<1x128xi32, #tpu.memory_space<vmem>> -> memref<128xi32, #tpu.memory_space<vmem>>
      %dma_start3A_478 = tpu.memref_slice %arg3[%add3A_464] : memref<655872xi32, #tpu.memory_space<hbm>> -> memref<128xi32, #tpu.memory_space<hbm>>
      %dma_start3A_479 = arith.constant 0 : i32
      %dma_start3A_480 = tpu.memref_slice %arg9[%dma_start3A_474, %dma_start3A_479] : memref<4x128xi32, #tpu.memory_space<vmem>> -> memref<1x128xi32, #tpu.memory_space<vmem>>
      %dma_start3A_481 = tpu.memref_squeeze %dma_start3A_480 : memref<1x128xi32, #tpu.memory_space<vmem>> -> memref<128xi32, #tpu.memory_space<vmem>>
      %dma_start3A_482 = tpu.memref_slice %arg3[%add3A_464] : memref<655872xi32, #tpu.memory_space<hbm>> -> memref<128xi32, #tpu.memory_space<hbm>>
      tpu.enqueue_dma source(%dma_start3A_482 : memref<128xi32, #tpu.memory_space<hbm>>) target(%dma_start3A_481 : memref<128xi32, #tpu.memory_space<vmem>>) target_semaphore(%arg11 : memref<!tpu.dma_semaphore, #tpu.memory_space<semaphore_mem>>)
      %dma_wait3A_483 = arith.constant 1 : i32
      %dma_wait3A_484 = arith.constant 0 : i32
      %dma_wait3A_485 = arith.constant 0 : i32
      %dma_wait3A_486 = tpu.memref_slice %arg10[%dma_wait3A_483, %dma_wait3A_484, %dma_wait3A_485] : memref<2x128x128xf32, #tpu.memory_space<vmem>> -> memref<1x128x128xf32, #tpu.memory_space<vmem>>
      %dma_wait3A_487 = tpu.memref_squeeze %dma_wait3A_486 : memref<1x128x128xf32, #tpu.memory_space<vmem>> -> memref<128x128xf32, #tpu.memory_space<vmem>>
      %dma_wait3A_488 = arith.constant 0 : i32
      %dma_wait3A_489 = arith.constant 0 : i32
      %dma_wait3A_490 = tpu.memref_slice %arg4[%dma_wait3A_488, %dma_wait3A_489] : memref<20000x128xf32, #tpu.memory_space<hbm>> -> memref<128x128xf32, #tpu.memory_space<hbm>>
      %dma_wait3A_491 = arith.constant 0 : i32
      %dma_wait3A_492 = arith.constant 0 : i32
      %dma_wait3A_493 = tpu.memref_slice %arg10[%dma_wait3A_483, %dma_wait3A_491, %dma_wait3A_492] : memref<2x128x128xf32, #tpu.memory_space<vmem>> -> memref<1x128x128xf32, #tpu.memory_space<vmem>>
      %dma_wait3A_494 = tpu.memref_squeeze %dma_wait3A_493 : memref<1x128x128xf32, #tpu.memory_space<vmem>> -> memref<128x128xf32, #tpu.memory_space<vmem>>
      %dma_wait3A_495 = arith.constant 0 : i32
      %dma_wait3A_496 = arith.constant 0 : i32
      %dma_wait3A_497 = tpu.memref_slice %arg4[%dma_wait3A_495, %dma_wait3A_496] : memref<20000x128xf32, #tpu.memory_space<hbm>> -> memref<128x128xf32, #tpu.memory_space<hbm>>
      tpu.wait_dma2 semaphore(%arg12 : memref<!tpu.dma_semaphore, #tpu.memory_space<semaphore_mem>>) src(%dma_wait3A_497 : memref<128x128xf32, #tpu.memory_space<hbm>>) dst(%dma_wait3A_494 : memref<128x128xf32, #tpu.memory_space<vmem>>)
      %dma_start3A_498 = arith.constant 1 : i32
      %dma_start3A_499 = arith.constant 3 : i32
      %dma_start3A_500 = arith.constant 0 : i32
      %dma_start3A_501 = arith.constant 0 : i32
      %dma_start3A_502 = tpu.memref_slice %arg10[%dma_start3A_498, %dma_start3A_500, %dma_start3A_501] : memref<2x128x128xf32, #tpu.memory_space<vmem>> -> memref<1x128x128xf32, #tpu.memory_space<vmem>>
      %dma_start3A_503 = tpu.memref_squeeze %dma_start3A_502 : memref<1x128x128xf32, #tpu.memory_space<vmem>> -> memref<128x128xf32, #tpu.memory_space<vmem>>
      %dma_start3A_504 = arith.constant 0 : i32
      %dma_start3A_505 = tpu.memref_slice %arg9[%dma_start3A_499, %dma_start3A_504] : memref<4x128xi32, #tpu.memory_space<vmem>> -> memref<1x128xi32, #tpu.memory_space<vmem>>
      %dma_start3A_506 = tpu.memref_squeeze %dma_start3A_505 : memref<1x128xi32, #tpu.memory_space<vmem>> -> memref<128xi32, #tpu.memory_space<vmem>>
      %dma_start3A_507 = arith.constant 0 : i32
      %dma_start3A_508 = arith.constant 0 : i32
      %dma_start3A_509 = tpu.memref_slice %arg7[%dma_start3A_507, %dma_start3A_508] : memref<10112x128xf32, #tpu.memory_space<vmem_shared>> -> memref<10112x128xf32, #tpu.memory_space<vmem_shared>>
      tpu.enqueue_indirect_dma source(%dma_start3A_503 : memref<128x128xf32, #tpu.memory_space<vmem>>) target(%dma_start3A_509 : memref<10112x128xf32, #tpu.memory_space<vmem_shared>>) offsets(%dma_start3A_506 : memref<128xi32, #tpu.memory_space<vmem>>) semaphore(%arg13 : memref<!tpu.dma_semaphore, #tpu.memory_space<semaphore_mem>>) {add = true}
      %dma_wait3A_510 = arith.constant 0 : i32
      %dma_wait3A_511 = arith.constant 0 : i32
      %dma_wait3A_512 = arith.constant 0 : i32
      %dma_wait3A_513 = tpu.memref_slice %arg10[%dma_wait3A_510, %dma_wait3A_511, %dma_wait3A_512] : memref<2x128x128xf32, #tpu.memory_space<vmem>> -> memref<1x128x128xf32, #tpu.memory_space<vmem>>
      %dma_wait3A_514 = tpu.memref_squeeze %dma_wait3A_513 : memref<1x128x128xf32, #tpu.memory_space<vmem>> -> memref<128x128xf32, #tpu.memory_space<vmem>>
      %dma_wait3A_515 = arith.constant 0 : i32
      %dma_wait3A_516 = arith.constant 0 : i32
      %dma_wait3A_517 = tpu.memref_slice %arg4[%dma_wait3A_515, %dma_wait3A_516] : memref<20000x128xf32, #tpu.memory_space<hbm>> -> memref<128x128xf32, #tpu.memory_space<hbm>>
      %dma_wait3A_518 = arith.constant 0 : i32
      %dma_wait3A_519 = arith.constant 0 : i32
      %dma_wait3A_520 = tpu.memref_slice %arg10[%dma_wait3A_510, %dma_wait3A_518, %dma_wait3A_519] : memref<2x128x128xf32, #tpu.memory_space<vmem>> -> memref<1x128x128xf32, #tpu.memory_space<vmem>>
      %dma_wait3A_521 = tpu.memref_squeeze %dma_wait3A_520 : memref<1x128x128xf32, #tpu.memory_space<vmem>> -> memref<128x128xf32, #tpu.memory_space<vmem>>
      %dma_wait3A_522 = arith.constant 0 : i32
      %dma_wait3A_523 = arith.constant 0 : i32
      %dma_wait3A_524 = tpu.memref_slice %arg4[%dma_wait3A_522, %dma_wait3A_523] : memref<20000x128xf32, #tpu.memory_space<hbm>> -> memref<128x128xf32, #tpu.memory_space<hbm>>
      tpu.wait_dma2 semaphore(%arg13 : memref<!tpu.dma_semaphore, #tpu.memory_space<semaphore_mem>>) src(%dma_wait3A_524 : memref<128x128xf32, #tpu.memory_space<hbm>>) dst(%dma_wait3A_521 : memref<128x128xf32, #tpu.memory_space<vmem>>)
      %dma_wait3A_525 = arith.constant 0 : i32
      %dma_wait3A_526 = arith.constant 0 : i32
      %dma_wait3A_527 = tpu.memref_slice %arg8[%dma_wait3A_525, %dma_wait3A_526] : memref<4x128xi32, #tpu.memory_space<vmem>> -> memref<1x128xi32, #tpu.memory_space<vmem>>
      %dma_wait3A_528 = tpu.memref_squeeze %dma_wait3A_527 : memref<1x128xi32, #tpu.memory_space<vmem>> -> memref<128xi32, #tpu.memory_space<vmem>>
      %dma_wait3A_529 = tpu.memref_slice %arg2[%add3A] : memref<655872xi32, #tpu.memory_space<hbm>> -> memref<128xi32, #tpu.memory_space<hbm>>
      %dma_wait3A_530 = arith.constant 0 : i32
      %dma_wait3A_531 = tpu.memref_slice %arg8[%dma_wait3A_525, %dma_wait3A_530] : memref<4x128xi32, #tpu.memory_space<vmem>> -> memref<1x128xi32, #tpu.memory_space<vmem>>
      %dma_wait3A_532 = tpu.memref_squeeze %dma_wait3A_531 : memref<1x128xi32, #tpu.memory_space<vmem>> -> memref<128xi32, #tpu.memory_space<vmem>>
      %dma_wait3A_533 = tpu.memref_slice %arg2[%add3A] : memref<655872xi32, #tpu.memory_space<hbm>> -> memref<128xi32, #tpu.memory_space<hbm>>
      tpu.wait_dma2 semaphore(%arg11 : memref<!tpu.dma_semaphore, #tpu.memory_space<semaphore_mem>>) src(%dma_wait3A_533 : memref<128xi32, #tpu.memory_space<hbm>>) dst(%dma_wait3A_532 : memref<128xi32, #tpu.memory_space<vmem>>)
      %dma_wait3A_534 = arith.constant 0 : i32
      %dma_wait3A_535 = arith.constant 0 : i32
      %dma_wait3A_536 = tpu.memref_slice %arg9[%dma_wait3A_534, %dma_wait3A_535] : memref<4x128xi32, #tpu.memory_space<vmem>> -> memref<1x128xi32, #tpu.memory_space<vmem>>
      %dma_wait3A_537 = tpu.memref_squeeze %dma_wait3A_536 : memref<1x128xi32, #tpu.memory_space<vmem>> -> memref<128xi32, #tpu.memory_space<vmem>>
      %dma_wait3A_538 = tpu.memref_slice %arg3[%add3A] : memref<655872xi32, #tpu.memory_space<hbm>> -> memref<128xi32, #tpu.memory_space<hbm>>
      %dma_wait3A_539 = arith.constant 0 : i32
      %dma_wait3A_540 = tpu.memref_slice %arg9[%dma_wait3A_534, %dma_wait3A_539] : memref<4x128xi32, #tpu.memory_space<vmem>> -> memref<1x128xi32, #tpu.memory_space<vmem>>
      %dma_wait3A_541 = tpu.memref_squeeze %dma_wait3A_540 : memref<1x128xi32, #tpu.memory_space<vmem>> -> memref<128xi32, #tpu.memory_space<vmem>>
      %dma_wait3A_542 = tpu.memref_slice %arg3[%add3A] : memref<655872xi32, #tpu.memory_space<hbm>> -> memref<128xi32, #tpu.memory_space<hbm>>
      tpu.wait_dma2 semaphore(%arg11 : memref<!tpu.dma_semaphore, #tpu.memory_space<semaphore_mem>>) src(%dma_wait3A_542 : memref<128xi32, #tpu.memory_space<hbm>>) dst(%dma_wait3A_541 : memref<128xi32, #tpu.memory_space<vmem>>)
      %dma_start3A_543 = arith.constant 0 : i32
      %dma_start3A_544 = arith.constant 0 : i32
      %dma_start3A_545 = arith.constant 0 : i32
      %dma_start3A_546 = arith.constant 0 : i32
      %dma_start3A_547 = tpu.memref_slice %arg10[%dma_start3A_544, %dma_start3A_545, %dma_start3A_546] : memref<2x128x128xf32, #tpu.memory_space<vmem>> -> memref<1x128x128xf32, #tpu.memory_space<vmem>>
      %dma_start3A_548 = tpu.memref_squeeze %dma_start3A_547 : memref<1x128x128xf32, #tpu.memory_space<vmem>> -> memref<128x128xf32, #tpu.memory_space<vmem>>
      %dma_start3A_549 = arith.constant 0 : i32
      %dma_start3A_550 = tpu.memref_slice %arg8[%dma_start3A_543, %dma_start3A_549] : memref<4x128xi32, #tpu.memory_space<vmem>> -> memref<1x128xi32, #tpu.memory_space<vmem>>
      %dma_start3A_551 = tpu.memref_squeeze %dma_start3A_550 : memref<1x128xi32, #tpu.memory_space<vmem>> -> memref<128xi32, #tpu.memory_space<vmem>>
      %dma_start3A_552 = arith.constant 0 : i32
      %dma_start3A_553 = arith.constant 0 : i32
      %dma_start3A_554 = tpu.memref_slice %arg4[%dma_start3A_552, %dma_start3A_553] : memref<20000x128xf32, #tpu.memory_space<hbm>> -> memref<20000x128xf32, #tpu.memory_space<hbm>>
      tpu.enqueue_indirect_dma source(%dma_start3A_554 : memref<20000x128xf32, #tpu.memory_space<hbm>>) target(%dma_start3A_548 : memref<128x128xf32, #tpu.memory_space<vmem>>) offsets(%dma_start3A_551 : memref<128xi32, #tpu.memory_space<vmem>>) semaphore(%arg12 : memref<!tpu.dma_semaphore, #tpu.memory_space<semaphore_mem>>)
      %mul3A_555 = arith.constant 4 : i32
      %mul3A_556 = arith.muli %mul3A_555, %scan3A_185 : i32
      %add3A_557 = arith.constant 3 : i32
      %add3A_558 = arith.addi %mul3A_556, %add3A_557 : i32
      %add3A_559 = arith.constant 3 : i32
      %add3A_560 = arith.addi %add3A_558, %add3A_559 : i32
      %mul3A_561 = arith.constant 128 : i32
      %mul3A_562 = arith.muli %add3A_560, %mul3A_561 : i32
      %add3A_563 = arith.addi %add3A, %mul3A_562 : i32
      %dma_start3A_564 = arith.constant 2 : i32
      %dma_start3A_565 = arith.constant 0 : i32
      %dma_start3A_566 = tpu.memref_slice %arg8[%dma_start3A_564, %dma_start3A_565] : memref<4x128xi32, #tpu.memory_space<vmem>> -> memref<1x128xi32, #tpu.memory_space<vmem>>
      %dma_start3A_567 = tpu.memref_squeeze %dma_start3A_566 : memref<1x128xi32, #tpu.memory_space<vmem>> -> memref<128xi32, #tpu.memory_space<vmem>>
      %dma_start3A_568 = tpu.memref_slice %arg2[%add3A_563] : memref<655872xi32, #tpu.memory_space<hbm>> -> memref<128xi32, #tpu.memory_space<hbm>>
      %dma_start3A_569 = arith.constant 0 : i32
      %dma_start3A_570 = tpu.memref_slice %arg8[%dma_start3A_564, %dma_start3A_569] : memref<4x128xi32, #tpu.memory_space<vmem>> -> memref<1x128xi32, #tpu.memory_space<vmem>>
      %dma_start3A_571 = tpu.memref_squeeze %dma_start3A_570 : memref<1x128xi32, #tpu.memory_space<vmem>> -> memref<128xi32, #tpu.memory_space<vmem>>
      %dma_start3A_572 = tpu.memref_slice %arg2[%add3A_563] : memref<655872xi32, #tpu.memory_space<hbm>> -> memref<128xi32, #tpu.memory_space<hbm>>
      tpu.enqueue_dma source(%dma_start3A_572 : memref<128xi32, #tpu.memory_space<hbm>>) target(%dma_start3A_571 : memref<128xi32, #tpu.memory_space<vmem>>) target_semaphore(%arg11 : memref<!tpu.dma_semaphore, #tpu.memory_space<semaphore_mem>>)
      %dma_start3A_573 = arith.constant 2 : i32
      %dma_start3A_574 = arith.constant 0 : i32
      %dma_start3A_575 = tpu.memref_slice %arg9[%dma_start3A_573, %dma_start3A_574] : memref<4x128xi32, #tpu.memory_space<vmem>> -> memref<1x128xi32, #tpu.memory_space<vmem>>
      %dma_start3A_576 = tpu.memref_squeeze %dma_start3A_575 : memref<1x128xi32, #tpu.memory_space<vmem>> -> memref<128xi32, #tpu.memory_space<vmem>>
      %dma_start3A_577 = tpu.memref_slice %arg3[%add3A_563] : memref<655872xi32, #tpu.memory_space<hbm>> -> memref<128xi32, #tpu.memory_space<hbm>>
      %dma_start3A_578 = arith.constant 0 : i32
      %dma_start3A_579 = tpu.memref_slice %arg9[%dma_start3A_573, %dma_start3A_578] : memref<4x128xi32, #tpu.memory_space<vmem>> -> memref<1x128xi32, #tpu.memory_space<vmem>>
      %dma_start3A_580 = tpu.memref_squeeze %dma_start3A_579 : memref<1x128xi32, #tpu.memory_space<vmem>> -> memref<128xi32, #tpu.memory_space<vmem>>
      %dma_start3A_581 = tpu.memref_slice %arg3[%add3A_563] : memref<655872xi32, #tpu.memory_space<hbm>> -> memref<128xi32, #tpu.memory_space<hbm>>
      tpu.enqueue_dma source(%dma_start3A_581 : memref<128xi32, #tpu.memory_space<hbm>>) target(%dma_start3A_580 : memref<128xi32, #tpu.memory_space<vmem>>) target_semaphore(%arg11 : memref<!tpu.dma_semaphore, #tpu.memory_space<semaphore_mem>>)
    }
    %scan3A_111 = arith.constant 40 : i32
    %dma_wait3A_112 = arith.constant 0 : i32
    %dma_wait3A_113 = arith.constant 0 : i32
    %dma_wait3A_114 = arith.constant 0 : i32
    %dma_wait3A_115 = tpu.memref_slice %arg10[%dma_wait3A_112, %dma_wait3A_113, %dma_wait3A_114] : memref<2x128x128xf32, #tpu.memory_space<vmem>> -> memref<1x128x128xf32, #tpu.memory_space<vmem>>
    %dma_wait3A_116 = tpu.memref_squeeze %dma_wait3A_115 : memref<1x128x128xf32, #tpu.memory_space<vmem>> -> memref<128x128xf32, #tpu.memory_space<vmem>>
    %dma_wait3A_117 = arith.constant 0 : i32
    %dma_wait3A_118 = arith.constant 0 : i32
    %dma_wait3A_119 = tpu.memref_slice %arg4[%dma_wait3A_117, %dma_wait3A_118] : memref<20000x128xf32, #tpu.memory_space<hbm>> -> memref<128x128xf32, #tpu.memory_space<hbm>>
    %dma_wait3A_120 = arith.constant 0 : i32
    %dma_wait3A_121 = arith.constant 0 : i32
    %dma_wait3A_122 = tpu.memref_slice %arg10[%dma_wait3A_112, %dma_wait3A_120, %dma_wait3A_121] : memref<2x128x128xf32, #tpu.memory_space<vmem>> -> memref<1x128x128xf32, #tpu.memory_space<vmem>>
    %dma_wait3A_123 = tpu.memref_squeeze %dma_wait3A_122 : memref<1x128x128xf32, #tpu.memory_space<vmem>> -> memref<128x128xf32, #tpu.memory_space<vmem>>
    %dma_wait3A_124 = arith.constant 0 : i32
    %dma_wait3A_125 = arith.constant 0 : i32
    %dma_wait3A_126 = tpu.memref_slice %arg4[%dma_wait3A_124, %dma_wait3A_125] : memref<20000x128xf32, #tpu.memory_space<hbm>> -> memref<128x128xf32, #tpu.memory_space<hbm>>
    tpu.wait_dma2 semaphore(%arg12 : memref<!tpu.dma_semaphore, #tpu.memory_space<semaphore_mem>>) src(%dma_wait3A_126 : memref<128x128xf32, #tpu.memory_space<hbm>>) dst(%dma_wait3A_123 : memref<128x128xf32, #tpu.memory_space<vmem>>)
    %dma_wait3A_127 = arith.constant 1 : i32
    %dma_wait3A_128 = arith.constant 0 : i32
    %dma_wait3A_129 = arith.constant 0 : i32
    %dma_wait3A_130 = tpu.memref_slice %arg10[%dma_wait3A_127, %dma_wait3A_128, %dma_wait3A_129] : memref<2x128x128xf32, #tpu.memory_space<vmem>> -> memref<1x128x128xf32, #tpu.memory_space<vmem>>
    %dma_wait3A_131 = tpu.memref_squeeze %dma_wait3A_130 : memref<1x128x128xf32, #tpu.memory_space<vmem>> -> memref<128x128xf32, #tpu.memory_space<vmem>>
    %dma_wait3A_132 = arith.constant 0 : i32
    %dma_wait3A_133 = arith.constant 0 : i32
    %dma_wait3A_134 = tpu.memref_slice %arg4[%dma_wait3A_132, %dma_wait3A_133] : memref<20000x128xf32, #tpu.memory_space<hbm>> -> memref<128x128xf32, #tpu.memory_space<hbm>>
    %dma_wait3A_135 = arith.constant 0 : i32
    %dma_wait3A_136 = arith.constant 0 : i32
    %dma_wait3A_137 = tpu.memref_slice %arg10[%dma_wait3A_127, %dma_wait3A_135, %dma_wait3A_136] : memref<2x128x128xf32, #tpu.memory_space<vmem>> -> memref<1x128x128xf32, #tpu.memory_space<vmem>>
    %dma_wait3A_138 = tpu.memref_squeeze %dma_wait3A_137 : memref<1x128x128xf32, #tpu.memory_space<vmem>> -> memref<128x128xf32, #tpu.memory_space<vmem>>
    %dma_wait3A_139 = arith.constant 0 : i32
    %dma_wait3A_140 = arith.constant 0 : i32
    %dma_wait3A_141 = tpu.memref_slice %arg4[%dma_wait3A_139, %dma_wait3A_140] : memref<20000x128xf32, #tpu.memory_space<hbm>> -> memref<128x128xf32, #tpu.memory_space<hbm>>
    tpu.wait_dma2 semaphore(%arg13 : memref<!tpu.dma_semaphore, #tpu.memory_space<semaphore_mem>>) src(%dma_wait3A_141 : memref<128x128xf32, #tpu.memory_space<hbm>>) dst(%dma_wait3A_138 : memref<128x128xf32, #tpu.memory_space<vmem>>)
    %dma_wait3A_142 = arith.constant 0 : i32
    %dma_wait3A_143 = arith.constant 0 : i32
    %dma_wait3A_144 = tpu.memref_slice %arg8[%dma_wait3A_142, %dma_wait3A_143] : memref<4x128xi32, #tpu.memory_space<vmem>> -> memref<1x128xi32, #tpu.memory_space<vmem>>
    %dma_wait3A_145 = tpu.memref_squeeze %dma_wait3A_144 : memref<1x128xi32, #tpu.memory_space<vmem>> -> memref<128xi32, #tpu.memory_space<vmem>>
    %dma_wait3A_146 = tpu.memref_slice %arg2[%add3A] : memref<655872xi32, #tpu.memory_space<hbm>> -> memref<128xi32, #tpu.memory_space<hbm>>
    %dma_wait3A_147 = arith.constant 0 : i32
    %dma_wait3A_148 = tpu.memref_slice %arg8[%dma_wait3A_142, %dma_wait3A_147] : memref<4x128xi32, #tpu.memory_space<vmem>> -> memref<1x128xi32, #tpu.memory_space<vmem>>
    %dma_wait3A_149 = tpu.memref_squeeze %dma_wait3A_148 : memref<1x128xi32, #tpu.memory_space<vmem>> -> memref<128xi32, #tpu.memory_space<vmem>>
    %dma_wait3A_150 = tpu.memref_slice %arg2[%add3A] : memref<655872xi32, #tpu.memory_space<hbm>> -> memref<128xi32, #tpu.memory_space<hbm>>
    tpu.wait_dma2 semaphore(%arg11 : memref<!tpu.dma_semaphore, #tpu.memory_space<semaphore_mem>>) src(%dma_wait3A_150 : memref<128xi32, #tpu.memory_space<hbm>>) dst(%dma_wait3A_149 : memref<128xi32, #tpu.memory_space<vmem>>)
    %dma_wait3A_151 = arith.constant 0 : i32
    %dma_wait3A_152 = arith.constant 0 : i32
    %dma_wait3A_153 = tpu.memref_slice %arg9[%dma_wait3A_151, %dma_wait3A_152] : memref<4x128xi32, #tpu.memory_space<vmem>> -> memref<1x128xi32, #tpu.memory_space<vmem>>
    %dma_wait3A_154 = tpu.memref_squeeze %dma_wait3A_153 : memref<1x128xi32, #tpu.memory_space<vmem>> -> memref<128xi32, #tpu.memory_space<vmem>>
    %dma_wait3A_155 = tpu.memref_slice %arg3[%add3A] : memref<655872xi32, #tpu.memory_space<hbm>> -> memref<128xi32, #tpu.memory_space<hbm>>
    %dma_wait3A_156 = arith.constant 0 : i32
    %dma_wait3A_157 = tpu.memref_slice %arg9[%dma_wait3A_151, %dma_wait3A_156] : memref<4x128xi32, #tpu.memory_space<vmem>> -> memref<1x128xi32, #tpu.memory_space<vmem>>
    %dma_wait3A_158 = tpu.memref_squeeze %dma_wait3A_157 : memref<1x128xi32, #tpu.memory_space<vmem>> -> memref<128xi32, #tpu.memory_space<vmem>>
    %dma_wait3A_159 = tpu.memref_slice %arg3[%add3A] : memref<655872xi32, #tpu.memory_space<hbm>> -> memref<128xi32, #tpu.memory_space<hbm>>
    tpu.wait_dma2 semaphore(%arg11 : memref<!tpu.dma_semaphore, #tpu.memory_space<semaphore_mem>>) src(%dma_wait3A_159 : memref<128xi32, #tpu.memory_space<hbm>>) dst(%dma_wait3A_158 : memref<128xi32, #tpu.memory_space<vmem>>)
    %dma_wait3A_160 = arith.constant 1 : i32
    %dma_wait3A_161 = arith.constant 0 : i32
    %dma_wait3A_162 = tpu.memref_slice %arg8[%dma_wait3A_160, %dma_wait3A_161] : memref<4x128xi32, #tpu.memory_space<vmem>> -> memref<1x128xi32, #tpu.memory_space<vmem>>
    %dma_wait3A_163 = tpu.memref_squeeze %dma_wait3A_162 : memref<1x128xi32, #tpu.memory_space<vmem>> -> memref<128xi32, #tpu.memory_space<vmem>>
    %dma_wait3A_164 = tpu.memref_slice %arg2[%add3A] : memref<655872xi32, #tpu.memory_space<hbm>> -> memref<128xi32, #tpu.memory_space<hbm>>
    %dma_wait3A_165 = arith.constant 0 : i32
    %dma_wait3A_166 = tpu.memref_slice %arg8[%dma_wait3A_160, %dma_wait3A_165] : memref<4x128xi32, #tpu.memory_space<vmem>> -> memref<1x128xi32, #tpu.memory_space<vmem>>
    %dma_wait3A_167 = tpu.memref_squeeze %dma_wait3A_166 : memref<1x128xi32, #tpu.memory_space<vmem>> -> memref<128xi32, #tpu.memory_space<vmem>>
    %dma_wait3A_168 = tpu.memref_slice %arg2[%add3A] : memref<655872xi32, #tpu.memory_space<hbm>> -> memref<128xi32, #tpu.memory_space<hbm>>
    tpu.wait_dma2 semaphore(%arg11 : memref<!tpu.dma_semaphore, #tpu.memory_space<semaphore_mem>>) src(%dma_wait3A_168 : memref<128xi32, #tpu.memory_space<hbm>>) dst(%dma_wait3A_167 : memref<128xi32, #tpu.memory_space<vmem>>)
    %dma_wait3A_169 = arith.constant 1 : i32
    %dma_wait3A_170 = arith.constant 0 : i32
    %dma_wait3A_171 = tpu.memref_slice %arg9[%dma_wait3A_169, %dma_wait3A_170] : memref<4x128xi32, #tpu.memory_space<vmem>> -> memref<1x128xi32, #tpu.memory_space<vmem>>
    %dma_wait3A_172 = tpu.memref_squeeze %dma_wait3A_171 : memref<1x128xi32, #tpu.memory_space<vmem>> -> memref<128xi32, #tpu.memory_space<vmem>>
    %dma_wait3A_173 = tpu.memref_slice %arg3[%add3A] : memref<655872xi32, #tpu.memory_space<hbm>> -> memref<128xi32, #tpu.memory_space<hbm>>
    %dma_wait3A_174 = arith.constant 0 : i32
    %dma_wait3A_175 = tpu.memref_slice %arg9[%dma_wait3A_169, %dma_wait3A_174] : memref<4x128xi32, #tpu.memory_space<vmem>> -> memref<1x128xi32, #tpu.memory_space<vmem>>
    %dma_wait3A_176 = tpu.memref_squeeze %dma_wait3A_175 : memref<1x128xi32, #tpu.memory_space<vmem>> -> memref<128xi32, #tpu.memory_space<vmem>>
    %dma_wait3A_177 = tpu.memref_slice %arg3[%add3A] : memref<655872xi32, #tpu.memory_space<hbm>> -> memref<128xi32, #tpu.memory_space<hbm>>
    tpu.wait_dma2 semaphore(%arg11 : memref<!tpu.dma_semaphore, #tpu.memory_space<semaphore_mem>>) src(%dma_wait3A_177 : memref<128xi32, #tpu.memory_space<hbm>>) dst(%dma_wait3A_176 : memref<128xi32, #tpu.memory_space<vmem>>)
    %barrier3A_178 = arith.constant 0 : index
    tpu.barrier barrier_id(%barrier3A_178)
    %lt3A = arith.constant 15 : i32
    %lt3A_179 = arith.cmpi slt, %arg1, %lt3A : i32
    %convert_element_type3A = arith.extui %lt3A_179 : i1 to i32
    %cond3A = arith.constant 0 : i32
    %cond3A_180 = arith.cmpi ne, %convert_element_type3A, %cond3A : i32
    scf.if %cond3A_180 {
      %mul3A_185 = arith.constant 632 : i32
      %mul3A_186 = arith.muli %arg1, %mul3A_185 : i32
      %mul3A_187 = arith.constant 632 : i32
      %mul3A_188 = arith.muli %arg1, %mul3A_187 : i32
      "tpu.region"() ({
        %run_scoped3A_189 = tpu.sem_alloc : memref<!tpu.dma_semaphore, #tpu.memory_space<semaphore_mem>>
        %dma_start3A_190 = arith.constant 0 : i32
        %dma_start3A_191 = arith.constant 0 : i32
        %dma_start3A_192 = tpu.memref_slice %arg6[%arg0, %dma_start3A_190, %dma_start3A_191] : memref<2x10000x128xf32, #tpu.memory_space<hbm>> -> memref<1x10000x128xf32, #tpu.memory_space<hbm>>
        %dma_start3A_193 = tpu.memref_squeeze %dma_start3A_192 : memref<1x10000x128xf32, #tpu.memory_space<hbm>> -> memref<10000x128xf32, #tpu.memory_space<hbm>>
        %dma_start3A_194 = arith.constant 0 : i32
        %dma_start3A_195 = tpu.memref_slice %dma_start3A_193[%mul3A_188, %dma_start3A_194] : memref<10000x128xf32, #tpu.memory_space<hbm>> -> memref<632x128xf32, #tpu.memory_space<hbm>>
        %dma_start3A_196 = arith.constant 0 : i32
        %dma_start3A_197 = tpu.memref_slice %arg7[%mul3A_186, %dma_start3A_196] : memref<10112x128xf32, #tpu.memory_space<vmem_shared>> -> memref<632x128xf32, #tpu.memory_space<vmem_shared>>
        tpu.enqueue_dma source(%dma_start3A_197 : memref<632x128xf32, #tpu.memory_space<vmem_shared>>) target(%dma_start3A_195 : memref<632x128xf32, #tpu.memory_space<hbm>>) target_semaphore(%run_scoped3A_189 : memref<!tpu.dma_semaphore, #tpu.memory_space<semaphore_mem>>)
        %dma_wait3A_198 = arith.constant 0 : i32
        %dma_wait3A_199 = arith.constant 0 : i32
        %dma_wait3A_200 = tpu.memref_slice %arg6[%arg0, %dma_wait3A_198, %dma_wait3A_199] : memref<2x10000x128xf32, #tpu.memory_space<hbm>> -> memref<1x10000x128xf32, #tpu.memory_space<hbm>>
        %dma_wait3A_201 = tpu.memref_squeeze %dma_wait3A_200 : memref<1x10000x128xf32, #tpu.memory_space<hbm>> -> memref<10000x128xf32, #tpu.memory_space<hbm>>
        %dma_wait3A_202 = arith.constant 0 : i32
        %dma_wait3A_203 = tpu.memref_slice %dma_wait3A_201[%mul3A_188, %dma_wait3A_202] : memref<10000x128xf32, #tpu.memory_space<hbm>> -> memref<632x128xf32, #tpu.memory_space<hbm>>
        %dma_wait3A_204 = arith.constant 0 : i32
        %dma_wait3A_205 = tpu.memref_slice %arg7[%mul3A_186, %dma_wait3A_204] : memref<10112x128xf32, #tpu.memory_space<vmem_shared>> -> memref<632x128xf32, #tpu.memory_space<vmem_shared>>
        tpu.wait_dma2 semaphore(%run_scoped3A_189 : memref<!tpu.dma_semaphore, #tpu.memory_space<semaphore_mem>>) src(%dma_wait3A_205 : memref<632x128xf32, #tpu.memory_space<vmem_shared>>) dst(%dma_wait3A_203 : memref<632x128xf32, #tpu.memory_space<hbm>>)
        tpu.yield
      }) : () -> ()
    } else {
    }
    %eq3A = arith.constant 15 : i32
    %eq3A_181 = arith.cmpi eq, %arg1, %eq3A : i32
    %convert_element_type3A_182 = arith.extui %eq3A_181 : i1 to i32
    %cond3A_183 = arith.constant 0 : i32
    %cond3A_184 = arith.cmpi ne, %convert_element_type3A_182, %cond3A_183 : i32
    scf.if %cond3A_184 {
      "tpu.region"() ({
        %run_scoped3A_185 = tpu.sem_alloc : memref<!tpu.dma_semaphore, #tpu.memory_space<semaphore_mem>>
        %dma_start3A_186 = arith.constant 0 : i32
        %dma_start3A_187 = arith.constant 0 : i32
        %dma_start3A_188 = tpu.memref_slice %arg6[%arg0, %dma_start3A_186, %dma_start3A_187] : memref<2x10000x128xf32, #tpu.memory_space<hbm>> -> memref<1x10000x128xf32, #tpu.memory_space<hbm>>
        %dma_start3A_189 = tpu.memref_squeeze %dma_start3A_188 : memref<1x10000x128xf32, #tpu.memory_space<hbm>> -> memref<10000x128xf32, #tpu.memory_space<hbm>>
        %dma_start3A_190 = arith.constant 9480 : i32
        %dma_start3A_191 = arith.constant 0 : i32
        %dma_start3A_192 = tpu.memref_slice %dma_start3A_189[%dma_start3A_190, %dma_start3A_191] : memref<10000x128xf32, #tpu.memory_space<hbm>> -> memref<520x128xf32, #tpu.memory_space<hbm>>
        %dma_start3A_193 = arith.constant 9480 : i32
        %dma_start3A_194 = arith.constant 0 : i32
        %dma_start3A_195 = tpu.memref_slice %arg7[%dma_start3A_193, %dma_start3A_194] : memref<10112x128xf32, #tpu.memory_space<vmem_shared>> -> memref<520x128xf32, #tpu.memory_space<vmem_shared>>
        tpu.enqueue_dma source(%dma_start3A_195 : memref<520x128xf32, #tpu.memory_space<vmem_shared>>) target(%dma_start3A_192 : memref<520x128xf32, #tpu.memory_space<hbm>>) target_semaphore(%run_scoped3A_185 : memref<!tpu.dma_semaphore, #tpu.memory_space<semaphore_mem>>)
        %dma_wait3A_196 = arith.constant 0 : i32
        %dma_wait3A_197 = arith.constant 0 : i32
        %dma_wait3A_198 = tpu.memref_slice %arg6[%arg0, %dma_wait3A_196, %dma_wait3A_197] : memref<2x10000x128xf32, #tpu.memory_space<hbm>> -> memref<1x10000x128xf32, #tpu.memory_space<hbm>>
        %dma_wait3A_199 = tpu.memref_squeeze %dma_wait3A_198 : memref<1x10000x128xf32, #tpu.memory_space<hbm>> -> memref<10000x128xf32, #tpu.memory_space<hbm>>
        %dma_wait3A_200 = arith.constant 9480 : i32
        %dma_wait3A_201 = arith.constant 0 : i32
        %dma_wait3A_202 = tpu.memref_slice %dma_wait3A_199[%dma_wait3A_200, %dma_wait3A_201] : memref<10000x128xf32, #tpu.memory_space<hbm>> -> memref<520x128xf32, #tpu.memory_space<hbm>>
        %dma_wait3A_203 = arith.constant 9480 : i32
        %dma_wait3A_204 = arith.constant 0 : i32
        %dma_wait3A_205 = tpu.memref_slice %arg7[%dma_wait3A_203, %dma_wait3A_204] : memref<10112x128xf32, #tpu.memory_space<vmem_shared>> -> memref<520x128xf32, #tpu.memory_space<vmem_shared>>
        tpu.wait_dma2 semaphore(%run_scoped3A_185 : memref<!tpu.dma_semaphore, #tpu.memory_space<semaphore_mem>>) src(%dma_wait3A_205 : memref<520x128xf32, #tpu.memory_space<vmem_shared>>) dst(%dma_wait3A_202 : memref<520x128xf32, #tpu.memory_space<hbm>>)
        tpu.yield
      }) : () -> ()
    } else {
    }
    return
  }
}

#map = affine_map<(d0, d1) -> (0)>
#map1 = affine_map<(d0, d1) -> (0, 0)>
#map2 = affine_map<(d0, d1) -> (0, 0, 0)>
module attributes {stable_mosaic.version = 14 : i64} {
  func.func @_sc_seg_cnt(%arg0: i32, %arg1: i32, %arg2: memref<655872xi32, #tpu.memory_space<hbm>>, %arg3: memref<655872xi32, #tpu.memory_space<hbm>>, %arg4: memref<20000x128xf32, #tpu.memory_space<hbm>>, %arg5: memref<10112x128xf32, #tpu.memory_space<hbm>>, %arg6: memref<128x128xf32, #tpu.memory_space<hbm>>, %arg7: memref<2x10000x128xf32, #tpu.memory_space<hbm>>, %arg8: memref<2x10000x128xf32, #tpu.memory_space<hbm>>, %arg9: memref<10112x128xf32, #tpu.memory_space<vmem_shared>>, %arg10: memref<4x128xi32, #tpu.memory_space<vmem>>, %arg11: memref<4x128xi32, #tpu.memory_space<vmem>>, %arg12: memref<2x128x128xf32, #tpu.memory_space<vmem>>, %arg13: memref<!tpu.dma_semaphore, #tpu.memory_space<semaphore_mem>>, %arg14: memref<!tpu.dma_semaphore, #tpu.memory_space<semaphore_mem>>, %arg15: memref<!tpu.dma_semaphore, #tpu.memory_space<semaphore_mem>>) attributes {dimension_semantics = [#tpu.dimension_semantics<core_parallel>, #tpu.dimension_semantics<subcore_parallel>], iteration_bounds = array<i64: 2, 16>, scalar_prefetch = 0 : i64, scratch_operands = 7 : i64, tpu.core_type = #tpu.core_type<sc_vector_subcore>, window_params = [{transform_indices = #map}, {transform_indices = #map}, {transform_indices = #map1}, {transform_indices = #map1}, {transform_indices = #map1}, {transform_indices = #map2}, {transform_indices = #map2}]} {
    %mul3A = arith.constant 632 : i32
    %mul3A_0 = arith.muli %arg1, %mul3A : i32
    %mul3A_1 = arith.constant 632 : i32
    %mul3A_2 = arith.muli %arg1, %mul3A_1 : i32
    "tpu.region"() ({
      %run_scoped3A_250 = tpu.sem_alloc : memref<!tpu.dma_semaphore, #tpu.memory_space<semaphore_mem>>
      %dma_start3A_251 = arith.constant 0 : i32
      %dma_start3A_252 = tpu.memref_slice %arg9[%mul3A_2, %dma_start3A_251] : memref<10112x128xf32, #tpu.memory_space<vmem_shared>> -> memref<632x128xf32, #tpu.memory_space<vmem_shared>>
      %dma_start3A_253 = arith.constant 0 : i32
      %dma_start3A_254 = tpu.memref_slice %arg5[%mul3A_0, %dma_start3A_253] : memref<10112x128xf32, #tpu.memory_space<hbm>> -> memref<632x128xf32, #tpu.memory_space<hbm>>
      tpu.enqueue_dma source(%dma_start3A_254 : memref<632x128xf32, #tpu.memory_space<hbm>>) target(%dma_start3A_252 : memref<632x128xf32, #tpu.memory_space<vmem_shared>>) target_semaphore(%run_scoped3A_250 : memref<!tpu.dma_semaphore, #tpu.memory_space<semaphore_mem>>)
      %dma_wait3A_255 = arith.constant 0 : i32
      %dma_wait3A_256 = tpu.memref_slice %arg9[%mul3A_2, %dma_wait3A_255] : memref<10112x128xf32, #tpu.memory_space<vmem_shared>> -> memref<632x128xf32, #tpu.memory_space<vmem_shared>>
      %dma_wait3A_257 = arith.constant 0 : i32
      %dma_wait3A_258 = tpu.memref_slice %arg5[%mul3A_0, %dma_wait3A_257] : memref<10112x128xf32, #tpu.memory_space<hbm>> -> memref<632x128xf32, #tpu.memory_space<hbm>>
      tpu.wait_dma2 semaphore(%run_scoped3A_250 : memref<!tpu.dma_semaphore, #tpu.memory_space<semaphore_mem>>) src(%dma_wait3A_258 : memref<632x128xf32, #tpu.memory_space<hbm>>) dst(%dma_wait3A_256 : memref<632x128xf32, #tpu.memory_space<vmem_shared>>)
      tpu.yield
    }) : () -> ()
    %barrier3A = arith.constant 0 : index
    tpu.barrier barrier_id(%barrier3A)
    %mul3A_3 = arith.constant 327680 : i32
    %mul3A_4 = arith.muli %arg0, %mul3A_3 : i32
    %mul3A_5 = arith.constant 20480 : i32
    %mul3A_6 = arith.muli %arg1, %mul3A_5 : i32
    %add3A = arith.addi %mul3A_4, %mul3A_6 : i32
    %add3A_7 = arith.constant 0 : i32
    %add3A_8 = arith.addi %add3A, %add3A_7 : i32
    %dma_start3A = arith.constant 0 : i32
    %dma_start3A_9 = arith.constant 0 : i32
    %dma_start3A_10 = tpu.memref_slice %arg10[%dma_start3A, %dma_start3A_9] : memref<4x128xi32, #tpu.memory_space<vmem>> -> memref<1x128xi32, #tpu.memory_space<vmem>>
    %dma_start3A_11 = tpu.memref_squeeze %dma_start3A_10 : memref<1x128xi32, #tpu.memory_space<vmem>> -> memref<128xi32, #tpu.memory_space<vmem>>
    %dma_start3A_12 = tpu.memref_slice %arg2[%add3A_8] : memref<655872xi32, #tpu.memory_space<hbm>> -> memref<128xi32, #tpu.memory_space<hbm>>
    %dma_start3A_13 = arith.constant 0 : i32
    %dma_start3A_14 = tpu.memref_slice %arg10[%dma_start3A, %dma_start3A_13] : memref<4x128xi32, #tpu.memory_space<vmem>> -> memref<1x128xi32, #tpu.memory_space<vmem>>
    %dma_start3A_15 = tpu.memref_squeeze %dma_start3A_14 : memref<1x128xi32, #tpu.memory_space<vmem>> -> memref<128xi32, #tpu.memory_space<vmem>>
    %dma_start3A_16 = tpu.memref_slice %arg2[%add3A_8] : memref<655872xi32, #tpu.memory_space<hbm>> -> memref<128xi32, #tpu.memory_space<hbm>>
    tpu.enqueue_dma source(%dma_start3A_16 : memref<128xi32, #tpu.memory_space<hbm>>) target(%dma_start3A_15 : memref<128xi32, #tpu.memory_space<vmem>>) target_semaphore(%arg13 : memref<!tpu.dma_semaphore, #tpu.memory_space<semaphore_mem>>)
    %dma_start3A_17 = arith.constant 0 : i32
    %dma_start3A_18 = arith.constant 0 : i32
    %dma_start3A_19 = tpu.memref_slice %arg11[%dma_start3A_17, %dma_start3A_18] : memref<4x128xi32, #tpu.memory_space<vmem>> -> memref<1x128xi32, #tpu.memory_space<vmem>>
    %dma_start3A_20 = tpu.memref_squeeze %dma_start3A_19 : memref<1x128xi32, #tpu.memory_space<vmem>> -> memref<128xi32, #tpu.memory_space<vmem>>
    %dma_start3A_21 = tpu.memref_slice %arg3[%add3A_8] : memref<655872xi32, #tpu.memory_space<hbm>> -> memref<128xi32, #tpu.memory_space<hbm>>
    %dma_start3A_22 = arith.constant 0 : i32
    %dma_start3A_23 = tpu.memref_slice %arg11[%dma_start3A_17, %dma_start3A_22] : memref<4x128xi32, #tpu.memory_space<vmem>> -> memref<1x128xi32, #tpu.memory_space<vmem>>
    %dma_start3A_24 = tpu.memref_squeeze %dma_start3A_23 : memref<1x128xi32, #tpu.memory_space<vmem>> -> memref<128xi32, #tpu.memory_space<vmem>>
    %dma_start3A_25 = tpu.memref_slice %arg3[%add3A_8] : memref<655872xi32, #tpu.memory_space<hbm>> -> memref<128xi32, #tpu.memory_space<hbm>>
    tpu.enqueue_dma source(%dma_start3A_25 : memref<128xi32, #tpu.memory_space<hbm>>) target(%dma_start3A_24 : memref<128xi32, #tpu.memory_space<vmem>>) target_semaphore(%arg13 : memref<!tpu.dma_semaphore, #tpu.memory_space<semaphore_mem>>)
    %add3A_26 = arith.constant 128 : i32
    %add3A_27 = arith.addi %add3A, %add3A_26 : i32
    %dma_start3A_28 = arith.constant 1 : i32
    %dma_start3A_29 = arith.constant 0 : i32
    %dma_start3A_30 = tpu.memref_slice %arg10[%dma_start3A_28, %dma_start3A_29] : memref<4x128xi32, #tpu.memory_space<vmem>> -> memref<1x128xi32, #tpu.memory_space<vmem>>
    %dma_start3A_31 = tpu.memref_squeeze %dma_start3A_30 : memref<1x128xi32, #tpu.memory_space<vmem>> -> memref<128xi32, #tpu.memory_space<vmem>>
    %dma_start3A_32 = tpu.memref_slice %arg2[%add3A_27] : memref<655872xi32, #tpu.memory_space<hbm>> -> memref<128xi32, #tpu.memory_space<hbm>>
    %dma_start3A_33 = arith.constant 0 : i32
    %dma_start3A_34 = tpu.memref_slice %arg10[%dma_start3A_28, %dma_start3A_33] : memref<4x128xi32, #tpu.memory_space<vmem>> -> memref<1x128xi32, #tpu.memory_space<vmem>>
    %dma_start3A_35 = tpu.memref_squeeze %dma_start3A_34 : memref<1x128xi32, #tpu.memory_space<vmem>> -> memref<128xi32, #tpu.memory_space<vmem>>
    %dma_start3A_36 = tpu.memref_slice %arg2[%add3A_27] : memref<655872xi32, #tpu.memory_space<hbm>> -> memref<128xi32, #tpu.memory_space<hbm>>
    tpu.enqueue_dma source(%dma_start3A_36 : memref<128xi32, #tpu.memory_space<hbm>>) target(%dma_start3A_35 : memref<128xi32, #tpu.memory_space<vmem>>) target_semaphore(%arg13 : memref<!tpu.dma_semaphore, #tpu.memory_space<semaphore_mem>>)
    %dma_start3A_37 = arith.constant 1 : i32
    %dma_start3A_38 = arith.constant 0 : i32
    %dma_start3A_39 = tpu.memref_slice %arg11[%dma_start3A_37, %dma_start3A_38] : memref<4x128xi32, #tpu.memory_space<vmem>> -> memref<1x128xi32, #tpu.memory_space<vmem>>
    %dma_start3A_40 = tpu.memref_squeeze %dma_start3A_39 : memref<1x128xi32, #tpu.memory_space<vmem>> -> memref<128xi32, #tpu.memory_space<vmem>>
    %dma_start3A_41 = tpu.memref_slice %arg3[%add3A_27] : memref<655872xi32, #tpu.memory_space<hbm>> -> memref<128xi32, #tpu.memory_space<hbm>>
    %dma_start3A_42 = arith.constant 0 : i32
    %dma_start3A_43 = tpu.memref_slice %arg11[%dma_start3A_37, %dma_start3A_42] : memref<4x128xi32, #tpu.memory_space<vmem>> -> memref<1x128xi32, #tpu.memory_space<vmem>>
    %dma_start3A_44 = tpu.memref_squeeze %dma_start3A_43 : memref<1x128xi32, #tpu.memory_space<vmem>> -> memref<128xi32, #tpu.memory_space<vmem>>
    %dma_start3A_45 = tpu.memref_slice %arg3[%add3A_27] : memref<655872xi32, #tpu.memory_space<hbm>> -> memref<128xi32, #tpu.memory_space<hbm>>
    tpu.enqueue_dma source(%dma_start3A_45 : memref<128xi32, #tpu.memory_space<hbm>>) target(%dma_start3A_44 : memref<128xi32, #tpu.memory_space<vmem>>) target_semaphore(%arg13 : memref<!tpu.dma_semaphore, #tpu.memory_space<semaphore_mem>>)
    %add3A_46 = arith.constant 256 : i32
    %add3A_47 = arith.addi %add3A, %add3A_46 : i32
    %dma_start3A_48 = arith.constant 2 : i32
    %dma_start3A_49 = arith.constant 0 : i32
    %dma_start3A_50 = tpu.memref_slice %arg10[%dma_start3A_48, %dma_start3A_49] : memref<4x128xi32, #tpu.memory_space<vmem>> -> memref<1x128xi32, #tpu.memory_space<vmem>>
    %dma_start3A_51 = tpu.memref_squeeze %dma_start3A_50 : memref<1x128xi32, #tpu.memory_space<vmem>> -> memref<128xi32, #tpu.memory_space<vmem>>
    %dma_start3A_52 = tpu.memref_slice %arg2[%add3A_47] : memref<655872xi32, #tpu.memory_space<hbm>> -> memref<128xi32, #tpu.memory_space<hbm>>
    %dma_start3A_53 = arith.constant 0 : i32
    %dma_start3A_54 = tpu.memref_slice %arg10[%dma_start3A_48, %dma_start3A_53] : memref<4x128xi32, #tpu.memory_space<vmem>> -> memref<1x128xi32, #tpu.memory_space<vmem>>
    %dma_start3A_55 = tpu.memref_squeeze %dma_start3A_54 : memref<1x128xi32, #tpu.memory_space<vmem>> -> memref<128xi32, #tpu.memory_space<vmem>>
    %dma_start3A_56 = tpu.memref_slice %arg2[%add3A_47] : memref<655872xi32, #tpu.memory_space<hbm>> -> memref<128xi32, #tpu.memory_space<hbm>>
    tpu.enqueue_dma source(%dma_start3A_56 : memref<128xi32, #tpu.memory_space<hbm>>) target(%dma_start3A_55 : memref<128xi32, #tpu.memory_space<vmem>>) target_semaphore(%arg13 : memref<!tpu.dma_semaphore, #tpu.memory_space<semaphore_mem>>)
    %dma_start3A_57 = arith.constant 2 : i32
    %dma_start3A_58 = arith.constant 0 : i32
    %dma_start3A_59 = tpu.memref_slice %arg11[%dma_start3A_57, %dma_start3A_58] : memref<4x128xi32, #tpu.memory_space<vmem>> -> memref<1x128xi32, #tpu.memory_space<vmem>>
    %dma_start3A_60 = tpu.memref_squeeze %dma_start3A_59 : memref<1x128xi32, #tpu.memory_space<vmem>> -> memref<128xi32, #tpu.memory_space<vmem>>
    %dma_start3A_61 = tpu.memref_slice %arg3[%add3A_47] : memref<655872xi32, #tpu.memory_space<hbm>> -> memref<128xi32, #tpu.memory_space<hbm>>
    %dma_start3A_62 = arith.constant 0 : i32
    %dma_start3A_63 = tpu.memref_slice %arg11[%dma_start3A_57, %dma_start3A_62] : memref<4x128xi32, #tpu.memory_space<vmem>> -> memref<1x128xi32, #tpu.memory_space<vmem>>
    %dma_start3A_64 = tpu.memref_squeeze %dma_start3A_63 : memref<1x128xi32, #tpu.memory_space<vmem>> -> memref<128xi32, #tpu.memory_space<vmem>>
    %dma_start3A_65 = tpu.memref_slice %arg3[%add3A_47] : memref<655872xi32, #tpu.memory_space<hbm>> -> memref<128xi32, #tpu.memory_space<hbm>>
    tpu.enqueue_dma source(%dma_start3A_65 : memref<128xi32, #tpu.memory_space<hbm>>) target(%dma_start3A_64 : memref<128xi32, #tpu.memory_space<vmem>>) target_semaphore(%arg13 : memref<!tpu.dma_semaphore, #tpu.memory_space<semaphore_mem>>)
    %run_scoped3A = arith.constant 1 : i32
    "tpu.region"() ({
      %run_scoped3A_250 = tpu.sem_alloc : memref<!tpu.dma_semaphore, #tpu.memory_space<semaphore_mem>>
      %dma_start3A_251 = arith.constant 0 : i32
      %dma_start3A_252 = arith.constant 0 : i32
      %dma_start3A_253 = tpu.memref_slice %arg12[%run_scoped3A, %dma_start3A_251, %dma_start3A_252] : memref<2x128x128xf32, #tpu.memory_space<vmem>> -> memref<1x128x128xf32, #tpu.memory_space<vmem>>
      %dma_start3A_254 = tpu.memref_squeeze %dma_start3A_253 : memref<1x128x128xf32, #tpu.memory_space<vmem>> -> memref<128x128xf32, #tpu.memory_space<vmem>>
      %dma_start3A_255 = arith.constant 0 : i32
      %dma_start3A_256 = arith.constant 0 : i32
      %dma_start3A_257 = tpu.memref_slice %arg5[%dma_start3A_255, %dma_start3A_256] : memref<10112x128xf32, #tpu.memory_space<hbm>> -> memref<128x128xf32, #tpu.memory_space<hbm>>
      %dma_start3A_258 = arith.constant 0 : i32
      %dma_start3A_259 = arith.constant 0 : i32
      %dma_start3A_260 = tpu.memref_slice %arg12[%run_scoped3A, %dma_start3A_258, %dma_start3A_259] : memref<2x128x128xf32, #tpu.memory_space<vmem>> -> memref<1x128x128xf32, #tpu.memory_space<vmem>>
      %dma_start3A_261 = tpu.memref_squeeze %dma_start3A_260 : memref<1x128x128xf32, #tpu.memory_space<vmem>> -> memref<128x128xf32, #tpu.memory_space<vmem>>
      %dma_start3A_262 = arith.constant 0 : i32
      %dma_start3A_263 = arith.constant 0 : i32
      %dma_start3A_264 = tpu.memref_slice %arg5[%dma_start3A_262, %dma_start3A_263] : memref<10112x128xf32, #tpu.memory_space<hbm>> -> memref<128x128xf32, #tpu.memory_space<hbm>>
      tpu.enqueue_dma source(%dma_start3A_264 : memref<128x128xf32, #tpu.memory_space<hbm>>) target(%dma_start3A_261 : memref<128x128xf32, #tpu.memory_space<vmem>>) target_semaphore(%run_scoped3A_250 : memref<!tpu.dma_semaphore, #tpu.memory_space<semaphore_mem>>)
      %dma_wait3A_265 = arith.constant 0 : i32
      %dma_wait3A_266 = arith.constant 0 : i32
      %dma_wait3A_267 = tpu.memref_slice %arg12[%run_scoped3A, %dma_wait3A_265, %dma_wait3A_266] : memref<2x128x128xf32, #tpu.memory_space<vmem>> -> memref<1x128x128xf32, #tpu.memory_space<vmem>>
      %dma_wait3A_268 = tpu.memref_squeeze %dma_wait3A_267 : memref<1x128x128xf32, #tpu.memory_space<vmem>> -> memref<128x128xf32, #tpu.memory_space<vmem>>
      %dma_wait3A_269 = arith.constant 0 : i32
      %dma_wait3A_270 = arith.constant 0 : i32
      %dma_wait3A_271 = tpu.memref_slice %arg5[%dma_wait3A_269, %dma_wait3A_270] : memref<10112x128xf32, #tpu.memory_space<hbm>> -> memref<128x128xf32, #tpu.memory_space<hbm>>
      %dma_wait3A_272 = arith.constant 0 : i32
      %dma_wait3A_273 = arith.constant 0 : i32
      %dma_wait3A_274 = tpu.memref_slice %arg12[%run_scoped3A, %dma_wait3A_272, %dma_wait3A_273] : memref<2x128x128xf32, #tpu.memory_space<vmem>> -> memref<1x128x128xf32, #tpu.memory_space<vmem>>
      %dma_wait3A_275 = tpu.memref_squeeze %dma_wait3A_274 : memref<1x128x128xf32, #tpu.memory_space<vmem>> -> memref<128x128xf32, #tpu.memory_space<vmem>>
      %dma_wait3A_276 = arith.constant 0 : i32
      %dma_wait3A_277 = arith.constant 0 : i32
      %dma_wait3A_278 = tpu.memref_slice %arg5[%dma_wait3A_276, %dma_wait3A_277] : memref<10112x128xf32, #tpu.memory_space<hbm>> -> memref<128x128xf32, #tpu.memory_space<hbm>>
      tpu.wait_dma2 semaphore(%run_scoped3A_250 : memref<!tpu.dma_semaphore, #tpu.memory_space<semaphore_mem>>) src(%dma_wait3A_278 : memref<128x128xf32, #tpu.memory_space<hbm>>) dst(%dma_wait3A_275 : memref<128x128xf32, #tpu.memory_space<vmem>>)
      tpu.yield
    }) : () -> ()
    %dma_wait3A = arith.constant 0 : i32
    %dma_wait3A_66 = arith.constant 0 : i32
    %dma_wait3A_67 = tpu.memref_slice %arg10[%dma_wait3A, %dma_wait3A_66] : memref<4x128xi32, #tpu.memory_space<vmem>> -> memref<1x128xi32, #tpu.memory_space<vmem>>
    %dma_wait3A_68 = tpu.memref_squeeze %dma_wait3A_67 : memref<1x128xi32, #tpu.memory_space<vmem>> -> memref<128xi32, #tpu.memory_space<vmem>>
    %dma_wait3A_69 = tpu.memref_slice %arg2[%add3A] : memref<655872xi32, #tpu.memory_space<hbm>> -> memref<128xi32, #tpu.memory_space<hbm>>
    %dma_wait3A_70 = arith.constant 0 : i32
    %dma_wait3A_71 = tpu.memref_slice %arg10[%dma_wait3A, %dma_wait3A_70] : memref<4x128xi32, #tpu.memory_space<vmem>> -> memref<1x128xi32, #tpu.memory_space<vmem>>
    %dma_wait3A_72 = tpu.memref_squeeze %dma_wait3A_71 : memref<1x128xi32, #tpu.memory_space<vmem>> -> memref<128xi32, #tpu.memory_space<vmem>>
    %dma_wait3A_73 = tpu.memref_slice %arg2[%add3A] : memref<655872xi32, #tpu.memory_space<hbm>> -> memref<128xi32, #tpu.memory_space<hbm>>
    tpu.wait_dma2 semaphore(%arg13 : memref<!tpu.dma_semaphore, #tpu.memory_space<semaphore_mem>>) src(%dma_wait3A_73 : memref<128xi32, #tpu.memory_space<hbm>>) dst(%dma_wait3A_72 : memref<128xi32, #tpu.memory_space<vmem>>)
    %dma_wait3A_74 = arith.constant 0 : i32
    %dma_wait3A_75 = arith.constant 0 : i32
    %dma_wait3A_76 = tpu.memref_slice %arg11[%dma_wait3A_74, %dma_wait3A_75] : memref<4x128xi32, #tpu.memory_space<vmem>> -> memref<1x128xi32, #tpu.memory_space<vmem>>
    %dma_wait3A_77 = tpu.memref_squeeze %dma_wait3A_76 : memref<1x128xi32, #tpu.memory_space<vmem>> -> memref<128xi32, #tpu.memory_space<vmem>>
    %dma_wait3A_78 = tpu.memref_slice %arg3[%add3A] : memref<655872xi32, #tpu.memory_space<hbm>> -> memref<128xi32, #tpu.memory_space<hbm>>
    %dma_wait3A_79 = arith.constant 0 : i32
    %dma_wait3A_80 = tpu.memref_slice %arg11[%dma_wait3A_74, %dma_wait3A_79] : memref<4x128xi32, #tpu.memory_space<vmem>> -> memref<1x128xi32, #tpu.memory_space<vmem>>
    %dma_wait3A_81 = tpu.memref_squeeze %dma_wait3A_80 : memref<1x128xi32, #tpu.memory_space<vmem>> -> memref<128xi32, #tpu.memory_space<vmem>>
    %dma_wait3A_82 = tpu.memref_slice %arg3[%add3A] : memref<655872xi32, #tpu.memory_space<hbm>> -> memref<128xi32, #tpu.memory_space<hbm>>
    tpu.wait_dma2 semaphore(%arg13 : memref<!tpu.dma_semaphore, #tpu.memory_space<semaphore_mem>>) src(%dma_wait3A_82 : memref<128xi32, #tpu.memory_space<hbm>>) dst(%dma_wait3A_81 : memref<128xi32, #tpu.memory_space<vmem>>)
    %dma_start3A_83 = arith.constant 0 : i32
    %dma_start3A_84 = arith.constant 0 : i32
    %dma_start3A_85 = arith.constant 0 : i32
    %dma_start3A_86 = arith.constant 0 : i32
    %dma_start3A_87 = tpu.memref_slice %arg12[%dma_start3A_84, %dma_start3A_85, %dma_start3A_86] : memref<2x128x128xf32, #tpu.memory_space<vmem>> -> memref<1x128x128xf32, #tpu.memory_space<vmem>>
    %dma_start3A_88 = tpu.memref_squeeze %dma_start3A_87 : memref<1x128x128xf32, #tpu.memory_space<vmem>> -> memref<128x128xf32, #tpu.memory_space<vmem>>
    %dma_start3A_89 = arith.constant 0 : i32
    %dma_start3A_90 = tpu.memref_slice %arg10[%dma_start3A_83, %dma_start3A_89] : memref<4x128xi32, #tpu.memory_space<vmem>> -> memref<1x128xi32, #tpu.memory_space<vmem>>
    %dma_start3A_91 = tpu.memref_squeeze %dma_start3A_90 : memref<1x128xi32, #tpu.memory_space<vmem>> -> memref<128xi32, #tpu.memory_space<vmem>>
    %dma_start3A_92 = arith.constant 0 : i32
    %dma_start3A_93 = arith.constant 0 : i32
    %dma_start3A_94 = tpu.memref_slice %arg4[%dma_start3A_92, %dma_start3A_93] : memref<20000x128xf32, #tpu.memory_space<hbm>> -> memref<20000x128xf32, #tpu.memory_space<hbm>>
    tpu.enqueue_indirect_dma source(%dma_start3A_94 : memref<20000x128xf32, #tpu.memory_space<hbm>>) target(%dma_start3A_88 : memref<128x128xf32, #tpu.memory_space<vmem>>) offsets(%dma_start3A_91 : memref<128xi32, #tpu.memory_space<vmem>>) semaphore(%arg14 : memref<!tpu.dma_semaphore, #tpu.memory_space<semaphore_mem>>)
    %dma_start3A_95 = arith.constant 1 : i32
    %dma_start3A_96 = arith.constant 0 : i32
    %dma_start3A_97 = arith.constant 0 : i32
    %dma_start3A_98 = arith.constant 0 : i32
    %dma_start3A_99 = tpu.memref_slice %arg12[%dma_start3A_95, %dma_start3A_97, %dma_start3A_98] : memref<2x128x128xf32, #tpu.memory_space<vmem>> -> memref<1x128x128xf32, #tpu.memory_space<vmem>>
    %dma_start3A_100 = tpu.memref_squeeze %dma_start3A_99 : memref<1x128x128xf32, #tpu.memory_space<vmem>> -> memref<128x128xf32, #tpu.memory_space<vmem>>
    %dma_start3A_101 = arith.constant 0 : i32
    %dma_start3A_102 = tpu.memref_slice %arg11[%dma_start3A_96, %dma_start3A_101] : memref<4x128xi32, #tpu.memory_space<vmem>> -> memref<1x128xi32, #tpu.memory_space<vmem>>
    %dma_start3A_103 = tpu.memref_squeeze %dma_start3A_102 : memref<1x128xi32, #tpu.memory_space<vmem>> -> memref<128xi32, #tpu.memory_space<vmem>>
    %dma_start3A_104 = arith.constant 0 : i32
    %dma_start3A_105 = arith.constant 0 : i32
    %dma_start3A_106 = tpu.memref_slice %arg9[%dma_start3A_104, %dma_start3A_105] : memref<10112x128xf32, #tpu.memory_space<vmem_shared>> -> memref<10112x128xf32, #tpu.memory_space<vmem_shared>>
    tpu.enqueue_indirect_dma source(%dma_start3A_100 : memref<128x128xf32, #tpu.memory_space<vmem>>) target(%dma_start3A_106 : memref<10112x128xf32, #tpu.memory_space<vmem_shared>>) offsets(%dma_start3A_103 : memref<128xi32, #tpu.memory_space<vmem>>) semaphore(%arg15 : memref<!tpu.dma_semaphore, #tpu.memory_space<semaphore_mem>>) {add = true}
    %scan3A = arith.constant 0 : i32
    %scan3A_107 = arith.constant 0 : i32
    %scan3A_108 = arith.constant 40 : i32
    %scan3A_109 = arith.addi %scan3A_107, %scan3A_108 : i32
    %scan3A_110 = arith.constant 1 : i32
    scf.for %scan3A_250 = %scan3A_107 to %scan3A_109 step %scan3A_110  : i32 {
      %dma_wait3A_251 = arith.constant 0 : i32
      %dma_wait3A_252 = arith.constant 0 : i32
      %dma_wait3A_253 = arith.constant 0 : i32
      %dma_wait3A_254 = tpu.memref_slice %arg12[%dma_wait3A_251, %dma_wait3A_252, %dma_wait3A_253] : memref<2x128x128xf32, #tpu.memory_space<vmem>> -> memref<1x128x128xf32, #tpu.memory_space<vmem>>
      %dma_wait3A_255 = tpu.memref_squeeze %dma_wait3A_254 : memref<1x128x128xf32, #tpu.memory_space<vmem>> -> memref<128x128xf32, #tpu.memory_space<vmem>>
      %dma_wait3A_256 = arith.constant 0 : i32
      %dma_wait3A_257 = arith.constant 0 : i32
      %dma_wait3A_258 = tpu.memref_slice %arg4[%dma_wait3A_256, %dma_wait3A_257] : memref<20000x128xf32, #tpu.memory_space<hbm>> -> memref<128x128xf32, #tpu.memory_space<hbm>>
      %dma_wait3A_259 = arith.constant 0 : i32
      %dma_wait3A_260 = arith.constant 0 : i32
      %dma_wait3A_261 = tpu.memref_slice %arg12[%dma_wait3A_251, %dma_wait3A_259, %dma_wait3A_260] : memref<2x128x128xf32, #tpu.memory_space<vmem>> -> memref<1x128x128xf32, #tpu.memory_space<vmem>>
      %dma_wait3A_262 = tpu.memref_squeeze %dma_wait3A_261 : memref<1x128x128xf32, #tpu.memory_space<vmem>> -> memref<128x128xf32, #tpu.memory_space<vmem>>
      %dma_wait3A_263 = arith.constant 0 : i32
      %dma_wait3A_264 = arith.constant 0 : i32
      %dma_wait3A_265 = tpu.memref_slice %arg4[%dma_wait3A_263, %dma_wait3A_264] : memref<20000x128xf32, #tpu.memory_space<hbm>> -> memref<128x128xf32, #tpu.memory_space<hbm>>
      tpu.wait_dma2 semaphore(%arg14 : memref<!tpu.dma_semaphore, #tpu.memory_space<semaphore_mem>>) src(%dma_wait3A_265 : memref<128x128xf32, #tpu.memory_space<hbm>>) dst(%dma_wait3A_262 : memref<128x128xf32, #tpu.memory_space<vmem>>)
      %dma_start3A_266 = arith.constant 0 : i32
      %dma_start3A_267 = arith.constant 0 : i32
      %dma_start3A_268 = arith.constant 0 : i32
      %dma_start3A_269 = arith.constant 0 : i32
      %dma_start3A_270 = tpu.memref_slice %arg12[%dma_start3A_266, %dma_start3A_268, %dma_start3A_269] : memref<2x128x128xf32, #tpu.memory_space<vmem>> -> memref<1x128x128xf32, #tpu.memory_space<vmem>>
      %dma_start3A_271 = tpu.memref_squeeze %dma_start3A_270 : memref<1x128x128xf32, #tpu.memory_space<vmem>> -> memref<128x128xf32, #tpu.memory_space<vmem>>
      %dma_start3A_272 = arith.constant 0 : i32
      %dma_start3A_273 = tpu.memref_slice %arg11[%dma_start3A_267, %dma_start3A_272] : memref<4x128xi32, #tpu.memory_space<vmem>> -> memref<1x128xi32, #tpu.memory_space<vmem>>
      %dma_start3A_274 = tpu.memref_squeeze %dma_start3A_273 : memref<1x128xi32, #tpu.memory_space<vmem>> -> memref<128xi32, #tpu.memory_space<vmem>>
      %dma_start3A_275 = arith.constant 0 : i32
      %dma_start3A_276 = arith.constant 0 : i32
      %dma_start3A_277 = tpu.memref_slice %arg9[%dma_start3A_275, %dma_start3A_276] : memref<10112x128xf32, #tpu.memory_space<vmem_shared>> -> memref<10112x128xf32, #tpu.memory_space<vmem_shared>>
      tpu.enqueue_indirect_dma source(%dma_start3A_271 : memref<128x128xf32, #tpu.memory_space<vmem>>) target(%dma_start3A_277 : memref<10112x128xf32, #tpu.memory_space<vmem_shared>>) offsets(%dma_start3A_274 : memref<128xi32, #tpu.memory_space<vmem>>) semaphore(%arg15 : memref<!tpu.dma_semaphore, #tpu.memory_space<semaphore_mem>>) {add = true}
      %dma_wait3A_278 = arith.constant 1 : i32
      %dma_wait3A_279 = arith.constant 0 : i32
      %dma_wait3A_280 = arith.constant 0 : i32
      %dma_wait3A_281 = tpu.memref_slice %arg12[%dma_wait3A_278, %dma_wait3A_279, %dma_wait3A_280] : memref<2x128x128xf32, #tpu.memory_space<vmem>> -> memref<1x128x128xf32, #tpu.memory_space<vmem>>
      %dma_wait3A_282 = tpu.memref_squeeze %dma_wait3A_281 : memref<1x128x128xf32, #tpu.memory_space<vmem>> -> memref<128x128xf32, #tpu.memory_space<vmem>>
      %dma_wait3A_283 = arith.constant 0 : i32
      %dma_wait3A_284 = arith.constant 0 : i32
      %dma_wait3A_285 = tpu.memref_slice %arg4[%dma_wait3A_283, %dma_wait3A_284] : memref<20000x128xf32, #tpu.memory_space<hbm>> -> memref<128x128xf32, #tpu.memory_space<hbm>>
      %dma_wait3A_286 = arith.constant 0 : i32
      %dma_wait3A_287 = arith.constant 0 : i32
      %dma_wait3A_288 = tpu.memref_slice %arg12[%dma_wait3A_278, %dma_wait3A_286, %dma_wait3A_287] : memref<2x128x128xf32, #tpu.memory_space<vmem>> -> memref<1x128x128xf32, #tpu.memory_space<vmem>>
      %dma_wait3A_289 = tpu.memref_squeeze %dma_wait3A_288 : memref<1x128x128xf32, #tpu.memory_space<vmem>> -> memref<128x128xf32, #tpu.memory_space<vmem>>
      %dma_wait3A_290 = arith.constant 0 : i32
      %dma_wait3A_291 = arith.constant 0 : i32
      %dma_wait3A_292 = tpu.memref_slice %arg4[%dma_wait3A_290, %dma_wait3A_291] : memref<20000x128xf32, #tpu.memory_space<hbm>> -> memref<128x128xf32, #tpu.memory_space<hbm>>
      tpu.wait_dma2 semaphore(%arg15 : memref<!tpu.dma_semaphore, #tpu.memory_space<semaphore_mem>>) src(%dma_wait3A_292 : memref<128x128xf32, #tpu.memory_space<hbm>>) dst(%dma_wait3A_289 : memref<128x128xf32, #tpu.memory_space<vmem>>)
      %dma_wait3A_293 = arith.constant 1 : i32
      %dma_wait3A_294 = arith.constant 0 : i32
      %dma_wait3A_295 = tpu.memref_slice %arg10[%dma_wait3A_293, %dma_wait3A_294] : memref<4x128xi32, #tpu.memory_space<vmem>> -> memref<1x128xi32, #tpu.memory_space<vmem>>
      %dma_wait3A_296 = tpu.memref_squeeze %dma_wait3A_295 : memref<1x128xi32, #tpu.memory_space<vmem>> -> memref<128xi32, #tpu.memory_space<vmem>>
      %dma_wait3A_297 = tpu.memref_slice %arg2[%add3A] : memref<655872xi32, #tpu.memory_space<hbm>> -> memref<128xi32, #tpu.memory_space<hbm>>
      %dma_wait3A_298 = arith.constant 0 : i32
      %dma_wait3A_299 = tpu.memref_slice %arg10[%dma_wait3A_293, %dma_wait3A_298] : memref<4x128xi32, #tpu.memory_space<vmem>> -> memref<1x128xi32, #tpu.memory_space<vmem>>
      %dma_wait3A_300 = tpu.memref_squeeze %dma_wait3A_299 : memref<1x128xi32, #tpu.memory_space<vmem>> -> memref<128xi32, #tpu.memory_space<vmem>>
      %dma_wait3A_301 = tpu.memref_slice %arg2[%add3A] : memref<655872xi32, #tpu.memory_space<hbm>> -> memref<128xi32, #tpu.memory_space<hbm>>
      tpu.wait_dma2 semaphore(%arg13 : memref<!tpu.dma_semaphore, #tpu.memory_space<semaphore_mem>>) src(%dma_wait3A_301 : memref<128xi32, #tpu.memory_space<hbm>>) dst(%dma_wait3A_300 : memref<128xi32, #tpu.memory_space<vmem>>)
      %dma_wait3A_302 = arith.constant 1 : i32
      %dma_wait3A_303 = arith.constant 0 : i32
      %dma_wait3A_304 = tpu.memref_slice %arg11[%dma_wait3A_302, %dma_wait3A_303] : memref<4x128xi32, #tpu.memory_space<vmem>> -> memref<1x128xi32, #tpu.memory_space<vmem>>
      %dma_wait3A_305 = tpu.memref_squeeze %dma_wait3A_304 : memref<1x128xi32, #tpu.memory_space<vmem>> -> memref<128xi32, #tpu.memory_space<vmem>>
      %dma_wait3A_306 = tpu.memref_slice %arg3[%add3A] : memref<655872xi32, #tpu.memory_space<hbm>> -> memref<128xi32, #tpu.memory_space<hbm>>
      %dma_wait3A_307 = arith.constant 0 : i32
      %dma_wait3A_308 = tpu.memref_slice %arg11[%dma_wait3A_302, %dma_wait3A_307] : memref<4x128xi32, #tpu.memory_space<vmem>> -> memref<1x128xi32, #tpu.memory_space<vmem>>
      %dma_wait3A_309 = tpu.memref_squeeze %dma_wait3A_308 : memref<1x128xi32, #tpu.memory_space<vmem>> -> memref<128xi32, #tpu.memory_space<vmem>>
      %dma_wait3A_310 = tpu.memref_slice %arg3[%add3A] : memref<655872xi32, #tpu.memory_space<hbm>> -> memref<128xi32, #tpu.memory_space<hbm>>
      tpu.wait_dma2 semaphore(%arg13 : memref<!tpu.dma_semaphore, #tpu.memory_space<semaphore_mem>>) src(%dma_wait3A_310 : memref<128xi32, #tpu.memory_space<hbm>>) dst(%dma_wait3A_309 : memref<128xi32, #tpu.memory_space<vmem>>)
      %dma_start3A_311 = arith.constant 1 : i32
      %dma_start3A_312 = arith.constant 1 : i32
      %dma_start3A_313 = arith.constant 0 : i32
      %dma_start3A_314 = arith.constant 0 : i32
      %dma_start3A_315 = tpu.memref_slice %arg12[%dma_start3A_312, %dma_start3A_313, %dma_start3A_314] : memref<2x128x128xf32, #tpu.memory_space<vmem>> -> memref<1x128x128xf32, #tpu.memory_space<vmem>>
      %dma_start3A_316 = tpu.memref_squeeze %dma_start3A_315 : memref<1x128x128xf32, #tpu.memory_space<vmem>> -> memref<128x128xf32, #tpu.memory_space<vmem>>
      %dma_start3A_317 = arith.constant 0 : i32
      %dma_start3A_318 = tpu.memref_slice %arg10[%dma_start3A_311, %dma_start3A_317] : memref<4x128xi32, #tpu.memory_space<vmem>> -> memref<1x128xi32, #tpu.memory_space<vmem>>
      %dma_start3A_319 = tpu.memref_squeeze %dma_start3A_318 : memref<1x128xi32, #tpu.memory_space<vmem>> -> memref<128xi32, #tpu.memory_space<vmem>>
      %dma_start3A_320 = arith.constant 0 : i32
      %dma_start3A_321 = arith.constant 0 : i32
      %dma_start3A_322 = tpu.memref_slice %arg4[%dma_start3A_320, %dma_start3A_321] : memref<20000x128xf32, #tpu.memory_space<hbm>> -> memref<20000x128xf32, #tpu.memory_space<hbm>>
      tpu.enqueue_indirect_dma source(%dma_start3A_322 : memref<20000x128xf32, #tpu.memory_space<hbm>>) target(%dma_start3A_316 : memref<128x128xf32, #tpu.memory_space<vmem>>) offsets(%dma_start3A_319 : memref<128xi32, #tpu.memory_space<vmem>>) semaphore(%arg14 : memref<!tpu.dma_semaphore, #tpu.memory_space<semaphore_mem>>)
      %mul3A_323 = arith.constant 4 : i32
      %mul3A_324 = arith.muli %mul3A_323, %scan3A_250 : i32
      %add3A_325 = arith.constant 0 : i32
      %add3A_326 = arith.addi %mul3A_324, %add3A_325 : i32
      %add3A_327 = arith.constant 3 : i32
      %add3A_328 = arith.addi %add3A_326, %add3A_327 : i32
      %mul3A_329 = arith.constant 128 : i32
      %mul3A_330 = arith.muli %add3A_328, %mul3A_329 : i32
      %add3A_331 = arith.addi %add3A, %mul3A_330 : i32
      %dma_start3A_332 = arith.constant 3 : i32
      %dma_start3A_333 = arith.constant 0 : i32
      %dma_start3A_334 = tpu.memref_slice %arg10[%dma_start3A_332, %dma_start3A_333] : memref<4x128xi32, #tpu.memory_space<vmem>> -> memref<1x128xi32, #tpu.memory_space<vmem>>
      %dma_start3A_335 = tpu.memref_squeeze %dma_start3A_334 : memref<1x128xi32, #tpu.memory_space<vmem>> -> memref<128xi32, #tpu.memory_space<vmem>>
      %dma_start3A_336 = tpu.memref_slice %arg2[%add3A_331] : memref<655872xi32, #tpu.memory_space<hbm>> -> memref<128xi32, #tpu.memory_space<hbm>>
      %dma_start3A_337 = arith.constant 0 : i32
      %dma_start3A_338 = tpu.memref_slice %arg10[%dma_start3A_332, %dma_start3A_337] : memref<4x128xi32, #tpu.memory_space<vmem>> -> memref<1x128xi32, #tpu.memory_space<vmem>>
      %dma_start3A_339 = tpu.memref_squeeze %dma_start3A_338 : memref<1x128xi32, #tpu.memory_space<vmem>> -> memref<128xi32, #tpu.memory_space<vmem>>
      %dma_start3A_340 = tpu.memref_slice %arg2[%add3A_331] : memref<655872xi32, #tpu.memory_space<hbm>> -> memref<128xi32, #tpu.memory_space<hbm>>
      tpu.enqueue_dma source(%dma_start3A_340 : memref<128xi32, #tpu.memory_space<hbm>>) target(%dma_start3A_339 : memref<128xi32, #tpu.memory_space<vmem>>) target_semaphore(%arg13 : memref<!tpu.dma_semaphore, #tpu.memory_space<semaphore_mem>>)
      %dma_start3A_341 = arith.constant 3 : i32
      %dma_start3A_342 = arith.constant 0 : i32
      %dma_start3A_343 = tpu.memref_slice %arg11[%dma_start3A_341, %dma_start3A_342] : memref<4x128xi32, #tpu.memory_space<vmem>> -> memref<1x128xi32, #tpu.memory_space<vmem>>
      %dma_start3A_344 = tpu.memref_squeeze %dma_start3A_343 : memref<1x128xi32, #tpu.memory_space<vmem>> -> memref<128xi32, #tpu.memory_space<vmem>>
      %dma_start3A_345 = tpu.memref_slice %arg3[%add3A_331] : memref<655872xi32, #tpu.memory_space<hbm>> -> memref<128xi32, #tpu.memory_space<hbm>>
      %dma_start3A_346 = arith.constant 0 : i32
      %dma_start3A_347 = tpu.memref_slice %arg11[%dma_start3A_341, %dma_start3A_346] : memref<4x128xi32, #tpu.memory_space<vmem>> -> memref<1x128xi32, #tpu.memory_space<vmem>>
      %dma_start3A_348 = tpu.memref_squeeze %dma_start3A_347 : memref<1x128xi32, #tpu.memory_space<vmem>> -> memref<128xi32, #tpu.memory_space<vmem>>
      %dma_start3A_349 = tpu.memref_slice %arg3[%add3A_331] : memref<655872xi32, #tpu.memory_space<hbm>> -> memref<128xi32, #tpu.memory_space<hbm>>
      tpu.enqueue_dma source(%dma_start3A_349 : memref<128xi32, #tpu.memory_space<hbm>>) target(%dma_start3A_348 : memref<128xi32, #tpu.memory_space<vmem>>) target_semaphore(%arg13 : memref<!tpu.dma_semaphore, #tpu.memory_space<semaphore_mem>>)
      %dma_wait3A_350 = arith.constant 1 : i32
      %dma_wait3A_351 = arith.constant 0 : i32
      %dma_wait3A_352 = arith.constant 0 : i32
      %dma_wait3A_353 = tpu.memref_slice %arg12[%dma_wait3A_350, %dma_wait3A_351, %dma_wait3A_352] : memref<2x128x128xf32, #tpu.memory_space<vmem>> -> memref<1x128x128xf32, #tpu.memory_space<vmem>>
      %dma_wait3A_354 = tpu.memref_squeeze %dma_wait3A_353 : memref<1x128x128xf32, #tpu.memory_space<vmem>> -> memref<128x128xf32, #tpu.memory_space<vmem>>
      %dma_wait3A_355 = arith.constant 0 : i32
      %dma_wait3A_356 = arith.constant 0 : i32
      %dma_wait3A_357 = tpu.memref_slice %arg4[%dma_wait3A_355, %dma_wait3A_356] : memref<20000x128xf32, #tpu.memory_space<hbm>> -> memref<128x128xf32, #tpu.memory_space<hbm>>
      %dma_wait3A_358 = arith.constant 0 : i32
      %dma_wait3A_359 = arith.constant 0 : i32
      %dma_wait3A_360 = tpu.memref_slice %arg12[%dma_wait3A_350, %dma_wait3A_358, %dma_wait3A_359] : memref<2x128x128xf32, #tpu.memory_space<vmem>> -> memref<1x128x128xf32, #tpu.memory_space<vmem>>
      %dma_wait3A_361 = tpu.memref_squeeze %dma_wait3A_360 : memref<1x128x128xf32, #tpu.memory_space<vmem>> -> memref<128x128xf32, #tpu.memory_space<vmem>>
      %dma_wait3A_362 = arith.constant 0 : i32
      %dma_wait3A_363 = arith.constant 0 : i32
      %dma_wait3A_364 = tpu.memref_slice %arg4[%dma_wait3A_362, %dma_wait3A_363] : memref<20000x128xf32, #tpu.memory_space<hbm>> -> memref<128x128xf32, #tpu.memory_space<hbm>>
      tpu.wait_dma2 semaphore(%arg14 : memref<!tpu.dma_semaphore, #tpu.memory_space<semaphore_mem>>) src(%dma_wait3A_364 : memref<128x128xf32, #tpu.memory_space<hbm>>) dst(%dma_wait3A_361 : memref<128x128xf32, #tpu.memory_space<vmem>>)
      %dma_start3A_365 = arith.constant 1 : i32
      %dma_start3A_366 = arith.constant 1 : i32
      %dma_start3A_367 = arith.constant 0 : i32
      %dma_start3A_368 = arith.constant 0 : i32
      %dma_start3A_369 = tpu.memref_slice %arg12[%dma_start3A_365, %dma_start3A_367, %dma_start3A_368] : memref<2x128x128xf32, #tpu.memory_space<vmem>> -> memref<1x128x128xf32, #tpu.memory_space<vmem>>
      %dma_start3A_370 = tpu.memref_squeeze %dma_start3A_369 : memref<1x128x128xf32, #tpu.memory_space<vmem>> -> memref<128x128xf32, #tpu.memory_space<vmem>>
      %dma_start3A_371 = arith.constant 0 : i32
      %dma_start3A_372 = tpu.memref_slice %arg11[%dma_start3A_366, %dma_start3A_371] : memref<4x128xi32, #tpu.memory_space<vmem>> -> memref<1x128xi32, #tpu.memory_space<vmem>>
      %dma_start3A_373 = tpu.memref_squeeze %dma_start3A_372 : memref<1x128xi32, #tpu.memory_space<vmem>> -> memref<128xi32, #tpu.memory_space<vmem>>
      %dma_start3A_374 = arith.constant 0 : i32
      %dma_start3A_375 = arith.constant 0 : i32
      %dma_start3A_376 = tpu.memref_slice %arg9[%dma_start3A_374, %dma_start3A_375] : memref<10112x128xf32, #tpu.memory_space<vmem_shared>> -> memref<10112x128xf32, #tpu.memory_space<vmem_shared>>
      tpu.enqueue_indirect_dma source(%dma_start3A_370 : memref<128x128xf32, #tpu.memory_space<vmem>>) target(%dma_start3A_376 : memref<10112x128xf32, #tpu.memory_space<vmem_shared>>) offsets(%dma_start3A_373 : memref<128xi32, #tpu.memory_space<vmem>>) semaphore(%arg15 : memref<!tpu.dma_semaphore, #tpu.memory_space<semaphore_mem>>) {add = true}
      %dma_wait3A_377 = arith.constant 0 : i32
      %dma_wait3A_378 = arith.constant 0 : i32
      %dma_wait3A_379 = arith.constant 0 : i32
      %dma_wait3A_380 = tpu.memref_slice %arg12[%dma_wait3A_377, %dma_wait3A_378, %dma_wait3A_379] : memref<2x128x128xf32, #tpu.memory_space<vmem>> -> memref<1x128x128xf32, #tpu.memory_space<vmem>>
      %dma_wait3A_381 = tpu.memref_squeeze %dma_wait3A_380 : memref<1x128x128xf32, #tpu.memory_space<vmem>> -> memref<128x128xf32, #tpu.memory_space<vmem>>
      %dma_wait3A_382 = arith.constant 0 : i32
      %dma_wait3A_383 = arith.constant 0 : i32
      %dma_wait3A_384 = tpu.memref_slice %arg4[%dma_wait3A_382, %dma_wait3A_383] : memref<20000x128xf32, #tpu.memory_space<hbm>> -> memref<128x128xf32, #tpu.memory_space<hbm>>
      %dma_wait3A_385 = arith.constant 0 : i32
      %dma_wait3A_386 = arith.constant 0 : i32
      %dma_wait3A_387 = tpu.memref_slice %arg12[%dma_wait3A_377, %dma_wait3A_385, %dma_wait3A_386] : memref<2x128x128xf32, #tpu.memory_space<vmem>> -> memref<1x128x128xf32, #tpu.memory_space<vmem>>
      %dma_wait3A_388 = tpu.memref_squeeze %dma_wait3A_387 : memref<1x128x128xf32, #tpu.memory_space<vmem>> -> memref<128x128xf32, #tpu.memory_space<vmem>>
      %dma_wait3A_389 = arith.constant 0 : i32
      %dma_wait3A_390 = arith.constant 0 : i32
      %dma_wait3A_391 = tpu.memref_slice %arg4[%dma_wait3A_389, %dma_wait3A_390] : memref<20000x128xf32, #tpu.memory_space<hbm>> -> memref<128x128xf32, #tpu.memory_space<hbm>>
      tpu.wait_dma2 semaphore(%arg15 : memref<!tpu.dma_semaphore, #tpu.memory_space<semaphore_mem>>) src(%dma_wait3A_391 : memref<128x128xf32, #tpu.memory_space<hbm>>) dst(%dma_wait3A_388 : memref<128x128xf32, #tpu.memory_space<vmem>>)
      %dma_wait3A_392 = arith.constant 2 : i32
      %dma_wait3A_393 = arith.constant 0 : i32
      %dma_wait3A_394 = tpu.memref_slice %arg10[%dma_wait3A_392, %dma_wait3A_393] : memref<4x128xi32, #tpu.memory_space<vmem>> -> memref<1x128xi32, #tpu.memory_space<vmem>>
      %dma_wait3A_395 = tpu.memref_squeeze %dma_wait3A_394 : memref<1x128xi32, #tpu.memory_space<vmem>> -> memref<128xi32, #tpu.memory_space<vmem>>
      %dma_wait3A_396 = tpu.memref_slice %arg2[%add3A] : memref<655872xi32, #tpu.memory_space<hbm>> -> memref<128xi32, #tpu.memory_space<hbm>>
      %dma_wait3A_397 = arith.constant 0 : i32
      %dma_wait3A_398 = tpu.memref_slice %arg10[%dma_wait3A_392, %dma_wait3A_397] : memref<4x128xi32, #tpu.memory_space<vmem>> -> memref<1x128xi32, #tpu.memory_space<vmem>>
      %dma_wait3A_399 = tpu.memref_squeeze %dma_wait3A_398 : memref<1x128xi32, #tpu.memory_space<vmem>> -> memref<128xi32, #tpu.memory_space<vmem>>
      %dma_wait3A_400 = tpu.memref_slice %arg2[%add3A] : memref<655872xi32, #tpu.memory_space<hbm>> -> memref<128xi32, #tpu.memory_space<hbm>>
      tpu.wait_dma2 semaphore(%arg13 : memref<!tpu.dma_semaphore, #tpu.memory_space<semaphore_mem>>) src(%dma_wait3A_400 : memref<128xi32, #tpu.memory_space<hbm>>) dst(%dma_wait3A_399 : memref<128xi32, #tpu.memory_space<vmem>>)
      %dma_wait3A_401 = arith.constant 2 : i32
      %dma_wait3A_402 = arith.constant 0 : i32
      %dma_wait3A_403 = tpu.memref_slice %arg11[%dma_wait3A_401, %dma_wait3A_402] : memref<4x128xi32, #tpu.memory_space<vmem>> -> memref<1x128xi32, #tpu.memory_space<vmem>>
      %dma_wait3A_404 = tpu.memref_squeeze %dma_wait3A_403 : memref<1x128xi32, #tpu.memory_space<vmem>> -> memref<128xi32, #tpu.memory_space<vmem>>
      %dma_wait3A_405 = tpu.memref_slice %arg3[%add3A] : memref<655872xi32, #tpu.memory_space<hbm>> -> memref<128xi32, #tpu.memory_space<hbm>>
      %dma_wait3A_406 = arith.constant 0 : i32
      %dma_wait3A_407 = tpu.memref_slice %arg11[%dma_wait3A_401, %dma_wait3A_406] : memref<4x128xi32, #tpu.memory_space<vmem>> -> memref<1x128xi32, #tpu.memory_space<vmem>>
      %dma_wait3A_408 = tpu.memref_squeeze %dma_wait3A_407 : memref<1x128xi32, #tpu.memory_space<vmem>> -> memref<128xi32, #tpu.memory_space<vmem>>
      %dma_wait3A_409 = tpu.memref_slice %arg3[%add3A] : memref<655872xi32, #tpu.memory_space<hbm>> -> memref<128xi32, #tpu.memory_space<hbm>>
      tpu.wait_dma2 semaphore(%arg13 : memref<!tpu.dma_semaphore, #tpu.memory_space<semaphore_mem>>) src(%dma_wait3A_409 : memref<128xi32, #tpu.memory_space<hbm>>) dst(%dma_wait3A_408 : memref<128xi32, #tpu.memory_space<vmem>>)
      %dma_start3A_410 = arith.constant 2 : i32
      %dma_start3A_411 = arith.constant 0 : i32
      %dma_start3A_412 = arith.constant 0 : i32
      %dma_start3A_413 = arith.constant 0 : i32
      %dma_start3A_414 = tpu.memref_slice %arg12[%dma_start3A_411, %dma_start3A_412, %dma_start3A_413] : memref<2x128x128xf32, #tpu.memory_space<vmem>> -> memref<1x128x128xf32, #tpu.memory_space<vmem>>
      %dma_start3A_415 = tpu.memref_squeeze %dma_start3A_414 : memref<1x128x128xf32, #tpu.memory_space<vmem>> -> memref<128x128xf32, #tpu.memory_space<vmem>>
      %dma_start3A_416 = arith.constant 0 : i32
      %dma_start3A_417 = tpu.memref_slice %arg10[%dma_start3A_410, %dma_start3A_416] : memref<4x128xi32, #tpu.memory_space<vmem>> -> memref<1x128xi32, #tpu.memory_space<vmem>>
      %dma_start3A_418 = tpu.memref_squeeze %dma_start3A_417 : memref<1x128xi32, #tpu.memory_space<vmem>> -> memref<128xi32, #tpu.memory_space<vmem>>
      %dma_start3A_419 = arith.constant 0 : i32
      %dma_start3A_420 = arith.constant 0 : i32
      %dma_start3A_421 = tpu.memref_slice %arg4[%dma_start3A_419, %dma_start3A_420] : memref<20000x128xf32, #tpu.memory_space<hbm>> -> memref<20000x128xf32, #tpu.memory_space<hbm>>
      tpu.enqueue_indirect_dma source(%dma_start3A_421 : memref<20000x128xf32, #tpu.memory_space<hbm>>) target(%dma_start3A_415 : memref<128x128xf32, #tpu.memory_space<vmem>>) offsets(%dma_start3A_418 : memref<128xi32, #tpu.memory_space<vmem>>) semaphore(%arg14 : memref<!tpu.dma_semaphore, #tpu.memory_space<semaphore_mem>>)
      %mul3A_422 = arith.constant 4 : i32
      %mul3A_423 = arith.muli %mul3A_422, %scan3A_250 : i32
      %add3A_424 = arith.constant 1 : i32
      %add3A_425 = arith.addi %mul3A_423, %add3A_424 : i32
      %add3A_426 = arith.constant 3 : i32
      %add3A_427 = arith.addi %add3A_425, %add3A_426 : i32
      %mul3A_428 = arith.constant 128 : i32
      %mul3A_429 = arith.muli %add3A_427, %mul3A_428 : i32
      %add3A_430 = arith.addi %add3A, %mul3A_429 : i32
      %dma_start3A_431 = arith.constant 0 : i32
      %dma_start3A_432 = arith.constant 0 : i32
      %dma_start3A_433 = tpu.memref_slice %arg10[%dma_start3A_431, %dma_start3A_432] : memref<4x128xi32, #tpu.memory_space<vmem>> -> memref<1x128xi32, #tpu.memory_space<vmem>>
      %dma_start3A_434 = tpu.memref_squeeze %dma_start3A_433 : memref<1x128xi32, #tpu.memory_space<vmem>> -> memref<128xi32, #tpu.memory_space<vmem>>
      %dma_start3A_435 = tpu.memref_slice %arg2[%add3A_430] : memref<655872xi32, #tpu.memory_space<hbm>> -> memref<128xi32, #tpu.memory_space<hbm>>
      %dma_start3A_436 = arith.constant 0 : i32
      %dma_start3A_437 = tpu.memref_slice %arg10[%dma_start3A_431, %dma_start3A_436] : memref<4x128xi32, #tpu.memory_space<vmem>> -> memref<1x128xi32, #tpu.memory_space<vmem>>
      %dma_start3A_438 = tpu.memref_squeeze %dma_start3A_437 : memref<1x128xi32, #tpu.memory_space<vmem>> -> memref<128xi32, #tpu.memory_space<vmem>>
      %dma_start3A_439 = tpu.memref_slice %arg2[%add3A_430] : memref<655872xi32, #tpu.memory_space<hbm>> -> memref<128xi32, #tpu.memory_space<hbm>>
      tpu.enqueue_dma source(%dma_start3A_439 : memref<128xi32, #tpu.memory_space<hbm>>) target(%dma_start3A_438 : memref<128xi32, #tpu.memory_space<vmem>>) target_semaphore(%arg13 : memref<!tpu.dma_semaphore, #tpu.memory_space<semaphore_mem>>)
      %dma_start3A_440 = arith.constant 0 : i32
      %dma_start3A_441 = arith.constant 0 : i32
      %dma_start3A_442 = tpu.memref_slice %arg11[%dma_start3A_440, %dma_start3A_441] : memref<4x128xi32, #tpu.memory_space<vmem>> -> memref<1x128xi32, #tpu.memory_space<vmem>>
      %dma_start3A_443 = tpu.memref_squeeze %dma_start3A_442 : memref<1x128xi32, #tpu.memory_space<vmem>> -> memref<128xi32, #tpu.memory_space<vmem>>
      %dma_start3A_444 = tpu.memref_slice %arg3[%add3A_430] : memref<655872xi32, #tpu.memory_space<hbm>> -> memref<128xi32, #tpu.memory_space<hbm>>
      %dma_start3A_445 = arith.constant 0 : i32
      %dma_start3A_446 = tpu.memref_slice %arg11[%dma_start3A_440, %dma_start3A_445] : memref<4x128xi32, #tpu.memory_space<vmem>> -> memref<1x128xi32, #tpu.memory_space<vmem>>
      %dma_start3A_447 = tpu.memref_squeeze %dma_start3A_446 : memref<1x128xi32, #tpu.memory_space<vmem>> -> memref<128xi32, #tpu.memory_space<vmem>>
      %dma_start3A_448 = tpu.memref_slice %arg3[%add3A_430] : memref<655872xi32, #tpu.memory_space<hbm>> -> memref<128xi32, #tpu.memory_space<hbm>>
      tpu.enqueue_dma source(%dma_start3A_448 : memref<128xi32, #tpu.memory_space<hbm>>) target(%dma_start3A_447 : memref<128xi32, #tpu.memory_space<vmem>>) target_semaphore(%arg13 : memref<!tpu.dma_semaphore, #tpu.memory_space<semaphore_mem>>)
      %dma_wait3A_449 = arith.constant 0 : i32
      %dma_wait3A_450 = arith.constant 0 : i32
      %dma_wait3A_451 = arith.constant 0 : i32
      %dma_wait3A_452 = tpu.memref_slice %arg12[%dma_wait3A_449, %dma_wait3A_450, %dma_wait3A_451] : memref<2x128x128xf32, #tpu.memory_space<vmem>> -> memref<1x128x128xf32, #tpu.memory_space<vmem>>
      %dma_wait3A_453 = tpu.memref_squeeze %dma_wait3A_452 : memref<1x128x128xf32, #tpu.memory_space<vmem>> -> memref<128x128xf32, #tpu.memory_space<vmem>>
      %dma_wait3A_454 = arith.constant 0 : i32
      %dma_wait3A_455 = arith.constant 0 : i32
      %dma_wait3A_456 = tpu.memref_slice %arg4[%dma_wait3A_454, %dma_wait3A_455] : memref<20000x128xf32, #tpu.memory_space<hbm>> -> memref<128x128xf32, #tpu.memory_space<hbm>>
      %dma_wait3A_457 = arith.constant 0 : i32
      %dma_wait3A_458 = arith.constant 0 : i32
      %dma_wait3A_459 = tpu.memref_slice %arg12[%dma_wait3A_449, %dma_wait3A_457, %dma_wait3A_458] : memref<2x128x128xf32, #tpu.memory_space<vmem>> -> memref<1x128x128xf32, #tpu.memory_space<vmem>>
      %dma_wait3A_460 = tpu.memref_squeeze %dma_wait3A_459 : memref<1x128x128xf32, #tpu.memory_space<vmem>> -> memref<128x128xf32, #tpu.memory_space<vmem>>
      %dma_wait3A_461 = arith.constant 0 : i32
      %dma_wait3A_462 = arith.constant 0 : i32
      %dma_wait3A_463 = tpu.memref_slice %arg4[%dma_wait3A_461, %dma_wait3A_462] : memref<20000x128xf32, #tpu.memory_space<hbm>> -> memref<128x128xf32, #tpu.memory_space<hbm>>
      tpu.wait_dma2 semaphore(%arg14 : memref<!tpu.dma_semaphore, #tpu.memory_space<semaphore_mem>>) src(%dma_wait3A_463 : memref<128x128xf32, #tpu.memory_space<hbm>>) dst(%dma_wait3A_460 : memref<128x128xf32, #tpu.memory_space<vmem>>)
      %dma_start3A_464 = arith.constant 0 : i32
      %dma_start3A_465 = arith.constant 2 : i32
      %dma_start3A_466 = arith.constant 0 : i32
      %dma_start3A_467 = arith.constant 0 : i32
      %dma_start3A_468 = tpu.memref_slice %arg12[%dma_start3A_464, %dma_start3A_466, %dma_start3A_467] : memref<2x128x128xf32, #tpu.memory_space<vmem>> -> memref<1x128x128xf32, #tpu.memory_space<vmem>>
      %dma_start3A_469 = tpu.memref_squeeze %dma_start3A_468 : memref<1x128x128xf32, #tpu.memory_space<vmem>> -> memref<128x128xf32, #tpu.memory_space<vmem>>
      %dma_start3A_470 = arith.constant 0 : i32
      %dma_start3A_471 = tpu.memref_slice %arg11[%dma_start3A_465, %dma_start3A_470] : memref<4x128xi32, #tpu.memory_space<vmem>> -> memref<1x128xi32, #tpu.memory_space<vmem>>
      %dma_start3A_472 = tpu.memref_squeeze %dma_start3A_471 : memref<1x128xi32, #tpu.memory_space<vmem>> -> memref<128xi32, #tpu.memory_space<vmem>>
      %dma_start3A_473 = arith.constant 0 : i32
      %dma_start3A_474 = arith.constant 0 : i32
      %dma_start3A_475 = tpu.memref_slice %arg9[%dma_start3A_473, %dma_start3A_474] : memref<10112x128xf32, #tpu.memory_space<vmem_shared>> -> memref<10112x128xf32, #tpu.memory_space<vmem_shared>>
      tpu.enqueue_indirect_dma source(%dma_start3A_469 : memref<128x128xf32, #tpu.memory_space<vmem>>) target(%dma_start3A_475 : memref<10112x128xf32, #tpu.memory_space<vmem_shared>>) offsets(%dma_start3A_472 : memref<128xi32, #tpu.memory_space<vmem>>) semaphore(%arg15 : memref<!tpu.dma_semaphore, #tpu.memory_space<semaphore_mem>>) {add = true}
      %dma_wait3A_476 = arith.constant 1 : i32
      %dma_wait3A_477 = arith.constant 0 : i32
      %dma_wait3A_478 = arith.constant 0 : i32
      %dma_wait3A_479 = tpu.memref_slice %arg12[%dma_wait3A_476, %dma_wait3A_477, %dma_wait3A_478] : memref<2x128x128xf32, #tpu.memory_space<vmem>> -> memref<1x128x128xf32, #tpu.memory_space<vmem>>
      %dma_wait3A_480 = tpu.memref_squeeze %dma_wait3A_479 : memref<1x128x128xf32, #tpu.memory_space<vmem>> -> memref<128x128xf32, #tpu.memory_space<vmem>>
      %dma_wait3A_481 = arith.constant 0 : i32
      %dma_wait3A_482 = arith.constant 0 : i32
      %dma_wait3A_483 = tpu.memref_slice %arg4[%dma_wait3A_481, %dma_wait3A_482] : memref<20000x128xf32, #tpu.memory_space<hbm>> -> memref<128x128xf32, #tpu.memory_space<hbm>>
      %dma_wait3A_484 = arith.constant 0 : i32
      %dma_wait3A_485 = arith.constant 0 : i32
      %dma_wait3A_486 = tpu.memref_slice %arg12[%dma_wait3A_476, %dma_wait3A_484, %dma_wait3A_485] : memref<2x128x128xf32, #tpu.memory_space<vmem>> -> memref<1x128x128xf32, #tpu.memory_space<vmem>>
      %dma_wait3A_487 = tpu.memref_squeeze %dma_wait3A_486 : memref<1x128x128xf32, #tpu.memory_space<vmem>> -> memref<128x128xf32, #tpu.memory_space<vmem>>
      %dma_wait3A_488 = arith.constant 0 : i32
      %dma_wait3A_489 = arith.constant 0 : i32
      %dma_wait3A_490 = tpu.memref_slice %arg4[%dma_wait3A_488, %dma_wait3A_489] : memref<20000x128xf32, #tpu.memory_space<hbm>> -> memref<128x128xf32, #tpu.memory_space<hbm>>
      tpu.wait_dma2 semaphore(%arg15 : memref<!tpu.dma_semaphore, #tpu.memory_space<semaphore_mem>>) src(%dma_wait3A_490 : memref<128x128xf32, #tpu.memory_space<hbm>>) dst(%dma_wait3A_487 : memref<128x128xf32, #tpu.memory_space<vmem>>)
      %dma_wait3A_491 = arith.constant 3 : i32
      %dma_wait3A_492 = arith.constant 0 : i32
      %dma_wait3A_493 = tpu.memref_slice %arg10[%dma_wait3A_491, %dma_wait3A_492] : memref<4x128xi32, #tpu.memory_space<vmem>> -> memref<1x128xi32, #tpu.memory_space<vmem>>
      %dma_wait3A_494 = tpu.memref_squeeze %dma_wait3A_493 : memref<1x128xi32, #tpu.memory_space<vmem>> -> memref<128xi32, #tpu.memory_space<vmem>>
      %dma_wait3A_495 = tpu.memref_slice %arg2[%add3A] : memref<655872xi32, #tpu.memory_space<hbm>> -> memref<128xi32, #tpu.memory_space<hbm>>
      %dma_wait3A_496 = arith.constant 0 : i32
      %dma_wait3A_497 = tpu.memref_slice %arg10[%dma_wait3A_491, %dma_wait3A_496] : memref<4x128xi32, #tpu.memory_space<vmem>> -> memref<1x128xi32, #tpu.memory_space<vmem>>
      %dma_wait3A_498 = tpu.memref_squeeze %dma_wait3A_497 : memref<1x128xi32, #tpu.memory_space<vmem>> -> memref<128xi32, #tpu.memory_space<vmem>>
      %dma_wait3A_499 = tpu.memref_slice %arg2[%add3A] : memref<655872xi32, #tpu.memory_space<hbm>> -> memref<128xi32, #tpu.memory_space<hbm>>
      tpu.wait_dma2 semaphore(%arg13 : memref<!tpu.dma_semaphore, #tpu.memory_space<semaphore_mem>>) src(%dma_wait3A_499 : memref<128xi32, #tpu.memory_space<hbm>>) dst(%dma_wait3A_498 : memref<128xi32, #tpu.memory_space<vmem>>)
      %dma_wait3A_500 = arith.constant 3 : i32
      %dma_wait3A_501 = arith.constant 0 : i32
      %dma_wait3A_502 = tpu.memref_slice %arg11[%dma_wait3A_500, %dma_wait3A_501] : memref<4x128xi32, #tpu.memory_space<vmem>> -> memref<1x128xi32, #tpu.memory_space<vmem>>
      %dma_wait3A_503 = tpu.memref_squeeze %dma_wait3A_502 : memref<1x128xi32, #tpu.memory_space<vmem>> -> memref<128xi32, #tpu.memory_space<vmem>>
      %dma_wait3A_504 = tpu.memref_slice %arg3[%add3A] : memref<655872xi32, #tpu.memory_space<hbm>> -> memref<128xi32, #tpu.memory_space<hbm>>
      %dma_wait3A_505 = arith.constant 0 : i32
      %dma_wait3A_506 = tpu.memref_slice %arg11[%dma_wait3A_500, %dma_wait3A_505] : memref<4x128xi32, #tpu.memory_space<vmem>> -> memref<1x128xi32, #tpu.memory_space<vmem>>
      %dma_wait3A_507 = tpu.memref_squeeze %dma_wait3A_506 : memref<1x128xi32, #tpu.memory_space<vmem>> -> memref<128xi32, #tpu.memory_space<vmem>>
      %dma_wait3A_508 = tpu.memref_slice %arg3[%add3A] : memref<655872xi32, #tpu.memory_space<hbm>> -> memref<128xi32, #tpu.memory_space<hbm>>
      tpu.wait_dma2 semaphore(%arg13 : memref<!tpu.dma_semaphore, #tpu.memory_space<semaphore_mem>>) src(%dma_wait3A_508 : memref<128xi32, #tpu.memory_space<hbm>>) dst(%dma_wait3A_507 : memref<128xi32, #tpu.memory_space<vmem>>)
      %dma_start3A_509 = arith.constant 3 : i32
      %dma_start3A_510 = arith.constant 1 : i32
      %dma_start3A_511 = arith.constant 0 : i32
      %dma_start3A_512 = arith.constant 0 : i32
      %dma_start3A_513 = tpu.memref_slice %arg12[%dma_start3A_510, %dma_start3A_511, %dma_start3A_512] : memref<2x128x128xf32, #tpu.memory_space<vmem>> -> memref<1x128x128xf32, #tpu.memory_space<vmem>>
      %dma_start3A_514 = tpu.memref_squeeze %dma_start3A_513 : memref<1x128x128xf32, #tpu.memory_space<vmem>> -> memref<128x128xf32, #tpu.memory_space<vmem>>
      %dma_start3A_515 = arith.constant 0 : i32
      %dma_start3A_516 = tpu.memref_slice %arg10[%dma_start3A_509, %dma_start3A_515] : memref<4x128xi32, #tpu.memory_space<vmem>> -> memref<1x128xi32, #tpu.memory_space<vmem>>
      %dma_start3A_517 = tpu.memref_squeeze %dma_start3A_516 : memref<1x128xi32, #tpu.memory_space<vmem>> -> memref<128xi32, #tpu.memory_space<vmem>>
      %dma_start3A_518 = arith.constant 0 : i32
      %dma_start3A_519 = arith.constant 0 : i32
      %dma_start3A_520 = tpu.memref_slice %arg4[%dma_start3A_518, %dma_start3A_519] : memref<20000x128xf32, #tpu.memory_space<hbm>> -> memref<20000x128xf32, #tpu.memory_space<hbm>>
      tpu.enqueue_indirect_dma source(%dma_start3A_520 : memref<20000x128xf32, #tpu.memory_space<hbm>>) target(%dma_start3A_514 : memref<128x128xf32, #tpu.memory_space<vmem>>) offsets(%dma_start3A_517 : memref<128xi32, #tpu.memory_space<vmem>>) semaphore(%arg14 : memref<!tpu.dma_semaphore, #tpu.memory_space<semaphore_mem>>)
      %mul3A_521 = arith.constant 4 : i32
      %mul3A_522 = arith.muli %mul3A_521, %scan3A_250 : i32
      %add3A_523 = arith.constant 2 : i32
      %add3A_524 = arith.addi %mul3A_522, %add3A_523 : i32
      %add3A_525 = arith.constant 3 : i32
      %add3A_526 = arith.addi %add3A_524, %add3A_525 : i32
      %mul3A_527 = arith.constant 128 : i32
      %mul3A_528 = arith.muli %add3A_526, %mul3A_527 : i32
      %add3A_529 = arith.addi %add3A, %mul3A_528 : i32
      %dma_start3A_530 = arith.constant 1 : i32
      %dma_start3A_531 = arith.constant 0 : i32
      %dma_start3A_532 = tpu.memref_slice %arg10[%dma_start3A_530, %dma_start3A_531] : memref<4x128xi32, #tpu.memory_space<vmem>> -> memref<1x128xi32, #tpu.memory_space<vmem>>
      %dma_start3A_533 = tpu.memref_squeeze %dma_start3A_532 : memref<1x128xi32, #tpu.memory_space<vmem>> -> memref<128xi32, #tpu.memory_space<vmem>>
      %dma_start3A_534 = tpu.memref_slice %arg2[%add3A_529] : memref<655872xi32, #tpu.memory_space<hbm>> -> memref<128xi32, #tpu.memory_space<hbm>>
      %dma_start3A_535 = arith.constant 0 : i32
      %dma_start3A_536 = tpu.memref_slice %arg10[%dma_start3A_530, %dma_start3A_535] : memref<4x128xi32, #tpu.memory_space<vmem>> -> memref<1x128xi32, #tpu.memory_space<vmem>>
      %dma_start3A_537 = tpu.memref_squeeze %dma_start3A_536 : memref<1x128xi32, #tpu.memory_space<vmem>> -> memref<128xi32, #tpu.memory_space<vmem>>
      %dma_start3A_538 = tpu.memref_slice %arg2[%add3A_529] : memref<655872xi32, #tpu.memory_space<hbm>> -> memref<128xi32, #tpu.memory_space<hbm>>
      tpu.enqueue_dma source(%dma_start3A_538 : memref<128xi32, #tpu.memory_space<hbm>>) target(%dma_start3A_537 : memref<128xi32, #tpu.memory_space<vmem>>) target_semaphore(%arg13 : memref<!tpu.dma_semaphore, #tpu.memory_space<semaphore_mem>>)
      %dma_start3A_539 = arith.constant 1 : i32
      %dma_start3A_540 = arith.constant 0 : i32
      %dma_start3A_541 = tpu.memref_slice %arg11[%dma_start3A_539, %dma_start3A_540] : memref<4x128xi32, #tpu.memory_space<vmem>> -> memref<1x128xi32, #tpu.memory_space<vmem>>
      %dma_start3A_542 = tpu.memref_squeeze %dma_start3A_541 : memref<1x128xi32, #tpu.memory_space<vmem>> -> memref<128xi32, #tpu.memory_space<vmem>>
      %dma_start3A_543 = tpu.memref_slice %arg3[%add3A_529] : memref<655872xi32, #tpu.memory_space<hbm>> -> memref<128xi32, #tpu.memory_space<hbm>>
      %dma_start3A_544 = arith.constant 0 : i32
      %dma_start3A_545 = tpu.memref_slice %arg11[%dma_start3A_539, %dma_start3A_544] : memref<4x128xi32, #tpu.memory_space<vmem>> -> memref<1x128xi32, #tpu.memory_space<vmem>>
      %dma_start3A_546 = tpu.memref_squeeze %dma_start3A_545 : memref<1x128xi32, #tpu.memory_space<vmem>> -> memref<128xi32, #tpu.memory_space<vmem>>
      %dma_start3A_547 = tpu.memref_slice %arg3[%add3A_529] : memref<655872xi32, #tpu.memory_space<hbm>> -> memref<128xi32, #tpu.memory_space<hbm>>
      tpu.enqueue_dma source(%dma_start3A_547 : memref<128xi32, #tpu.memory_space<hbm>>) target(%dma_start3A_546 : memref<128xi32, #tpu.memory_space<vmem>>) target_semaphore(%arg13 : memref<!tpu.dma_semaphore, #tpu.memory_space<semaphore_mem>>)
      %dma_wait3A_548 = arith.constant 1 : i32
      %dma_wait3A_549 = arith.constant 0 : i32
      %dma_wait3A_550 = arith.constant 0 : i32
      %dma_wait3A_551 = tpu.memref_slice %arg12[%dma_wait3A_548, %dma_wait3A_549, %dma_wait3A_550] : memref<2x128x128xf32, #tpu.memory_space<vmem>> -> memref<1x128x128xf32, #tpu.memory_space<vmem>>
      %dma_wait3A_552 = tpu.memref_squeeze %dma_wait3A_551 : memref<1x128x128xf32, #tpu.memory_space<vmem>> -> memref<128x128xf32, #tpu.memory_space<vmem>>
      %dma_wait3A_553 = arith.constant 0 : i32
      %dma_wait3A_554 = arith.constant 0 : i32
      %dma_wait3A_555 = tpu.memref_slice %arg4[%dma_wait3A_553, %dma_wait3A_554] : memref<20000x128xf32, #tpu.memory_space<hbm>> -> memref<128x128xf32, #tpu.memory_space<hbm>>
      %dma_wait3A_556 = arith.constant 0 : i32
      %dma_wait3A_557 = arith.constant 0 : i32
      %dma_wait3A_558 = tpu.memref_slice %arg12[%dma_wait3A_548, %dma_wait3A_556, %dma_wait3A_557] : memref<2x128x128xf32, #tpu.memory_space<vmem>> -> memref<1x128x128xf32, #tpu.memory_space<vmem>>
      %dma_wait3A_559 = tpu.memref_squeeze %dma_wait3A_558 : memref<1x128x128xf32, #tpu.memory_space<vmem>> -> memref<128x128xf32, #tpu.memory_space<vmem>>
      %dma_wait3A_560 = arith.constant 0 : i32
      %dma_wait3A_561 = arith.constant 0 : i32
      %dma_wait3A_562 = tpu.memref_slice %arg4[%dma_wait3A_560, %dma_wait3A_561] : memref<20000x128xf32, #tpu.memory_space<hbm>> -> memref<128x128xf32, #tpu.memory_space<hbm>>
      tpu.wait_dma2 semaphore(%arg14 : memref<!tpu.dma_semaphore, #tpu.memory_space<semaphore_mem>>) src(%dma_wait3A_562 : memref<128x128xf32, #tpu.memory_space<hbm>>) dst(%dma_wait3A_559 : memref<128x128xf32, #tpu.memory_space<vmem>>)
      %dma_start3A_563 = arith.constant 1 : i32
      %dma_start3A_564 = arith.constant 3 : i32
      %dma_start3A_565 = arith.constant 0 : i32
      %dma_start3A_566 = arith.constant 0 : i32
      %dma_start3A_567 = tpu.memref_slice %arg12[%dma_start3A_563, %dma_start3A_565, %dma_start3A_566] : memref<2x128x128xf32, #tpu.memory_space<vmem>> -> memref<1x128x128xf32, #tpu.memory_space<vmem>>
      %dma_start3A_568 = tpu.memref_squeeze %dma_start3A_567 : memref<1x128x128xf32, #tpu.memory_space<vmem>> -> memref<128x128xf32, #tpu.memory_space<vmem>>
      %dma_start3A_569 = arith.constant 0 : i32
      %dma_start3A_570 = tpu.memref_slice %arg11[%dma_start3A_564, %dma_start3A_569] : memref<4x128xi32, #tpu.memory_space<vmem>> -> memref<1x128xi32, #tpu.memory_space<vmem>>
      %dma_start3A_571 = tpu.memref_squeeze %dma_start3A_570 : memref<1x128xi32, #tpu.memory_space<vmem>> -> memref<128xi32, #tpu.memory_space<vmem>>
      %dma_start3A_572 = arith.constant 0 : i32
      %dma_start3A_573 = arith.constant 0 : i32
      %dma_start3A_574 = tpu.memref_slice %arg9[%dma_start3A_572, %dma_start3A_573] : memref<10112x128xf32, #tpu.memory_space<vmem_shared>> -> memref<10112x128xf32, #tpu.memory_space<vmem_shared>>
      tpu.enqueue_indirect_dma source(%dma_start3A_568 : memref<128x128xf32, #tpu.memory_space<vmem>>) target(%dma_start3A_574 : memref<10112x128xf32, #tpu.memory_space<vmem_shared>>) offsets(%dma_start3A_571 : memref<128xi32, #tpu.memory_space<vmem>>) semaphore(%arg15 : memref<!tpu.dma_semaphore, #tpu.memory_space<semaphore_mem>>) {add = true}
      %dma_wait3A_575 = arith.constant 0 : i32
      %dma_wait3A_576 = arith.constant 0 : i32
      %dma_wait3A_577 = arith.constant 0 : i32
      %dma_wait3A_578 = tpu.memref_slice %arg12[%dma_wait3A_575, %dma_wait3A_576, %dma_wait3A_577] : memref<2x128x128xf32, #tpu.memory_space<vmem>> -> memref<1x128x128xf32, #tpu.memory_space<vmem>>
      %dma_wait3A_579 = tpu.memref_squeeze %dma_wait3A_578 : memref<1x128x128xf32, #tpu.memory_space<vmem>> -> memref<128x128xf32, #tpu.memory_space<vmem>>
      %dma_wait3A_580 = arith.constant 0 : i32
      %dma_wait3A_581 = arith.constant 0 : i32
      %dma_wait3A_582 = tpu.memref_slice %arg4[%dma_wait3A_580, %dma_wait3A_581] : memref<20000x128xf32, #tpu.memory_space<hbm>> -> memref<128x128xf32, #tpu.memory_space<hbm>>
      %dma_wait3A_583 = arith.constant 0 : i32
      %dma_wait3A_584 = arith.constant 0 : i32
      %dma_wait3A_585 = tpu.memref_slice %arg12[%dma_wait3A_575, %dma_wait3A_583, %dma_wait3A_584] : memref<2x128x128xf32, #tpu.memory_space<vmem>> -> memref<1x128x128xf32, #tpu.memory_space<vmem>>
      %dma_wait3A_586 = tpu.memref_squeeze %dma_wait3A_585 : memref<1x128x128xf32, #tpu.memory_space<vmem>> -> memref<128x128xf32, #tpu.memory_space<vmem>>
      %dma_wait3A_587 = arith.constant 0 : i32
      %dma_wait3A_588 = arith.constant 0 : i32
      %dma_wait3A_589 = tpu.memref_slice %arg4[%dma_wait3A_587, %dma_wait3A_588] : memref<20000x128xf32, #tpu.memory_space<hbm>> -> memref<128x128xf32, #tpu.memory_space<hbm>>
      tpu.wait_dma2 semaphore(%arg15 : memref<!tpu.dma_semaphore, #tpu.memory_space<semaphore_mem>>) src(%dma_wait3A_589 : memref<128x128xf32, #tpu.memory_space<hbm>>) dst(%dma_wait3A_586 : memref<128x128xf32, #tpu.memory_space<vmem>>)
      %dma_wait3A_590 = arith.constant 0 : i32
      %dma_wait3A_591 = arith.constant 0 : i32
      %dma_wait3A_592 = tpu.memref_slice %arg10[%dma_wait3A_590, %dma_wait3A_591] : memref<4x128xi32, #tpu.memory_space<vmem>> -> memref<1x128xi32, #tpu.memory_space<vmem>>
      %dma_wait3A_593 = tpu.memref_squeeze %dma_wait3A_592 : memref<1x128xi32, #tpu.memory_space<vmem>> -> memref<128xi32, #tpu.memory_space<vmem>>
      %dma_wait3A_594 = tpu.memref_slice %arg2[%add3A] : memref<655872xi32, #tpu.memory_space<hbm>> -> memref<128xi32, #tpu.memory_space<hbm>>
      %dma_wait3A_595 = arith.constant 0 : i32
      %dma_wait3A_596 = tpu.memref_slice %arg10[%dma_wait3A_590, %dma_wait3A_595] : memref<4x128xi32, #tpu.memory_space<vmem>> -> memref<1x128xi32, #tpu.memory_space<vmem>>
      %dma_wait3A_597 = tpu.memref_squeeze %dma_wait3A_596 : memref<1x128xi32, #tpu.memory_space<vmem>> -> memref<128xi32, #tpu.memory_space<vmem>>
      %dma_wait3A_598 = tpu.memref_slice %arg2[%add3A] : memref<655872xi32, #tpu.memory_space<hbm>> -> memref<128xi32, #tpu.memory_space<hbm>>
      tpu.wait_dma2 semaphore(%arg13 : memref<!tpu.dma_semaphore, #tpu.memory_space<semaphore_mem>>) src(%dma_wait3A_598 : memref<128xi32, #tpu.memory_space<hbm>>) dst(%dma_wait3A_597 : memref<128xi32, #tpu.memory_space<vmem>>)
      %dma_wait3A_599 = arith.constant 0 : i32
      %dma_wait3A_600 = arith.constant 0 : i32
      %dma_wait3A_601 = tpu.memref_slice %arg11[%dma_wait3A_599, %dma_wait3A_600] : memref<4x128xi32, #tpu.memory_space<vmem>> -> memref<1x128xi32, #tpu.memory_space<vmem>>
      %dma_wait3A_602 = tpu.memref_squeeze %dma_wait3A_601 : memref<1x128xi32, #tpu.memory_space<vmem>> -> memref<128xi32, #tpu.memory_space<vmem>>
      %dma_wait3A_603 = tpu.memref_slice %arg3[%add3A] : memref<655872xi32, #tpu.memory_space<hbm>> -> memref<128xi32, #tpu.memory_space<hbm>>
      %dma_wait3A_604 = arith.constant 0 : i32
      %dma_wait3A_605 = tpu.memref_slice %arg11[%dma_wait3A_599, %dma_wait3A_604] : memref<4x128xi32, #tpu.memory_space<vmem>> -> memref<1x128xi32, #tpu.memory_space<vmem>>
      %dma_wait3A_606 = tpu.memref_squeeze %dma_wait3A_605 : memref<1x128xi32, #tpu.memory_space<vmem>> -> memref<128xi32, #tpu.memory_space<vmem>>
      %dma_wait3A_607 = tpu.memref_slice %arg3[%add3A] : memref<655872xi32, #tpu.memory_space<hbm>> -> memref<128xi32, #tpu.memory_space<hbm>>
      tpu.wait_dma2 semaphore(%arg13 : memref<!tpu.dma_semaphore, #tpu.memory_space<semaphore_mem>>) src(%dma_wait3A_607 : memref<128xi32, #tpu.memory_space<hbm>>) dst(%dma_wait3A_606 : memref<128xi32, #tpu.memory_space<vmem>>)
      %dma_start3A_608 = arith.constant 0 : i32
      %dma_start3A_609 = arith.constant 0 : i32
      %dma_start3A_610 = arith.constant 0 : i32
      %dma_start3A_611 = arith.constant 0 : i32
      %dma_start3A_612 = tpu.memref_slice %arg12[%dma_start3A_609, %dma_start3A_610, %dma_start3A_611] : memref<2x128x128xf32, #tpu.memory_space<vmem>> -> memref<1x128x128xf32, #tpu.memory_space<vmem>>
      %dma_start3A_613 = tpu.memref_squeeze %dma_start3A_612 : memref<1x128x128xf32, #tpu.memory_space<vmem>> -> memref<128x128xf32, #tpu.memory_space<vmem>>
      %dma_start3A_614 = arith.constant 0 : i32
      %dma_start3A_615 = tpu.memref_slice %arg10[%dma_start3A_608, %dma_start3A_614] : memref<4x128xi32, #tpu.memory_space<vmem>> -> memref<1x128xi32, #tpu.memory_space<vmem>>
      %dma_start3A_616 = tpu.memref_squeeze %dma_start3A_615 : memref<1x128xi32, #tpu.memory_space<vmem>> -> memref<128xi32, #tpu.memory_space<vmem>>
      %dma_start3A_617 = arith.constant 0 : i32
      %dma_start3A_618 = arith.constant 0 : i32
      %dma_start3A_619 = tpu.memref_slice %arg4[%dma_start3A_617, %dma_start3A_618] : memref<20000x128xf32, #tpu.memory_space<hbm>> -> memref<20000x128xf32, #tpu.memory_space<hbm>>
      tpu.enqueue_indirect_dma source(%dma_start3A_619 : memref<20000x128xf32, #tpu.memory_space<hbm>>) target(%dma_start3A_613 : memref<128x128xf32, #tpu.memory_space<vmem>>) offsets(%dma_start3A_616 : memref<128xi32, #tpu.memory_space<vmem>>) semaphore(%arg14 : memref<!tpu.dma_semaphore, #tpu.memory_space<semaphore_mem>>)
      %mul3A_620 = arith.constant 4 : i32
      %mul3A_621 = arith.muli %mul3A_620, %scan3A_250 : i32
      %add3A_622 = arith.constant 3 : i32
      %add3A_623 = arith.addi %mul3A_621, %add3A_622 : i32
      %add3A_624 = arith.constant 3 : i32
      %add3A_625 = arith.addi %add3A_623, %add3A_624 : i32
      %mul3A_626 = arith.constant 128 : i32
      %mul3A_627 = arith.muli %add3A_625, %mul3A_626 : i32
      %add3A_628 = arith.addi %add3A, %mul3A_627 : i32
      %dma_start3A_629 = arith.constant 2 : i32
      %dma_start3A_630 = arith.constant 0 : i32
      %dma_start3A_631 = tpu.memref_slice %arg10[%dma_start3A_629, %dma_start3A_630] : memref<4x128xi32, #tpu.memory_space<vmem>> -> memref<1x128xi32, #tpu.memory_space<vmem>>
      %dma_start3A_632 = tpu.memref_squeeze %dma_start3A_631 : memref<1x128xi32, #tpu.memory_space<vmem>> -> memref<128xi32, #tpu.memory_space<vmem>>
      %dma_start3A_633 = tpu.memref_slice %arg2[%add3A_628] : memref<655872xi32, #tpu.memory_space<hbm>> -> memref<128xi32, #tpu.memory_space<hbm>>
      %dma_start3A_634 = arith.constant 0 : i32
      %dma_start3A_635 = tpu.memref_slice %arg10[%dma_start3A_629, %dma_start3A_634] : memref<4x128xi32, #tpu.memory_space<vmem>> -> memref<1x128xi32, #tpu.memory_space<vmem>>
      %dma_start3A_636 = tpu.memref_squeeze %dma_start3A_635 : memref<1x128xi32, #tpu.memory_space<vmem>> -> memref<128xi32, #tpu.memory_space<vmem>>
      %dma_start3A_637 = tpu.memref_slice %arg2[%add3A_628] : memref<655872xi32, #tpu.memory_space<hbm>> -> memref<128xi32, #tpu.memory_space<hbm>>
      tpu.enqueue_dma source(%dma_start3A_637 : memref<128xi32, #tpu.memory_space<hbm>>) target(%dma_start3A_636 : memref<128xi32, #tpu.memory_space<vmem>>) target_semaphore(%arg13 : memref<!tpu.dma_semaphore, #tpu.memory_space<semaphore_mem>>)
      %dma_start3A_638 = arith.constant 2 : i32
      %dma_start3A_639 = arith.constant 0 : i32
      %dma_start3A_640 = tpu.memref_slice %arg11[%dma_start3A_638, %dma_start3A_639] : memref<4x128xi32, #tpu.memory_space<vmem>> -> memref<1x128xi32, #tpu.memory_space<vmem>>
      %dma_start3A_641 = tpu.memref_squeeze %dma_start3A_640 : memref<1x128xi32, #tpu.memory_space<vmem>> -> memref<128xi32, #tpu.memory_space<vmem>>
      %dma_start3A_642 = tpu.memref_slice %arg3[%add3A_628] : memref<655872xi32, #tpu.memory_space<hbm>> -> memref<128xi32, #tpu.memory_space<hbm>>
      %dma_start3A_643 = arith.constant 0 : i32
      %dma_start3A_644 = tpu.memref_slice %arg11[%dma_start3A_638, %dma_start3A_643] : memref<4x128xi32, #tpu.memory_space<vmem>> -> memref<1x128xi32, #tpu.memory_space<vmem>>
      %dma_start3A_645 = tpu.memref_squeeze %dma_start3A_644 : memref<1x128xi32, #tpu.memory_space<vmem>> -> memref<128xi32, #tpu.memory_space<vmem>>
      %dma_start3A_646 = tpu.memref_slice %arg3[%add3A_628] : memref<655872xi32, #tpu.memory_space<hbm>> -> memref<128xi32, #tpu.memory_space<hbm>>
      tpu.enqueue_dma source(%dma_start3A_646 : memref<128xi32, #tpu.memory_space<hbm>>) target(%dma_start3A_645 : memref<128xi32, #tpu.memory_space<vmem>>) target_semaphore(%arg13 : memref<!tpu.dma_semaphore, #tpu.memory_space<semaphore_mem>>)
    }
    %scan3A_111 = arith.constant 40 : i32
    %dma_wait3A_112 = arith.constant 0 : i32
    %dma_wait3A_113 = arith.constant 0 : i32
    %dma_wait3A_114 = arith.constant 0 : i32
    %dma_wait3A_115 = tpu.memref_slice %arg12[%dma_wait3A_112, %dma_wait3A_113, %dma_wait3A_114] : memref<2x128x128xf32, #tpu.memory_space<vmem>> -> memref<1x128x128xf32, #tpu.memory_space<vmem>>
    %dma_wait3A_116 = tpu.memref_squeeze %dma_wait3A_115 : memref<1x128x128xf32, #tpu.memory_space<vmem>> -> memref<128x128xf32, #tpu.memory_space<vmem>>
    %dma_wait3A_117 = arith.constant 0 : i32
    %dma_wait3A_118 = arith.constant 0 : i32
    %dma_wait3A_119 = tpu.memref_slice %arg4[%dma_wait3A_117, %dma_wait3A_118] : memref<20000x128xf32, #tpu.memory_space<hbm>> -> memref<128x128xf32, #tpu.memory_space<hbm>>
    %dma_wait3A_120 = arith.constant 0 : i32
    %dma_wait3A_121 = arith.constant 0 : i32
    %dma_wait3A_122 = tpu.memref_slice %arg12[%dma_wait3A_112, %dma_wait3A_120, %dma_wait3A_121] : memref<2x128x128xf32, #tpu.memory_space<vmem>> -> memref<1x128x128xf32, #tpu.memory_space<vmem>>
    %dma_wait3A_123 = tpu.memref_squeeze %dma_wait3A_122 : memref<1x128x128xf32, #tpu.memory_space<vmem>> -> memref<128x128xf32, #tpu.memory_space<vmem>>
    %dma_wait3A_124 = arith.constant 0 : i32
    %dma_wait3A_125 = arith.constant 0 : i32
    %dma_wait3A_126 = tpu.memref_slice %arg4[%dma_wait3A_124, %dma_wait3A_125] : memref<20000x128xf32, #tpu.memory_space<hbm>> -> memref<128x128xf32, #tpu.memory_space<hbm>>
    tpu.wait_dma2 semaphore(%arg14 : memref<!tpu.dma_semaphore, #tpu.memory_space<semaphore_mem>>) src(%dma_wait3A_126 : memref<128x128xf32, #tpu.memory_space<hbm>>) dst(%dma_wait3A_123 : memref<128x128xf32, #tpu.memory_space<vmem>>)
    %dma_wait3A_127 = arith.constant 1 : i32
    %dma_wait3A_128 = arith.constant 0 : i32
    %dma_wait3A_129 = arith.constant 0 : i32
    %dma_wait3A_130 = tpu.memref_slice %arg12[%dma_wait3A_127, %dma_wait3A_128, %dma_wait3A_129] : memref<2x128x128xf32, #tpu.memory_space<vmem>> -> memref<1x128x128xf32, #tpu.memory_space<vmem>>
    %dma_wait3A_131 = tpu.memref_squeeze %dma_wait3A_130 : memref<1x128x128xf32, #tpu.memory_space<vmem>> -> memref<128x128xf32, #tpu.memory_space<vmem>>
    %dma_wait3A_132 = arith.constant 0 : i32
    %dma_wait3A_133 = arith.constant 0 : i32
    %dma_wait3A_134 = tpu.memref_slice %arg4[%dma_wait3A_132, %dma_wait3A_133] : memref<20000x128xf32, #tpu.memory_space<hbm>> -> memref<128x128xf32, #tpu.memory_space<hbm>>
    %dma_wait3A_135 = arith.constant 0 : i32
    %dma_wait3A_136 = arith.constant 0 : i32
    %dma_wait3A_137 = tpu.memref_slice %arg12[%dma_wait3A_127, %dma_wait3A_135, %dma_wait3A_136] : memref<2x128x128xf32, #tpu.memory_space<vmem>> -> memref<1x128x128xf32, #tpu.memory_space<vmem>>
    %dma_wait3A_138 = tpu.memref_squeeze %dma_wait3A_137 : memref<1x128x128xf32, #tpu.memory_space<vmem>> -> memref<128x128xf32, #tpu.memory_space<vmem>>
    %dma_wait3A_139 = arith.constant 0 : i32
    %dma_wait3A_140 = arith.constant 0 : i32
    %dma_wait3A_141 = tpu.memref_slice %arg4[%dma_wait3A_139, %dma_wait3A_140] : memref<20000x128xf32, #tpu.memory_space<hbm>> -> memref<128x128xf32, #tpu.memory_space<hbm>>
    tpu.wait_dma2 semaphore(%arg15 : memref<!tpu.dma_semaphore, #tpu.memory_space<semaphore_mem>>) src(%dma_wait3A_141 : memref<128x128xf32, #tpu.memory_space<hbm>>) dst(%dma_wait3A_138 : memref<128x128xf32, #tpu.memory_space<vmem>>)
    %dma_wait3A_142 = arith.constant 0 : i32
    %dma_wait3A_143 = arith.constant 0 : i32
    %dma_wait3A_144 = tpu.memref_slice %arg10[%dma_wait3A_142, %dma_wait3A_143] : memref<4x128xi32, #tpu.memory_space<vmem>> -> memref<1x128xi32, #tpu.memory_space<vmem>>
    %dma_wait3A_145 = tpu.memref_squeeze %dma_wait3A_144 : memref<1x128xi32, #tpu.memory_space<vmem>> -> memref<128xi32, #tpu.memory_space<vmem>>
    %dma_wait3A_146 = tpu.memref_slice %arg2[%add3A] : memref<655872xi32, #tpu.memory_space<hbm>> -> memref<128xi32, #tpu.memory_space<hbm>>
    %dma_wait3A_147 = arith.constant 0 : i32
    %dma_wait3A_148 = tpu.memref_slice %arg10[%dma_wait3A_142, %dma_wait3A_147] : memref<4x128xi32, #tpu.memory_space<vmem>> -> memref<1x128xi32, #tpu.memory_space<vmem>>
    %dma_wait3A_149 = tpu.memref_squeeze %dma_wait3A_148 : memref<1x128xi32, #tpu.memory_space<vmem>> -> memref<128xi32, #tpu.memory_space<vmem>>
    %dma_wait3A_150 = tpu.memref_slice %arg2[%add3A] : memref<655872xi32, #tpu.memory_space<hbm>> -> memref<128xi32, #tpu.memory_space<hbm>>
    tpu.wait_dma2 semaphore(%arg13 : memref<!tpu.dma_semaphore, #tpu.memory_space<semaphore_mem>>) src(%dma_wait3A_150 : memref<128xi32, #tpu.memory_space<hbm>>) dst(%dma_wait3A_149 : memref<128xi32, #tpu.memory_space<vmem>>)
    %dma_wait3A_151 = arith.constant 0 : i32
    %dma_wait3A_152 = arith.constant 0 : i32
    %dma_wait3A_153 = tpu.memref_slice %arg11[%dma_wait3A_151, %dma_wait3A_152] : memref<4x128xi32, #tpu.memory_space<vmem>> -> memref<1x128xi32, #tpu.memory_space<vmem>>
    %dma_wait3A_154 = tpu.memref_squeeze %dma_wait3A_153 : memref<1x128xi32, #tpu.memory_space<vmem>> -> memref<128xi32, #tpu.memory_space<vmem>>
    %dma_wait3A_155 = tpu.memref_slice %arg3[%add3A] : memref<655872xi32, #tpu.memory_space<hbm>> -> memref<128xi32, #tpu.memory_space<hbm>>
    %dma_wait3A_156 = arith.constant 0 : i32
    %dma_wait3A_157 = tpu.memref_slice %arg11[%dma_wait3A_151, %dma_wait3A_156] : memref<4x128xi32, #tpu.memory_space<vmem>> -> memref<1x128xi32, #tpu.memory_space<vmem>>
    %dma_wait3A_158 = tpu.memref_squeeze %dma_wait3A_157 : memref<1x128xi32, #tpu.memory_space<vmem>> -> memref<128xi32, #tpu.memory_space<vmem>>
    %dma_wait3A_159 = tpu.memref_slice %arg3[%add3A] : memref<655872xi32, #tpu.memory_space<hbm>> -> memref<128xi32, #tpu.memory_space<hbm>>
    tpu.wait_dma2 semaphore(%arg13 : memref<!tpu.dma_semaphore, #tpu.memory_space<semaphore_mem>>) src(%dma_wait3A_159 : memref<128xi32, #tpu.memory_space<hbm>>) dst(%dma_wait3A_158 : memref<128xi32, #tpu.memory_space<vmem>>)
    %dma_wait3A_160 = arith.constant 1 : i32
    %dma_wait3A_161 = arith.constant 0 : i32
    %dma_wait3A_162 = tpu.memref_slice %arg10[%dma_wait3A_160, %dma_wait3A_161] : memref<4x128xi32, #tpu.memory_space<vmem>> -> memref<1x128xi32, #tpu.memory_space<vmem>>
    %dma_wait3A_163 = tpu.memref_squeeze %dma_wait3A_162 : memref<1x128xi32, #tpu.memory_space<vmem>> -> memref<128xi32, #tpu.memory_space<vmem>>
    %dma_wait3A_164 = tpu.memref_slice %arg2[%add3A] : memref<655872xi32, #tpu.memory_space<hbm>> -> memref<128xi32, #tpu.memory_space<hbm>>
    %dma_wait3A_165 = arith.constant 0 : i32
    %dma_wait3A_166 = tpu.memref_slice %arg10[%dma_wait3A_160, %dma_wait3A_165] : memref<4x128xi32, #tpu.memory_space<vmem>> -> memref<1x128xi32, #tpu.memory_space<vmem>>
    %dma_wait3A_167 = tpu.memref_squeeze %dma_wait3A_166 : memref<1x128xi32, #tpu.memory_space<vmem>> -> memref<128xi32, #tpu.memory_space<vmem>>
    %dma_wait3A_168 = tpu.memref_slice %arg2[%add3A] : memref<655872xi32, #tpu.memory_space<hbm>> -> memref<128xi32, #tpu.memory_space<hbm>>
    tpu.wait_dma2 semaphore(%arg13 : memref<!tpu.dma_semaphore, #tpu.memory_space<semaphore_mem>>) src(%dma_wait3A_168 : memref<128xi32, #tpu.memory_space<hbm>>) dst(%dma_wait3A_167 : memref<128xi32, #tpu.memory_space<vmem>>)
    %dma_wait3A_169 = arith.constant 1 : i32
    %dma_wait3A_170 = arith.constant 0 : i32
    %dma_wait3A_171 = tpu.memref_slice %arg11[%dma_wait3A_169, %dma_wait3A_170] : memref<4x128xi32, #tpu.memory_space<vmem>> -> memref<1x128xi32, #tpu.memory_space<vmem>>
    %dma_wait3A_172 = tpu.memref_squeeze %dma_wait3A_171 : memref<1x128xi32, #tpu.memory_space<vmem>> -> memref<128xi32, #tpu.memory_space<vmem>>
    %dma_wait3A_173 = tpu.memref_slice %arg3[%add3A] : memref<655872xi32, #tpu.memory_space<hbm>> -> memref<128xi32, #tpu.memory_space<hbm>>
    %dma_wait3A_174 = arith.constant 0 : i32
    %dma_wait3A_175 = tpu.memref_slice %arg11[%dma_wait3A_169, %dma_wait3A_174] : memref<4x128xi32, #tpu.memory_space<vmem>> -> memref<1x128xi32, #tpu.memory_space<vmem>>
    %dma_wait3A_176 = tpu.memref_squeeze %dma_wait3A_175 : memref<1x128xi32, #tpu.memory_space<vmem>> -> memref<128xi32, #tpu.memory_space<vmem>>
    %dma_wait3A_177 = tpu.memref_slice %arg3[%add3A] : memref<655872xi32, #tpu.memory_space<hbm>> -> memref<128xi32, #tpu.memory_space<hbm>>
    tpu.wait_dma2 semaphore(%arg13 : memref<!tpu.dma_semaphore, #tpu.memory_space<semaphore_mem>>) src(%dma_wait3A_177 : memref<128xi32, #tpu.memory_space<hbm>>) dst(%dma_wait3A_176 : memref<128xi32, #tpu.memory_space<vmem>>)
    %barrier3A_178 = arith.constant 0 : index
    tpu.barrier barrier_id(%barrier3A_178)
    %lt3A = arith.constant 15 : i32
    %lt3A_179 = arith.cmpi slt, %arg1, %lt3A : i32
    %convert_element_type3A = arith.extui %lt3A_179 : i1 to i32
    %cond3A = arith.constant 0 : i32
    %cond3A_180 = arith.cmpi ne, %convert_element_type3A, %cond3A : i32
    scf.if %cond3A_180 {
      %mul3A_250 = arith.constant 632 : i32
      %mul3A_251 = arith.muli %arg1, %mul3A_250 : i32
      %mul3A_252 = arith.constant 632 : i32
      %mul3A_253 = arith.muli %arg1, %mul3A_252 : i32
      "tpu.region"() ({
        %run_scoped3A_254 = tpu.sem_alloc : memref<!tpu.dma_semaphore, #tpu.memory_space<semaphore_mem>>
        %dma_start3A_255 = arith.constant 0 : i32
        %dma_start3A_256 = arith.constant 0 : i32
        %dma_start3A_257 = tpu.memref_slice %arg7[%arg0, %dma_start3A_255, %dma_start3A_256] : memref<2x10000x128xf32, #tpu.memory_space<hbm>> -> memref<1x10000x128xf32, #tpu.memory_space<hbm>>
        %dma_start3A_258 = tpu.memref_squeeze %dma_start3A_257 : memref<1x10000x128xf32, #tpu.memory_space<hbm>> -> memref<10000x128xf32, #tpu.memory_space<hbm>>
        %dma_start3A_259 = arith.constant 0 : i32
        %dma_start3A_260 = tpu.memref_slice %dma_start3A_258[%mul3A_253, %dma_start3A_259] : memref<10000x128xf32, #tpu.memory_space<hbm>> -> memref<632x128xf32, #tpu.memory_space<hbm>>
        %dma_start3A_261 = arith.constant 0 : i32
        %dma_start3A_262 = tpu.memref_slice %arg9[%mul3A_251, %dma_start3A_261] : memref<10112x128xf32, #tpu.memory_space<vmem_shared>> -> memref<632x128xf32, #tpu.memory_space<vmem_shared>>
        tpu.enqueue_dma source(%dma_start3A_262 : memref<632x128xf32, #tpu.memory_space<vmem_shared>>) target(%dma_start3A_260 : memref<632x128xf32, #tpu.memory_space<hbm>>) target_semaphore(%run_scoped3A_254 : memref<!tpu.dma_semaphore, #tpu.memory_space<semaphore_mem>>)
        %dma_wait3A_263 = arith.constant 0 : i32
        %dma_wait3A_264 = arith.constant 0 : i32
        %dma_wait3A_265 = tpu.memref_slice %arg7[%arg0, %dma_wait3A_263, %dma_wait3A_264] : memref<2x10000x128xf32, #tpu.memory_space<hbm>> -> memref<1x10000x128xf32, #tpu.memory_space<hbm>>
        %dma_wait3A_266 = tpu.memref_squeeze %dma_wait3A_265 : memref<1x10000x128xf32, #tpu.memory_space<hbm>> -> memref<10000x128xf32, #tpu.memory_space<hbm>>
        %dma_wait3A_267 = arith.constant 0 : i32
        %dma_wait3A_268 = tpu.memref_slice %dma_wait3A_266[%mul3A_253, %dma_wait3A_267] : memref<10000x128xf32, #tpu.memory_space<hbm>> -> memref<632x128xf32, #tpu.memory_space<hbm>>
        %dma_wait3A_269 = arith.constant 0 : i32
        %dma_wait3A_270 = tpu.memref_slice %arg9[%mul3A_251, %dma_wait3A_269] : memref<10112x128xf32, #tpu.memory_space<vmem_shared>> -> memref<632x128xf32, #tpu.memory_space<vmem_shared>>
        tpu.wait_dma2 semaphore(%run_scoped3A_254 : memref<!tpu.dma_semaphore, #tpu.memory_space<semaphore_mem>>) src(%dma_wait3A_270 : memref<632x128xf32, #tpu.memory_space<vmem_shared>>) dst(%dma_wait3A_268 : memref<632x128xf32, #tpu.memory_space<hbm>>)
        tpu.yield
      }) : () -> ()
    } else {
    }
    %eq3A = arith.constant 15 : i32
    %eq3A_181 = arith.cmpi eq, %arg1, %eq3A : i32
    %convert_element_type3A_182 = arith.extui %eq3A_181 : i1 to i32
    %cond3A_183 = arith.constant 0 : i32
    %cond3A_184 = arith.cmpi ne, %convert_element_type3A_182, %cond3A_183 : i32
    scf.if %cond3A_184 {
      "tpu.region"() ({
        %run_scoped3A_250 = tpu.sem_alloc : memref<!tpu.dma_semaphore, #tpu.memory_space<semaphore_mem>>
        %dma_start3A_251 = arith.constant 0 : i32
        %dma_start3A_252 = arith.constant 0 : i32
        %dma_start3A_253 = tpu.memref_slice %arg7[%arg0, %dma_start3A_251, %dma_start3A_252] : memref<2x10000x128xf32, #tpu.memory_space<hbm>> -> memref<1x10000x128xf32, #tpu.memory_space<hbm>>
        %dma_start3A_254 = tpu.memref_squeeze %dma_start3A_253 : memref<1x10000x128xf32, #tpu.memory_space<hbm>> -> memref<10000x128xf32, #tpu.memory_space<hbm>>
        %dma_start3A_255 = arith.constant 9480 : i32
        %dma_start3A_256 = arith.constant 0 : i32
        %dma_start3A_257 = tpu.memref_slice %dma_start3A_254[%dma_start3A_255, %dma_start3A_256] : memref<10000x128xf32, #tpu.memory_space<hbm>> -> memref<520x128xf32, #tpu.memory_space<hbm>>
        %dma_start3A_258 = arith.constant 9480 : i32
        %dma_start3A_259 = arith.constant 0 : i32
        %dma_start3A_260 = tpu.memref_slice %arg9[%dma_start3A_258, %dma_start3A_259] : memref<10112x128xf32, #tpu.memory_space<vmem_shared>> -> memref<520x128xf32, #tpu.memory_space<vmem_shared>>
        tpu.enqueue_dma source(%dma_start3A_260 : memref<520x128xf32, #tpu.memory_space<vmem_shared>>) target(%dma_start3A_257 : memref<520x128xf32, #tpu.memory_space<hbm>>) target_semaphore(%run_scoped3A_250 : memref<!tpu.dma_semaphore, #tpu.memory_space<semaphore_mem>>)
        %dma_wait3A_261 = arith.constant 0 : i32
        %dma_wait3A_262 = arith.constant 0 : i32
        %dma_wait3A_263 = tpu.memref_slice %arg7[%arg0, %dma_wait3A_261, %dma_wait3A_262] : memref<2x10000x128xf32, #tpu.memory_space<hbm>> -> memref<1x10000x128xf32, #tpu.memory_space<hbm>>
        %dma_wait3A_264 = tpu.memref_squeeze %dma_wait3A_263 : memref<1x10000x128xf32, #tpu.memory_space<hbm>> -> memref<10000x128xf32, #tpu.memory_space<hbm>>
        %dma_wait3A_265 = arith.constant 9480 : i32
        %dma_wait3A_266 = arith.constant 0 : i32
        %dma_wait3A_267 = tpu.memref_slice %dma_wait3A_264[%dma_wait3A_265, %dma_wait3A_266] : memref<10000x128xf32, #tpu.memory_space<hbm>> -> memref<520x128xf32, #tpu.memory_space<hbm>>
        %dma_wait3A_268 = arith.constant 9480 : i32
        %dma_wait3A_269 = arith.constant 0 : i32
        %dma_wait3A_270 = tpu.memref_slice %arg9[%dma_wait3A_268, %dma_wait3A_269] : memref<10112x128xf32, #tpu.memory_space<vmem_shared>> -> memref<520x128xf32, #tpu.memory_space<vmem_shared>>
        tpu.wait_dma2 semaphore(%run_scoped3A_250 : memref<!tpu.dma_semaphore, #tpu.memory_space<semaphore_mem>>) src(%dma_wait3A_270 : memref<520x128xf32, #tpu.memory_space<vmem_shared>>) dst(%dma_wait3A_267 : memref<520x128xf32, #tpu.memory_space<hbm>>)
        tpu.yield
      }) : () -> ()
    } else {
    }
    %barrier3A_185 = arith.constant 0 : index
    tpu.barrier barrier_id(%barrier3A_185)
    %mul3A_186 = arith.constant 632 : i32
    %mul3A_187 = arith.muli %arg1, %mul3A_186 : i32
    %mul3A_188 = arith.constant 632 : i32
    %mul3A_189 = arith.muli %arg1, %mul3A_188 : i32
    "tpu.region"() ({
      %run_scoped3A_250 = tpu.sem_alloc : memref<!tpu.dma_semaphore, #tpu.memory_space<semaphore_mem>>
      %dma_start3A_251 = arith.constant 0 : i32
      %dma_start3A_252 = tpu.memref_slice %arg9[%mul3A_189, %dma_start3A_251] : memref<10112x128xf32, #tpu.memory_space<vmem_shared>> -> memref<632x128xf32, #tpu.memory_space<vmem_shared>>
      %dma_start3A_253 = arith.constant 0 : i32
      %dma_start3A_254 = tpu.memref_slice %arg5[%mul3A_187, %dma_start3A_253] : memref<10112x128xf32, #tpu.memory_space<hbm>> -> memref<632x128xf32, #tpu.memory_space<hbm>>
      tpu.enqueue_dma source(%dma_start3A_254 : memref<632x128xf32, #tpu.memory_space<hbm>>) target(%dma_start3A_252 : memref<632x128xf32, #tpu.memory_space<vmem_shared>>) target_semaphore(%run_scoped3A_250 : memref<!tpu.dma_semaphore, #tpu.memory_space<semaphore_mem>>)
      %dma_wait3A_255 = arith.constant 0 : i32
      %dma_wait3A_256 = tpu.memref_slice %arg9[%mul3A_189, %dma_wait3A_255] : memref<10112x128xf32, #tpu.memory_space<vmem_shared>> -> memref<632x128xf32, #tpu.memory_space<vmem_shared>>
      %dma_wait3A_257 = arith.constant 0 : i32
      %dma_wait3A_258 = tpu.memref_slice %arg5[%mul3A_187, %dma_wait3A_257] : memref<10112x128xf32, #tpu.memory_space<hbm>> -> memref<632x128xf32, #tpu.memory_space<hbm>>
      tpu.wait_dma2 semaphore(%run_scoped3A_250 : memref<!tpu.dma_semaphore, #tpu.memory_space<semaphore_mem>>) src(%dma_wait3A_258 : memref<632x128xf32, #tpu.memory_space<hbm>>) dst(%dma_wait3A_256 : memref<632x128xf32, #tpu.memory_space<vmem_shared>>)
      tpu.yield
    }) : () -> ()
    %run_scoped3A_190 = arith.constant 0 : i32
    "tpu.region"() ({
      %run_scoped3A_250 = tpu.sem_alloc : memref<!tpu.dma_semaphore, #tpu.memory_space<semaphore_mem>>
      %dma_start3A_251 = arith.constant 0 : i32
      %dma_start3A_252 = arith.constant 0 : i32
      %dma_start3A_253 = tpu.memref_slice %arg12[%run_scoped3A_190, %dma_start3A_251, %dma_start3A_252] : memref<2x128x128xf32, #tpu.memory_space<vmem>> -> memref<1x128x128xf32, #tpu.memory_space<vmem>>
      %dma_start3A_254 = tpu.memref_squeeze %dma_start3A_253 : memref<1x128x128xf32, #tpu.memory_space<vmem>> -> memref<128x128xf32, #tpu.memory_space<vmem>>
      %dma_start3A_255 = arith.constant 0 : i32
      %dma_start3A_256 = arith.constant 0 : i32
      %dma_start3A_257 = tpu.memref_slice %arg12[%run_scoped3A_190, %dma_start3A_255, %dma_start3A_256] : memref<2x128x128xf32, #tpu.memory_space<vmem>> -> memref<1x128x128xf32, #tpu.memory_space<vmem>>
      %dma_start3A_258 = tpu.memref_squeeze %dma_start3A_257 : memref<1x128x128xf32, #tpu.memory_space<vmem>> -> memref<128x128xf32, #tpu.memory_space<vmem>>
      tpu.enqueue_dma source(%arg6 : memref<128x128xf32, #tpu.memory_space<hbm>>) target(%dma_start3A_258 : memref<128x128xf32, #tpu.memory_space<vmem>>) target_semaphore(%run_scoped3A_250 : memref<!tpu.dma_semaphore, #tpu.memory_space<semaphore_mem>>)
      %dma_wait3A_259 = arith.constant 0 : i32
      %dma_wait3A_260 = arith.constant 0 : i32
      %dma_wait3A_261 = tpu.memref_slice %arg12[%run_scoped3A_190, %dma_wait3A_259, %dma_wait3A_260] : memref<2x128x128xf32, #tpu.memory_space<vmem>> -> memref<1x128x128xf32, #tpu.memory_space<vmem>>
      %dma_wait3A_262 = tpu.memref_squeeze %dma_wait3A_261 : memref<1x128x128xf32, #tpu.memory_space<vmem>> -> memref<128x128xf32, #tpu.memory_space<vmem>>
      %dma_wait3A_263 = arith.constant 0 : i32
      %dma_wait3A_264 = arith.constant 0 : i32
      %dma_wait3A_265 = tpu.memref_slice %arg12[%run_scoped3A_190, %dma_wait3A_263, %dma_wait3A_264] : memref<2x128x128xf32, #tpu.memory_space<vmem>> -> memref<1x128x128xf32, #tpu.memory_space<vmem>>
      %dma_wait3A_266 = tpu.memref_squeeze %dma_wait3A_265 : memref<1x128x128xf32, #tpu.memory_space<vmem>> -> memref<128x128xf32, #tpu.memory_space<vmem>>
      tpu.wait_dma2 semaphore(%run_scoped3A_250 : memref<!tpu.dma_semaphore, #tpu.memory_space<semaphore_mem>>) src(%arg6 : memref<128x128xf32, #tpu.memory_space<hbm>>) dst(%dma_wait3A_266 : memref<128x128xf32, #tpu.memory_space<vmem>>)
      tpu.yield
    }) : () -> ()
    %barrier3A_191 = arith.constant 0 : index
    tpu.barrier barrier_id(%barrier3A_191)
    %add3A_192 = arith.constant 0 : i32
    %add3A_193 = arith.addi %add3A, %add3A_192 : i32
    %dma_start3A_194 = arith.constant 0 : i32
    %dma_start3A_195 = arith.constant 0 : i32
    %dma_start3A_196 = tpu.memref_slice %arg11[%dma_start3A_194, %dma_start3A_195] : memref<4x128xi32, #tpu.memory_space<vmem>> -> memref<1x128xi32, #tpu.memory_space<vmem>>
    %dma_start3A_197 = tpu.memref_squeeze %dma_start3A_196 : memref<1x128xi32, #tpu.memory_space<vmem>> -> memref<128xi32, #tpu.memory_space<vmem>>
    %dma_start3A_198 = tpu.memref_slice %arg3[%add3A_193] : memref<655872xi32, #tpu.memory_space<hbm>> -> memref<128xi32, #tpu.memory_space<hbm>>
    %dma_start3A_199 = arith.constant 0 : i32
    %dma_start3A_200 = tpu.memref_slice %arg11[%dma_start3A_194, %dma_start3A_199] : memref<4x128xi32, #tpu.memory_space<vmem>> -> memref<1x128xi32, #tpu.memory_space<vmem>>
    %dma_start3A_201 = tpu.memref_squeeze %dma_start3A_200 : memref<1x128xi32, #tpu.memory_space<vmem>> -> memref<128xi32, #tpu.memory_space<vmem>>
    %dma_start3A_202 = tpu.memref_slice %arg3[%add3A_193] : memref<655872xi32, #tpu.memory_space<hbm>> -> memref<128xi32, #tpu.memory_space<hbm>>
    tpu.enqueue_dma source(%dma_start3A_202 : memref<128xi32, #tpu.memory_space<hbm>>) target(%dma_start3A_201 : memref<128xi32, #tpu.memory_space<vmem>>) target_semaphore(%arg13 : memref<!tpu.dma_semaphore, #tpu.memory_space<semaphore_mem>>)
    %add3A_203 = arith.constant 128 : i32
    %add3A_204 = arith.addi %add3A, %add3A_203 : i32
    %dma_start3A_205 = arith.constant 1 : i32
    %dma_start3A_206 = arith.constant 0 : i32
    %dma_start3A_207 = tpu.memref_slice %arg11[%dma_start3A_205, %dma_start3A_206] : memref<4x128xi32, #tpu.memory_space<vmem>> -> memref<1x128xi32, #tpu.memory_space<vmem>>
    %dma_start3A_208 = tpu.memref_squeeze %dma_start3A_207 : memref<1x128xi32, #tpu.memory_space<vmem>> -> memref<128xi32, #tpu.memory_space<vmem>>
    %dma_start3A_209 = tpu.memref_slice %arg3[%add3A_204] : memref<655872xi32, #tpu.memory_space<hbm>> -> memref<128xi32, #tpu.memory_space<hbm>>
    %dma_start3A_210 = arith.constant 0 : i32
    %dma_start3A_211 = tpu.memref_slice %arg11[%dma_start3A_205, %dma_start3A_210] : memref<4x128xi32, #tpu.memory_space<vmem>> -> memref<1x128xi32, #tpu.memory_space<vmem>>
    %dma_start3A_212 = tpu.memref_squeeze %dma_start3A_211 : memref<1x128xi32, #tpu.memory_space<vmem>> -> memref<128xi32, #tpu.memory_space<vmem>>
    %dma_start3A_213 = tpu.memref_slice %arg3[%add3A_204] : memref<655872xi32, #tpu.memory_space<hbm>> -> memref<128xi32, #tpu.memory_space<hbm>>
    tpu.enqueue_dma source(%dma_start3A_213 : memref<128xi32, #tpu.memory_space<hbm>>) target(%dma_start3A_212 : memref<128xi32, #tpu.memory_space<vmem>>) target_semaphore(%arg13 : memref<!tpu.dma_semaphore, #tpu.memory_space<semaphore_mem>>)
    %scan3A_214 = arith.constant 0 : i32
    %scan3A_215 = arith.constant 0 : i32
    %scan3A_216 = arith.constant 0 : i32
    %scan3A_217 = arith.constant 40 : i32
    %scan3A_218 = arith.addi %scan3A_216, %scan3A_217 : i32
    %scan3A_219 = arith.constant 1 : i32
    scf.for %scan3A_250 = %scan3A_216 to %scan3A_218 step %scan3A_219  : i32 {
      %mul3A_251 = arith.constant 2 : i32
      %mul3A_252 = arith.muli %mul3A_251, %scan3A_250 : i32
      %dma_wait3A_253 = arith.constant 0 : i32
      %dma_wait3A_254 = arith.constant 0 : i32
      %dma_wait3A_255 = tpu.memref_slice %arg11[%dma_wait3A_253, %dma_wait3A_254] : memref<4x128xi32, #tpu.memory_space<vmem>> -> memref<1x128xi32, #tpu.memory_space<vmem>>
      %dma_wait3A_256 = tpu.memref_squeeze %dma_wait3A_255 : memref<1x128xi32, #tpu.memory_space<vmem>> -> memref<128xi32, #tpu.memory_space<vmem>>
      %dma_wait3A_257 = tpu.memref_slice %arg3[%add3A] : memref<655872xi32, #tpu.memory_space<hbm>> -> memref<128xi32, #tpu.memory_space<hbm>>
      %dma_wait3A_258 = arith.constant 0 : i32
      %dma_wait3A_259 = tpu.memref_slice %arg11[%dma_wait3A_253, %dma_wait3A_258] : memref<4x128xi32, #tpu.memory_space<vmem>> -> memref<1x128xi32, #tpu.memory_space<vmem>>
      %dma_wait3A_260 = tpu.memref_squeeze %dma_wait3A_259 : memref<1x128xi32, #tpu.memory_space<vmem>> -> memref<128xi32, #tpu.memory_space<vmem>>
      %dma_wait3A_261 = tpu.memref_slice %arg3[%add3A] : memref<655872xi32, #tpu.memory_space<hbm>> -> memref<128xi32, #tpu.memory_space<hbm>>
      tpu.wait_dma2 semaphore(%arg13 : memref<!tpu.dma_semaphore, #tpu.memory_space<semaphore_mem>>) src(%dma_wait3A_261 : memref<128xi32, #tpu.memory_space<hbm>>) dst(%dma_wait3A_260 : memref<128xi32, #tpu.memory_space<vmem>>)
      %dma_wait3A_262 = arith.constant 1 : i32
      %dma_wait3A_263 = arith.constant 0 : i32
      %dma_wait3A_264 = tpu.memref_slice %arg11[%dma_wait3A_262, %dma_wait3A_263] : memref<4x128xi32, #tpu.memory_space<vmem>> -> memref<1x128xi32, #tpu.memory_space<vmem>>
      %dma_wait3A_265 = tpu.memref_squeeze %dma_wait3A_264 : memref<1x128xi32, #tpu.memory_space<vmem>> -> memref<128xi32, #tpu.memory_space<vmem>>
      %dma_wait3A_266 = tpu.memref_slice %arg3[%add3A] : memref<655872xi32, #tpu.memory_space<hbm>> -> memref<128xi32, #tpu.memory_space<hbm>>
      %dma_wait3A_267 = arith.constant 0 : i32
      %dma_wait3A_268 = tpu.memref_slice %arg11[%dma_wait3A_262, %dma_wait3A_267] : memref<4x128xi32, #tpu.memory_space<vmem>> -> memref<1x128xi32, #tpu.memory_space<vmem>>
      %dma_wait3A_269 = tpu.memref_squeeze %dma_wait3A_268 : memref<1x128xi32, #tpu.memory_space<vmem>> -> memref<128xi32, #tpu.memory_space<vmem>>
      %dma_wait3A_270 = tpu.memref_slice %arg3[%add3A] : memref<655872xi32, #tpu.memory_space<hbm>> -> memref<128xi32, #tpu.memory_space<hbm>>
      tpu.wait_dma2 semaphore(%arg13 : memref<!tpu.dma_semaphore, #tpu.memory_space<semaphore_mem>>) src(%dma_wait3A_270 : memref<128xi32, #tpu.memory_space<hbm>>) dst(%dma_wait3A_269 : memref<128xi32, #tpu.memory_space<vmem>>)
      %add3A_271 = arith.constant 1 : i32
      %add3A_272 = arith.addi %mul3A_252, %add3A_271 : i32
      %mul3A_273 = arith.constant 2 : i32
      %mul3A_274 = arith.muli %add3A_272, %mul3A_273 : i32
      %add3A_275 = arith.constant 0 : i32
      %add3A_276 = arith.addi %mul3A_274, %add3A_275 : i32
      %mul3A_277 = arith.constant 128 : i32
      %mul3A_278 = arith.muli %add3A_276, %mul3A_277 : i32
      %add3A_279 = arith.addi %add3A, %mul3A_278 : i32
      %dma_start3A_280 = arith.constant 2 : i32
      %dma_start3A_281 = arith.constant 0 : i32
      %dma_start3A_282 = tpu.memref_slice %arg11[%dma_start3A_280, %dma_start3A_281] : memref<4x128xi32, #tpu.memory_space<vmem>> -> memref<1x128xi32, #tpu.memory_space<vmem>>
      %dma_start3A_283 = tpu.memref_squeeze %dma_start3A_282 : memref<1x128xi32, #tpu.memory_space<vmem>> -> memref<128xi32, #tpu.memory_space<vmem>>
      %dma_start3A_284 = tpu.memref_slice %arg3[%add3A_279] : memref<655872xi32, #tpu.memory_space<hbm>> -> memref<128xi32, #tpu.memory_space<hbm>>
      %dma_start3A_285 = arith.constant 0 : i32
      %dma_start3A_286 = tpu.memref_slice %arg11[%dma_start3A_280, %dma_start3A_285] : memref<4x128xi32, #tpu.memory_space<vmem>> -> memref<1x128xi32, #tpu.memory_space<vmem>>
      %dma_start3A_287 = tpu.memref_squeeze %dma_start3A_286 : memref<1x128xi32, #tpu.memory_space<vmem>> -> memref<128xi32, #tpu.memory_space<vmem>>
      %dma_start3A_288 = tpu.memref_slice %arg3[%add3A_279] : memref<655872xi32, #tpu.memory_space<hbm>> -> memref<128xi32, #tpu.memory_space<hbm>>
      tpu.enqueue_dma source(%dma_start3A_288 : memref<128xi32, #tpu.memory_space<hbm>>) target(%dma_start3A_287 : memref<128xi32, #tpu.memory_space<vmem>>) target_semaphore(%arg13 : memref<!tpu.dma_semaphore, #tpu.memory_space<semaphore_mem>>)
      %mul3A_289 = arith.constant 2 : i32
      %mul3A_290 = arith.muli %add3A_272, %mul3A_289 : i32
      %add3A_291 = arith.constant 1 : i32
      %add3A_292 = arith.addi %mul3A_290, %add3A_291 : i32
      %mul3A_293 = arith.constant 128 : i32
      %mul3A_294 = arith.muli %add3A_292, %mul3A_293 : i32
      %add3A_295 = arith.addi %add3A, %mul3A_294 : i32
      %dma_start3A_296 = arith.constant 3 : i32
      %dma_start3A_297 = arith.constant 0 : i32
      %dma_start3A_298 = tpu.memref_slice %arg11[%dma_start3A_296, %dma_start3A_297] : memref<4x128xi32, #tpu.memory_space<vmem>> -> memref<1x128xi32, #tpu.memory_space<vmem>>
      %dma_start3A_299 = tpu.memref_squeeze %dma_start3A_298 : memref<1x128xi32, #tpu.memory_space<vmem>> -> memref<128xi32, #tpu.memory_space<vmem>>
      %dma_start3A_300 = tpu.memref_slice %arg3[%add3A_295] : memref<655872xi32, #tpu.memory_space<hbm>> -> memref<128xi32, #tpu.memory_space<hbm>>
      %dma_start3A_301 = arith.constant 0 : i32
      %dma_start3A_302 = tpu.memref_slice %arg11[%dma_start3A_296, %dma_start3A_301] : memref<4x128xi32, #tpu.memory_space<vmem>> -> memref<1x128xi32, #tpu.memory_space<vmem>>
      %dma_start3A_303 = tpu.memref_squeeze %dma_start3A_302 : memref<1x128xi32, #tpu.memory_space<vmem>> -> memref<128xi32, #tpu.memory_space<vmem>>
      %dma_start3A_304 = tpu.memref_slice %arg3[%add3A_295] : memref<655872xi32, #tpu.memory_space<hbm>> -> memref<128xi32, #tpu.memory_space<hbm>>
      tpu.enqueue_dma source(%dma_start3A_304 : memref<128xi32, #tpu.memory_space<hbm>>) target(%dma_start3A_303 : memref<128xi32, #tpu.memory_space<vmem>>) target_semaphore(%arg13 : memref<!tpu.dma_semaphore, #tpu.memory_space<semaphore_mem>>)
      %dma_start3A_305 = arith.constant 0 : i32
      %dma_start3A_306 = arith.constant 0 : i32
      %dma_start3A_307 = arith.constant 0 : i32
      %dma_start3A_308 = tpu.memref_slice %arg12[%scan3A_215, %dma_start3A_306, %dma_start3A_307] : memref<2x128x128xf32, #tpu.memory_space<vmem>> -> memref<1x128x128xf32, #tpu.memory_space<vmem>>
      %dma_start3A_309 = tpu.memref_squeeze %dma_start3A_308 : memref<1x128x128xf32, #tpu.memory_space<vmem>> -> memref<128x128xf32, #tpu.memory_space<vmem>>
      %dma_start3A_310 = arith.constant 0 : i32
      %dma_start3A_311 = tpu.memref_slice %arg11[%dma_start3A_305, %dma_start3A_310] : memref<4x128xi32, #tpu.memory_space<vmem>> -> memref<1x128xi32, #tpu.memory_space<vmem>>
      %dma_start3A_312 = tpu.memref_squeeze %dma_start3A_311 : memref<1x128xi32, #tpu.memory_space<vmem>> -> memref<128xi32, #tpu.memory_space<vmem>>
      %dma_start3A_313 = arith.constant 0 : i32
      %dma_start3A_314 = arith.constant 0 : i32
      %dma_start3A_315 = tpu.memref_slice %arg9[%dma_start3A_313, %dma_start3A_314] : memref<10112x128xf32, #tpu.memory_space<vmem_shared>> -> memref<10112x128xf32, #tpu.memory_space<vmem_shared>>
      tpu.enqueue_indirect_dma source(%dma_start3A_309 : memref<128x128xf32, #tpu.memory_space<vmem>>) target(%dma_start3A_315 : memref<10112x128xf32, #tpu.memory_space<vmem_shared>>) offsets(%dma_start3A_312 : memref<128xi32, #tpu.memory_space<vmem>>) semaphore(%arg15 : memref<!tpu.dma_semaphore, #tpu.memory_space<semaphore_mem>>) {add = true}
      %dma_start3A_316 = arith.constant 1 : i32
      %dma_start3A_317 = arith.constant 0 : i32
      %dma_start3A_318 = arith.constant 0 : i32
      %dma_start3A_319 = tpu.memref_slice %arg12[%scan3A_215, %dma_start3A_317, %dma_start3A_318] : memref<2x128x128xf32, #tpu.memory_space<vmem>> -> memref<1x128x128xf32, #tpu.memory_space<vmem>>
      %dma_start3A_320 = tpu.memref_squeeze %dma_start3A_319 : memref<1x128x128xf32, #tpu.memory_space<vmem>> -> memref<128x128xf32, #tpu.memory_space<vmem>>
      %dma_start3A_321 = arith.constant 0 : i32
      %dma_start3A_322 = tpu.memref_slice %arg11[%dma_start3A_316, %dma_start3A_321] : memref<4x128xi32, #tpu.memory_space<vmem>> -> memref<1x128xi32, #tpu.memory_space<vmem>>
      %dma_start3A_323 = tpu.memref_squeeze %dma_start3A_322 : memref<1x128xi32, #tpu.memory_space<vmem>> -> memref<128xi32, #tpu.memory_space<vmem>>
      %dma_start3A_324 = arith.constant 0 : i32
      %dma_start3A_325 = arith.constant 0 : i32
      %dma_start3A_326 = tpu.memref_slice %arg9[%dma_start3A_324, %dma_start3A_325] : memref<10112x128xf32, #tpu.memory_space<vmem_shared>> -> memref<10112x128xf32, #tpu.memory_space<vmem_shared>>
      tpu.enqueue_indirect_dma source(%dma_start3A_320 : memref<128x128xf32, #tpu.memory_space<vmem>>) target(%dma_start3A_326 : memref<10112x128xf32, #tpu.memory_space<vmem_shared>>) offsets(%dma_start3A_323 : memref<128xi32, #tpu.memory_space<vmem>>) semaphore(%arg15 : memref<!tpu.dma_semaphore, #tpu.memory_space<semaphore_mem>>) {add = true}
      %dma_wait3A_327 = arith.constant 0 : i32
      %dma_wait3A_328 = arith.constant 0 : i32
      %dma_wait3A_329 = tpu.memref_slice %arg12[%scan3A_215, %dma_wait3A_327, %dma_wait3A_328] : memref<2x128x128xf32, #tpu.memory_space<vmem>> -> memref<1x128x128xf32, #tpu.memory_space<vmem>>
      %dma_wait3A_330 = tpu.memref_squeeze %dma_wait3A_329 : memref<1x128x128xf32, #tpu.memory_space<vmem>> -> memref<128x128xf32, #tpu.memory_space<vmem>>
      %dma_wait3A_331 = arith.constant 0 : i32
      %dma_wait3A_332 = arith.constant 0 : i32
      %dma_wait3A_333 = tpu.memref_slice %arg5[%dma_wait3A_331, %dma_wait3A_332] : memref<10112x128xf32, #tpu.memory_space<hbm>> -> memref<128x128xf32, #tpu.memory_space<hbm>>
      %dma_wait3A_334 = arith.constant 0 : i32
      %dma_wait3A_335 = arith.constant 0 : i32
      %dma_wait3A_336 = tpu.memref_slice %arg12[%scan3A_215, %dma_wait3A_334, %dma_wait3A_335] : memref<2x128x128xf32, #tpu.memory_space<vmem>> -> memref<1x128x128xf32, #tpu.memory_space<vmem>>
      %dma_wait3A_337 = tpu.memref_squeeze %dma_wait3A_336 : memref<1x128x128xf32, #tpu.memory_space<vmem>> -> memref<128x128xf32, #tpu.memory_space<vmem>>
      %dma_wait3A_338 = arith.constant 0 : i32
      %dma_wait3A_339 = arith.constant 0 : i32
      %dma_wait3A_340 = tpu.memref_slice %arg5[%dma_wait3A_338, %dma_wait3A_339] : memref<10112x128xf32, #tpu.memory_space<hbm>> -> memref<128x128xf32, #tpu.memory_space<hbm>>
      tpu.wait_dma2 semaphore(%arg15 : memref<!tpu.dma_semaphore, #tpu.memory_space<semaphore_mem>>) src(%dma_wait3A_340 : memref<128x128xf32, #tpu.memory_space<hbm>>) dst(%dma_wait3A_337 : memref<128x128xf32, #tpu.memory_space<vmem>>)
      %dma_wait3A_341 = arith.constant 0 : i32
      %dma_wait3A_342 = arith.constant 0 : i32
      %dma_wait3A_343 = tpu.memref_slice %arg12[%scan3A_215, %dma_wait3A_341, %dma_wait3A_342] : memref<2x128x128xf32, #tpu.memory_space<vmem>> -> memref<1x128x128xf32, #tpu.memory_space<vmem>>
      %dma_wait3A_344 = tpu.memref_squeeze %dma_wait3A_343 : memref<1x128x128xf32, #tpu.memory_space<vmem>> -> memref<128x128xf32, #tpu.memory_space<vmem>>
      %dma_wait3A_345 = arith.constant 0 : i32
      %dma_wait3A_346 = arith.constant 0 : i32
      %dma_wait3A_347 = tpu.memref_slice %arg5[%dma_wait3A_345, %dma_wait3A_346] : memref<10112x128xf32, #tpu.memory_space<hbm>> -> memref<128x128xf32, #tpu.memory_space<hbm>>
      %dma_wait3A_348 = arith.constant 0 : i32
      %dma_wait3A_349 = arith.constant 0 : i32
      %dma_wait3A_350 = tpu.memref_slice %arg12[%scan3A_215, %dma_wait3A_348, %dma_wait3A_349] : memref<2x128x128xf32, #tpu.memory_space<vmem>> -> memref<1x128x128xf32, #tpu.memory_space<vmem>>
      %dma_wait3A_351 = tpu.memref_squeeze %dma_wait3A_350 : memref<1x128x128xf32, #tpu.memory_space<vmem>> -> memref<128x128xf32, #tpu.memory_space<vmem>>
      %dma_wait3A_352 = arith.constant 0 : i32
      %dma_wait3A_353 = arith.constant 0 : i32
      %dma_wait3A_354 = tpu.memref_slice %arg5[%dma_wait3A_352, %dma_wait3A_353] : memref<10112x128xf32, #tpu.memory_space<hbm>> -> memref<128x128xf32, #tpu.memory_space<hbm>>
      tpu.wait_dma2 semaphore(%arg15 : memref<!tpu.dma_semaphore, #tpu.memory_space<semaphore_mem>>) src(%dma_wait3A_354 : memref<128x128xf32, #tpu.memory_space<hbm>>) dst(%dma_wait3A_351 : memref<128x128xf32, #tpu.memory_space<vmem>>)
      %mul3A_355 = arith.constant 2 : i32
      %mul3A_356 = arith.muli %mul3A_355, %scan3A_250 : i32
      %add3A_357 = arith.constant 1 : i32
      %add3A_358 = arith.addi %mul3A_356, %add3A_357 : i32
      %dma_wait3A_359 = arith.constant 2 : i32
      %dma_wait3A_360 = arith.constant 0 : i32
      %dma_wait3A_361 = tpu.memref_slice %arg11[%dma_wait3A_359, %dma_wait3A_360] : memref<4x128xi32, #tpu.memory_space<vmem>> -> memref<1x128xi32, #tpu.memory_space<vmem>>
      %dma_wait3A_362 = tpu.memref_squeeze %dma_wait3A_361 : memref<1x128xi32, #tpu.memory_space<vmem>> -> memref<128xi32, #tpu.memory_space<vmem>>
      %dma_wait3A_363 = tpu.memref_slice %arg3[%add3A] : memref<655872xi32, #tpu.memory_space<hbm>> -> memref<128xi32, #tpu.memory_space<hbm>>
      %dma_wait3A_364 = arith.constant 0 : i32
      %dma_wait3A_365 = tpu.memref_slice %arg11[%dma_wait3A_359, %dma_wait3A_364] : memref<4x128xi32, #tpu.memory_space<vmem>> -> memref<1x128xi32, #tpu.memory_space<vmem>>
      %dma_wait3A_366 = tpu.memref_squeeze %dma_wait3A_365 : memref<1x128xi32, #tpu.memory_space<vmem>> -> memref<128xi32, #tpu.memory_space<vmem>>
      %dma_wait3A_367 = tpu.memref_slice %arg3[%add3A] : memref<655872xi32, #tpu.memory_space<hbm>> -> memref<128xi32, #tpu.memory_space<hbm>>
      tpu.wait_dma2 semaphore(%arg13 : memref<!tpu.dma_semaphore, #tpu.memory_space<semaphore_mem>>) src(%dma_wait3A_367 : memref<128xi32, #tpu.memory_space<hbm>>) dst(%dma_wait3A_366 : memref<128xi32, #tpu.memory_space<vmem>>)
      %dma_wait3A_368 = arith.constant 3 : i32
      %dma_wait3A_369 = arith.constant 0 : i32
      %dma_wait3A_370 = tpu.memref_slice %arg11[%dma_wait3A_368, %dma_wait3A_369] : memref<4x128xi32, #tpu.memory_space<vmem>> -> memref<1x128xi32, #tpu.memory_space<vmem>>
      %dma_wait3A_371 = tpu.memref_squeeze %dma_wait3A_370 : memref<1x128xi32, #tpu.memory_space<vmem>> -> memref<128xi32, #tpu.memory_space<vmem>>
      %dma_wait3A_372 = tpu.memref_slice %arg3[%add3A] : memref<655872xi32, #tpu.memory_space<hbm>> -> memref<128xi32, #tpu.memory_space<hbm>>
      %dma_wait3A_373 = arith.constant 0 : i32
      %dma_wait3A_374 = tpu.memref_slice %arg11[%dma_wait3A_368, %dma_wait3A_373] : memref<4x128xi32, #tpu.memory_space<vmem>> -> memref<1x128xi32, #tpu.memory_space<vmem>>
      %dma_wait3A_375 = tpu.memref_squeeze %dma_wait3A_374 : memref<1x128xi32, #tpu.memory_space<vmem>> -> memref<128xi32, #tpu.memory_space<vmem>>
      %dma_wait3A_376 = tpu.memref_slice %arg3[%add3A] : memref<655872xi32, #tpu.memory_space<hbm>> -> memref<128xi32, #tpu.memory_space<hbm>>
      tpu.wait_dma2 semaphore(%arg13 : memref<!tpu.dma_semaphore, #tpu.memory_space<semaphore_mem>>) src(%dma_wait3A_376 : memref<128xi32, #tpu.memory_space<hbm>>) dst(%dma_wait3A_375 : memref<128xi32, #tpu.memory_space<vmem>>)
      %add3A_377 = arith.constant 1 : i32
      %add3A_378 = arith.addi %add3A_358, %add3A_377 : i32
      %mul3A_379 = arith.constant 2 : i32
      %mul3A_380 = arith.muli %add3A_378, %mul3A_379 : i32
      %add3A_381 = arith.constant 0 : i32
      %add3A_382 = arith.addi %mul3A_380, %add3A_381 : i32
      %mul3A_383 = arith.constant 128 : i32
      %mul3A_384 = arith.muli %add3A_382, %mul3A_383 : i32
      %add3A_385 = arith.addi %add3A, %mul3A_384 : i32
      %dma_start3A_386 = arith.constant 0 : i32
      %dma_start3A_387 = arith.constant 0 : i32
      %dma_start3A_388 = tpu.memref_slice %arg11[%dma_start3A_386, %dma_start3A_387] : memref<4x128xi32, #tpu.memory_space<vmem>> -> memref<1x128xi32, #tpu.memory_space<vmem>>
      %dma_start3A_389 = tpu.memref_squeeze %dma_start3A_388 : memref<1x128xi32, #tpu.memory_space<vmem>> -> memref<128xi32, #tpu.memory_space<vmem>>
      %dma_start3A_390 = tpu.memref_slice %arg3[%add3A_385] : memref<655872xi32, #tpu.memory_space<hbm>> -> memref<128xi32, #tpu.memory_space<hbm>>
      %dma_start3A_391 = arith.constant 0 : i32
      %dma_start3A_392 = tpu.memref_slice %arg11[%dma_start3A_386, %dma_start3A_391] : memref<4x128xi32, #tpu.memory_space<vmem>> -> memref<1x128xi32, #tpu.memory_space<vmem>>
      %dma_start3A_393 = tpu.memref_squeeze %dma_start3A_392 : memref<1x128xi32, #tpu.memory_space<vmem>> -> memref<128xi32, #tpu.memory_space<vmem>>
      %dma_start3A_394 = tpu.memref_slice %arg3[%add3A_385] : memref<655872xi32, #tpu.memory_space<hbm>> -> memref<128xi32, #tpu.memory_space<hbm>>
      tpu.enqueue_dma source(%dma_start3A_394 : memref<128xi32, #tpu.memory_space<hbm>>) target(%dma_start3A_393 : memref<128xi32, #tpu.memory_space<vmem>>) target_semaphore(%arg13 : memref<!tpu.dma_semaphore, #tpu.memory_space<semaphore_mem>>)
      %mul3A_395 = arith.constant 2 : i32
      %mul3A_396 = arith.muli %add3A_378, %mul3A_395 : i32
      %add3A_397 = arith.constant 1 : i32
      %add3A_398 = arith.addi %mul3A_396, %add3A_397 : i32
      %mul3A_399 = arith.constant 128 : i32
      %mul3A_400 = arith.muli %add3A_398, %mul3A_399 : i32
      %add3A_401 = arith.addi %add3A, %mul3A_400 : i32
      %dma_start3A_402 = arith.constant 1 : i32
      %dma_start3A_403 = arith.constant 0 : i32
      %dma_start3A_404 = tpu.memref_slice %arg11[%dma_start3A_402, %dma_start3A_403] : memref<4x128xi32, #tpu.memory_space<vmem>> -> memref<1x128xi32, #tpu.memory_space<vmem>>
      %dma_start3A_405 = tpu.memref_squeeze %dma_start3A_404 : memref<1x128xi32, #tpu.memory_space<vmem>> -> memref<128xi32, #tpu.memory_space<vmem>>
      %dma_start3A_406 = tpu.memref_slice %arg3[%add3A_401] : memref<655872xi32, #tpu.memory_space<hbm>> -> memref<128xi32, #tpu.memory_space<hbm>>
      %dma_start3A_407 = arith.constant 0 : i32
      %dma_start3A_408 = tpu.memref_slice %arg11[%dma_start3A_402, %dma_start3A_407] : memref<4x128xi32, #tpu.memory_space<vmem>> -> memref<1x128xi32, #tpu.memory_space<vmem>>
      %dma_start3A_409 = tpu.memref_squeeze %dma_start3A_408 : memref<1x128xi32, #tpu.memory_space<vmem>> -> memref<128xi32, #tpu.memory_space<vmem>>
      %dma_start3A_410 = tpu.memref_slice %arg3[%add3A_401] : memref<655872xi32, #tpu.memory_space<hbm>> -> memref<128xi32, #tpu.memory_space<hbm>>
      tpu.enqueue_dma source(%dma_start3A_410 : memref<128xi32, #tpu.memory_space<hbm>>) target(%dma_start3A_409 : memref<128xi32, #tpu.memory_space<vmem>>) target_semaphore(%arg13 : memref<!tpu.dma_semaphore, #tpu.memory_space<semaphore_mem>>)
      %dma_start3A_411 = arith.constant 2 : i32
      %dma_start3A_412 = arith.constant 0 : i32
      %dma_start3A_413 = arith.constant 0 : i32
      %dma_start3A_414 = tpu.memref_slice %arg12[%scan3A_215, %dma_start3A_412, %dma_start3A_413] : memref<2x128x128xf32, #tpu.memory_space<vmem>> -> memref<1x128x128xf32, #tpu.memory_space<vmem>>
      %dma_start3A_415 = tpu.memref_squeeze %dma_start3A_414 : memref<1x128x128xf32, #tpu.memory_space<vmem>> -> memref<128x128xf32, #tpu.memory_space<vmem>>
      %dma_start3A_416 = arith.constant 0 : i32
      %dma_start3A_417 = tpu.memref_slice %arg11[%dma_start3A_411, %dma_start3A_416] : memref<4x128xi32, #tpu.memory_space<vmem>> -> memref<1x128xi32, #tpu.memory_space<vmem>>
      %dma_start3A_418 = tpu.memref_squeeze %dma_start3A_417 : memref<1x128xi32, #tpu.memory_space<vmem>> -> memref<128xi32, #tpu.memory_space<vmem>>
      %dma_start3A_419 = arith.constant 0 : i32
      %dma_start3A_420 = arith.constant 0 : i32
      %dma_start3A_421 = tpu.memref_slice %arg9[%dma_start3A_419, %dma_start3A_420] : memref<10112x128xf32, #tpu.memory_space<vmem_shared>> -> memref<10112x128xf32, #tpu.memory_space<vmem_shared>>
      tpu.enqueue_indirect_dma source(%dma_start3A_415 : memref<128x128xf32, #tpu.memory_space<vmem>>) target(%dma_start3A_421 : memref<10112x128xf32, #tpu.memory_space<vmem_shared>>) offsets(%dma_start3A_418 : memref<128xi32, #tpu.memory_space<vmem>>) semaphore(%arg15 : memref<!tpu.dma_semaphore, #tpu.memory_space<semaphore_mem>>) {add = true}
      %dma_start3A_422 = arith.constant 3 : i32
      %dma_start3A_423 = arith.constant 0 : i32
      %dma_start3A_424 = arith.constant 0 : i32
      %dma_start3A_425 = tpu.memref_slice %arg12[%scan3A_215, %dma_start3A_423, %dma_start3A_424] : memref<2x128x128xf32, #tpu.memory_space<vmem>> -> memref<1x128x128xf32, #tpu.memory_space<vmem>>
      %dma_start3A_426 = tpu.memref_squeeze %dma_start3A_425 : memref<1x128x128xf32, #tpu.memory_space<vmem>> -> memref<128x128xf32, #tpu.memory_space<vmem>>
      %dma_start3A_427 = arith.constant 0 : i32
      %dma_start3A_428 = tpu.memref_slice %arg11[%dma_start3A_422, %dma_start3A_427] : memref<4x128xi32, #tpu.memory_space<vmem>> -> memref<1x128xi32, #tpu.memory_space<vmem>>
      %dma_start3A_429 = tpu.memref_squeeze %dma_start3A_428 : memref<1x128xi32, #tpu.memory_space<vmem>> -> memref<128xi32, #tpu.memory_space<vmem>>
      %dma_start3A_430 = arith.constant 0 : i32
      %dma_start3A_431 = arith.constant 0 : i32
      %dma_start3A_432 = tpu.memref_slice %arg9[%dma_start3A_430, %dma_start3A_431] : memref<10112x128xf32, #tpu.memory_space<vmem_shared>> -> memref<10112x128xf32, #tpu.memory_space<vmem_shared>>
      tpu.enqueue_indirect_dma source(%dma_start3A_426 : memref<128x128xf32, #tpu.memory_space<vmem>>) target(%dma_start3A_432 : memref<10112x128xf32, #tpu.memory_space<vmem_shared>>) offsets(%dma_start3A_429 : memref<128xi32, #tpu.memory_space<vmem>>) semaphore(%arg15 : memref<!tpu.dma_semaphore, #tpu.memory_space<semaphore_mem>>) {add = true}
      %dma_wait3A_433 = arith.constant 0 : i32
      %dma_wait3A_434 = arith.constant 0 : i32
      %dma_wait3A_435 = tpu.memref_slice %arg12[%scan3A_215, %dma_wait3A_433, %dma_wait3A_434] : memref<2x128x128xf32, #tpu.memory_space<vmem>> -> memref<1x128x128xf32, #tpu.memory_space<vmem>>
      %dma_wait3A_436 = tpu.memref_squeeze %dma_wait3A_435 : memref<1x128x128xf32, #tpu.memory_space<vmem>> -> memref<128x128xf32, #tpu.memory_space<vmem>>
      %dma_wait3A_437 = arith.constant 0 : i32
      %dma_wait3A_438 = arith.constant 0 : i32
      %dma_wait3A_439 = tpu.memref_slice %arg5[%dma_wait3A_437, %dma_wait3A_438] : memref<10112x128xf32, #tpu.memory_space<hbm>> -> memref<128x128xf32, #tpu.memory_space<hbm>>
      %dma_wait3A_440 = arith.constant 0 : i32
      %dma_wait3A_441 = arith.constant 0 : i32
      %dma_wait3A_442 = tpu.memref_slice %arg12[%scan3A_215, %dma_wait3A_440, %dma_wait3A_441] : memref<2x128x128xf32, #tpu.memory_space<vmem>> -> memref<1x128x128xf32, #tpu.memory_space<vmem>>
      %dma_wait3A_443 = tpu.memref_squeeze %dma_wait3A_442 : memref<1x128x128xf32, #tpu.memory_space<vmem>> -> memref<128x128xf32, #tpu.memory_space<vmem>>
      %dma_wait3A_444 = arith.constant 0 : i32
      %dma_wait3A_445 = arith.constant 0 : i32
      %dma_wait3A_446 = tpu.memref_slice %arg5[%dma_wait3A_444, %dma_wait3A_445] : memref<10112x128xf32, #tpu.memory_space<hbm>> -> memref<128x128xf32, #tpu.memory_space<hbm>>
      tpu.wait_dma2 semaphore(%arg15 : memref<!tpu.dma_semaphore, #tpu.memory_space<semaphore_mem>>) src(%dma_wait3A_446 : memref<128x128xf32, #tpu.memory_space<hbm>>) dst(%dma_wait3A_443 : memref<128x128xf32, #tpu.memory_space<vmem>>)
      %dma_wait3A_447 = arith.constant 0 : i32
      %dma_wait3A_448 = arith.constant 0 : i32
      %dma_wait3A_449 = tpu.memref_slice %arg12[%scan3A_215, %dma_wait3A_447, %dma_wait3A_448] : memref<2x128x128xf32, #tpu.memory_space<vmem>> -> memref<1x128x128xf32, #tpu.memory_space<vmem>>
      %dma_wait3A_450 = tpu.memref_squeeze %dma_wait3A_449 : memref<1x128x128xf32, #tpu.memory_space<vmem>> -> memref<128x128xf32, #tpu.memory_space<vmem>>
      %dma_wait3A_451 = arith.constant 0 : i32
      %dma_wait3A_452 = arith.constant 0 : i32
      %dma_wait3A_453 = tpu.memref_slice %arg5[%dma_wait3A_451, %dma_wait3A_452] : memref<10112x128xf32, #tpu.memory_space<hbm>> -> memref<128x128xf32, #tpu.memory_space<hbm>>
      %dma_wait3A_454 = arith.constant 0 : i32
      %dma_wait3A_455 = arith.constant 0 : i32
      %dma_wait3A_456 = tpu.memref_slice %arg12[%scan3A_215, %dma_wait3A_454, %dma_wait3A_455] : memref<2x128x128xf32, #tpu.memory_space<vmem>> -> memref<1x128x128xf32, #tpu.memory_space<vmem>>
      %dma_wait3A_457 = tpu.memref_squeeze %dma_wait3A_456 : memref<1x128x128xf32, #tpu.memory_space<vmem>> -> memref<128x128xf32, #tpu.memory_space<vmem>>
      %dma_wait3A_458 = arith.constant 0 : i32
      %dma_wait3A_459 = arith.constant 0 : i32
      %dma_wait3A_460 = tpu.memref_slice %arg5[%dma_wait3A_458, %dma_wait3A_459] : memref<10112x128xf32, #tpu.memory_space<hbm>> -> memref<128x128xf32, #tpu.memory_space<hbm>>
      tpu.wait_dma2 semaphore(%arg15 : memref<!tpu.dma_semaphore, #tpu.memory_space<semaphore_mem>>) src(%dma_wait3A_460 : memref<128x128xf32, #tpu.memory_space<hbm>>) dst(%dma_wait3A_457 : memref<128x128xf32, #tpu.memory_space<vmem>>)
    }
    %scan3A_220 = arith.constant 40 : i32
    %dma_wait3A_221 = arith.constant 0 : i32
    %dma_wait3A_222 = arith.constant 0 : i32
    %dma_wait3A_223 = tpu.memref_slice %arg11[%dma_wait3A_221, %dma_wait3A_222] : memref<4x128xi32, #tpu.memory_space<vmem>> -> memref<1x128xi32, #tpu.memory_space<vmem>>
    %dma_wait3A_224 = tpu.memref_squeeze %dma_wait3A_223 : memref<1x128xi32, #tpu.memory_space<vmem>> -> memref<128xi32, #tpu.memory_space<vmem>>
    %dma_wait3A_225 = tpu.memref_slice %arg3[%add3A] : memref<655872xi32, #tpu.memory_space<hbm>> -> memref<128xi32, #tpu.memory_space<hbm>>
    %dma_wait3A_226 = arith.constant 0 : i32
    %dma_wait3A_227 = tpu.memref_slice %arg11[%dma_wait3A_221, %dma_wait3A_226] : memref<4x128xi32, #tpu.memory_space<vmem>> -> memref<1x128xi32, #tpu.memory_space<vmem>>
    %dma_wait3A_228 = tpu.memref_squeeze %dma_wait3A_227 : memref<1x128xi32, #tpu.memory_space<vmem>> -> memref<128xi32, #tpu.memory_space<vmem>>
    %dma_wait3A_229 = tpu.memref_slice %arg3[%add3A] : memref<655872xi32, #tpu.memory_space<hbm>> -> memref<128xi32, #tpu.memory_space<hbm>>
    tpu.wait_dma2 semaphore(%arg13 : memref<!tpu.dma_semaphore, #tpu.memory_space<semaphore_mem>>) src(%dma_wait3A_229 : memref<128xi32, #tpu.memory_space<hbm>>) dst(%dma_wait3A_228 : memref<128xi32, #tpu.memory_space<vmem>>)
    %dma_wait3A_230 = arith.constant 1 : i32
    %dma_wait3A_231 = arith.constant 0 : i32
    %dma_wait3A_232 = tpu.memref_slice %arg11[%dma_wait3A_230, %dma_wait3A_231] : memref<4x128xi32, #tpu.memory_space<vmem>> -> memref<1x128xi32, #tpu.memory_space<vmem>>
    %dma_wait3A_233 = tpu.memref_squeeze %dma_wait3A_232 : memref<1x128xi32, #tpu.memory_space<vmem>> -> memref<128xi32, #tpu.memory_space<vmem>>
    %dma_wait3A_234 = tpu.memref_slice %arg3[%add3A] : memref<655872xi32, #tpu.memory_space<hbm>> -> memref<128xi32, #tpu.memory_space<hbm>>
    %dma_wait3A_235 = arith.constant 0 : i32
    %dma_wait3A_236 = tpu.memref_slice %arg11[%dma_wait3A_230, %dma_wait3A_235] : memref<4x128xi32, #tpu.memory_space<vmem>> -> memref<1x128xi32, #tpu.memory_space<vmem>>
    %dma_wait3A_237 = tpu.memref_squeeze %dma_wait3A_236 : memref<1x128xi32, #tpu.memory_space<vmem>> -> memref<128xi32, #tpu.memory_space<vmem>>
    %dma_wait3A_238 = tpu.memref_slice %arg3[%add3A] : memref<655872xi32, #tpu.memory_space<hbm>> -> memref<128xi32, #tpu.memory_space<hbm>>
    tpu.wait_dma2 semaphore(%arg13 : memref<!tpu.dma_semaphore, #tpu.memory_space<semaphore_mem>>) src(%dma_wait3A_238 : memref<128xi32, #tpu.memory_space<hbm>>) dst(%dma_wait3A_237 : memref<128xi32, #tpu.memory_space<vmem>>)
    %barrier3A_239 = arith.constant 0 : index
    tpu.barrier barrier_id(%barrier3A_239)
    %lt3A_240 = arith.constant 15 : i32
    %lt3A_241 = arith.cmpi slt, %arg1, %lt3A_240 : i32
    %convert_element_type3A_242 = arith.extui %lt3A_241 : i1 to i32
    %cond3A_243 = arith.constant 0 : i32
    %cond3A_244 = arith.cmpi ne, %convert_element_type3A_242, %cond3A_243 : i32
    scf.if %cond3A_244 {
      %mul3A_250 = arith.constant 632 : i32
      %mul3A_251 = arith.muli %arg1, %mul3A_250 : i32
      %mul3A_252 = arith.constant 632 : i32
      %mul3A_253 = arith.muli %arg1, %mul3A_252 : i32
      "tpu.region"() ({
        %run_scoped3A_254 = tpu.sem_alloc : memref<!tpu.dma_semaphore, #tpu.memory_space<semaphore_mem>>
        %dma_start3A_255 = arith.constant 0 : i32
        %dma_start3A_256 = arith.constant 0 : i32
        %dma_start3A_257 = tpu.memref_slice %arg8[%arg0, %dma_start3A_255, %dma_start3A_256] : memref<2x10000x128xf32, #tpu.memory_space<hbm>> -> memref<1x10000x128xf32, #tpu.memory_space<hbm>>
        %dma_start3A_258 = tpu.memref_squeeze %dma_start3A_257 : memref<1x10000x128xf32, #tpu.memory_space<hbm>> -> memref<10000x128xf32, #tpu.memory_space<hbm>>
        %dma_start3A_259 = arith.constant 0 : i32
        %dma_start3A_260 = tpu.memref_slice %dma_start3A_258[%mul3A_253, %dma_start3A_259] : memref<10000x128xf32, #tpu.memory_space<hbm>> -> memref<632x128xf32, #tpu.memory_space<hbm>>
        %dma_start3A_261 = arith.constant 0 : i32
        %dma_start3A_262 = tpu.memref_slice %arg9[%mul3A_251, %dma_start3A_261] : memref<10112x128xf32, #tpu.memory_space<vmem_shared>> -> memref<632x128xf32, #tpu.memory_space<vmem_shared>>
        tpu.enqueue_dma source(%dma_start3A_262 : memref<632x128xf32, #tpu.memory_space<vmem_shared>>) target(%dma_start3A_260 : memref<632x128xf32, #tpu.memory_space<hbm>>) target_semaphore(%run_scoped3A_254 : memref<!tpu.dma_semaphore, #tpu.memory_space<semaphore_mem>>)
        %dma_wait3A_263 = arith.constant 0 : i32
        %dma_wait3A_264 = arith.constant 0 : i32
        %dma_wait3A_265 = tpu.memref_slice %arg8[%arg0, %dma_wait3A_263, %dma_wait3A_264] : memref<2x10000x128xf32, #tpu.memory_space<hbm>> -> memref<1x10000x128xf32, #tpu.memory_space<hbm>>
        %dma_wait3A_266 = tpu.memref_squeeze %dma_wait3A_265 : memref<1x10000x128xf32, #tpu.memory_space<hbm>> -> memref<10000x128xf32, #tpu.memory_space<hbm>>
        %dma_wait3A_267 = arith.constant 0 : i32
        %dma_wait3A_268 = tpu.memref_slice %dma_wait3A_266[%mul3A_253, %dma_wait3A_267] : memref<10000x128xf32, #tpu.memory_space<hbm>> -> memref<632x128xf32, #tpu.memory_space<hbm>>
        %dma_wait3A_269 = arith.constant 0 : i32
        %dma_wait3A_270 = tpu.memref_slice %arg9[%mul3A_251, %dma_wait3A_269] : memref<10112x128xf32, #tpu.memory_space<vmem_shared>> -> memref<632x128xf32, #tpu.memory_space<vmem_shared>>
        tpu.wait_dma2 semaphore(%run_scoped3A_254 : memref<!tpu.dma_semaphore, #tpu.memory_space<semaphore_mem>>) src(%dma_wait3A_270 : memref<632x128xf32, #tpu.memory_space<vmem_shared>>) dst(%dma_wait3A_268 : memref<632x128xf32, #tpu.memory_space<hbm>>)
        tpu.yield
      }) : () -> ()
    } else {
    }
    %eq3A_245 = arith.constant 15 : i32
    %eq3A_246 = arith.cmpi eq, %arg1, %eq3A_245 : i32
    %convert_element_type3A_247 = arith.extui %eq3A_246 : i1 to i32
    %cond3A_248 = arith.constant 0 : i32
    %cond3A_249 = arith.cmpi ne, %convert_element_type3A_247, %cond3A_248 : i32
    scf.if %cond3A_249 {
      "tpu.region"() ({
        %run_scoped3A_250 = tpu.sem_alloc : memref<!tpu.dma_semaphore, #tpu.memory_space<semaphore_mem>>
        %dma_start3A_251 = arith.constant 0 : i32
        %dma_start3A_252 = arith.constant 0 : i32
        %dma_start3A_253 = tpu.memref_slice %arg8[%arg0, %dma_start3A_251, %dma_start3A_252] : memref<2x10000x128xf32, #tpu.memory_space<hbm>> -> memref<1x10000x128xf32, #tpu.memory_space<hbm>>
        %dma_start3A_254 = tpu.memref_squeeze %dma_start3A_253 : memref<1x10000x128xf32, #tpu.memory_space<hbm>> -> memref<10000x128xf32, #tpu.memory_space<hbm>>
        %dma_start3A_255 = arith.constant 9480 : i32
        %dma_start3A_256 = arith.constant 0 : i32
        %dma_start3A_257 = tpu.memref_slice %dma_start3A_254[%dma_start3A_255, %dma_start3A_256] : memref<10000x128xf32, #tpu.memory_space<hbm>> -> memref<520x128xf32, #tpu.memory_space<hbm>>
        %dma_start3A_258 = arith.constant 9480 : i32
        %dma_start3A_259 = arith.constant 0 : i32
        %dma_start3A_260 = tpu.memref_slice %arg9[%dma_start3A_258, %dma_start3A_259] : memref<10112x128xf32, #tpu.memory_space<vmem_shared>> -> memref<520x128xf32, #tpu.memory_space<vmem_shared>>
        tpu.enqueue_dma source(%dma_start3A_260 : memref<520x128xf32, #tpu.memory_space<vmem_shared>>) target(%dma_start3A_257 : memref<520x128xf32, #tpu.memory_space<hbm>>) target_semaphore(%run_scoped3A_250 : memref<!tpu.dma_semaphore, #tpu.memory_space<semaphore_mem>>)
        %dma_wait3A_261 = arith.constant 0 : i32
        %dma_wait3A_262 = arith.constant 0 : i32
        %dma_wait3A_263 = tpu.memref_slice %arg8[%arg0, %dma_wait3A_261, %dma_wait3A_262] : memref<2x10000x128xf32, #tpu.memory_space<hbm>> -> memref<1x10000x128xf32, #tpu.memory_space<hbm>>
        %dma_wait3A_264 = tpu.memref_squeeze %dma_wait3A_263 : memref<1x10000x128xf32, #tpu.memory_space<hbm>> -> memref<10000x128xf32, #tpu.memory_space<hbm>>
        %dma_wait3A_265 = arith.constant 9480 : i32
        %dma_wait3A_266 = arith.constant 0 : i32
        %dma_wait3A_267 = tpu.memref_slice %dma_wait3A_264[%dma_wait3A_265, %dma_wait3A_266] : memref<10000x128xf32, #tpu.memory_space<hbm>> -> memref<520x128xf32, #tpu.memory_space<hbm>>
        %dma_wait3A_268 = arith.constant 9480 : i32
        %dma_wait3A_269 = arith.constant 0 : i32
        %dma_wait3A_270 = tpu.memref_slice %arg9[%dma_wait3A_268, %dma_wait3A_269] : memref<10112x128xf32, #tpu.memory_space<vmem_shared>> -> memref<520x128xf32, #tpu.memory_space<vmem_shared>>
        tpu.wait_dma2 semaphore(%run_scoped3A_250 : memref<!tpu.dma_semaphore, #tpu.memory_space<semaphore_mem>>) src(%dma_wait3A_270 : memref<520x128xf32, #tpu.memory_space<vmem_shared>>) dst(%dma_wait3A_267 : memref<520x128xf32, #tpu.memory_space<hbm>>)
        tpu.yield
      }) : () -> ()
    } else {
    }
    return
  }
}

#map = affine_map<(d0, d1) -> (0)>
#map1 = affine_map<(d0, d1) -> (0, 0)>
#map2 = affine_map<(d0, d1) -> (0, 0, 0)>
module attributes {stable_mosaic.version = 14 : i64} {
  func.func @_sc_seg(%arg0: i32, %arg1: i32, %arg2: memref<655872xi32, #tpu.memory_space<hbm>>, %arg3: memref<655872xi32, #tpu.memory_space<hbm>>, %arg4: memref<20000x128xf32, #tpu.memory_space<hbm>>, %arg5: memref<10112x128xf32, #tpu.memory_space<hbm>>, %arg6: memref<2x10000x128xf32, #tpu.memory_space<hbm>>, %arg7: memref<10112x128xf32, #tpu.memory_space<vmem_shared>>, %arg8: memref<4x128xi32, #tpu.memory_space<vmem>>, %arg9: memref<4x128xi32, #tpu.memory_space<vmem>>, %arg10: memref<2x128x128xf32, #tpu.memory_space<vmem>>, %arg11: memref<!tpu.dma_semaphore, #tpu.memory_space<semaphore_mem>>, %arg12: memref<!tpu.dma_semaphore, #tpu.memory_space<semaphore_mem>>, %arg13: memref<!tpu.dma_semaphore, #tpu.memory_space<semaphore_mem>>) attributes {dimension_semantics = [#tpu.dimension_semantics<core_parallel>, #tpu.dimension_semantics<subcore_parallel>], iteration_bounds = array<i64: 2, 16>, scalar_prefetch = 0 : i64, scratch_operands = 7 : i64, tpu.core_type = #tpu.core_type<sc_vector_subcore>, window_params = [{transform_indices = #map}, {transform_indices = #map}, {transform_indices = #map1}, {transform_indices = #map1}, {transform_indices = #map2}]} {
    %mul3A = arith.constant 632 : i32
    %mul3A_0 = arith.muli %arg1, %mul3A : i32
    %mul3A_1 = arith.constant 632 : i32
    %mul3A_2 = arith.muli %arg1, %mul3A_1 : i32
    "tpu.region"() ({
      %run_scoped3A_185 = tpu.sem_alloc : memref<!tpu.dma_semaphore, #tpu.memory_space<semaphore_mem>>
      %dma_start3A_186 = arith.constant 0 : i32
      %dma_start3A_187 = tpu.memref_slice %arg7[%mul3A_2, %dma_start3A_186] : memref<10112x128xf32, #tpu.memory_space<vmem_shared>> -> memref<632x128xf32, #tpu.memory_space<vmem_shared>>
      %dma_start3A_188 = arith.constant 0 : i32
      %dma_start3A_189 = tpu.memref_slice %arg5[%mul3A_0, %dma_start3A_188] : memref<10112x128xf32, #tpu.memory_space<hbm>> -> memref<632x128xf32, #tpu.memory_space<hbm>>
      tpu.enqueue_dma source(%dma_start3A_189 : memref<632x128xf32, #tpu.memory_space<hbm>>) target(%dma_start3A_187 : memref<632x128xf32, #tpu.memory_space<vmem_shared>>) target_semaphore(%run_scoped3A_185 : memref<!tpu.dma_semaphore, #tpu.memory_space<semaphore_mem>>)
      %dma_wait3A_190 = arith.constant 0 : i32
      %dma_wait3A_191 = tpu.memref_slice %arg7[%mul3A_2, %dma_wait3A_190] : memref<10112x128xf32, #tpu.memory_space<vmem_shared>> -> memref<632x128xf32, #tpu.memory_space<vmem_shared>>
      %dma_wait3A_192 = arith.constant 0 : i32
      %dma_wait3A_193 = tpu.memref_slice %arg5[%mul3A_0, %dma_wait3A_192] : memref<10112x128xf32, #tpu.memory_space<hbm>> -> memref<632x128xf32, #tpu.memory_space<hbm>>
      tpu.wait_dma2 semaphore(%run_scoped3A_185 : memref<!tpu.dma_semaphore, #tpu.memory_space<semaphore_mem>>) src(%dma_wait3A_193 : memref<632x128xf32, #tpu.memory_space<hbm>>) dst(%dma_wait3A_191 : memref<632x128xf32, #tpu.memory_space<vmem_shared>>)
      tpu.yield
    }) : () -> ()
    %barrier3A = arith.constant 0 : index
    tpu.barrier barrier_id(%barrier3A)
    %mul3A_3 = arith.constant 327680 : i32
    %mul3A_4 = arith.muli %arg0, %mul3A_3 : i32
    %mul3A_5 = arith.constant 20480 : i32
    %mul3A_6 = arith.muli %arg1, %mul3A_5 : i32
    %add3A = arith.addi %mul3A_4, %mul3A_6 : i32
    %add3A_7 = arith.constant 0 : i32
    %add3A_8 = arith.addi %add3A, %add3A_7 : i32
    %dma_start3A = arith.constant 0 : i32
    %dma_start3A_9 = arith.constant 0 : i32
    %dma_start3A_10 = tpu.memref_slice %arg8[%dma_start3A, %dma_start3A_9] : memref<4x128xi32, #tpu.memory_space<vmem>> -> memref<1x128xi32, #tpu.memory_space<vmem>>
    %dma_start3A_11 = tpu.memref_squeeze %dma_start3A_10 : memref<1x128xi32, #tpu.memory_space<vmem>> -> memref<128xi32, #tpu.memory_space<vmem>>
    %dma_start3A_12 = tpu.memref_slice %arg2[%add3A_8] : memref<655872xi32, #tpu.memory_space<hbm>> -> memref<128xi32, #tpu.memory_space<hbm>>
    %dma_start3A_13 = arith.constant 0 : i32
    %dma_start3A_14 = tpu.memref_slice %arg8[%dma_start3A, %dma_start3A_13] : memref<4x128xi32, #tpu.memory_space<vmem>> -> memref<1x128xi32, #tpu.memory_space<vmem>>
    %dma_start3A_15 = tpu.memref_squeeze %dma_start3A_14 : memref<1x128xi32, #tpu.memory_space<vmem>> -> memref<128xi32, #tpu.memory_space<vmem>>
    %dma_start3A_16 = tpu.memref_slice %arg2[%add3A_8] : memref<655872xi32, #tpu.memory_space<hbm>> -> memref<128xi32, #tpu.memory_space<hbm>>
    tpu.enqueue_dma source(%dma_start3A_16 : memref<128xi32, #tpu.memory_space<hbm>>) target(%dma_start3A_15 : memref<128xi32, #tpu.memory_space<vmem>>) target_semaphore(%arg11 : memref<!tpu.dma_semaphore, #tpu.memory_space<semaphore_mem>>)
    %dma_start3A_17 = arith.constant 0 : i32
    %dma_start3A_18 = arith.constant 0 : i32
    %dma_start3A_19 = tpu.memref_slice %arg9[%dma_start3A_17, %dma_start3A_18] : memref<4x128xi32, #tpu.memory_space<vmem>> -> memref<1x128xi32, #tpu.memory_space<vmem>>
    %dma_start3A_20 = tpu.memref_squeeze %dma_start3A_19 : memref<1x128xi32, #tpu.memory_space<vmem>> -> memref<128xi32, #tpu.memory_space<vmem>>
    %dma_start3A_21 = tpu.memref_slice %arg3[%add3A_8] : memref<655872xi32, #tpu.memory_space<hbm>> -> memref<128xi32, #tpu.memory_space<hbm>>
    %dma_start3A_22 = arith.constant 0 : i32
    %dma_start3A_23 = tpu.memref_slice %arg9[%dma_start3A_17, %dma_start3A_22] : memref<4x128xi32, #tpu.memory_space<vmem>> -> memref<1x128xi32, #tpu.memory_space<vmem>>
    %dma_start3A_24 = tpu.memref_squeeze %dma_start3A_23 : memref<1x128xi32, #tpu.memory_space<vmem>> -> memref<128xi32, #tpu.memory_space<vmem>>
    %dma_start3A_25 = tpu.memref_slice %arg3[%add3A_8] : memref<655872xi32, #tpu.memory_space<hbm>> -> memref<128xi32, #tpu.memory_space<hbm>>
    tpu.enqueue_dma source(%dma_start3A_25 : memref<128xi32, #tpu.memory_space<hbm>>) target(%dma_start3A_24 : memref<128xi32, #tpu.memory_space<vmem>>) target_semaphore(%arg11 : memref<!tpu.dma_semaphore, #tpu.memory_space<semaphore_mem>>)
    %add3A_26 = arith.constant 128 : i32
    %add3A_27 = arith.addi %add3A, %add3A_26 : i32
    %dma_start3A_28 = arith.constant 1 : i32
    %dma_start3A_29 = arith.constant 0 : i32
    %dma_start3A_30 = tpu.memref_slice %arg8[%dma_start3A_28, %dma_start3A_29] : memref<4x128xi32, #tpu.memory_space<vmem>> -> memref<1x128xi32, #tpu.memory_space<vmem>>
    %dma_start3A_31 = tpu.memref_squeeze %dma_start3A_30 : memref<1x128xi32, #tpu.memory_space<vmem>> -> memref<128xi32, #tpu.memory_space<vmem>>
    %dma_start3A_32 = tpu.memref_slice %arg2[%add3A_27] : memref<655872xi32, #tpu.memory_space<hbm>> -> memref<128xi32, #tpu.memory_space<hbm>>
    %dma_start3A_33 = arith.constant 0 : i32
    %dma_start3A_34 = tpu.memref_slice %arg8[%dma_start3A_28, %dma_start3A_33] : memref<4x128xi32, #tpu.memory_space<vmem>> -> memref<1x128xi32, #tpu.memory_space<vmem>>
    %dma_start3A_35 = tpu.memref_squeeze %dma_start3A_34 : memref<1x128xi32, #tpu.memory_space<vmem>> -> memref<128xi32, #tpu.memory_space<vmem>>
    %dma_start3A_36 = tpu.memref_slice %arg2[%add3A_27] : memref<655872xi32, #tpu.memory_space<hbm>> -> memref<128xi32, #tpu.memory_space<hbm>>
    tpu.enqueue_dma source(%dma_start3A_36 : memref<128xi32, #tpu.memory_space<hbm>>) target(%dma_start3A_35 : memref<128xi32, #tpu.memory_space<vmem>>) target_semaphore(%arg11 : memref<!tpu.dma_semaphore, #tpu.memory_space<semaphore_mem>>)
    %dma_start3A_37 = arith.constant 1 : i32
    %dma_start3A_38 = arith.constant 0 : i32
    %dma_start3A_39 = tpu.memref_slice %arg9[%dma_start3A_37, %dma_start3A_38] : memref<4x128xi32, #tpu.memory_space<vmem>> -> memref<1x128xi32, #tpu.memory_space<vmem>>
    %dma_start3A_40 = tpu.memref_squeeze %dma_start3A_39 : memref<1x128xi32, #tpu.memory_space<vmem>> -> memref<128xi32, #tpu.memory_space<vmem>>
    %dma_start3A_41 = tpu.memref_slice %arg3[%add3A_27] : memref<655872xi32, #tpu.memory_space<hbm>> -> memref<128xi32, #tpu.memory_space<hbm>>
    %dma_start3A_42 = arith.constant 0 : i32
    %dma_start3A_43 = tpu.memref_slice %arg9[%dma_start3A_37, %dma_start3A_42] : memref<4x128xi32, #tpu.memory_space<vmem>> -> memref<1x128xi32, #tpu.memory_space<vmem>>
    %dma_start3A_44 = tpu.memref_squeeze %dma_start3A_43 : memref<1x128xi32, #tpu.memory_space<vmem>> -> memref<128xi32, #tpu.memory_space<vmem>>
    %dma_start3A_45 = tpu.memref_slice %arg3[%add3A_27] : memref<655872xi32, #tpu.memory_space<hbm>> -> memref<128xi32, #tpu.memory_space<hbm>>
    tpu.enqueue_dma source(%dma_start3A_45 : memref<128xi32, #tpu.memory_space<hbm>>) target(%dma_start3A_44 : memref<128xi32, #tpu.memory_space<vmem>>) target_semaphore(%arg11 : memref<!tpu.dma_semaphore, #tpu.memory_space<semaphore_mem>>)
    %add3A_46 = arith.constant 256 : i32
    %add3A_47 = arith.addi %add3A, %add3A_46 : i32
    %dma_start3A_48 = arith.constant 2 : i32
    %dma_start3A_49 = arith.constant 0 : i32
    %dma_start3A_50 = tpu.memref_slice %arg8[%dma_start3A_48, %dma_start3A_49] : memref<4x128xi32, #tpu.memory_space<vmem>> -> memref<1x128xi32, #tpu.memory_space<vmem>>
    %dma_start3A_51 = tpu.memref_squeeze %dma_start3A_50 : memref<1x128xi32, #tpu.memory_space<vmem>> -> memref<128xi32, #tpu.memory_space<vmem>>
    %dma_start3A_52 = tpu.memref_slice %arg2[%add3A_47] : memref<655872xi32, #tpu.memory_space<hbm>> -> memref<128xi32, #tpu.memory_space<hbm>>
    %dma_start3A_53 = arith.constant 0 : i32
    %dma_start3A_54 = tpu.memref_slice %arg8[%dma_start3A_48, %dma_start3A_53] : memref<4x128xi32, #tpu.memory_space<vmem>> -> memref<1x128xi32, #tpu.memory_space<vmem>>
    %dma_start3A_55 = tpu.memref_squeeze %dma_start3A_54 : memref<1x128xi32, #tpu.memory_space<vmem>> -> memref<128xi32, #tpu.memory_space<vmem>>
    %dma_start3A_56 = tpu.memref_slice %arg2[%add3A_47] : memref<655872xi32, #tpu.memory_space<hbm>> -> memref<128xi32, #tpu.memory_space<hbm>>
    tpu.enqueue_dma source(%dma_start3A_56 : memref<128xi32, #tpu.memory_space<hbm>>) target(%dma_start3A_55 : memref<128xi32, #tpu.memory_space<vmem>>) target_semaphore(%arg11 : memref<!tpu.dma_semaphore, #tpu.memory_space<semaphore_mem>>)
    %dma_start3A_57 = arith.constant 2 : i32
    %dma_start3A_58 = arith.constant 0 : i32
    %dma_start3A_59 = tpu.memref_slice %arg9[%dma_start3A_57, %dma_start3A_58] : memref<4x128xi32, #tpu.memory_space<vmem>> -> memref<1x128xi32, #tpu.memory_space<vmem>>
    %dma_start3A_60 = tpu.memref_squeeze %dma_start3A_59 : memref<1x128xi32, #tpu.memory_space<vmem>> -> memref<128xi32, #tpu.memory_space<vmem>>
    %dma_start3A_61 = tpu.memref_slice %arg3[%add3A_47] : memref<655872xi32, #tpu.memory_space<hbm>> -> memref<128xi32, #tpu.memory_space<hbm>>
    %dma_start3A_62 = arith.constant 0 : i32
    %dma_start3A_63 = tpu.memref_slice %arg9[%dma_start3A_57, %dma_start3A_62] : memref<4x128xi32, #tpu.memory_space<vmem>> -> memref<1x128xi32, #tpu.memory_space<vmem>>
    %dma_start3A_64 = tpu.memref_squeeze %dma_start3A_63 : memref<1x128xi32, #tpu.memory_space<vmem>> -> memref<128xi32, #tpu.memory_space<vmem>>
    %dma_start3A_65 = tpu.memref_slice %arg3[%add3A_47] : memref<655872xi32, #tpu.memory_space<hbm>> -> memref<128xi32, #tpu.memory_space<hbm>>
    tpu.enqueue_dma source(%dma_start3A_65 : memref<128xi32, #tpu.memory_space<hbm>>) target(%dma_start3A_64 : memref<128xi32, #tpu.memory_space<vmem>>) target_semaphore(%arg11 : memref<!tpu.dma_semaphore, #tpu.memory_space<semaphore_mem>>)
    %run_scoped3A = arith.constant 1 : i32
    "tpu.region"() ({
      %run_scoped3A_185 = tpu.sem_alloc : memref<!tpu.dma_semaphore, #tpu.memory_space<semaphore_mem>>
      %dma_start3A_186 = arith.constant 0 : i32
      %dma_start3A_187 = arith.constant 0 : i32
      %dma_start3A_188 = tpu.memref_slice %arg10[%run_scoped3A, %dma_start3A_186, %dma_start3A_187] : memref<2x128x128xf32, #tpu.memory_space<vmem>> -> memref<1x128x128xf32, #tpu.memory_space<vmem>>
      %dma_start3A_189 = tpu.memref_squeeze %dma_start3A_188 : memref<1x128x128xf32, #tpu.memory_space<vmem>> -> memref<128x128xf32, #tpu.memory_space<vmem>>
      %dma_start3A_190 = arith.constant 0 : i32
      %dma_start3A_191 = arith.constant 0 : i32
      %dma_start3A_192 = tpu.memref_slice %arg5[%dma_start3A_190, %dma_start3A_191] : memref<10112x128xf32, #tpu.memory_space<hbm>> -> memref<128x128xf32, #tpu.memory_space<hbm>>
      %dma_start3A_193 = arith.constant 0 : i32
      %dma_start3A_194 = arith.constant 0 : i32
      %dma_start3A_195 = tpu.memref_slice %arg10[%run_scoped3A, %dma_start3A_193, %dma_start3A_194] : memref<2x128x128xf32, #tpu.memory_space<vmem>> -> memref<1x128x128xf32, #tpu.memory_space<vmem>>
      %dma_start3A_196 = tpu.memref_squeeze %dma_start3A_195 : memref<1x128x128xf32, #tpu.memory_space<vmem>> -> memref<128x128xf32, #tpu.memory_space<vmem>>
      %dma_start3A_197 = arith.constant 0 : i32
      %dma_start3A_198 = arith.constant 0 : i32
      %dma_start3A_199 = tpu.memref_slice %arg5[%dma_start3A_197, %dma_start3A_198] : memref<10112x128xf32, #tpu.memory_space<hbm>> -> memref<128x128xf32, #tpu.memory_space<hbm>>
      tpu.enqueue_dma source(%dma_start3A_199 : memref<128x128xf32, #tpu.memory_space<hbm>>) target(%dma_start3A_196 : memref<128x128xf32, #tpu.memory_space<vmem>>) target_semaphore(%run_scoped3A_185 : memref<!tpu.dma_semaphore, #tpu.memory_space<semaphore_mem>>)
      %dma_wait3A_200 = arith.constant 0 : i32
      %dma_wait3A_201 = arith.constant 0 : i32
      %dma_wait3A_202 = tpu.memref_slice %arg10[%run_scoped3A, %dma_wait3A_200, %dma_wait3A_201] : memref<2x128x128xf32, #tpu.memory_space<vmem>> -> memref<1x128x128xf32, #tpu.memory_space<vmem>>
      %dma_wait3A_203 = tpu.memref_squeeze %dma_wait3A_202 : memref<1x128x128xf32, #tpu.memory_space<vmem>> -> memref<128x128xf32, #tpu.memory_space<vmem>>
      %dma_wait3A_204 = arith.constant 0 : i32
      %dma_wait3A_205 = arith.constant 0 : i32
      %dma_wait3A_206 = tpu.memref_slice %arg5[%dma_wait3A_204, %dma_wait3A_205] : memref<10112x128xf32, #tpu.memory_space<hbm>> -> memref<128x128xf32, #tpu.memory_space<hbm>>
      %dma_wait3A_207 = arith.constant 0 : i32
      %dma_wait3A_208 = arith.constant 0 : i32
      %dma_wait3A_209 = tpu.memref_slice %arg10[%run_scoped3A, %dma_wait3A_207, %dma_wait3A_208] : memref<2x128x128xf32, #tpu.memory_space<vmem>> -> memref<1x128x128xf32, #tpu.memory_space<vmem>>
      %dma_wait3A_210 = tpu.memref_squeeze %dma_wait3A_209 : memref<1x128x128xf32, #tpu.memory_space<vmem>> -> memref<128x128xf32, #tpu.memory_space<vmem>>
      %dma_wait3A_211 = arith.constant 0 : i32
      %dma_wait3A_212 = arith.constant 0 : i32
      %dma_wait3A_213 = tpu.memref_slice %arg5[%dma_wait3A_211, %dma_wait3A_212] : memref<10112x128xf32, #tpu.memory_space<hbm>> -> memref<128x128xf32, #tpu.memory_space<hbm>>
      tpu.wait_dma2 semaphore(%run_scoped3A_185 : memref<!tpu.dma_semaphore, #tpu.memory_space<semaphore_mem>>) src(%dma_wait3A_213 : memref<128x128xf32, #tpu.memory_space<hbm>>) dst(%dma_wait3A_210 : memref<128x128xf32, #tpu.memory_space<vmem>>)
      tpu.yield
    }) : () -> ()
    %dma_wait3A = arith.constant 0 : i32
    %dma_wait3A_66 = arith.constant 0 : i32
    %dma_wait3A_67 = tpu.memref_slice %arg8[%dma_wait3A, %dma_wait3A_66] : memref<4x128xi32, #tpu.memory_space<vmem>> -> memref<1x128xi32, #tpu.memory_space<vmem>>
    %dma_wait3A_68 = tpu.memref_squeeze %dma_wait3A_67 : memref<1x128xi32, #tpu.memory_space<vmem>> -> memref<128xi32, #tpu.memory_space<vmem>>
    %dma_wait3A_69 = tpu.memref_slice %arg2[%add3A] : memref<655872xi32, #tpu.memory_space<hbm>> -> memref<128xi32, #tpu.memory_space<hbm>>
    %dma_wait3A_70 = arith.constant 0 : i32
    %dma_wait3A_71 = tpu.memref_slice %arg8[%dma_wait3A, %dma_wait3A_70] : memref<4x128xi32, #tpu.memory_space<vmem>> -> memref<1x128xi32, #tpu.memory_space<vmem>>
    %dma_wait3A_72 = tpu.memref_squeeze %dma_wait3A_71 : memref<1x128xi32, #tpu.memory_space<vmem>> -> memref<128xi32, #tpu.memory_space<vmem>>
    %dma_wait3A_73 = tpu.memref_slice %arg2[%add3A] : memref<655872xi32, #tpu.memory_space<hbm>> -> memref<128xi32, #tpu.memory_space<hbm>>
    tpu.wait_dma2 semaphore(%arg11 : memref<!tpu.dma_semaphore, #tpu.memory_space<semaphore_mem>>) src(%dma_wait3A_73 : memref<128xi32, #tpu.memory_space<hbm>>) dst(%dma_wait3A_72 : memref<128xi32, #tpu.memory_space<vmem>>)
    %dma_wait3A_74 = arith.constant 0 : i32
    %dma_wait3A_75 = arith.constant 0 : i32
    %dma_wait3A_76 = tpu.memref_slice %arg9[%dma_wait3A_74, %dma_wait3A_75] : memref<4x128xi32, #tpu.memory_space<vmem>> -> memref<1x128xi32, #tpu.memory_space<vmem>>
    %dma_wait3A_77 = tpu.memref_squeeze %dma_wait3A_76 : memref<1x128xi32, #tpu.memory_space<vmem>> -> memref<128xi32, #tpu.memory_space<vmem>>
    %dma_wait3A_78 = tpu.memref_slice %arg3[%add3A] : memref<655872xi32, #tpu.memory_space<hbm>> -> memref<128xi32, #tpu.memory_space<hbm>>
    %dma_wait3A_79 = arith.constant 0 : i32
    %dma_wait3A_80 = tpu.memref_slice %arg9[%dma_wait3A_74, %dma_wait3A_79] : memref<4x128xi32, #tpu.memory_space<vmem>> -> memref<1x128xi32, #tpu.memory_space<vmem>>
    %dma_wait3A_81 = tpu.memref_squeeze %dma_wait3A_80 : memref<1x128xi32, #tpu.memory_space<vmem>> -> memref<128xi32, #tpu.memory_space<vmem>>
    %dma_wait3A_82 = tpu.memref_slice %arg3[%add3A] : memref<655872xi32, #tpu.memory_space<hbm>> -> memref<128xi32, #tpu.memory_space<hbm>>
    tpu.wait_dma2 semaphore(%arg11 : memref<!tpu.dma_semaphore, #tpu.memory_space<semaphore_mem>>) src(%dma_wait3A_82 : memref<128xi32, #tpu.memory_space<hbm>>) dst(%dma_wait3A_81 : memref<128xi32, #tpu.memory_space<vmem>>)
    %dma_start3A_83 = arith.constant 0 : i32
    %dma_start3A_84 = arith.constant 0 : i32
    %dma_start3A_85 = arith.constant 0 : i32
    %dma_start3A_86 = arith.constant 0 : i32
    %dma_start3A_87 = tpu.memref_slice %arg10[%dma_start3A_84, %dma_start3A_85, %dma_start3A_86] : memref<2x128x128xf32, #tpu.memory_space<vmem>> -> memref<1x128x128xf32, #tpu.memory_space<vmem>>
    %dma_start3A_88 = tpu.memref_squeeze %dma_start3A_87 : memref<1x128x128xf32, #tpu.memory_space<vmem>> -> memref<128x128xf32, #tpu.memory_space<vmem>>
    %dma_start3A_89 = arith.constant 0 : i32
    %dma_start3A_90 = tpu.memref_slice %arg8[%dma_start3A_83, %dma_start3A_89] : memref<4x128xi32, #tpu.memory_space<vmem>> -> memref<1x128xi32, #tpu.memory_space<vmem>>
    %dma_start3A_91 = tpu.memref_squeeze %dma_start3A_90 : memref<1x128xi32, #tpu.memory_space<vmem>> -> memref<128xi32, #tpu.memory_space<vmem>>
    %dma_start3A_92 = arith.constant 0 : i32
    %dma_start3A_93 = arith.constant 0 : i32
    %dma_start3A_94 = tpu.memref_slice %arg4[%dma_start3A_92, %dma_start3A_93] : memref<20000x128xf32, #tpu.memory_space<hbm>> -> memref<20000x128xf32, #tpu.memory_space<hbm>>
    tpu.enqueue_indirect_dma source(%dma_start3A_94 : memref<20000x128xf32, #tpu.memory_space<hbm>>) target(%dma_start3A_88 : memref<128x128xf32, #tpu.memory_space<vmem>>) offsets(%dma_start3A_91 : memref<128xi32, #tpu.memory_space<vmem>>) semaphore(%arg12 : memref<!tpu.dma_semaphore, #tpu.memory_space<semaphore_mem>>)
    %dma_start3A_95 = arith.constant 1 : i32
    %dma_start3A_96 = arith.constant 0 : i32
    %dma_start3A_97 = arith.constant 0 : i32
    %dma_start3A_98 = arith.constant 0 : i32
    %dma_start3A_99 = tpu.memref_slice %arg10[%dma_start3A_95, %dma_start3A_97, %dma_start3A_98] : memref<2x128x128xf32, #tpu.memory_space<vmem>> -> memref<1x128x128xf32, #tpu.memory_space<vmem>>
    %dma_start3A_100 = tpu.memref_squeeze %dma_start3A_99 : memref<1x128x128xf32, #tpu.memory_space<vmem>> -> memref<128x128xf32, #tpu.memory_space<vmem>>
    %dma_start3A_101 = arith.constant 0 : i32
    %dma_start3A_102 = tpu.memref_slice %arg9[%dma_start3A_96, %dma_start3A_101] : memref<4x128xi32, #tpu.memory_space<vmem>> -> memref<1x128xi32, #tpu.memory_space<vmem>>
    %dma_start3A_103 = tpu.memref_squeeze %dma_start3A_102 : memref<1x128xi32, #tpu.memory_space<vmem>> -> memref<128xi32, #tpu.memory_space<vmem>>
    %dma_start3A_104 = arith.constant 0 : i32
    %dma_start3A_105 = arith.constant 0 : i32
    %dma_start3A_106 = tpu.memref_slice %arg7[%dma_start3A_104, %dma_start3A_105] : memref<10112x128xf32, #tpu.memory_space<vmem_shared>> -> memref<10112x128xf32, #tpu.memory_space<vmem_shared>>
    tpu.enqueue_indirect_dma source(%dma_start3A_100 : memref<128x128xf32, #tpu.memory_space<vmem>>) target(%dma_start3A_106 : memref<10112x128xf32, #tpu.memory_space<vmem_shared>>) offsets(%dma_start3A_103 : memref<128xi32, #tpu.memory_space<vmem>>) semaphore(%arg13 : memref<!tpu.dma_semaphore, #tpu.memory_space<semaphore_mem>>) {add = true}
    %scan3A = arith.constant 0 : i32
    %scan3A_107 = arith.constant 0 : i32
    %scan3A_108 = arith.constant 40 : i32
    %scan3A_109 = arith.addi %scan3A_107, %scan3A_108 : i32
    %scan3A_110 = arith.constant 1 : i32
    scf.for %scan3A_185 = %scan3A_107 to %scan3A_109 step %scan3A_110  : i32 {
      %dma_wait3A_186 = arith.constant 0 : i32
      %dma_wait3A_187 = arith.constant 0 : i32
      %dma_wait3A_188 = arith.constant 0 : i32
      %dma_wait3A_189 = tpu.memref_slice %arg10[%dma_wait3A_186, %dma_wait3A_187, %dma_wait3A_188] : memref<2x128x128xf32, #tpu.memory_space<vmem>> -> memref<1x128x128xf32, #tpu.memory_space<vmem>>
      %dma_wait3A_190 = tpu.memref_squeeze %dma_wait3A_189 : memref<1x128x128xf32, #tpu.memory_space<vmem>> -> memref<128x128xf32, #tpu.memory_space<vmem>>
      %dma_wait3A_191 = arith.constant 0 : i32
      %dma_wait3A_192 = arith.constant 0 : i32
      %dma_wait3A_193 = tpu.memref_slice %arg4[%dma_wait3A_191, %dma_wait3A_192] : memref<20000x128xf32, #tpu.memory_space<hbm>> -> memref<128x128xf32, #tpu.memory_space<hbm>>
      %dma_wait3A_194 = arith.constant 0 : i32
      %dma_wait3A_195 = arith.constant 0 : i32
      %dma_wait3A_196 = tpu.memref_slice %arg10[%dma_wait3A_186, %dma_wait3A_194, %dma_wait3A_195] : memref<2x128x128xf32, #tpu.memory_space<vmem>> -> memref<1x128x128xf32, #tpu.memory_space<vmem>>
      %dma_wait3A_197 = tpu.memref_squeeze %dma_wait3A_196 : memref<1x128x128xf32, #tpu.memory_space<vmem>> -> memref<128x128xf32, #tpu.memory_space<vmem>>
      %dma_wait3A_198 = arith.constant 0 : i32
      %dma_wait3A_199 = arith.constant 0 : i32
      %dma_wait3A_200 = tpu.memref_slice %arg4[%dma_wait3A_198, %dma_wait3A_199] : memref<20000x128xf32, #tpu.memory_space<hbm>> -> memref<128x128xf32, #tpu.memory_space<hbm>>
      tpu.wait_dma2 semaphore(%arg12 : memref<!tpu.dma_semaphore, #tpu.memory_space<semaphore_mem>>) src(%dma_wait3A_200 : memref<128x128xf32, #tpu.memory_space<hbm>>) dst(%dma_wait3A_197 : memref<128x128xf32, #tpu.memory_space<vmem>>)
      %dma_start3A_201 = arith.constant 0 : i32
      %dma_start3A_202 = arith.constant 0 : i32
      %dma_start3A_203 = arith.constant 0 : i32
      %dma_start3A_204 = arith.constant 0 : i32
      %dma_start3A_205 = tpu.memref_slice %arg10[%dma_start3A_201, %dma_start3A_203, %dma_start3A_204] : memref<2x128x128xf32, #tpu.memory_space<vmem>> -> memref<1x128x128xf32, #tpu.memory_space<vmem>>
      %dma_start3A_206 = tpu.memref_squeeze %dma_start3A_205 : memref<1x128x128xf32, #tpu.memory_space<vmem>> -> memref<128x128xf32, #tpu.memory_space<vmem>>
      %dma_start3A_207 = arith.constant 0 : i32
      %dma_start3A_208 = tpu.memref_slice %arg9[%dma_start3A_202, %dma_start3A_207] : memref<4x128xi32, #tpu.memory_space<vmem>> -> memref<1x128xi32, #tpu.memory_space<vmem>>
      %dma_start3A_209 = tpu.memref_squeeze %dma_start3A_208 : memref<1x128xi32, #tpu.memory_space<vmem>> -> memref<128xi32, #tpu.memory_space<vmem>>
      %dma_start3A_210 = arith.constant 0 : i32
      %dma_start3A_211 = arith.constant 0 : i32
      %dma_start3A_212 = tpu.memref_slice %arg7[%dma_start3A_210, %dma_start3A_211] : memref<10112x128xf32, #tpu.memory_space<vmem_shared>> -> memref<10112x128xf32, #tpu.memory_space<vmem_shared>>
      tpu.enqueue_indirect_dma source(%dma_start3A_206 : memref<128x128xf32, #tpu.memory_space<vmem>>) target(%dma_start3A_212 : memref<10112x128xf32, #tpu.memory_space<vmem_shared>>) offsets(%dma_start3A_209 : memref<128xi32, #tpu.memory_space<vmem>>) semaphore(%arg13 : memref<!tpu.dma_semaphore, #tpu.memory_space<semaphore_mem>>) {add = true}
      %dma_wait3A_213 = arith.constant 1 : i32
      %dma_wait3A_214 = arith.constant 0 : i32
      %dma_wait3A_215 = arith.constant 0 : i32
      %dma_wait3A_216 = tpu.memref_slice %arg10[%dma_wait3A_213, %dma_wait3A_214, %dma_wait3A_215] : memref<2x128x128xf32, #tpu.memory_space<vmem>> -> memref<1x128x128xf32, #tpu.memory_space<vmem>>
      %dma_wait3A_217 = tpu.memref_squeeze %dma_wait3A_216 : memref<1x128x128xf32, #tpu.memory_space<vmem>> -> memref<128x128xf32, #tpu.memory_space<vmem>>
      %dma_wait3A_218 = arith.constant 0 : i32
      %dma_wait3A_219 = arith.constant 0 : i32
      %dma_wait3A_220 = tpu.memref_slice %arg4[%dma_wait3A_218, %dma_wait3A_219] : memref<20000x128xf32, #tpu.memory_space<hbm>> -> memref<128x128xf32, #tpu.memory_space<hbm>>
      %dma_wait3A_221 = arith.constant 0 : i32
      %dma_wait3A_222 = arith.constant 0 : i32
      %dma_wait3A_223 = tpu.memref_slice %arg10[%dma_wait3A_213, %dma_wait3A_221, %dma_wait3A_222] : memref<2x128x128xf32, #tpu.memory_space<vmem>> -> memref<1x128x128xf32, #tpu.memory_space<vmem>>
      %dma_wait3A_224 = tpu.memref_squeeze %dma_wait3A_223 : memref<1x128x128xf32, #tpu.memory_space<vmem>> -> memref<128x128xf32, #tpu.memory_space<vmem>>
      %dma_wait3A_225 = arith.constant 0 : i32
      %dma_wait3A_226 = arith.constant 0 : i32
      %dma_wait3A_227 = tpu.memref_slice %arg4[%dma_wait3A_225, %dma_wait3A_226] : memref<20000x128xf32, #tpu.memory_space<hbm>> -> memref<128x128xf32, #tpu.memory_space<hbm>>
      tpu.wait_dma2 semaphore(%arg13 : memref<!tpu.dma_semaphore, #tpu.memory_space<semaphore_mem>>) src(%dma_wait3A_227 : memref<128x128xf32, #tpu.memory_space<hbm>>) dst(%dma_wait3A_224 : memref<128x128xf32, #tpu.memory_space<vmem>>)
      %dma_wait3A_228 = arith.constant 1 : i32
      %dma_wait3A_229 = arith.constant 0 : i32
      %dma_wait3A_230 = tpu.memref_slice %arg8[%dma_wait3A_228, %dma_wait3A_229] : memref<4x128xi32, #tpu.memory_space<vmem>> -> memref<1x128xi32, #tpu.memory_space<vmem>>
      %dma_wait3A_231 = tpu.memref_squeeze %dma_wait3A_230 : memref<1x128xi32, #tpu.memory_space<vmem>> -> memref<128xi32, #tpu.memory_space<vmem>>
      %dma_wait3A_232 = tpu.memref_slice %arg2[%add3A] : memref<655872xi32, #tpu.memory_space<hbm>> -> memref<128xi32, #tpu.memory_space<hbm>>
      %dma_wait3A_233 = arith.constant 0 : i32
      %dma_wait3A_234 = tpu.memref_slice %arg8[%dma_wait3A_228, %dma_wait3A_233] : memref<4x128xi32, #tpu.memory_space<vmem>> -> memref<1x128xi32, #tpu.memory_space<vmem>>
      %dma_wait3A_235 = tpu.memref_squeeze %dma_wait3A_234 : memref<1x128xi32, #tpu.memory_space<vmem>> -> memref<128xi32, #tpu.memory_space<vmem>>
      %dma_wait3A_236 = tpu.memref_slice %arg2[%add3A] : memref<655872xi32, #tpu.memory_space<hbm>> -> memref<128xi32, #tpu.memory_space<hbm>>
      tpu.wait_dma2 semaphore(%arg11 : memref<!tpu.dma_semaphore, #tpu.memory_space<semaphore_mem>>) src(%dma_wait3A_236 : memref<128xi32, #tpu.memory_space<hbm>>) dst(%dma_wait3A_235 : memref<128xi32, #tpu.memory_space<vmem>>)
      %dma_wait3A_237 = arith.constant 1 : i32
      %dma_wait3A_238 = arith.constant 0 : i32
      %dma_wait3A_239 = tpu.memref_slice %arg9[%dma_wait3A_237, %dma_wait3A_238] : memref<4x128xi32, #tpu.memory_space<vmem>> -> memref<1x128xi32, #tpu.memory_space<vmem>>
      %dma_wait3A_240 = tpu.memref_squeeze %dma_wait3A_239 : memref<1x128xi32, #tpu.memory_space<vmem>> -> memref<128xi32, #tpu.memory_space<vmem>>
      %dma_wait3A_241 = tpu.memref_slice %arg3[%add3A] : memref<655872xi32, #tpu.memory_space<hbm>> -> memref<128xi32, #tpu.memory_space<hbm>>
      %dma_wait3A_242 = arith.constant 0 : i32
      %dma_wait3A_243 = tpu.memref_slice %arg9[%dma_wait3A_237, %dma_wait3A_242] : memref<4x128xi32, #tpu.memory_space<vmem>> -> memref<1x128xi32, #tpu.memory_space<vmem>>
      %dma_wait3A_244 = tpu.memref_squeeze %dma_wait3A_243 : memref<1x128xi32, #tpu.memory_space<vmem>> -> memref<128xi32, #tpu.memory_space<vmem>>
      %dma_wait3A_245 = tpu.memref_slice %arg3[%add3A] : memref<655872xi32, #tpu.memory_space<hbm>> -> memref<128xi32, #tpu.memory_space<hbm>>
      tpu.wait_dma2 semaphore(%arg11 : memref<!tpu.dma_semaphore, #tpu.memory_space<semaphore_mem>>) src(%dma_wait3A_245 : memref<128xi32, #tpu.memory_space<hbm>>) dst(%dma_wait3A_244 : memref<128xi32, #tpu.memory_space<vmem>>)
      %dma_start3A_246 = arith.constant 1 : i32
      %dma_start3A_247 = arith.constant 1 : i32
      %dma_start3A_248 = arith.constant 0 : i32
      %dma_start3A_249 = arith.constant 0 : i32
      %dma_start3A_250 = tpu.memref_slice %arg10[%dma_start3A_247, %dma_start3A_248, %dma_start3A_249] : memref<2x128x128xf32, #tpu.memory_space<vmem>> -> memref<1x128x128xf32, #tpu.memory_space<vmem>>
      %dma_start3A_251 = tpu.memref_squeeze %dma_start3A_250 : memref<1x128x128xf32, #tpu.memory_space<vmem>> -> memref<128x128xf32, #tpu.memory_space<vmem>>
      %dma_start3A_252 = arith.constant 0 : i32
      %dma_start3A_253 = tpu.memref_slice %arg8[%dma_start3A_246, %dma_start3A_252] : memref<4x128xi32, #tpu.memory_space<vmem>> -> memref<1x128xi32, #tpu.memory_space<vmem>>
      %dma_start3A_254 = tpu.memref_squeeze %dma_start3A_253 : memref<1x128xi32, #tpu.memory_space<vmem>> -> memref<128xi32, #tpu.memory_space<vmem>>
      %dma_start3A_255 = arith.constant 0 : i32
      %dma_start3A_256 = arith.constant 0 : i32
      %dma_start3A_257 = tpu.memref_slice %arg4[%dma_start3A_255, %dma_start3A_256] : memref<20000x128xf32, #tpu.memory_space<hbm>> -> memref<20000x128xf32, #tpu.memory_space<hbm>>
      tpu.enqueue_indirect_dma source(%dma_start3A_257 : memref<20000x128xf32, #tpu.memory_space<hbm>>) target(%dma_start3A_251 : memref<128x128xf32, #tpu.memory_space<vmem>>) offsets(%dma_start3A_254 : memref<128xi32, #tpu.memory_space<vmem>>) semaphore(%arg12 : memref<!tpu.dma_semaphore, #tpu.memory_space<semaphore_mem>>)
      %mul3A_258 = arith.constant 4 : i32
      %mul3A_259 = arith.muli %mul3A_258, %scan3A_185 : i32
      %add3A_260 = arith.constant 0 : i32
      %add3A_261 = arith.addi %mul3A_259, %add3A_260 : i32
      %add3A_262 = arith.constant 3 : i32
      %add3A_263 = arith.addi %add3A_261, %add3A_262 : i32
      %mul3A_264 = arith.constant 128 : i32
      %mul3A_265 = arith.muli %add3A_263, %mul3A_264 : i32
      %add3A_266 = arith.addi %add3A, %mul3A_265 : i32
      %dma_start3A_267 = arith.constant 3 : i32
      %dma_start3A_268 = arith.constant 0 : i32
      %dma_start3A_269 = tpu.memref_slice %arg8[%dma_start3A_267, %dma_start3A_268] : memref<4x128xi32, #tpu.memory_space<vmem>> -> memref<1x128xi32, #tpu.memory_space<vmem>>
      %dma_start3A_270 = tpu.memref_squeeze %dma_start3A_269 : memref<1x128xi32, #tpu.memory_space<vmem>> -> memref<128xi32, #tpu.memory_space<vmem>>
      %dma_start3A_271 = tpu.memref_slice %arg2[%add3A_266] : memref<655872xi32, #tpu.memory_space<hbm>> -> memref<128xi32, #tpu.memory_space<hbm>>
      %dma_start3A_272 = arith.constant 0 : i32
      %dma_start3A_273 = tpu.memref_slice %arg8[%dma_start3A_267, %dma_start3A_272] : memref<4x128xi32, #tpu.memory_space<vmem>> -> memref<1x128xi32, #tpu.memory_space<vmem>>
      %dma_start3A_274 = tpu.memref_squeeze %dma_start3A_273 : memref<1x128xi32, #tpu.memory_space<vmem>> -> memref<128xi32, #tpu.memory_space<vmem>>
      %dma_start3A_275 = tpu.memref_slice %arg2[%add3A_266] : memref<655872xi32, #tpu.memory_space<hbm>> -> memref<128xi32, #tpu.memory_space<hbm>>
      tpu.enqueue_dma source(%dma_start3A_275 : memref<128xi32, #tpu.memory_space<hbm>>) target(%dma_start3A_274 : memref<128xi32, #tpu.memory_space<vmem>>) target_semaphore(%arg11 : memref<!tpu.dma_semaphore, #tpu.memory_space<semaphore_mem>>)
      %dma_start3A_276 = arith.constant 3 : i32
      %dma_start3A_277 = arith.constant 0 : i32
      %dma_start3A_278 = tpu.memref_slice %arg9[%dma_start3A_276, %dma_start3A_277] : memref<4x128xi32, #tpu.memory_space<vmem>> -> memref<1x128xi32, #tpu.memory_space<vmem>>
      %dma_start3A_279 = tpu.memref_squeeze %dma_start3A_278 : memref<1x128xi32, #tpu.memory_space<vmem>> -> memref<128xi32, #tpu.memory_space<vmem>>
      %dma_start3A_280 = tpu.memref_slice %arg3[%add3A_266] : memref<655872xi32, #tpu.memory_space<hbm>> -> memref<128xi32, #tpu.memory_space<hbm>>
      %dma_start3A_281 = arith.constant 0 : i32
      %dma_start3A_282 = tpu.memref_slice %arg9[%dma_start3A_276, %dma_start3A_281] : memref<4x128xi32, #tpu.memory_space<vmem>> -> memref<1x128xi32, #tpu.memory_space<vmem>>
      %dma_start3A_283 = tpu.memref_squeeze %dma_start3A_282 : memref<1x128xi32, #tpu.memory_space<vmem>> -> memref<128xi32, #tpu.memory_space<vmem>>
      %dma_start3A_284 = tpu.memref_slice %arg3[%add3A_266] : memref<655872xi32, #tpu.memory_space<hbm>> -> memref<128xi32, #tpu.memory_space<hbm>>
      tpu.enqueue_dma source(%dma_start3A_284 : memref<128xi32, #tpu.memory_space<hbm>>) target(%dma_start3A_283 : memref<128xi32, #tpu.memory_space<vmem>>) target_semaphore(%arg11 : memref<!tpu.dma_semaphore, #tpu.memory_space<semaphore_mem>>)
      %dma_wait3A_285 = arith.constant 1 : i32
      %dma_wait3A_286 = arith.constant 0 : i32
      %dma_wait3A_287 = arith.constant 0 : i32
      %dma_wait3A_288 = tpu.memref_slice %arg10[%dma_wait3A_285, %dma_wait3A_286, %dma_wait3A_287] : memref<2x128x128xf32, #tpu.memory_space<vmem>> -> memref<1x128x128xf32, #tpu.memory_space<vmem>>
      %dma_wait3A_289 = tpu.memref_squeeze %dma_wait3A_288 : memref<1x128x128xf32, #tpu.memory_space<vmem>> -> memref<128x128xf32, #tpu.memory_space<vmem>>
      %dma_wait3A_290 = arith.constant 0 : i32
      %dma_wait3A_291 = arith.constant 0 : i32
      %dma_wait3A_292 = tpu.memref_slice %arg4[%dma_wait3A_290, %dma_wait3A_291] : memref<20000x128xf32, #tpu.memory_space<hbm>> -> memref<128x128xf32, #tpu.memory_space<hbm>>
      %dma_wait3A_293 = arith.constant 0 : i32
      %dma_wait3A_294 = arith.constant 0 : i32
      %dma_wait3A_295 = tpu.memref_slice %arg10[%dma_wait3A_285, %dma_wait3A_293, %dma_wait3A_294] : memref<2x128x128xf32, #tpu.memory_space<vmem>> -> memref<1x128x128xf32, #tpu.memory_space<vmem>>
      %dma_wait3A_296 = tpu.memref_squeeze %dma_wait3A_295 : memref<1x128x128xf32, #tpu.memory_space<vmem>> -> memref<128x128xf32, #tpu.memory_space<vmem>>
      %dma_wait3A_297 = arith.constant 0 : i32
      %dma_wait3A_298 = arith.constant 0 : i32
      %dma_wait3A_299 = tpu.memref_slice %arg4[%dma_wait3A_297, %dma_wait3A_298] : memref<20000x128xf32, #tpu.memory_space<hbm>> -> memref<128x128xf32, #tpu.memory_space<hbm>>
      tpu.wait_dma2 semaphore(%arg12 : memref<!tpu.dma_semaphore, #tpu.memory_space<semaphore_mem>>) src(%dma_wait3A_299 : memref<128x128xf32, #tpu.memory_space<hbm>>) dst(%dma_wait3A_296 : memref<128x128xf32, #tpu.memory_space<vmem>>)
      %dma_start3A_300 = arith.constant 1 : i32
      %dma_start3A_301 = arith.constant 1 : i32
      %dma_start3A_302 = arith.constant 0 : i32
      %dma_start3A_303 = arith.constant 0 : i32
      %dma_start3A_304 = tpu.memref_slice %arg10[%dma_start3A_300, %dma_start3A_302, %dma_start3A_303] : memref<2x128x128xf32, #tpu.memory_space<vmem>> -> memref<1x128x128xf32, #tpu.memory_space<vmem>>
      %dma_start3A_305 = tpu.memref_squeeze %dma_start3A_304 : memref<1x128x128xf32, #tpu.memory_space<vmem>> -> memref<128x128xf32, #tpu.memory_space<vmem>>
      %dma_start3A_306 = arith.constant 0 : i32
      %dma_start3A_307 = tpu.memref_slice %arg9[%dma_start3A_301, %dma_start3A_306] : memref<4x128xi32, #tpu.memory_space<vmem>> -> memref<1x128xi32, #tpu.memory_space<vmem>>
      %dma_start3A_308 = tpu.memref_squeeze %dma_start3A_307 : memref<1x128xi32, #tpu.memory_space<vmem>> -> memref<128xi32, #tpu.memory_space<vmem>>
      %dma_start3A_309 = arith.constant 0 : i32
      %dma_start3A_310 = arith.constant 0 : i32
      %dma_start3A_311 = tpu.memref_slice %arg7[%dma_start3A_309, %dma_start3A_310] : memref<10112x128xf32, #tpu.memory_space<vmem_shared>> -> memref<10112x128xf32, #tpu.memory_space<vmem_shared>>
      tpu.enqueue_indirect_dma source(%dma_start3A_305 : memref<128x128xf32, #tpu.memory_space<vmem>>) target(%dma_start3A_311 : memref<10112x128xf32, #tpu.memory_space<vmem_shared>>) offsets(%dma_start3A_308 : memref<128xi32, #tpu.memory_space<vmem>>) semaphore(%arg13 : memref<!tpu.dma_semaphore, #tpu.memory_space<semaphore_mem>>) {add = true}
      %dma_wait3A_312 = arith.constant 0 : i32
      %dma_wait3A_313 = arith.constant 0 : i32
      %dma_wait3A_314 = arith.constant 0 : i32
      %dma_wait3A_315 = tpu.memref_slice %arg10[%dma_wait3A_312, %dma_wait3A_313, %dma_wait3A_314] : memref<2x128x128xf32, #tpu.memory_space<vmem>> -> memref<1x128x128xf32, #tpu.memory_space<vmem>>
      %dma_wait3A_316 = tpu.memref_squeeze %dma_wait3A_315 : memref<1x128x128xf32, #tpu.memory_space<vmem>> -> memref<128x128xf32, #tpu.memory_space<vmem>>
      %dma_wait3A_317 = arith.constant 0 : i32
      %dma_wait3A_318 = arith.constant 0 : i32
      %dma_wait3A_319 = tpu.memref_slice %arg4[%dma_wait3A_317, %dma_wait3A_318] : memref<20000x128xf32, #tpu.memory_space<hbm>> -> memref<128x128xf32, #tpu.memory_space<hbm>>
      %dma_wait3A_320 = arith.constant 0 : i32
      %dma_wait3A_321 = arith.constant 0 : i32
      %dma_wait3A_322 = tpu.memref_slice %arg10[%dma_wait3A_312, %dma_wait3A_320, %dma_wait3A_321] : memref<2x128x128xf32, #tpu.memory_space<vmem>> -> memref<1x128x128xf32, #tpu.memory_space<vmem>>
      %dma_wait3A_323 = tpu.memref_squeeze %dma_wait3A_322 : memref<1x128x128xf32, #tpu.memory_space<vmem>> -> memref<128x128xf32, #tpu.memory_space<vmem>>
      %dma_wait3A_324 = arith.constant 0 : i32
      %dma_wait3A_325 = arith.constant 0 : i32
      %dma_wait3A_326 = tpu.memref_slice %arg4[%dma_wait3A_324, %dma_wait3A_325] : memref<20000x128xf32, #tpu.memory_space<hbm>> -> memref<128x128xf32, #tpu.memory_space<hbm>>
      tpu.wait_dma2 semaphore(%arg13 : memref<!tpu.dma_semaphore, #tpu.memory_space<semaphore_mem>>) src(%dma_wait3A_326 : memref<128x128xf32, #tpu.memory_space<hbm>>) dst(%dma_wait3A_323 : memref<128x128xf32, #tpu.memory_space<vmem>>)
      %dma_wait3A_327 = arith.constant 2 : i32
      %dma_wait3A_328 = arith.constant 0 : i32
      %dma_wait3A_329 = tpu.memref_slice %arg8[%dma_wait3A_327, %dma_wait3A_328] : memref<4x128xi32, #tpu.memory_space<vmem>> -> memref<1x128xi32, #tpu.memory_space<vmem>>
      %dma_wait3A_330 = tpu.memref_squeeze %dma_wait3A_329 : memref<1x128xi32, #tpu.memory_space<vmem>> -> memref<128xi32, #tpu.memory_space<vmem>>
      %dma_wait3A_331 = tpu.memref_slice %arg2[%add3A] : memref<655872xi32, #tpu.memory_space<hbm>> -> memref<128xi32, #tpu.memory_space<hbm>>
      %dma_wait3A_332 = arith.constant 0 : i32
      %dma_wait3A_333 = tpu.memref_slice %arg8[%dma_wait3A_327, %dma_wait3A_332] : memref<4x128xi32, #tpu.memory_space<vmem>> -> memref<1x128xi32, #tpu.memory_space<vmem>>
      %dma_wait3A_334 = tpu.memref_squeeze %dma_wait3A_333 : memref<1x128xi32, #tpu.memory_space<vmem>> -> memref<128xi32, #tpu.memory_space<vmem>>
      %dma_wait3A_335 = tpu.memref_slice %arg2[%add3A] : memref<655872xi32, #tpu.memory_space<hbm>> -> memref<128xi32, #tpu.memory_space<hbm>>
      tpu.wait_dma2 semaphore(%arg11 : memref<!tpu.dma_semaphore, #tpu.memory_space<semaphore_mem>>) src(%dma_wait3A_335 : memref<128xi32, #tpu.memory_space<hbm>>) dst(%dma_wait3A_334 : memref<128xi32, #tpu.memory_space<vmem>>)
      %dma_wait3A_336 = arith.constant 2 : i32
      %dma_wait3A_337 = arith.constant 0 : i32
      %dma_wait3A_338 = tpu.memref_slice %arg9[%dma_wait3A_336, %dma_wait3A_337] : memref<4x128xi32, #tpu.memory_space<vmem>> -> memref<1x128xi32, #tpu.memory_space<vmem>>
      %dma_wait3A_339 = tpu.memref_squeeze %dma_wait3A_338 : memref<1x128xi32, #tpu.memory_space<vmem>> -> memref<128xi32, #tpu.memory_space<vmem>>
      %dma_wait3A_340 = tpu.memref_slice %arg3[%add3A] : memref<655872xi32, #tpu.memory_space<hbm>> -> memref<128xi32, #tpu.memory_space<hbm>>
      %dma_wait3A_341 = arith.constant 0 : i32
      %dma_wait3A_342 = tpu.memref_slice %arg9[%dma_wait3A_336, %dma_wait3A_341] : memref<4x128xi32, #tpu.memory_space<vmem>> -> memref<1x128xi32, #tpu.memory_space<vmem>>
      %dma_wait3A_343 = tpu.memref_squeeze %dma_wait3A_342 : memref<1x128xi32, #tpu.memory_space<vmem>> -> memref<128xi32, #tpu.memory_space<vmem>>
      %dma_wait3A_344 = tpu.memref_slice %arg3[%add3A] : memref<655872xi32, #tpu.memory_space<hbm>> -> memref<128xi32, #tpu.memory_space<hbm>>
      tpu.wait_dma2 semaphore(%arg11 : memref<!tpu.dma_semaphore, #tpu.memory_space<semaphore_mem>>) src(%dma_wait3A_344 : memref<128xi32, #tpu.memory_space<hbm>>) dst(%dma_wait3A_343 : memref<128xi32, #tpu.memory_space<vmem>>)
      %dma_start3A_345 = arith.constant 2 : i32
      %dma_start3A_346 = arith.constant 0 : i32
      %dma_start3A_347 = arith.constant 0 : i32
      %dma_start3A_348 = arith.constant 0 : i32
      %dma_start3A_349 = tpu.memref_slice %arg10[%dma_start3A_346, %dma_start3A_347, %dma_start3A_348] : memref<2x128x128xf32, #tpu.memory_space<vmem>> -> memref<1x128x128xf32, #tpu.memory_space<vmem>>
      %dma_start3A_350 = tpu.memref_squeeze %dma_start3A_349 : memref<1x128x128xf32, #tpu.memory_space<vmem>> -> memref<128x128xf32, #tpu.memory_space<vmem>>
      %dma_start3A_351 = arith.constant 0 : i32
      %dma_start3A_352 = tpu.memref_slice %arg8[%dma_start3A_345, %dma_start3A_351] : memref<4x128xi32, #tpu.memory_space<vmem>> -> memref<1x128xi32, #tpu.memory_space<vmem>>
      %dma_start3A_353 = tpu.memref_squeeze %dma_start3A_352 : memref<1x128xi32, #tpu.memory_space<vmem>> -> memref<128xi32, #tpu.memory_space<vmem>>
      %dma_start3A_354 = arith.constant 0 : i32
      %dma_start3A_355 = arith.constant 0 : i32
      %dma_start3A_356 = tpu.memref_slice %arg4[%dma_start3A_354, %dma_start3A_355] : memref<20000x128xf32, #tpu.memory_space<hbm>> -> memref<20000x128xf32, #tpu.memory_space<hbm>>
      tpu.enqueue_indirect_dma source(%dma_start3A_356 : memref<20000x128xf32, #tpu.memory_space<hbm>>) target(%dma_start3A_350 : memref<128x128xf32, #tpu.memory_space<vmem>>) offsets(%dma_start3A_353 : memref<128xi32, #tpu.memory_space<vmem>>) semaphore(%arg12 : memref<!tpu.dma_semaphore, #tpu.memory_space<semaphore_mem>>)
      %mul3A_357 = arith.constant 4 : i32
      %mul3A_358 = arith.muli %mul3A_357, %scan3A_185 : i32
      %add3A_359 = arith.constant 1 : i32
      %add3A_360 = arith.addi %mul3A_358, %add3A_359 : i32
      %add3A_361 = arith.constant 3 : i32
      %add3A_362 = arith.addi %add3A_360, %add3A_361 : i32
      %mul3A_363 = arith.constant 128 : i32
      %mul3A_364 = arith.muli %add3A_362, %mul3A_363 : i32
      %add3A_365 = arith.addi %add3A, %mul3A_364 : i32
      %dma_start3A_366 = arith.constant 0 : i32
      %dma_start3A_367 = arith.constant 0 : i32
      %dma_start3A_368 = tpu.memref_slice %arg8[%dma_start3A_366, %dma_start3A_367] : memref<4x128xi32, #tpu.memory_space<vmem>> -> memref<1x128xi32, #tpu.memory_space<vmem>>
      %dma_start3A_369 = tpu.memref_squeeze %dma_start3A_368 : memref<1x128xi32, #tpu.memory_space<vmem>> -> memref<128xi32, #tpu.memory_space<vmem>>
      %dma_start3A_370 = tpu.memref_slice %arg2[%add3A_365] : memref<655872xi32, #tpu.memory_space<hbm>> -> memref<128xi32, #tpu.memory_space<hbm>>
      %dma_start3A_371 = arith.constant 0 : i32
      %dma_start3A_372 = tpu.memref_slice %arg8[%dma_start3A_366, %dma_start3A_371] : memref<4x128xi32, #tpu.memory_space<vmem>> -> memref<1x128xi32, #tpu.memory_space<vmem>>
      %dma_start3A_373 = tpu.memref_squeeze %dma_start3A_372 : memref<1x128xi32, #tpu.memory_space<vmem>> -> memref<128xi32, #tpu.memory_space<vmem>>
      %dma_start3A_374 = tpu.memref_slice %arg2[%add3A_365] : memref<655872xi32, #tpu.memory_space<hbm>> -> memref<128xi32, #tpu.memory_space<hbm>>
      tpu.enqueue_dma source(%dma_start3A_374 : memref<128xi32, #tpu.memory_space<hbm>>) target(%dma_start3A_373 : memref<128xi32, #tpu.memory_space<vmem>>) target_semaphore(%arg11 : memref<!tpu.dma_semaphore, #tpu.memory_space<semaphore_mem>>)
      %dma_start3A_375 = arith.constant 0 : i32
      %dma_start3A_376 = arith.constant 0 : i32
      %dma_start3A_377 = tpu.memref_slice %arg9[%dma_start3A_375, %dma_start3A_376] : memref<4x128xi32, #tpu.memory_space<vmem>> -> memref<1x128xi32, #tpu.memory_space<vmem>>
      %dma_start3A_378 = tpu.memref_squeeze %dma_start3A_377 : memref<1x128xi32, #tpu.memory_space<vmem>> -> memref<128xi32, #tpu.memory_space<vmem>>
      %dma_start3A_379 = tpu.memref_slice %arg3[%add3A_365] : memref<655872xi32, #tpu.memory_space<hbm>> -> memref<128xi32, #tpu.memory_space<hbm>>
      %dma_start3A_380 = arith.constant 0 : i32
      %dma_start3A_381 = tpu.memref_slice %arg9[%dma_start3A_375, %dma_start3A_380] : memref<4x128xi32, #tpu.memory_space<vmem>> -> memref<1x128xi32, #tpu.memory_space<vmem>>
      %dma_start3A_382 = tpu.memref_squeeze %dma_start3A_381 : memref<1x128xi32, #tpu.memory_space<vmem>> -> memref<128xi32, #tpu.memory_space<vmem>>
      %dma_start3A_383 = tpu.memref_slice %arg3[%add3A_365] : memref<655872xi32, #tpu.memory_space<hbm>> -> memref<128xi32, #tpu.memory_space<hbm>>
      tpu.enqueue_dma source(%dma_start3A_383 : memref<128xi32, #tpu.memory_space<hbm>>) target(%dma_start3A_382 : memref<128xi32, #tpu.memory_space<vmem>>) target_semaphore(%arg11 : memref<!tpu.dma_semaphore, #tpu.memory_space<semaphore_mem>>)
      %dma_wait3A_384 = arith.constant 0 : i32
      %dma_wait3A_385 = arith.constant 0 : i32
      %dma_wait3A_386 = arith.constant 0 : i32
      %dma_wait3A_387 = tpu.memref_slice %arg10[%dma_wait3A_384, %dma_wait3A_385, %dma_wait3A_386] : memref<2x128x128xf32, #tpu.memory_space<vmem>> -> memref<1x128x128xf32, #tpu.memory_space<vmem>>
      %dma_wait3A_388 = tpu.memref_squeeze %dma_wait3A_387 : memref<1x128x128xf32, #tpu.memory_space<vmem>> -> memref<128x128xf32, #tpu.memory_space<vmem>>
      %dma_wait3A_389 = arith.constant 0 : i32
      %dma_wait3A_390 = arith.constant 0 : i32
      %dma_wait3A_391 = tpu.memref_slice %arg4[%dma_wait3A_389, %dma_wait3A_390] : memref<20000x128xf32, #tpu.memory_space<hbm>> -> memref<128x128xf32, #tpu.memory_space<hbm>>
      %dma_wait3A_392 = arith.constant 0 : i32
      %dma_wait3A_393 = arith.constant 0 : i32
      %dma_wait3A_394 = tpu.memref_slice %arg10[%dma_wait3A_384, %dma_wait3A_392, %dma_wait3A_393] : memref<2x128x128xf32, #tpu.memory_space<vmem>> -> memref<1x128x128xf32, #tpu.memory_space<vmem>>
      %dma_wait3A_395 = tpu.memref_squeeze %dma_wait3A_394 : memref<1x128x128xf32, #tpu.memory_space<vmem>> -> memref<128x128xf32, #tpu.memory_space<vmem>>
      %dma_wait3A_396 = arith.constant 0 : i32
      %dma_wait3A_397 = arith.constant 0 : i32
      %dma_wait3A_398 = tpu.memref_slice %arg4[%dma_wait3A_396, %dma_wait3A_397] : memref<20000x128xf32, #tpu.memory_space<hbm>> -> memref<128x128xf32, #tpu.memory_space<hbm>>
      tpu.wait_dma2 semaphore(%arg12 : memref<!tpu.dma_semaphore, #tpu.memory_space<semaphore_mem>>) src(%dma_wait3A_398 : memref<128x128xf32, #tpu.memory_space<hbm>>) dst(%dma_wait3A_395 : memref<128x128xf32, #tpu.memory_space<vmem>>)
      %dma_start3A_399 = arith.constant 0 : i32
      %dma_start3A_400 = arith.constant 2 : i32
      %dma_start3A_401 = arith.constant 0 : i32
      %dma_start3A_402 = arith.constant 0 : i32
      %dma_start3A_403 = tpu.memref_slice %arg10[%dma_start3A_399, %dma_start3A_401, %dma_start3A_402] : memref<2x128x128xf32, #tpu.memory_space<vmem>> -> memref<1x128x128xf32, #tpu.memory_space<vmem>>
      %dma_start3A_404 = tpu.memref_squeeze %dma_start3A_403 : memref<1x128x128xf32, #tpu.memory_space<vmem>> -> memref<128x128xf32, #tpu.memory_space<vmem>>
      %dma_start3A_405 = arith.constant 0 : i32
      %dma_start3A_406 = tpu.memref_slice %arg9[%dma_start3A_400, %dma_start3A_405] : memref<4x128xi32, #tpu.memory_space<vmem>> -> memref<1x128xi32, #tpu.memory_space<vmem>>
      %dma_start3A_407 = tpu.memref_squeeze %dma_start3A_406 : memref<1x128xi32, #tpu.memory_space<vmem>> -> memref<128xi32, #tpu.memory_space<vmem>>
      %dma_start3A_408 = arith.constant 0 : i32
      %dma_start3A_409 = arith.constant 0 : i32
      %dma_start3A_410 = tpu.memref_slice %arg7[%dma_start3A_408, %dma_start3A_409] : memref<10112x128xf32, #tpu.memory_space<vmem_shared>> -> memref<10112x128xf32, #tpu.memory_space<vmem_shared>>
      tpu.enqueue_indirect_dma source(%dma_start3A_404 : memref<128x128xf32, #tpu.memory_space<vmem>>) target(%dma_start3A_410 : memref<10112x128xf32, #tpu.memory_space<vmem_shared>>) offsets(%dma_start3A_407 : memref<128xi32, #tpu.memory_space<vmem>>) semaphore(%arg13 : memref<!tpu.dma_semaphore, #tpu.memory_space<semaphore_mem>>) {add = true}
      %dma_wait3A_411 = arith.constant 1 : i32
      %dma_wait3A_412 = arith.constant 0 : i32
      %dma_wait3A_413 = arith.constant 0 : i32
      %dma_wait3A_414 = tpu.memref_slice %arg10[%dma_wait3A_411, %dma_wait3A_412, %dma_wait3A_413] : memref<2x128x128xf32, #tpu.memory_space<vmem>> -> memref<1x128x128xf32, #tpu.memory_space<vmem>>
      %dma_wait3A_415 = tpu.memref_squeeze %dma_wait3A_414 : memref<1x128x128xf32, #tpu.memory_space<vmem>> -> memref<128x128xf32, #tpu.memory_space<vmem>>
      %dma_wait3A_416 = arith.constant 0 : i32
      %dma_wait3A_417 = arith.constant 0 : i32
      %dma_wait3A_418 = tpu.memref_slice %arg4[%dma_wait3A_416, %dma_wait3A_417] : memref<20000x128xf32, #tpu.memory_space<hbm>> -> memref<128x128xf32, #tpu.memory_space<hbm>>
      %dma_wait3A_419 = arith.constant 0 : i32
      %dma_wait3A_420 = arith.constant 0 : i32
      %dma_wait3A_421 = tpu.memref_slice %arg10[%dma_wait3A_411, %dma_wait3A_419, %dma_wait3A_420] : memref<2x128x128xf32, #tpu.memory_space<vmem>> -> memref<1x128x128xf32, #tpu.memory_space<vmem>>
      %dma_wait3A_422 = tpu.memref_squeeze %dma_wait3A_421 : memref<1x128x128xf32, #tpu.memory_space<vmem>> -> memref<128x128xf32, #tpu.memory_space<vmem>>
      %dma_wait3A_423 = arith.constant 0 : i32
      %dma_wait3A_424 = arith.constant 0 : i32
      %dma_wait3A_425 = tpu.memref_slice %arg4[%dma_wait3A_423, %dma_wait3A_424] : memref<20000x128xf32, #tpu.memory_space<hbm>> -> memref<128x128xf32, #tpu.memory_space<hbm>>
      tpu.wait_dma2 semaphore(%arg13 : memref<!tpu.dma_semaphore, #tpu.memory_space<semaphore_mem>>) src(%dma_wait3A_425 : memref<128x128xf32, #tpu.memory_space<hbm>>) dst(%dma_wait3A_422 : memref<128x128xf32, #tpu.memory_space<vmem>>)
      %dma_wait3A_426 = arith.constant 3 : i32
      %dma_wait3A_427 = arith.constant 0 : i32
      %dma_wait3A_428 = tpu.memref_slice %arg8[%dma_wait3A_426, %dma_wait3A_427] : memref<4x128xi32, #tpu.memory_space<vmem>> -> memref<1x128xi32, #tpu.memory_space<vmem>>
      %dma_wait3A_429 = tpu.memref_squeeze %dma_wait3A_428 : memref<1x128xi32, #tpu.memory_space<vmem>> -> memref<128xi32, #tpu.memory_space<vmem>>
      %dma_wait3A_430 = tpu.memref_slice %arg2[%add3A] : memref<655872xi32, #tpu.memory_space<hbm>> -> memref<128xi32, #tpu.memory_space<hbm>>
      %dma_wait3A_431 = arith.constant 0 : i32
      %dma_wait3A_432 = tpu.memref_slice %arg8[%dma_wait3A_426, %dma_wait3A_431] : memref<4x128xi32, #tpu.memory_space<vmem>> -> memref<1x128xi32, #tpu.memory_space<vmem>>
      %dma_wait3A_433 = tpu.memref_squeeze %dma_wait3A_432 : memref<1x128xi32, #tpu.memory_space<vmem>> -> memref<128xi32, #tpu.memory_space<vmem>>
      %dma_wait3A_434 = tpu.memref_slice %arg2[%add3A] : memref<655872xi32, #tpu.memory_space<hbm>> -> memref<128xi32, #tpu.memory_space<hbm>>
      tpu.wait_dma2 semaphore(%arg11 : memref<!tpu.dma_semaphore, #tpu.memory_space<semaphore_mem>>) src(%dma_wait3A_434 : memref<128xi32, #tpu.memory_space<hbm>>) dst(%dma_wait3A_433 : memref<128xi32, #tpu.memory_space<vmem>>)
      %dma_wait3A_435 = arith.constant 3 : i32
      %dma_wait3A_436 = arith.constant 0 : i32
      %dma_wait3A_437 = tpu.memref_slice %arg9[%dma_wait3A_435, %dma_wait3A_436] : memref<4x128xi32, #tpu.memory_space<vmem>> -> memref<1x128xi32, #tpu.memory_space<vmem>>
      %dma_wait3A_438 = tpu.memref_squeeze %dma_wait3A_437 : memref<1x128xi32, #tpu.memory_space<vmem>> -> memref<128xi32, #tpu.memory_space<vmem>>
      %dma_wait3A_439 = tpu.memref_slice %arg3[%add3A] : memref<655872xi32, #tpu.memory_space<hbm>> -> memref<128xi32, #tpu.memory_space<hbm>>
      %dma_wait3A_440 = arith.constant 0 : i32
      %dma_wait3A_441 = tpu.memref_slice %arg9[%dma_wait3A_435, %dma_wait3A_440] : memref<4x128xi32, #tpu.memory_space<vmem>> -> memref<1x128xi32, #tpu.memory_space<vmem>>
      %dma_wait3A_442 = tpu.memref_squeeze %dma_wait3A_441 : memref<1x128xi32, #tpu.memory_space<vmem>> -> memref<128xi32, #tpu.memory_space<vmem>>
      %dma_wait3A_443 = tpu.memref_slice %arg3[%add3A] : memref<655872xi32, #tpu.memory_space<hbm>> -> memref<128xi32, #tpu.memory_space<hbm>>
      tpu.wait_dma2 semaphore(%arg11 : memref<!tpu.dma_semaphore, #tpu.memory_space<semaphore_mem>>) src(%dma_wait3A_443 : memref<128xi32, #tpu.memory_space<hbm>>) dst(%dma_wait3A_442 : memref<128xi32, #tpu.memory_space<vmem>>)
      %dma_start3A_444 = arith.constant 3 : i32
      %dma_start3A_445 = arith.constant 1 : i32
      %dma_start3A_446 = arith.constant 0 : i32
      %dma_start3A_447 = arith.constant 0 : i32
      %dma_start3A_448 = tpu.memref_slice %arg10[%dma_start3A_445, %dma_start3A_446, %dma_start3A_447] : memref<2x128x128xf32, #tpu.memory_space<vmem>> -> memref<1x128x128xf32, #tpu.memory_space<vmem>>
      %dma_start3A_449 = tpu.memref_squeeze %dma_start3A_448 : memref<1x128x128xf32, #tpu.memory_space<vmem>> -> memref<128x128xf32, #tpu.memory_space<vmem>>
      %dma_start3A_450 = arith.constant 0 : i32
      %dma_start3A_451 = tpu.memref_slice %arg8[%dma_start3A_444, %dma_start3A_450] : memref<4x128xi32, #tpu.memory_space<vmem>> -> memref<1x128xi32, #tpu.memory_space<vmem>>
      %dma_start3A_452 = tpu.memref_squeeze %dma_start3A_451 : memref<1x128xi32, #tpu.memory_space<vmem>> -> memref<128xi32, #tpu.memory_space<vmem>>
      %dma_start3A_453 = arith.constant 0 : i32
      %dma_start3A_454 = arith.constant 0 : i32
      %dma_start3A_455 = tpu.memref_slice %arg4[%dma_start3A_453, %dma_start3A_454] : memref<20000x128xf32, #tpu.memory_space<hbm>> -> memref<20000x128xf32, #tpu.memory_space<hbm>>
      tpu.enqueue_indirect_dma source(%dma_start3A_455 : memref<20000x128xf32, #tpu.memory_space<hbm>>) target(%dma_start3A_449 : memref<128x128xf32, #tpu.memory_space<vmem>>) offsets(%dma_start3A_452 : memref<128xi32, #tpu.memory_space<vmem>>) semaphore(%arg12 : memref<!tpu.dma_semaphore, #tpu.memory_space<semaphore_mem>>)
      %mul3A_456 = arith.constant 4 : i32
      %mul3A_457 = arith.muli %mul3A_456, %scan3A_185 : i32
      %add3A_458 = arith.constant 2 : i32
      %add3A_459 = arith.addi %mul3A_457, %add3A_458 : i32
      %add3A_460 = arith.constant 3 : i32
      %add3A_461 = arith.addi %add3A_459, %add3A_460 : i32
      %mul3A_462 = arith.constant 128 : i32
      %mul3A_463 = arith.muli %add3A_461, %mul3A_462 : i32
      %add3A_464 = arith.addi %add3A, %mul3A_463 : i32
      %dma_start3A_465 = arith.constant 1 : i32
      %dma_start3A_466 = arith.constant 0 : i32
      %dma_start3A_467 = tpu.memref_slice %arg8[%dma_start3A_465, %dma_start3A_466] : memref<4x128xi32, #tpu.memory_space<vmem>> -> memref<1x128xi32, #tpu.memory_space<vmem>>
      %dma_start3A_468 = tpu.memref_squeeze %dma_start3A_467 : memref<1x128xi32, #tpu.memory_space<vmem>> -> memref<128xi32, #tpu.memory_space<vmem>>
      %dma_start3A_469 = tpu.memref_slice %arg2[%add3A_464] : memref<655872xi32, #tpu.memory_space<hbm>> -> memref<128xi32, #tpu.memory_space<hbm>>
      %dma_start3A_470 = arith.constant 0 : i32
      %dma_start3A_471 = tpu.memref_slice %arg8[%dma_start3A_465, %dma_start3A_470] : memref<4x128xi32, #tpu.memory_space<vmem>> -> memref<1x128xi32, #tpu.memory_space<vmem>>
      %dma_start3A_472 = tpu.memref_squeeze %dma_start3A_471 : memref<1x128xi32, #tpu.memory_space<vmem>> -> memref<128xi32, #tpu.memory_space<vmem>>
      %dma_start3A_473 = tpu.memref_slice %arg2[%add3A_464] : memref<655872xi32, #tpu.memory_space<hbm>> -> memref<128xi32, #tpu.memory_space<hbm>>
      tpu.enqueue_dma source(%dma_start3A_473 : memref<128xi32, #tpu.memory_space<hbm>>) target(%dma_start3A_472 : memref<128xi32, #tpu.memory_space<vmem>>) target_semaphore(%arg11 : memref<!tpu.dma_semaphore, #tpu.memory_space<semaphore_mem>>)
      %dma_start3A_474 = arith.constant 1 : i32
      %dma_start3A_475 = arith.constant 0 : i32
      %dma_start3A_476 = tpu.memref_slice %arg9[%dma_start3A_474, %dma_start3A_475] : memref<4x128xi32, #tpu.memory_space<vmem>> -> memref<1x128xi32, #tpu.memory_space<vmem>>
      %dma_start3A_477 = tpu.memref_squeeze %dma_start3A_476 : memref<1x128xi32, #tpu.memory_space<vmem>> -> memref<128xi32, #tpu.memory_space<vmem>>
      %dma_start3A_478 = tpu.memref_slice %arg3[%add3A_464] : memref<655872xi32, #tpu.memory_space<hbm>> -> memref<128xi32, #tpu.memory_space<hbm>>
      %dma_start3A_479 = arith.constant 0 : i32
      %dma_start3A_480 = tpu.memref_slice %arg9[%dma_start3A_474, %dma_start3A_479] : memref<4x128xi32, #tpu.memory_space<vmem>> -> memref<1x128xi32, #tpu.memory_space<vmem>>
      %dma_start3A_481 = tpu.memref_squeeze %dma_start3A_480 : memref<1x128xi32, #tpu.memory_space<vmem>> -> memref<128xi32, #tpu.memory_space<vmem>>
      %dma_start3A_482 = tpu.memref_slice %arg3[%add3A_464] : memref<655872xi32, #tpu.memory_space<hbm>> -> memref<128xi32, #tpu.memory_space<hbm>>
      tpu.enqueue_dma source(%dma_start3A_482 : memref<128xi32, #tpu.memory_space<hbm>>) target(%dma_start3A_481 : memref<128xi32, #tpu.memory_space<vmem>>) target_semaphore(%arg11 : memref<!tpu.dma_semaphore, #tpu.memory_space<semaphore_mem>>)
      %dma_wait3A_483 = arith.constant 1 : i32
      %dma_wait3A_484 = arith.constant 0 : i32
      %dma_wait3A_485 = arith.constant 0 : i32
      %dma_wait3A_486 = tpu.memref_slice %arg10[%dma_wait3A_483, %dma_wait3A_484, %dma_wait3A_485] : memref<2x128x128xf32, #tpu.memory_space<vmem>> -> memref<1x128x128xf32, #tpu.memory_space<vmem>>
      %dma_wait3A_487 = tpu.memref_squeeze %dma_wait3A_486 : memref<1x128x128xf32, #tpu.memory_space<vmem>> -> memref<128x128xf32, #tpu.memory_space<vmem>>
      %dma_wait3A_488 = arith.constant 0 : i32
      %dma_wait3A_489 = arith.constant 0 : i32
      %dma_wait3A_490 = tpu.memref_slice %arg4[%dma_wait3A_488, %dma_wait3A_489] : memref<20000x128xf32, #tpu.memory_space<hbm>> -> memref<128x128xf32, #tpu.memory_space<hbm>>
      %dma_wait3A_491 = arith.constant 0 : i32
      %dma_wait3A_492 = arith.constant 0 : i32
      %dma_wait3A_493 = tpu.memref_slice %arg10[%dma_wait3A_483, %dma_wait3A_491, %dma_wait3A_492] : memref<2x128x128xf32, #tpu.memory_space<vmem>> -> memref<1x128x128xf32, #tpu.memory_space<vmem>>
      %dma_wait3A_494 = tpu.memref_squeeze %dma_wait3A_493 : memref<1x128x128xf32, #tpu.memory_space<vmem>> -> memref<128x128xf32, #tpu.memory_space<vmem>>
      %dma_wait3A_495 = arith.constant 0 : i32
      %dma_wait3A_496 = arith.constant 0 : i32
      %dma_wait3A_497 = tpu.memref_slice %arg4[%dma_wait3A_495, %dma_wait3A_496] : memref<20000x128xf32, #tpu.memory_space<hbm>> -> memref<128x128xf32, #tpu.memory_space<hbm>>
      tpu.wait_dma2 semaphore(%arg12 : memref<!tpu.dma_semaphore, #tpu.memory_space<semaphore_mem>>) src(%dma_wait3A_497 : memref<128x128xf32, #tpu.memory_space<hbm>>) dst(%dma_wait3A_494 : memref<128x128xf32, #tpu.memory_space<vmem>>)
      %dma_start3A_498 = arith.constant 1 : i32
      %dma_start3A_499 = arith.constant 3 : i32
      %dma_start3A_500 = arith.constant 0 : i32
      %dma_start3A_501 = arith.constant 0 : i32
      %dma_start3A_502 = tpu.memref_slice %arg10[%dma_start3A_498, %dma_start3A_500, %dma_start3A_501] : memref<2x128x128xf32, #tpu.memory_space<vmem>> -> memref<1x128x128xf32, #tpu.memory_space<vmem>>
      %dma_start3A_503 = tpu.memref_squeeze %dma_start3A_502 : memref<1x128x128xf32, #tpu.memory_space<vmem>> -> memref<128x128xf32, #tpu.memory_space<vmem>>
      %dma_start3A_504 = arith.constant 0 : i32
      %dma_start3A_505 = tpu.memref_slice %arg9[%dma_start3A_499, %dma_start3A_504] : memref<4x128xi32, #tpu.memory_space<vmem>> -> memref<1x128xi32, #tpu.memory_space<vmem>>
      %dma_start3A_506 = tpu.memref_squeeze %dma_start3A_505 : memref<1x128xi32, #tpu.memory_space<vmem>> -> memref<128xi32, #tpu.memory_space<vmem>>
      %dma_start3A_507 = arith.constant 0 : i32
      %dma_start3A_508 = arith.constant 0 : i32
      %dma_start3A_509 = tpu.memref_slice %arg7[%dma_start3A_507, %dma_start3A_508] : memref<10112x128xf32, #tpu.memory_space<vmem_shared>> -> memref<10112x128xf32, #tpu.memory_space<vmem_shared>>
      tpu.enqueue_indirect_dma source(%dma_start3A_503 : memref<128x128xf32, #tpu.memory_space<vmem>>) target(%dma_start3A_509 : memref<10112x128xf32, #tpu.memory_space<vmem_shared>>) offsets(%dma_start3A_506 : memref<128xi32, #tpu.memory_space<vmem>>) semaphore(%arg13 : memref<!tpu.dma_semaphore, #tpu.memory_space<semaphore_mem>>) {add = true}
      %dma_wait3A_510 = arith.constant 0 : i32
      %dma_wait3A_511 = arith.constant 0 : i32
      %dma_wait3A_512 = arith.constant 0 : i32
      %dma_wait3A_513 = tpu.memref_slice %arg10[%dma_wait3A_510, %dma_wait3A_511, %dma_wait3A_512] : memref<2x128x128xf32, #tpu.memory_space<vmem>> -> memref<1x128x128xf32, #tpu.memory_space<vmem>>
      %dma_wait3A_514 = tpu.memref_squeeze %dma_wait3A_513 : memref<1x128x128xf32, #tpu.memory_space<vmem>> -> memref<128x128xf32, #tpu.memory_space<vmem>>
      %dma_wait3A_515 = arith.constant 0 : i32
      %dma_wait3A_516 = arith.constant 0 : i32
      %dma_wait3A_517 = tpu.memref_slice %arg4[%dma_wait3A_515, %dma_wait3A_516] : memref<20000x128xf32, #tpu.memory_space<hbm>> -> memref<128x128xf32, #tpu.memory_space<hbm>>
      %dma_wait3A_518 = arith.constant 0 : i32
      %dma_wait3A_519 = arith.constant 0 : i32
      %dma_wait3A_520 = tpu.memref_slice %arg10[%dma_wait3A_510, %dma_wait3A_518, %dma_wait3A_519] : memref<2x128x128xf32, #tpu.memory_space<vmem>> -> memref<1x128x128xf32, #tpu.memory_space<vmem>>
      %dma_wait3A_521 = tpu.memref_squeeze %dma_wait3A_520 : memref<1x128x128xf32, #tpu.memory_space<vmem>> -> memref<128x128xf32, #tpu.memory_space<vmem>>
      %dma_wait3A_522 = arith.constant 0 : i32
      %dma_wait3A_523 = arith.constant 0 : i32
      %dma_wait3A_524 = tpu.memref_slice %arg4[%dma_wait3A_522, %dma_wait3A_523] : memref<20000x128xf32, #tpu.memory_space<hbm>> -> memref<128x128xf32, #tpu.memory_space<hbm>>
      tpu.wait_dma2 semaphore(%arg13 : memref<!tpu.dma_semaphore, #tpu.memory_space<semaphore_mem>>) src(%dma_wait3A_524 : memref<128x128xf32, #tpu.memory_space<hbm>>) dst(%dma_wait3A_521 : memref<128x128xf32, #tpu.memory_space<vmem>>)
      %dma_wait3A_525 = arith.constant 0 : i32
      %dma_wait3A_526 = arith.constant 0 : i32
      %dma_wait3A_527 = tpu.memref_slice %arg8[%dma_wait3A_525, %dma_wait3A_526] : memref<4x128xi32, #tpu.memory_space<vmem>> -> memref<1x128xi32, #tpu.memory_space<vmem>>
      %dma_wait3A_528 = tpu.memref_squeeze %dma_wait3A_527 : memref<1x128xi32, #tpu.memory_space<vmem>> -> memref<128xi32, #tpu.memory_space<vmem>>
      %dma_wait3A_529 = tpu.memref_slice %arg2[%add3A] : memref<655872xi32, #tpu.memory_space<hbm>> -> memref<128xi32, #tpu.memory_space<hbm>>
      %dma_wait3A_530 = arith.constant 0 : i32
      %dma_wait3A_531 = tpu.memref_slice %arg8[%dma_wait3A_525, %dma_wait3A_530] : memref<4x128xi32, #tpu.memory_space<vmem>> -> memref<1x128xi32, #tpu.memory_space<vmem>>
      %dma_wait3A_532 = tpu.memref_squeeze %dma_wait3A_531 : memref<1x128xi32, #tpu.memory_space<vmem>> -> memref<128xi32, #tpu.memory_space<vmem>>
      %dma_wait3A_533 = tpu.memref_slice %arg2[%add3A] : memref<655872xi32, #tpu.memory_space<hbm>> -> memref<128xi32, #tpu.memory_space<hbm>>
      tpu.wait_dma2 semaphore(%arg11 : memref<!tpu.dma_semaphore, #tpu.memory_space<semaphore_mem>>) src(%dma_wait3A_533 : memref<128xi32, #tpu.memory_space<hbm>>) dst(%dma_wait3A_532 : memref<128xi32, #tpu.memory_space<vmem>>)
      %dma_wait3A_534 = arith.constant 0 : i32
      %dma_wait3A_535 = arith.constant 0 : i32
      %dma_wait3A_536 = tpu.memref_slice %arg9[%dma_wait3A_534, %dma_wait3A_535] : memref<4x128xi32, #tpu.memory_space<vmem>> -> memref<1x128xi32, #tpu.memory_space<vmem>>
      %dma_wait3A_537 = tpu.memref_squeeze %dma_wait3A_536 : memref<1x128xi32, #tpu.memory_space<vmem>> -> memref<128xi32, #tpu.memory_space<vmem>>
      %dma_wait3A_538 = tpu.memref_slice %arg3[%add3A] : memref<655872xi32, #tpu.memory_space<hbm>> -> memref<128xi32, #tpu.memory_space<hbm>>
      %dma_wait3A_539 = arith.constant 0 : i32
      %dma_wait3A_540 = tpu.memref_slice %arg9[%dma_wait3A_534, %dma_wait3A_539] : memref<4x128xi32, #tpu.memory_space<vmem>> -> memref<1x128xi32, #tpu.memory_space<vmem>>
      %dma_wait3A_541 = tpu.memref_squeeze %dma_wait3A_540 : memref<1x128xi32, #tpu.memory_space<vmem>> -> memref<128xi32, #tpu.memory_space<vmem>>
      %dma_wait3A_542 = tpu.memref_slice %arg3[%add3A] : memref<655872xi32, #tpu.memory_space<hbm>> -> memref<128xi32, #tpu.memory_space<hbm>>
      tpu.wait_dma2 semaphore(%arg11 : memref<!tpu.dma_semaphore, #tpu.memory_space<semaphore_mem>>) src(%dma_wait3A_542 : memref<128xi32, #tpu.memory_space<hbm>>) dst(%dma_wait3A_541 : memref<128xi32, #tpu.memory_space<vmem>>)
      %dma_start3A_543 = arith.constant 0 : i32
      %dma_start3A_544 = arith.constant 0 : i32
      %dma_start3A_545 = arith.constant 0 : i32
      %dma_start3A_546 = arith.constant 0 : i32
      %dma_start3A_547 = tpu.memref_slice %arg10[%dma_start3A_544, %dma_start3A_545, %dma_start3A_546] : memref<2x128x128xf32, #tpu.memory_space<vmem>> -> memref<1x128x128xf32, #tpu.memory_space<vmem>>
      %dma_start3A_548 = tpu.memref_squeeze %dma_start3A_547 : memref<1x128x128xf32, #tpu.memory_space<vmem>> -> memref<128x128xf32, #tpu.memory_space<vmem>>
      %dma_start3A_549 = arith.constant 0 : i32
      %dma_start3A_550 = tpu.memref_slice %arg8[%dma_start3A_543, %dma_start3A_549] : memref<4x128xi32, #tpu.memory_space<vmem>> -> memref<1x128xi32, #tpu.memory_space<vmem>>
      %dma_start3A_551 = tpu.memref_squeeze %dma_start3A_550 : memref<1x128xi32, #tpu.memory_space<vmem>> -> memref<128xi32, #tpu.memory_space<vmem>>
      %dma_start3A_552 = arith.constant 0 : i32
      %dma_start3A_553 = arith.constant 0 : i32
      %dma_start3A_554 = tpu.memref_slice %arg4[%dma_start3A_552, %dma_start3A_553] : memref<20000x128xf32, #tpu.memory_space<hbm>> -> memref<20000x128xf32, #tpu.memory_space<hbm>>
      tpu.enqueue_indirect_dma source(%dma_start3A_554 : memref<20000x128xf32, #tpu.memory_space<hbm>>) target(%dma_start3A_548 : memref<128x128xf32, #tpu.memory_space<vmem>>) offsets(%dma_start3A_551 : memref<128xi32, #tpu.memory_space<vmem>>) semaphore(%arg12 : memref<!tpu.dma_semaphore, #tpu.memory_space<semaphore_mem>>)
      %mul3A_555 = arith.constant 4 : i32
      %mul3A_556 = arith.muli %mul3A_555, %scan3A_185 : i32
      %add3A_557 = arith.constant 3 : i32
      %add3A_558 = arith.addi %mul3A_556, %add3A_557 : i32
      %add3A_559 = arith.constant 3 : i32
      %add3A_560 = arith.addi %add3A_558, %add3A_559 : i32
      %mul3A_561 = arith.constant 128 : i32
      %mul3A_562 = arith.muli %add3A_560, %mul3A_561 : i32
      %add3A_563 = arith.addi %add3A, %mul3A_562 : i32
      %dma_start3A_564 = arith.constant 2 : i32
      %dma_start3A_565 = arith.constant 0 : i32
      %dma_start3A_566 = tpu.memref_slice %arg8[%dma_start3A_564, %dma_start3A_565] : memref<4x128xi32, #tpu.memory_space<vmem>> -> memref<1x128xi32, #tpu.memory_space<vmem>>
      %dma_start3A_567 = tpu.memref_squeeze %dma_start3A_566 : memref<1x128xi32, #tpu.memory_space<vmem>> -> memref<128xi32, #tpu.memory_space<vmem>>
      %dma_start3A_568 = tpu.memref_slice %arg2[%add3A_563] : memref<655872xi32, #tpu.memory_space<hbm>> -> memref<128xi32, #tpu.memory_space<hbm>>
      %dma_start3A_569 = arith.constant 0 : i32
      %dma_start3A_570 = tpu.memref_slice %arg8[%dma_start3A_564, %dma_start3A_569] : memref<4x128xi32, #tpu.memory_space<vmem>> -> memref<1x128xi32, #tpu.memory_space<vmem>>
      %dma_start3A_571 = tpu.memref_squeeze %dma_start3A_570 : memref<1x128xi32, #tpu.memory_space<vmem>> -> memref<128xi32, #tpu.memory_space<vmem>>
      %dma_start3A_572 = tpu.memref_slice %arg2[%add3A_563] : memref<655872xi32, #tpu.memory_space<hbm>> -> memref<128xi32, #tpu.memory_space<hbm>>
      tpu.enqueue_dma source(%dma_start3A_572 : memref<128xi32, #tpu.memory_space<hbm>>) target(%dma_start3A_571 : memref<128xi32, #tpu.memory_space<vmem>>) target_semaphore(%arg11 : memref<!tpu.dma_semaphore, #tpu.memory_space<semaphore_mem>>)
      %dma_start3A_573 = arith.constant 2 : i32
      %dma_start3A_574 = arith.constant 0 : i32
      %dma_start3A_575 = tpu.memref_slice %arg9[%dma_start3A_573, %dma_start3A_574] : memref<4x128xi32, #tpu.memory_space<vmem>> -> memref<1x128xi32, #tpu.memory_space<vmem>>
      %dma_start3A_576 = tpu.memref_squeeze %dma_start3A_575 : memref<1x128xi32, #tpu.memory_space<vmem>> -> memref<128xi32, #tpu.memory_space<vmem>>
      %dma_start3A_577 = tpu.memref_slice %arg3[%add3A_563] : memref<655872xi32, #tpu.memory_space<hbm>> -> memref<128xi32, #tpu.memory_space<hbm>>
      %dma_start3A_578 = arith.constant 0 : i32
      %dma_start3A_579 = tpu.memref_slice %arg9[%dma_start3A_573, %dma_start3A_578] : memref<4x128xi32, #tpu.memory_space<vmem>> -> memref<1x128xi32, #tpu.memory_space<vmem>>
      %dma_start3A_580 = tpu.memref_squeeze %dma_start3A_579 : memref<1x128xi32, #tpu.memory_space<vmem>> -> memref<128xi32, #tpu.memory_space<vmem>>
      %dma_start3A_581 = tpu.memref_slice %arg3[%add3A_563] : memref<655872xi32, #tpu.memory_space<hbm>> -> memref<128xi32, #tpu.memory_space<hbm>>
      tpu.enqueue_dma source(%dma_start3A_581 : memref<128xi32, #tpu.memory_space<hbm>>) target(%dma_start3A_580 : memref<128xi32, #tpu.memory_space<vmem>>) target_semaphore(%arg11 : memref<!tpu.dma_semaphore, #tpu.memory_space<semaphore_mem>>)
    }
    %scan3A_111 = arith.constant 40 : i32
    %dma_wait3A_112 = arith.constant 0 : i32
    %dma_wait3A_113 = arith.constant 0 : i32
    %dma_wait3A_114 = arith.constant 0 : i32
    %dma_wait3A_115 = tpu.memref_slice %arg10[%dma_wait3A_112, %dma_wait3A_113, %dma_wait3A_114] : memref<2x128x128xf32, #tpu.memory_space<vmem>> -> memref<1x128x128xf32, #tpu.memory_space<vmem>>
    %dma_wait3A_116 = tpu.memref_squeeze %dma_wait3A_115 : memref<1x128x128xf32, #tpu.memory_space<vmem>> -> memref<128x128xf32, #tpu.memory_space<vmem>>
    %dma_wait3A_117 = arith.constant 0 : i32
    %dma_wait3A_118 = arith.constant 0 : i32
    %dma_wait3A_119 = tpu.memref_slice %arg4[%dma_wait3A_117, %dma_wait3A_118] : memref<20000x128xf32, #tpu.memory_space<hbm>> -> memref<128x128xf32, #tpu.memory_space<hbm>>
    %dma_wait3A_120 = arith.constant 0 : i32
    %dma_wait3A_121 = arith.constant 0 : i32
    %dma_wait3A_122 = tpu.memref_slice %arg10[%dma_wait3A_112, %dma_wait3A_120, %dma_wait3A_121] : memref<2x128x128xf32, #tpu.memory_space<vmem>> -> memref<1x128x128xf32, #tpu.memory_space<vmem>>
    %dma_wait3A_123 = tpu.memref_squeeze %dma_wait3A_122 : memref<1x128x128xf32, #tpu.memory_space<vmem>> -> memref<128x128xf32, #tpu.memory_space<vmem>>
    %dma_wait3A_124 = arith.constant 0 : i32
    %dma_wait3A_125 = arith.constant 0 : i32
    %dma_wait3A_126 = tpu.memref_slice %arg4[%dma_wait3A_124, %dma_wait3A_125] : memref<20000x128xf32, #tpu.memory_space<hbm>> -> memref<128x128xf32, #tpu.memory_space<hbm>>
    tpu.wait_dma2 semaphore(%arg12 : memref<!tpu.dma_semaphore, #tpu.memory_space<semaphore_mem>>) src(%dma_wait3A_126 : memref<128x128xf32, #tpu.memory_space<hbm>>) dst(%dma_wait3A_123 : memref<128x128xf32, #tpu.memory_space<vmem>>)
    %dma_wait3A_127 = arith.constant 1 : i32
    %dma_wait3A_128 = arith.constant 0 : i32
    %dma_wait3A_129 = arith.constant 0 : i32
    %dma_wait3A_130 = tpu.memref_slice %arg10[%dma_wait3A_127, %dma_wait3A_128, %dma_wait3A_129] : memref<2x128x128xf32, #tpu.memory_space<vmem>> -> memref<1x128x128xf32, #tpu.memory_space<vmem>>
    %dma_wait3A_131 = tpu.memref_squeeze %dma_wait3A_130 : memref<1x128x128xf32, #tpu.memory_space<vmem>> -> memref<128x128xf32, #tpu.memory_space<vmem>>
    %dma_wait3A_132 = arith.constant 0 : i32
    %dma_wait3A_133 = arith.constant 0 : i32
    %dma_wait3A_134 = tpu.memref_slice %arg4[%dma_wait3A_132, %dma_wait3A_133] : memref<20000x128xf32, #tpu.memory_space<hbm>> -> memref<128x128xf32, #tpu.memory_space<hbm>>
    %dma_wait3A_135 = arith.constant 0 : i32
    %dma_wait3A_136 = arith.constant 0 : i32
    %dma_wait3A_137 = tpu.memref_slice %arg10[%dma_wait3A_127, %dma_wait3A_135, %dma_wait3A_136] : memref<2x128x128xf32, #tpu.memory_space<vmem>> -> memref<1x128x128xf32, #tpu.memory_space<vmem>>
    %dma_wait3A_138 = tpu.memref_squeeze %dma_wait3A_137 : memref<1x128x128xf32, #tpu.memory_space<vmem>> -> memref<128x128xf32, #tpu.memory_space<vmem>>
    %dma_wait3A_139 = arith.constant 0 : i32
    %dma_wait3A_140 = arith.constant 0 : i32
    %dma_wait3A_141 = tpu.memref_slice %arg4[%dma_wait3A_139, %dma_wait3A_140] : memref<20000x128xf32, #tpu.memory_space<hbm>> -> memref<128x128xf32, #tpu.memory_space<hbm>>
    tpu.wait_dma2 semaphore(%arg13 : memref<!tpu.dma_semaphore, #tpu.memory_space<semaphore_mem>>) src(%dma_wait3A_141 : memref<128x128xf32, #tpu.memory_space<hbm>>) dst(%dma_wait3A_138 : memref<128x128xf32, #tpu.memory_space<vmem>>)
    %dma_wait3A_142 = arith.constant 0 : i32
    %dma_wait3A_143 = arith.constant 0 : i32
    %dma_wait3A_144 = tpu.memref_slice %arg8[%dma_wait3A_142, %dma_wait3A_143] : memref<4x128xi32, #tpu.memory_space<vmem>> -> memref<1x128xi32, #tpu.memory_space<vmem>>
    %dma_wait3A_145 = tpu.memref_squeeze %dma_wait3A_144 : memref<1x128xi32, #tpu.memory_space<vmem>> -> memref<128xi32, #tpu.memory_space<vmem>>
    %dma_wait3A_146 = tpu.memref_slice %arg2[%add3A] : memref<655872xi32, #tpu.memory_space<hbm>> -> memref<128xi32, #tpu.memory_space<hbm>>
    %dma_wait3A_147 = arith.constant 0 : i32
    %dma_wait3A_148 = tpu.memref_slice %arg8[%dma_wait3A_142, %dma_wait3A_147] : memref<4x128xi32, #tpu.memory_space<vmem>> -> memref<1x128xi32, #tpu.memory_space<vmem>>
    %dma_wait3A_149 = tpu.memref_squeeze %dma_wait3A_148 : memref<1x128xi32, #tpu.memory_space<vmem>> -> memref<128xi32, #tpu.memory_space<vmem>>
    %dma_wait3A_150 = tpu.memref_slice %arg2[%add3A] : memref<655872xi32, #tpu.memory_space<hbm>> -> memref<128xi32, #tpu.memory_space<hbm>>
    tpu.wait_dma2 semaphore(%arg11 : memref<!tpu.dma_semaphore, #tpu.memory_space<semaphore_mem>>) src(%dma_wait3A_150 : memref<128xi32, #tpu.memory_space<hbm>>) dst(%dma_wait3A_149 : memref<128xi32, #tpu.memory_space<vmem>>)
    %dma_wait3A_151 = arith.constant 0 : i32
    %dma_wait3A_152 = arith.constant 0 : i32
    %dma_wait3A_153 = tpu.memref_slice %arg9[%dma_wait3A_151, %dma_wait3A_152] : memref<4x128xi32, #tpu.memory_space<vmem>> -> memref<1x128xi32, #tpu.memory_space<vmem>>
    %dma_wait3A_154 = tpu.memref_squeeze %dma_wait3A_153 : memref<1x128xi32, #tpu.memory_space<vmem>> -> memref<128xi32, #tpu.memory_space<vmem>>
    %dma_wait3A_155 = tpu.memref_slice %arg3[%add3A] : memref<655872xi32, #tpu.memory_space<hbm>> -> memref<128xi32, #tpu.memory_space<hbm>>
    %dma_wait3A_156 = arith.constant 0 : i32
    %dma_wait3A_157 = tpu.memref_slice %arg9[%dma_wait3A_151, %dma_wait3A_156] : memref<4x128xi32, #tpu.memory_space<vmem>> -> memref<1x128xi32, #tpu.memory_space<vmem>>
    %dma_wait3A_158 = tpu.memref_squeeze %dma_wait3A_157 : memref<1x128xi32, #tpu.memory_space<vmem>> -> memref<128xi32, #tpu.memory_space<vmem>>
    %dma_wait3A_159 = tpu.memref_slice %arg3[%add3A] : memref<655872xi32, #tpu.memory_space<hbm>> -> memref<128xi32, #tpu.memory_space<hbm>>
    tpu.wait_dma2 semaphore(%arg11 : memref<!tpu.dma_semaphore, #tpu.memory_space<semaphore_mem>>) src(%dma_wait3A_159 : memref<128xi32, #tpu.memory_space<hbm>>) dst(%dma_wait3A_158 : memref<128xi32, #tpu.memory_space<vmem>>)
    %dma_wait3A_160 = arith.constant 1 : i32
    %dma_wait3A_161 = arith.constant 0 : i32
    %dma_wait3A_162 = tpu.memref_slice %arg8[%dma_wait3A_160, %dma_wait3A_161] : memref<4x128xi32, #tpu.memory_space<vmem>> -> memref<1x128xi32, #tpu.memory_space<vmem>>
    %dma_wait3A_163 = tpu.memref_squeeze %dma_wait3A_162 : memref<1x128xi32, #tpu.memory_space<vmem>> -> memref<128xi32, #tpu.memory_space<vmem>>
    %dma_wait3A_164 = tpu.memref_slice %arg2[%add3A] : memref<655872xi32, #tpu.memory_space<hbm>> -> memref<128xi32, #tpu.memory_space<hbm>>
    %dma_wait3A_165 = arith.constant 0 : i32
    %dma_wait3A_166 = tpu.memref_slice %arg8[%dma_wait3A_160, %dma_wait3A_165] : memref<4x128xi32, #tpu.memory_space<vmem>> -> memref<1x128xi32, #tpu.memory_space<vmem>>
    %dma_wait3A_167 = tpu.memref_squeeze %dma_wait3A_166 : memref<1x128xi32, #tpu.memory_space<vmem>> -> memref<128xi32, #tpu.memory_space<vmem>>
    %dma_wait3A_168 = tpu.memref_slice %arg2[%add3A] : memref<655872xi32, #tpu.memory_space<hbm>> -> memref<128xi32, #tpu.memory_space<hbm>>
    tpu.wait_dma2 semaphore(%arg11 : memref<!tpu.dma_semaphore, #tpu.memory_space<semaphore_mem>>) src(%dma_wait3A_168 : memref<128xi32, #tpu.memory_space<hbm>>) dst(%dma_wait3A_167 : memref<128xi32, #tpu.memory_space<vmem>>)
    %dma_wait3A_169 = arith.constant 1 : i32
    %dma_wait3A_170 = arith.constant 0 : i32
    %dma_wait3A_171 = tpu.memref_slice %arg9[%dma_wait3A_169, %dma_wait3A_170] : memref<4x128xi32, #tpu.memory_space<vmem>> -> memref<1x128xi32, #tpu.memory_space<vmem>>
    %dma_wait3A_172 = tpu.memref_squeeze %dma_wait3A_171 : memref<1x128xi32, #tpu.memory_space<vmem>> -> memref<128xi32, #tpu.memory_space<vmem>>
    %dma_wait3A_173 = tpu.memref_slice %arg3[%add3A] : memref<655872xi32, #tpu.memory_space<hbm>> -> memref<128xi32, #tpu.memory_space<hbm>>
    %dma_wait3A_174 = arith.constant 0 : i32
    %dma_wait3A_175 = tpu.memref_slice %arg9[%dma_wait3A_169, %dma_wait3A_174] : memref<4x128xi32, #tpu.memory_space<vmem>> -> memref<1x128xi32, #tpu.memory_space<vmem>>
    %dma_wait3A_176 = tpu.memref_squeeze %dma_wait3A_175 : memref<1x128xi32, #tpu.memory_space<vmem>> -> memref<128xi32, #tpu.memory_space<vmem>>
    %dma_wait3A_177 = tpu.memref_slice %arg3[%add3A] : memref<655872xi32, #tpu.memory_space<hbm>> -> memref<128xi32, #tpu.memory_space<hbm>>
    tpu.wait_dma2 semaphore(%arg11 : memref<!tpu.dma_semaphore, #tpu.memory_space<semaphore_mem>>) src(%dma_wait3A_177 : memref<128xi32, #tpu.memory_space<hbm>>) dst(%dma_wait3A_176 : memref<128xi32, #tpu.memory_space<vmem>>)
    %barrier3A_178 = arith.constant 0 : index
    tpu.barrier barrier_id(%barrier3A_178)
    %lt3A = arith.constant 15 : i32
    %lt3A_179 = arith.cmpi slt, %arg1, %lt3A : i32
    %convert_element_type3A = arith.extui %lt3A_179 : i1 to i32
    %cond3A = arith.constant 0 : i32
    %cond3A_180 = arith.cmpi ne, %convert_element_type3A, %cond3A : i32
    scf.if %cond3A_180 {
      %mul3A_185 = arith.constant 632 : i32
      %mul3A_186 = arith.muli %arg1, %mul3A_185 : i32
      %mul3A_187 = arith.constant 632 : i32
      %mul3A_188 = arith.muli %arg1, %mul3A_187 : i32
      "tpu.region"() ({
        %run_scoped3A_189 = tpu.sem_alloc : memref<!tpu.dma_semaphore, #tpu.memory_space<semaphore_mem>>
        %dma_start3A_190 = arith.constant 0 : i32
        %dma_start3A_191 = arith.constant 0 : i32
        %dma_start3A_192 = tpu.memref_slice %arg6[%arg0, %dma_start3A_190, %dma_start3A_191] : memref<2x10000x128xf32, #tpu.memory_space<hbm>> -> memref<1x10000x128xf32, #tpu.memory_space<hbm>>
        %dma_start3A_193 = tpu.memref_squeeze %dma_start3A_192 : memref<1x10000x128xf32, #tpu.memory_space<hbm>> -> memref<10000x128xf32, #tpu.memory_space<hbm>>
        %dma_start3A_194 = arith.constant 0 : i32
        %dma_start3A_195 = tpu.memref_slice %dma_start3A_193[%mul3A_188, %dma_start3A_194] : memref<10000x128xf32, #tpu.memory_space<hbm>> -> memref<632x128xf32, #tpu.memory_space<hbm>>
        %dma_start3A_196 = arith.constant 0 : i32
        %dma_start3A_197 = tpu.memref_slice %arg7[%mul3A_186, %dma_start3A_196] : memref<10112x128xf32, #tpu.memory_space<vmem_shared>> -> memref<632x128xf32, #tpu.memory_space<vmem_shared>>
        tpu.enqueue_dma source(%dma_start3A_197 : memref<632x128xf32, #tpu.memory_space<vmem_shared>>) target(%dma_start3A_195 : memref<632x128xf32, #tpu.memory_space<hbm>>) target_semaphore(%run_scoped3A_189 : memref<!tpu.dma_semaphore, #tpu.memory_space<semaphore_mem>>)
        %dma_wait3A_198 = arith.constant 0 : i32
        %dma_wait3A_199 = arith.constant 0 : i32
        %dma_wait3A_200 = tpu.memref_slice %arg6[%arg0, %dma_wait3A_198, %dma_wait3A_199] : memref<2x10000x128xf32, #tpu.memory_space<hbm>> -> memref<1x10000x128xf32, #tpu.memory_space<hbm>>
        %dma_wait3A_201 = tpu.memref_squeeze %dma_wait3A_200 : memref<1x10000x128xf32, #tpu.memory_space<hbm>> -> memref<10000x128xf32, #tpu.memory_space<hbm>>
        %dma_wait3A_202 = arith.constant 0 : i32
        %dma_wait3A_203 = tpu.memref_slice %dma_wait3A_201[%mul3A_188, %dma_wait3A_202] : memref<10000x128xf32, #tpu.memory_space<hbm>> -> memref<632x128xf32, #tpu.memory_space<hbm>>
        %dma_wait3A_204 = arith.constant 0 : i32
        %dma_wait3A_205 = tpu.memref_slice %arg7[%mul3A_186, %dma_wait3A_204] : memref<10112x128xf32, #tpu.memory_space<vmem_shared>> -> memref<632x128xf32, #tpu.memory_space<vmem_shared>>
        tpu.wait_dma2 semaphore(%run_scoped3A_189 : memref<!tpu.dma_semaphore, #tpu.memory_space<semaphore_mem>>) src(%dma_wait3A_205 : memref<632x128xf32, #tpu.memory_space<vmem_shared>>) dst(%dma_wait3A_203 : memref<632x128xf32, #tpu.memory_space<hbm>>)
        tpu.yield
      }) : () -> ()
    } else {
    }
    %eq3A = arith.constant 15 : i32
    %eq3A_181 = arith.cmpi eq, %arg1, %eq3A : i32
    %convert_element_type3A_182 = arith.extui %eq3A_181 : i1 to i32
    %cond3A_183 = arith.constant 0 : i32
    %cond3A_184 = arith.cmpi ne, %convert_element_type3A_182, %cond3A_183 : i32
    scf.if %cond3A_184 {
      "tpu.region"() ({
        %run_scoped3A_185 = tpu.sem_alloc : memref<!tpu.dma_semaphore, #tpu.memory_space<semaphore_mem>>
        %dma_start3A_186 = arith.constant 0 : i32
        %dma_start3A_187 = arith.constant 0 : i32
        %dma_start3A_188 = tpu.memref_slice %arg6[%arg0, %dma_start3A_186, %dma_start3A_187] : memref<2x10000x128xf32, #tpu.memory_space<hbm>> -> memref<1x10000x128xf32, #tpu.memory_space<hbm>>
        %dma_start3A_189 = tpu.memref_squeeze %dma_start3A_188 : memref<1x10000x128xf32, #tpu.memory_space<hbm>> -> memref<10000x128xf32, #tpu.memory_space<hbm>>
        %dma_start3A_190 = arith.constant 9480 : i32
        %dma_start3A_191 = arith.constant 0 : i32
        %dma_start3A_192 = tpu.memref_slice %dma_start3A_189[%dma_start3A_190, %dma_start3A_191] : memref<10000x128xf32, #tpu.memory_space<hbm>> -> memref<520x128xf32, #tpu.memory_space<hbm>>
        %dma_start3A_193 = arith.constant 9480 : i32
        %dma_start3A_194 = arith.constant 0 : i32
        %dma_start3A_195 = tpu.memref_slice %arg7[%dma_start3A_193, %dma_start3A_194] : memref<10112x128xf32, #tpu.memory_space<vmem_shared>> -> memref<520x128xf32, #tpu.memory_space<vmem_shared>>
        tpu.enqueue_dma source(%dma_start3A_195 : memref<520x128xf32, #tpu.memory_space<vmem_shared>>) target(%dma_start3A_192 : memref<520x128xf32, #tpu.memory_space<hbm>>) target_semaphore(%run_scoped3A_185 : memref<!tpu.dma_semaphore, #tpu.memory_space<semaphore_mem>>)
        %dma_wait3A_196 = arith.constant 0 : i32
        %dma_wait3A_197 = arith.constant 0 : i32
        %dma_wait3A_198 = tpu.memref_slice %arg6[%arg0, %dma_wait3A_196, %dma_wait3A_197] : memref<2x10000x128xf32, #tpu.memory_space<hbm>> -> memref<1x10000x128xf32, #tpu.memory_space<hbm>>
        %dma_wait3A_199 = tpu.memref_squeeze %dma_wait3A_198 : memref<1x10000x128xf32, #tpu.memory_space<hbm>> -> memref<10000x128xf32, #tpu.memory_space<hbm>>
        %dma_wait3A_200 = arith.constant 9480 : i32
        %dma_wait3A_201 = arith.constant 0 : i32
        %dma_wait3A_202 = tpu.memref_slice %dma_wait3A_199[%dma_wait3A_200, %dma_wait3A_201] : memref<10000x128xf32, #tpu.memory_space<hbm>> -> memref<520x128xf32, #tpu.memory_space<hbm>>
        %dma_wait3A_203 = arith.constant 9480 : i32
        %dma_wait3A_204 = arith.constant 0 : i32
        %dma_wait3A_205 = tpu.memref_slice %arg7[%dma_wait3A_203, %dma_wait3A_204] : memref<10112x128xf32, #tpu.memory_space<vmem_shared>> -> memref<520x128xf32, #tpu.memory_space<vmem_shared>>
        tpu.wait_dma2 semaphore(%run_scoped3A_185 : memref<!tpu.dma_semaphore, #tpu.memory_space<semaphore_mem>>) src(%dma_wait3A_205 : memref<520x128xf32, #tpu.memory_space<vmem_shared>>) dst(%dma_wait3A_202 : memref<520x128xf32, #tpu.memory_space<hbm>>)
        tpu.yield
      }) : () -> ()
    } else {
    }
    return
  }
}

module attributes {stable_mosaic.version = 14 : i64} {
  func.func @_tc1_body(%arg0: i32, %arg1: memref<1x1000x128xf32, #tpu.memory_space<vmem>>, %arg2: memref<1x1000x128xf32, #tpu.memory_space<vmem>>, %arg3: memref<1000x128xf32, #tpu.memory_space<vmem>>, %arg4: memref<128x256xf32, #tpu.memory_space<vmem>>, %arg5: memref<128x256xf32, #tpu.memory_space<vmem>>, %arg6: memref<1x256xf32, #tpu.memory_space<vmem>>, %arg7: memref<2x1000x128xf32, #tpu.memory_space<vmem>>) attributes {dimension_semantics = [#tpu.dimension_semantics<arbitrary>], iteration_bounds = array<i64: 10>, scalar_prefetch = 0 : i64, scratch_operands = 0 : i64, tpu.core_type = #tpu.core_type<tc>, window_params = [{transform_indices = @transform_0, window_bounds = array<i64: 1, 1000, 128>}, {transform_indices = @transform_1, window_bounds = array<i64: 1, 1000, 128>}, {transform_indices = @transform_2, window_bounds = array<i64: 1000, 128>}, {pipeline_mode = #tpu.pipeline_mode<synchronous>, transform_indices = @transform_3, window_bounds = array<i64: 128, 256>}, {pipeline_mode = #tpu.pipeline_mode<synchronous>, transform_indices = @transform_4, window_bounds = array<i64: 128, 256>}, {pipeline_mode = #tpu.pipeline_mode<synchronous>, transform_indices = @transform_5, window_bounds = array<i64: 1, 256>}, {transform_indices = @transform_6, window_bounds = array<i64: 2, 1000, 128>}]} {
    %get3A = arith.constant 0 : index
    %get3A_0 = arith.constant 0 : index
    %get3A_1 = arith.constant 0 : index
    %get3A_2 = vector.load %arg2[%get3A, %get3A_0, %get3A_1] : memref<1x1000x128xf32, #tpu.memory_space<vmem>>, vector<1x1000x1xf32>
    %get3A_3 = vector.shape_cast %get3A_2 : vector<1x1000x1xf32> to vector<1000x1xf32>
    %max3A = arith.constant 1.000000e+00 : f32
    %max3A_4 = vector.broadcast %max3A : f32 to vector<1000x1xf32>
    %max3A_5 = arith.maximumf %get3A_3, %max3A_4 : vector<1000x1xf32>
    %div3A = arith.constant 1.000000e+00 : f32
    %div3A_6 = vector.broadcast %div3A : f32 to vector<1000x1xf32>
    %div3A_7 = arith.divf %div3A_6, %max3A_5 : vector<1000x1xf32>
    %get3A_8 = arith.constant 0 : index
    %get3A_9 = arith.constant 0 : index
    %get3A_10 = arith.constant 0 : index
    %get3A_11 = vector.load %arg1[%get3A_8, %get3A_9, %get3A_10] : memref<1x1000x128xf32, #tpu.memory_space<vmem>>, vector<1x1000x128xf32>
    %get3A_12 = vector.shape_cast %get3A_11 : vector<1x1000x128xf32> to vector<1000x128xf32>
    %mul3A = vector.broadcast %div3A_7 : vector<1000x1xf32> to vector<1000x128xf32>
    %mul3A_13 = arith.mulf %get3A_12, %mul3A : vector<1000x128xf32>
    %get3A_14 = arith.constant 0 : index
    %get3A_15 = arith.constant 0 : index
    %get3A_16 = vector.load %arg4[%get3A_14, %get3A_15] : memref<128x256xf32, #tpu.memory_space<vmem>>, vector<128x256xf32>
    %dot_general3A = arith.constant dense<0.000000e+00> : vector<1000x256xf32>
    %dot_general3A_17 = tpu.matmul %mul3A_13, %get3A_16, %dot_general3A {dimension_numbers = #tpu.dot_dimension_numbers<[1], [0], [0], [1], [0, 0, 1, 1], [], []>, transpose_lhs_hint = false} : vector<1000x128xf32>, vector<128x256xf32>, vector<1000x256xf32> -> vector<1000x256xf32>
    %get3A_18 = arith.constant 0 : index
    %get3A_19 = arith.constant 0 : index
    %get3A_20 = vector.load %arg3[%get3A_18, %get3A_19] : memref<1000x128xf32, #tpu.memory_space<vmem>>, vector<1000x128xf32>
    %get3A_21 = arith.constant 0 : index
    %get3A_22 = arith.constant 0 : index
    %get3A_23 = vector.load %arg5[%get3A_21, %get3A_22] : memref<128x256xf32, #tpu.memory_space<vmem>>, vector<128x256xf32>
    %dot_general3A_24 = arith.constant dense<0.000000e+00> : vector<1000x256xf32>
    %dot_general3A_25 = tpu.matmul %get3A_20, %get3A_23, %dot_general3A_24 {dimension_numbers = #tpu.dot_dimension_numbers<[1], [0], [0], [1], [0, 0, 1, 1], [], []>, transpose_lhs_hint = false} : vector<1000x128xf32>, vector<128x256xf32>, vector<1000x256xf32> -> vector<1000x256xf32>
    %add3A = arith.addf %dot_general3A_17, %dot_general3A_25 : vector<1000x256xf32>
    %get3A_26 = arith.constant 0 : index
    %get3A_27 = arith.constant 0 : index
    %get3A_28 = vector.load %arg6[%get3A_26, %get3A_27] : memref<1x256xf32, #tpu.memory_space<vmem>>, vector<1x256xf32>
    %add3A_29 = vector.broadcast %get3A_28 : vector<1x256xf32> to vector<1000x256xf32>
    %add3A_30 = arith.addf %add3A, %add3A_29 : vector<1000x256xf32>
    %max3A_31 = arith.constant 0.000000e+00 : f32
    %max3A_32 = vector.broadcast %max3A_31 : f32 to vector<1000x256xf32>
    %max3A_33 = arith.maximumf %add3A_30, %max3A_32 : vector<1000x256xf32>
    %slice3A = vector.extract_strided_slice %max3A_33 {offsets = [0, 0], sizes = [1000, 128], strides = [1, 1]} : vector<1000x256xf32> to vector<1000x128xf32>
    %swap3A = arith.constant 0 : index
    %swap3A_34 = arith.constant 0 : index
    %swap3A_35 = arith.constant 0 : index
    %swap3A_36 = vector.load %arg7[%swap3A, %swap3A_34, %swap3A_35] : memref<2x1000x128xf32, #tpu.memory_space<vmem>>, vector<1x1000x128xf32>
    %swap3A_37 = vector.shape_cast %swap3A_36 : vector<1x1000x128xf32> to vector<1000x128xf32>
    %swap3A_38 = vector.shape_cast %slice3A : vector<1000x128xf32> to vector<1x1000x128xf32>
    tpu.vector_store %arg7[%swap3A, %swap3A_34, %swap3A_35], %swap3A_38 {strides = array<i32>} : memref<2x1000x128xf32, #tpu.memory_space<vmem>>, vector<1x1000x128xf32>,
    %slice3A_39 = vector.extract_strided_slice %max3A_33 {offsets = [0, 128], sizes = [1000, 128], strides = [1, 1]} : vector<1000x256xf32> to vector<1000x128xf32>
    %swap3A_40 = arith.constant 1 : index
    %swap3A_41 = arith.constant 0 : index
    %swap3A_42 = arith.constant 0 : index
    %swap3A_43 = vector.load %arg7[%swap3A_40, %swap3A_41, %swap3A_42] : memref<2x1000x128xf32, #tpu.memory_space<vmem>>, vector<1x1000x128xf32>
    %swap3A_44 = vector.shape_cast %swap3A_43 : vector<1x1000x128xf32> to vector<1000x128xf32>
    %swap3A_45 = vector.shape_cast %slice3A_39 : vector<1000x128xf32> to vector<1x1000x128xf32>
    tpu.vector_store %arg7[%swap3A_40, %swap3A_41, %swap3A_42], %swap3A_45 {strides = array<i32>} : memref<2x1000x128xf32, #tpu.memory_space<vmem>>, vector<1x1000x128xf32>,
    return
  }
  func.func @transform_0(%arg0: i32) -> (i32, i32, i32) {
    %c0_i32 = arith.constant 0 : i32
    %c0_i32_0 = arith.constant 0 : i32
    %c0_i32_1 = arith.constant 0 : i32
    return %c0_i32, %arg0, %c0_i32_0 : i32, i32, i32
  }
  func.func @transform_1(%arg0: i32) -> (i32, i32, i32) {
    %c0_i32 = arith.constant 0 : i32
    %c0_i32_0 = arith.constant 0 : i32
    %c0_i32_1 = arith.constant 0 : i32
    return %c0_i32, %arg0, %c0_i32_0 : i32, i32, i32
  }
  func.func @transform_2(%arg0: i32) -> (i32, i32) {
    %c0_i32 = arith.constant 0 : i32
    %c0_i32_0 = arith.constant 0 : i32
    return %arg0, %c0_i32 : i32, i32
  }
  func.func @transform_3(%arg0: i32) -> (i32, i32) {
    %c0_i32 = arith.constant 0 : i32
    %c0_i32_0 = arith.constant 0 : i32
    %c0_i32_1 = arith.constant 0 : i32
    return %c0_i32, %c0_i32_0 : i32, i32
  }
  func.func @transform_4(%arg0: i32) -> (i32, i32) {
    %c0_i32 = arith.constant 0 : i32
    %c0_i32_0 = arith.constant 0 : i32
    %c0_i32_1 = arith.constant 0 : i32
    return %c0_i32, %c0_i32_0 : i32, i32
  }
  func.func @transform_5(%arg0: i32) -> (i32, i32) {
    %c0_i32 = arith.constant 0 : i32
    %c0_i32_0 = arith.constant 0 : i32
    %c0_i32_1 = arith.constant 0 : i32
    return %c0_i32, %c0_i32_0 : i32, i32
  }
  func.func @transform_6(%arg0: i32) -> (i32, i32, i32) {
    %c0_i32 = arith.constant 0 : i32
    %c0_i32_0 = arith.constant 0 : i32
    %c0_i32_1 = arith.constant 0 : i32
    return %c0_i32, %arg0, %c0_i32_0 : i32, i32, i32
  }
}

module attributes {stable_mosaic.version = 14 : i64} {
  func.func @_tc1_body(%arg0: i32, %arg1: memref<1x1000x128xf32, #tpu.memory_space<vmem>>, %arg2: memref<1x1000x128xf32, #tpu.memory_space<vmem>>, %arg3: memref<1000x128xf32, #tpu.memory_space<vmem>>, %arg4: memref<128x256xf32, #tpu.memory_space<vmem>>, %arg5: memref<128x256xf32, #tpu.memory_space<vmem>>, %arg6: memref<1x256xf32, #tpu.memory_space<vmem>>, %arg7: memref<2x1000x128xf32, #tpu.memory_space<vmem>>) attributes {dimension_semantics = [#tpu.dimension_semantics<arbitrary>], iteration_bounds = array<i64: 10>, scalar_prefetch = 0 : i64, scratch_operands = 0 : i64, tpu.core_type = #tpu.core_type<tc>, window_params = [{transform_indices = @transform_0, window_bounds = array<i64: 1, 1000, 128>}, {transform_indices = @transform_1, window_bounds = array<i64: 1, 1000, 128>}, {transform_indices = @transform_2, window_bounds = array<i64: 1000, 128>}, {pipeline_mode = #tpu.pipeline_mode<synchronous>, transform_indices = @transform_3, window_bounds = array<i64: 128, 256>}, {pipeline_mode = #tpu.pipeline_mode<synchronous>, transform_indices = @transform_4, window_bounds = array<i64: 128, 256>}, {pipeline_mode = #tpu.pipeline_mode<synchronous>, transform_indices = @transform_5, window_bounds = array<i64: 1, 256>}, {transform_indices = @transform_6, window_bounds = array<i64: 2, 1000, 128>}]} {
    %get3A = arith.constant 0 : index
    %get3A_0 = arith.constant 0 : index
    %get3A_1 = arith.constant 0 : index
    %get3A_2 = vector.load %arg2[%get3A, %get3A_0, %get3A_1] : memref<1x1000x128xf32, #tpu.memory_space<vmem>>, vector<1x1000x1xf32>
    %get3A_3 = vector.shape_cast %get3A_2 : vector<1x1000x1xf32> to vector<1000x1xf32>
    %max3A = arith.constant 1.000000e+00 : f32
    %max3A_4 = vector.broadcast %max3A : f32 to vector<1000x1xf32>
    %max3A_5 = arith.maximumf %get3A_3, %max3A_4 : vector<1000x1xf32>
    %div3A = arith.constant 1.000000e+00 : f32
    %div3A_6 = vector.broadcast %div3A : f32 to vector<1000x1xf32>
    %div3A_7 = arith.divf %div3A_6, %max3A_5 : vector<1000x1xf32>
    %get3A_8 = arith.constant 0 : index
    %get3A_9 = arith.constant 0 : index
    %get3A_10 = arith.constant 0 : index
    %get3A_11 = vector.load %arg1[%get3A_8, %get3A_9, %get3A_10] : memref<1x1000x128xf32, #tpu.memory_space<vmem>>, vector<1x1000x128xf32>
    %get3A_12 = vector.shape_cast %get3A_11 : vector<1x1000x128xf32> to vector<1000x128xf32>
    %mul3A = vector.broadcast %div3A_7 : vector<1000x1xf32> to vector<1000x128xf32>
    %mul3A_13 = arith.mulf %get3A_12, %mul3A : vector<1000x128xf32>
    %get3A_14 = arith.constant 0 : index
    %get3A_15 = arith.constant 0 : index
    %get3A_16 = vector.load %arg4[%get3A_14, %get3A_15] : memref<128x256xf32, #tpu.memory_space<vmem>>, vector<128x256xf32>
    %dot_general3A = arith.constant dense<0.000000e+00> : vector<1000x256xf32>
    %dot_general3A_17 = tpu.matmul %mul3A_13, %get3A_16, %dot_general3A {dimension_numbers = #tpu.dot_dimension_numbers<[1], [0], [0], [1], [0, 0, 1, 1], [], []>, transpose_lhs_hint = false} : vector<1000x128xf32>, vector<128x256xf32>, vector<1000x256xf32> -> vector<1000x256xf32>
    %get3A_18 = arith.constant 0 : index
    %get3A_19 = arith.constant 0 : index
    %get3A_20 = vector.load %arg3[%get3A_18, %get3A_19] : memref<1000x128xf32, #tpu.memory_space<vmem>>, vector<1000x128xf32>
    %get3A_21 = arith.constant 0 : index
    %get3A_22 = arith.constant 0 : index
    %get3A_23 = vector.load %arg5[%get3A_21, %get3A_22] : memref<128x256xf32, #tpu.memory_space<vmem>>, vector<128x256xf32>
    %dot_general3A_24 = arith.constant dense<0.000000e+00> : vector<1000x256xf32>
    %dot_general3A_25 = tpu.matmul %get3A_20, %get3A_23, %dot_general3A_24 {dimension_numbers = #tpu.dot_dimension_numbers<[1], [0], [0], [1], [0, 0, 1, 1], [], []>, transpose_lhs_hint = false} : vector<1000x128xf32>, vector<128x256xf32>, vector<1000x256xf32> -> vector<1000x256xf32>
    %add3A = arith.addf %dot_general3A_17, %dot_general3A_25 : vector<1000x256xf32>
    %get3A_26 = arith.constant 0 : index
    %get3A_27 = arith.constant 0 : index
    %get3A_28 = vector.load %arg6[%get3A_26, %get3A_27] : memref<1x256xf32, #tpu.memory_space<vmem>>, vector<1x256xf32>
    %add3A_29 = vector.broadcast %get3A_28 : vector<1x256xf32> to vector<1000x256xf32>
    %add3A_30 = arith.addf %add3A, %add3A_29 : vector<1000x256xf32>
    %max3A_31 = arith.constant 0.000000e+00 : f32
    %max3A_32 = vector.broadcast %max3A_31 : f32 to vector<1000x256xf32>
    %max3A_33 = arith.maximumf %add3A_30, %max3A_32 : vector<1000x256xf32>
    %slice3A = vector.extract_strided_slice %max3A_33 {offsets = [0, 0], sizes = [1000, 128], strides = [1, 1]} : vector<1000x256xf32> to vector<1000x128xf32>
    %swap3A = arith.constant 0 : index
    %swap3A_34 = arith.constant 0 : index
    %swap3A_35 = arith.constant 0 : index
    %swap3A_36 = vector.load %arg7[%swap3A, %swap3A_34, %swap3A_35] : memref<2x1000x128xf32, #tpu.memory_space<vmem>>, vector<1x1000x128xf32>
    %swap3A_37 = vector.shape_cast %swap3A_36 : vector<1x1000x128xf32> to vector<1000x128xf32>
    %swap3A_38 = vector.shape_cast %slice3A : vector<1000x128xf32> to vector<1x1000x128xf32>
    tpu.vector_store %arg7[%swap3A, %swap3A_34, %swap3A_35], %swap3A_38 {strides = array<i32>} : memref<2x1000x128xf32, #tpu.memory_space<vmem>>, vector<1x1000x128xf32>,
    %slice3A_39 = vector.extract_strided_slice %max3A_33 {offsets = [0, 128], sizes = [1000, 128], strides = [1, 1]} : vector<1000x256xf32> to vector<1000x128xf32>
    %swap3A_40 = arith.constant 1 : index
    %swap3A_41 = arith.constant 0 : index
    %swap3A_42 = arith.constant 0 : index
    %swap3A_43 = vector.load %arg7[%swap3A_40, %swap3A_41, %swap3A_42] : memref<2x1000x128xf32, #tpu.memory_space<vmem>>, vector<1x1000x128xf32>
    %swap3A_44 = vector.shape_cast %swap3A_43 : vector<1x1000x128xf32> to vector<1000x128xf32>
    %swap3A_45 = vector.shape_cast %slice3A_39 : vector<1000x128xf32> to vector<1x1000x128xf32>
    tpu.vector_store %arg7[%swap3A_40, %swap3A_41, %swap3A_42], %swap3A_45 {strides = array<i32>} : memref<2x1000x128xf32, #tpu.memory_space<vmem>>, vector<1x1000x128xf32>,
    return
  }
  func.func @transform_0(%arg0: i32) -> (i32, i32, i32) {
    %c1_i32 = arith.constant 1 : i32
    %c0_i32 = arith.constant 0 : i32
    %c0_i32_0 = arith.constant 0 : i32
    return %c1_i32, %arg0, %c0_i32 : i32, i32, i32
  }
  func.func @transform_1(%arg0: i32) -> (i32, i32, i32) {
    %c1_i32 = arith.constant 1 : i32
    %c0_i32 = arith.constant 0 : i32
    %c0_i32_0 = arith.constant 0 : i32
    return %c1_i32, %arg0, %c0_i32 : i32, i32, i32
  }
  func.func @transform_2(%arg0: i32) -> (i32, i32) {
    %c0_i32 = arith.constant 0 : i32
    %c0_i32_0 = arith.constant 0 : i32
    return %arg0, %c0_i32 : i32, i32
  }
  func.func @transform_3(%arg0: i32) -> (i32, i32) {
    %c0_i32 = arith.constant 0 : i32
    %c0_i32_0 = arith.constant 0 : i32
    %c0_i32_1 = arith.constant 0 : i32
    return %c0_i32, %c0_i32_0 : i32, i32
  }
  func.func @transform_4(%arg0: i32) -> (i32, i32) {
    %c0_i32 = arith.constant 0 : i32
    %c0_i32_0 = arith.constant 0 : i32
    %c0_i32_1 = arith.constant 0 : i32
    return %c0_i32, %c0_i32_0 : i32, i32
  }
  func.func @transform_5(%arg0: i32) -> (i32, i32) {
    %c0_i32 = arith.constant 0 : i32
    %c0_i32_0 = arith.constant 0 : i32
    %c0_i32_1 = arith.constant 0 : i32
    return %c0_i32, %c0_i32_0 : i32, i32
  }
  func.func @transform_6(%arg0: i32) -> (i32, i32, i32) {
    %c0_i32 = arith.constant 0 : i32
    %c0_i32_0 = arith.constant 0 : i32
    %c0_i32_1 = arith.constant 0 : i32
    return %c0_i32, %arg0, %c0_i32_0 : i32, i32, i32
  }
}

module attributes {stable_mosaic.version = 14 : i64} {
  func.func @_tc2fin_body(%arg0: i32, %arg1: memref<2x1000x128xf32, #tpu.memory_space<vmem>>, %arg2: memref<1x1000x128xf32, #tpu.memory_space<vmem>>, %arg3: memref<2x1000x128xf32, #tpu.memory_space<vmem>>, %arg4: memref<256x256xf32, #tpu.memory_space<vmem>>, %arg5: memref<256x256xf32, #tpu.memory_space<vmem>>, %arg6: memref<1x256xf32, #tpu.memory_space<vmem>>, %arg7: memref<256x64xf32, #tpu.memory_space<vmem>>, %arg8: memref<1x64xf32, #tpu.memory_space<vmem>>, %arg9: memref<1000x256xf32, #tpu.memory_space<vmem>>, %arg10: memref<1000x64xf32, #tpu.memory_space<vmem>>) attributes {dimension_semantics = [#tpu.dimension_semantics<arbitrary>], iteration_bounds = array<i64: 10>, scalar_prefetch = 0 : i64, scratch_operands = 0 : i64, tpu.core_type = #tpu.core_type<tc>, window_params = [{transform_indices = @transform_0, window_bounds = array<i64: 2, 1000, 128>}, {transform_indices = @transform_1, window_bounds = array<i64: 1, 1000, 128>}, {transform_indices = @transform_2, window_bounds = array<i64: 2, 1000, 128>}, {pipeline_mode = #tpu.pipeline_mode<synchronous>, transform_indices = @transform_3, window_bounds = array<i64: 256, 256>}, {pipeline_mode = #tpu.pipeline_mode<synchronous>, transform_indices = @transform_4, window_bounds = array<i64: 256, 256>}, {pipeline_mode = #tpu.pipeline_mode<synchronous>, transform_indices = @transform_5, window_bounds = array<i64: 1, 256>}, {pipeline_mode = #tpu.pipeline_mode<synchronous>, transform_indices = @transform_6, window_bounds = array<i64: 256, 64>}, {pipeline_mode = #tpu.pipeline_mode<synchronous>, transform_indices = @transform_7, window_bounds = array<i64: 1, 64>}, {transform_indices = @transform_8, window_bounds = array<i64: 1000, 256>}, {transform_indices = @transform_9, window_bounds = array<i64: 1000, 64>}]} {
    %get3A = arith.constant 0 : index
    %get3A_0 = arith.constant 0 : index
    %get3A_1 = arith.constant 0 : index
    %get3A_2 = vector.load %arg2[%get3A, %get3A_0, %get3A_1] : memref<1x1000x128xf32, #tpu.memory_space<vmem>>, vector<1x1000x1xf32>
    %get3A_3 = vector.shape_cast %get3A_2 : vector<1x1000x1xf32> to vector<1000x1xf32>
    %max3A = arith.constant 1.000000e+00 : f32
    %max3A_4 = vector.broadcast %max3A : f32 to vector<1000x1xf32>
    %max3A_5 = arith.maximumf %get3A_3, %max3A_4 : vector<1000x1xf32>
    %div3A = arith.constant 1.000000e+00 : f32
    %div3A_6 = vector.broadcast %div3A : f32 to vector<1000x1xf32>
    %div3A_7 = arith.divf %div3A_6, %max3A_5 : vector<1000x1xf32>
    %get3A_8 = arith.constant 0 : index
    %get3A_9 = arith.constant 0 : index
    %get3A_10 = arith.constant 0 : index
    %get3A_11 = vector.load %arg1[%get3A_8, %get3A_9, %get3A_10] : memref<2x1000x128xf32, #tpu.memory_space<vmem>>, vector<1x1000x128xf32>
    %get3A_12 = vector.shape_cast %get3A_11 : vector<1x1000x128xf32> to vector<1000x128xf32>
    %mul3A = vector.broadcast %div3A_7 : vector<1000x1xf32> to vector<1000x128xf32>
    %mul3A_13 = arith.mulf %get3A_12, %mul3A : vector<1000x128xf32>
    %get3A_14 = arith.constant 0 : index
    %get3A_15 = arith.constant 0 : index
    %get3A_16 = vector.load %arg4[%get3A_14, %get3A_15] : memref<256x256xf32, #tpu.memory_space<vmem>>, vector<128x256xf32>
    %dot_general3A = arith.constant dense<0.000000e+00> : vector<1000x256xf32>
    %dot_general3A_17 = tpu.matmul %mul3A_13, %get3A_16, %dot_general3A {dimension_numbers = #tpu.dot_dimension_numbers<[1], [0], [0], [1], [0, 0, 1, 1], [], []>, transpose_lhs_hint = false} : vector<1000x128xf32>, vector<128x256xf32>, vector<1000x256xf32> -> vector<1000x256xf32>
    %get3A_18 = arith.constant 1 : index
    %get3A_19 = arith.constant 0 : index
    %get3A_20 = arith.constant 0 : index
    %get3A_21 = vector.load %arg1[%get3A_18, %get3A_19, %get3A_20] : memref<2x1000x128xf32, #tpu.memory_space<vmem>>, vector<1x1000x128xf32>
    %get3A_22 = vector.shape_cast %get3A_21 : vector<1x1000x128xf32> to vector<1000x128xf32>
    %mul3A_23 = vector.broadcast %div3A_7 : vector<1000x1xf32> to vector<1000x128xf32>
    %mul3A_24 = arith.mulf %get3A_22, %mul3A_23 : vector<1000x128xf32>
    %get3A_25 = arith.constant 128 : index
    %get3A_26 = arith.constant 0 : index
    %get3A_27 = vector.load %arg4[%get3A_25, %get3A_26] : memref<256x256xf32, #tpu.memory_space<vmem>>, vector<128x256xf32>
    %dot_general3A_28 = arith.constant dense<0.000000e+00> : vector<1000x256xf32>
    %dot_general3A_29 = tpu.matmul %mul3A_24, %get3A_27, %dot_general3A_28 {dimension_numbers = #tpu.dot_dimension_numbers<[1], [0], [0], [1], [0, 0, 1, 1], [], []>, transpose_lhs_hint = false} : vector<1000x128xf32>, vector<128x256xf32>, vector<1000x256xf32> -> vector<1000x256xf32>
    %add3A = arith.addf %dot_general3A_17, %dot_general3A_29 : vector<1000x256xf32>
    %get3A_30 = arith.constant 0 : index
    %get3A_31 = arith.constant 0 : index
    %get3A_32 = arith.constant 0 : index
    %get3A_33 = vector.load %arg3[%get3A_30, %get3A_31, %get3A_32] : memref<2x1000x128xf32, #tpu.memory_space<vmem>>, vector<1x1000x128xf32>
    %get3A_34 = vector.shape_cast %get3A_33 : vector<1x1000x128xf32> to vector<1000x128xf32>
    %get3A_35 = arith.constant 0 : index
    %get3A_36 = arith.constant 0 : index
    %get3A_37 = vector.load %arg5[%get3A_35, %get3A_36] : memref<256x256xf32, #tpu.memory_space<vmem>>, vector<128x256xf32>
    %dot_general3A_38 = arith.constant dense<0.000000e+00> : vector<1000x256xf32>
    %dot_general3A_39 = tpu.matmul %get3A_34, %get3A_37, %dot_general3A_38 {dimension_numbers = #tpu.dot_dimension_numbers<[1], [0], [0], [1], [0, 0, 1, 1], [], []>, transpose_lhs_hint = false} : vector<1000x128xf32>, vector<128x256xf32>, vector<1000x256xf32> -> vector<1000x256xf32>
    %add3A_40 = arith.addf %add3A, %dot_general3A_39 : vector<1000x256xf32>
    %get3A_41 = arith.constant 1 : index
    %get3A_42 = arith.constant 0 : index
    %get3A_43 = arith.constant 0 : index
    %get3A_44 = vector.load %arg3[%get3A_41, %get3A_42, %get3A_43] : memref<2x1000x128xf32, #tpu.memory_space<vmem>>, vector<1x1000x128xf32>
    %get3A_45 = vector.shape_cast %get3A_44 : vector<1x1000x128xf32> to vector<1000x128xf32>
    %get3A_46 = arith.constant 128 : index
    %get3A_47 = arith.constant 0 : index
    %get3A_48 = vector.load %arg5[%get3A_46, %get3A_47] : memref<256x256xf32, #tpu.memory_space<vmem>>, vector<128x256xf32>
    %dot_general3A_49 = arith.constant dense<0.000000e+00> : vector<1000x256xf32>
    %dot_general3A_50 = tpu.matmul %get3A_45, %get3A_48, %dot_general3A_49 {dimension_numbers = #tpu.dot_dimension_numbers<[1], [0], [0], [1], [0, 0, 1, 1], [], []>, transpose_lhs_hint = false} : vector<1000x128xf32>, vector<128x256xf32>, vector<1000x256xf32> -> vector<1000x256xf32>
    %add3A_51 = arith.addf %add3A_40, %dot_general3A_50 : vector<1000x256xf32>
    %get3A_52 = arith.constant 0 : index
    %get3A_53 = arith.constant 0 : index
    %get3A_54 = vector.load %arg6[%get3A_52, %get3A_53] : memref<1x256xf32, #tpu.memory_space<vmem>>, vector<1x256xf32>
    %add3A_55 = vector.broadcast %get3A_54 : vector<1x256xf32> to vector<1000x256xf32>
    %add3A_56 = arith.addf %add3A_51, %add3A_55 : vector<1000x256xf32>
    %max3A_57 = arith.constant 0.000000e+00 : f32
    %max3A_58 = vector.broadcast %max3A_57 : f32 to vector<1000x256xf32>
    %max3A_59 = arith.maximumf %add3A_56, %max3A_58 : vector<1000x256xf32>
    %swap3A = arith.constant 0 : index
    %swap3A_60 = arith.constant 0 : index
    %swap3A_61 = vector.load %arg9[%swap3A, %swap3A_60] : memref<1000x256xf32, #tpu.memory_space<vmem>>, vector<1000x256xf32>
    tpu.vector_store %arg9[%swap3A, %swap3A_60], %max3A_59 {strides = array<i32>} : memref<1000x256xf32, #tpu.memory_space<vmem>>, vector<1000x256xf32>,
    %get3A_62 = arith.constant 0 : index
    %get3A_63 = arith.constant 0 : index
    %get3A_64 = vector.load %arg7[%get3A_62, %get3A_63] : memref<256x64xf32, #tpu.memory_space<vmem>>, vector<256x64xf32>
    %dot_general3A_65 = arith.constant dense<0.000000e+00> : vector<1000x64xf32>
    %dot_general3A_66 = tpu.matmul %max3A_59, %get3A_64, %dot_general3A_65 {dimension_numbers = #tpu.dot_dimension_numbers<[1], [0], [0], [1], [0, 0, 1, 1], [], []>, transpose_lhs_hint = false} : vector<1000x256xf32>, vector<256x64xf32>, vector<1000x64xf32> -> vector<1000x64xf32>
    %get3A_67 = arith.constant 0 : index
    %get3A_68 = arith.constant 0 : index
    %get3A_69 = vector.load %arg8[%get3A_67, %get3A_68] : memref<1x64xf32, #tpu.memory_space<vmem>>, vector<1x64xf32>
    %add3A_70 = vector.broadcast %get3A_69 : vector<1x64xf32> to vector<1000x64xf32>
    %add3A_71 = arith.addf %dot_general3A_66, %add3A_70 : vector<1000x64xf32>
    %swap3A_72 = arith.constant 0 : index
    %swap3A_73 = arith.constant 0 : index
    %swap3A_74 = vector.load %arg10[%swap3A_72, %swap3A_73] : memref<1000x64xf32, #tpu.memory_space<vmem>>, vector<1000x64xf32>
    tpu.vector_store %arg10[%swap3A_72, %swap3A_73], %add3A_71 {strides = array<i32>} : memref<1000x64xf32, #tpu.memory_space<vmem>>, vector<1000x64xf32>,
    return
  }
  func.func @transform_0(%arg0: i32) -> (i32, i32, i32) {
    %c0_i32 = arith.constant 0 : i32
    %c0_i32_0 = arith.constant 0 : i32
    %c0_i32_1 = arith.constant 0 : i32
    return %c0_i32, %arg0, %c0_i32_0 : i32, i32, i32
  }
  func.func @transform_1(%arg0: i32) -> (i32, i32, i32) {
    %c1_i32 = arith.constant 1 : i32
    %c0_i32 = arith.constant 0 : i32
    %c0_i32_0 = arith.constant 0 : i32
    return %c1_i32, %arg0, %c0_i32 : i32, i32, i32
  }
  func.func @transform_2(%arg0: i32) -> (i32, i32, i32) {
    %c0_i32 = arith.constant 0 : i32
    %c0_i32_0 = arith.constant 0 : i32
    %c0_i32_1 = arith.constant 0 : i32
    return %c0_i32, %arg0, %c0_i32_0 : i32, i32, i32
  }
  func.func @transform_3(%arg0: i32) -> (i32, i32) {
    %c0_i32 = arith.constant 0 : i32
    %c0_i32_0 = arith.constant 0 : i32
    %c0_i32_1 = arith.constant 0 : i32
    return %c0_i32, %c0_i32_0 : i32, i32
  }
  func.func @transform_4(%arg0: i32) -> (i32, i32) {
    %c0_i32 = arith.constant 0 : i32
    %c0_i32_0 = arith.constant 0 : i32
    %c0_i32_1 = arith.constant 0 : i32
    return %c0_i32, %c0_i32_0 : i32, i32
  }
  func.func @transform_5(%arg0: i32) -> (i32, i32) {
    %c0_i32 = arith.constant 0 : i32
    %c0_i32_0 = arith.constant 0 : i32
    %c0_i32_1 = arith.constant 0 : i32
    return %c0_i32, %c0_i32_0 : i32, i32
  }
  func.func @transform_6(%arg0: i32) -> (i32, i32) {
    %c0_i32 = arith.constant 0 : i32
    %c0_i32_0 = arith.constant 0 : i32
    %c0_i32_1 = arith.constant 0 : i32
    return %c0_i32, %c0_i32_0 : i32, i32
  }
  func.func @transform_7(%arg0: i32) -> (i32, i32) {
    %c0_i32 = arith.constant 0 : i32
    %c0_i32_0 = arith.constant 0 : i32
    %c0_i32_1 = arith.constant 0 : i32
    return %c0_i32, %c0_i32_0 : i32, i32
  }
  func.func @transform_8(%arg0: i32) -> (i32, i32) {
    %c0_i32 = arith.constant 0 : i32
    %c0_i32_0 = arith.constant 0 : i32
    return %arg0, %c0_i32 : i32, i32
  }
  func.func @transform_9(%arg0: i32) -> (i32, i32) {
    %c0_i32 = arith.constant 0 : i32
    %c0_i32_0 = arith.constant 0 : i32
    return %arg0, %c0_i32 : i32, i32
  }
}

module attributes {stable_mosaic.version = 14 : i64} {
  func.func @_tc2_body(%arg0: i32, %arg1: memref<2x1000x128xf32, #tpu.memory_space<vmem>>, %arg2: memref<1x1000x128xf32, #tpu.memory_space<vmem>>, %arg3: memref<2x1000x128xf32, #tpu.memory_space<vmem>>, %arg4: memref<256x256xf32, #tpu.memory_space<vmem>>, %arg5: memref<256x256xf32, #tpu.memory_space<vmem>>, %arg6: memref<1x256xf32, #tpu.memory_space<vmem>>, %arg7: memref<1000x256xf32, #tpu.memory_space<vmem>>) attributes {dimension_semantics = [#tpu.dimension_semantics<arbitrary>], iteration_bounds = array<i64: 10>, scalar_prefetch = 0 : i64, scratch_operands = 0 : i64, tpu.core_type = #tpu.core_type<tc>, window_params = [{transform_indices = @transform_0, window_bounds = array<i64: 2, 1000, 128>}, {transform_indices = @transform_1, window_bounds = array<i64: 1, 1000, 128>}, {transform_indices = @transform_2, window_bounds = array<i64: 2, 1000, 128>}, {pipeline_mode = #tpu.pipeline_mode<synchronous>, transform_indices = @transform_3, window_bounds = array<i64: 256, 256>}, {pipeline_mode = #tpu.pipeline_mode<synchronous>, transform_indices = @transform_4, window_bounds = array<i64: 256, 256>}, {pipeline_mode = #tpu.pipeline_mode<synchronous>, transform_indices = @transform_5, window_bounds = array<i64: 1, 256>}, {transform_indices = @transform_6, window_bounds = array<i64: 1000, 256>}]} {
    %get3A = arith.constant 0 : index
    %get3A_0 = arith.constant 0 : index
    %get3A_1 = arith.constant 0 : index
    %get3A_2 = vector.load %arg2[%get3A, %get3A_0, %get3A_1] : memref<1x1000x128xf32, #tpu.memory_space<vmem>>, vector<1x1000x1xf32>
    %get3A_3 = vector.shape_cast %get3A_2 : vector<1x1000x1xf32> to vector<1000x1xf32>
    %max3A = arith.constant 1.000000e+00 : f32
    %max3A_4 = vector.broadcast %max3A : f32 to vector<1000x1xf32>
    %max3A_5 = arith.maximumf %get3A_3, %max3A_4 : vector<1000x1xf32>
    %div3A = arith.constant 1.000000e+00 : f32
    %div3A_6 = vector.broadcast %div3A : f32 to vector<1000x1xf32>
    %div3A_7 = arith.divf %div3A_6, %max3A_5 : vector<1000x1xf32>
    %get3A_8 = arith.constant 0 : index
    %get3A_9 = arith.constant 0 : index
    %get3A_10 = arith.constant 0 : index
    %get3A_11 = vector.load %arg1[%get3A_8, %get3A_9, %get3A_10] : memref<2x1000x128xf32, #tpu.memory_space<vmem>>, vector<1x1000x128xf32>
    %get3A_12 = vector.shape_cast %get3A_11 : vector<1x1000x128xf32> to vector<1000x128xf32>
    %mul3A = vector.broadcast %div3A_7 : vector<1000x1xf32> to vector<1000x128xf32>
    %mul3A_13 = arith.mulf %get3A_12, %mul3A : vector<1000x128xf32>
    %get3A_14 = arith.constant 0 : index
    %get3A_15 = arith.constant 0 : index
    %get3A_16 = vector.load %arg4[%get3A_14, %get3A_15] : memref<256x256xf32, #tpu.memory_space<vmem>>, vector<128x256xf32>
    %dot_general3A = arith.constant dense<0.000000e+00> : vector<1000x256xf32>
    %dot_general3A_17 = tpu.matmul %mul3A_13, %get3A_16, %dot_general3A {dimension_numbers = #tpu.dot_dimension_numbers<[1], [0], [0], [1], [0, 0, 1, 1], [], []>, transpose_lhs_hint = false} : vector<1000x128xf32>, vector<128x256xf32>, vector<1000x256xf32> -> vector<1000x256xf32>
    %get3A_18 = arith.constant 1 : index
    %get3A_19 = arith.constant 0 : index
    %get3A_20 = arith.constant 0 : index
    %get3A_21 = vector.load %arg1[%get3A_18, %get3A_19, %get3A_20] : memref<2x1000x128xf32, #tpu.memory_space<vmem>>, vector<1x1000x128xf32>
    %get3A_22 = vector.shape_cast %get3A_21 : vector<1x1000x128xf32> to vector<1000x128xf32>
    %mul3A_23 = vector.broadcast %div3A_7 : vector<1000x1xf32> to vector<1000x128xf32>
    %mul3A_24 = arith.mulf %get3A_22, %mul3A_23 : vector<1000x128xf32>
    %get3A_25 = arith.constant 128 : index
    %get3A_26 = arith.constant 0 : index
    %get3A_27 = vector.load %arg4[%get3A_25, %get3A_26] : memref<256x256xf32, #tpu.memory_space<vmem>>, vector<128x256xf32>
    %dot_general3A_28 = arith.constant dense<0.000000e+00> : vector<1000x256xf32>
    %dot_general3A_29 = tpu.matmul %mul3A_24, %get3A_27, %dot_general3A_28 {dimension_numbers = #tpu.dot_dimension_numbers<[1], [0], [0], [1], [0, 0, 1, 1], [], []>, transpose_lhs_hint = false} : vector<1000x128xf32>, vector<128x256xf32>, vector<1000x256xf32> -> vector<1000x256xf32>
    %add3A = arith.addf %dot_general3A_17, %dot_general3A_29 : vector<1000x256xf32>
    %get3A_30 = arith.constant 0 : index
    %get3A_31 = arith.constant 0 : index
    %get3A_32 = arith.constant 0 : index
    %get3A_33 = vector.load %arg3[%get3A_30, %get3A_31, %get3A_32] : memref<2x1000x128xf32, #tpu.memory_space<vmem>>, vector<1x1000x128xf32>
    %get3A_34 = vector.shape_cast %get3A_33 : vector<1x1000x128xf32> to vector<1000x128xf32>
    %get3A_35 = arith.constant 0 : index
    %get3A_36 = arith.constant 0 : index
    %get3A_37 = vector.load %arg5[%get3A_35, %get3A_36] : memref<256x256xf32, #tpu.memory_space<vmem>>, vector<128x256xf32>
    %dot_general3A_38 = arith.constant dense<0.000000e+00> : vector<1000x256xf32>
    %dot_general3A_39 = tpu.matmul %get3A_34, %get3A_37, %dot_general3A_38 {dimension_numbers = #tpu.dot_dimension_numbers<[1], [0], [0], [1], [0, 0, 1, 1], [], []>, transpose_lhs_hint = false} : vector<1000x128xf32>, vector<128x256xf32>, vector<1000x256xf32> -> vector<1000x256xf32>
    %add3A_40 = arith.addf %add3A, %dot_general3A_39 : vector<1000x256xf32>
    %get3A_41 = arith.constant 1 : index
    %get3A_42 = arith.constant 0 : index
    %get3A_43 = arith.constant 0 : index
    %get3A_44 = vector.load %arg3[%get3A_41, %get3A_42, %get3A_43] : memref<2x1000x128xf32, #tpu.memory_space<vmem>>, vector<1x1000x128xf32>
    %get3A_45 = vector.shape_cast %get3A_44 : vector<1x1000x128xf32> to vector<1000x128xf32>
    %get3A_46 = arith.constant 128 : index
    %get3A_47 = arith.constant 0 : index
    %get3A_48 = vector.load %arg5[%get3A_46, %get3A_47] : memref<256x256xf32, #tpu.memory_space<vmem>>, vector<128x256xf32>
    %dot_general3A_49 = arith.constant dense<0.000000e+00> : vector<1000x256xf32>
    %dot_general3A_50 = tpu.matmul %get3A_45, %get3A_48, %dot_general3A_49 {dimension_numbers = #tpu.dot_dimension_numbers<[1], [0], [0], [1], [0, 0, 1, 1], [], []>, transpose_lhs_hint = false} : vector<1000x128xf32>, vector<128x256xf32>, vector<1000x256xf32> -> vector<1000x256xf32>
    %add3A_51 = arith.addf %add3A_40, %dot_general3A_50 : vector<1000x256xf32>
    %get3A_52 = arith.constant 0 : index
    %get3A_53 = arith.constant 0 : index
    %get3A_54 = vector.load %arg6[%get3A_52, %get3A_53] : memref<1x256xf32, #tpu.memory_space<vmem>>, vector<1x256xf32>
    %add3A_55 = vector.broadcast %get3A_54 : vector<1x256xf32> to vector<1000x256xf32>
    %add3A_56 = arith.addf %add3A_51, %add3A_55 : vector<1000x256xf32>
    %max3A_57 = arith.constant 0.000000e+00 : f32
    %max3A_58 = vector.broadcast %max3A_57 : f32 to vector<1000x256xf32>
    %max3A_59 = arith.maximumf %add3A_56, %max3A_58 : vector<1000x256xf32>
    %swap3A = arith.constant 0 : index
    %swap3A_60 = arith.constant 0 : index
    %swap3A_61 = vector.load %arg7[%swap3A, %swap3A_60] : memref<1000x256xf32, #tpu.memory_space<vmem>>, vector<1000x256xf32>
    tpu.vector_store %arg7[%swap3A, %swap3A_60], %max3A_59 {strides = array<i32>} : memref<1000x256xf32, #tpu.memory_space<vmem>>, vector<1000x256xf32>,
    return
  }
  func.func @transform_0(%arg0: i32) -> (i32, i32, i32) {
    %c0_i32 = arith.constant 0 : i32
    %c0_i32_0 = arith.constant 0 : i32
    %c0_i32_1 = arith.constant 0 : i32
    return %c0_i32, %arg0, %c0_i32_0 : i32, i32, i32
  }
  func.func @transform_1(%arg0: i32) -> (i32, i32, i32) {
    %c0_i32 = arith.constant 0 : i32
    %c0_i32_0 = arith.constant 0 : i32
    %c0_i32_1 = arith.constant 0 : i32
    return %c0_i32, %arg0, %c0_i32_0 : i32, i32, i32
  }
  func.func @transform_2(%arg0: i32) -> (i32, i32, i32) {
    %c0_i32 = arith.constant 0 : i32
    %c0_i32_0 = arith.constant 0 : i32
    %c0_i32_1 = arith.constant 0 : i32
    return %c0_i32, %arg0, %c0_i32_0 : i32, i32, i32
  }
  func.func @transform_3(%arg0: i32) -> (i32, i32) {
    %c0_i32 = arith.constant 0 : i32
    %c0_i32_0 = arith.constant 0 : i32
    %c0_i32_1 = arith.constant 0 : i32
    return %c0_i32, %c0_i32_0 : i32, i32
  }
  func.func @transform_4(%arg0: i32) -> (i32, i32) {
    %c0_i32 = arith.constant 0 : i32
    %c0_i32_0 = arith.constant 0 : i32
    %c0_i32_1 = arith.constant 0 : i32
    return %c0_i32, %c0_i32_0 : i32, i32
  }
  func.func @transform_5(%arg0: i32) -> (i32, i32) {
    %c0_i32 = arith.constant 0 : i32
    %c0_i32_0 = arith.constant 0 : i32
    %c0_i32_1 = arith.constant 0 : i32
    return %c0_i32, %c0_i32_0 : i32, i32
  }
  func.func @transform_6(%arg0: i32) -> (i32, i32) {
    %c0_i32 = arith.constant 0 : i32
    %c0_i32_0 = arith.constant 0 : i32
    return %arg0, %c0_i32 : i32, i32
  }
}

</mosaic_0001>

<sc_bundles>
// kernel: kernel.12.cloned.1.call-start
scs
__scs_entry_jumppad:
0x0: {  	(pc) =	sbr.rel $0x88, $3  }
0x1: {  	(tag) =	ssettag $0x0;
	lr =	simm.s32 $0x1  }
0x2: {  	[smem:$0x3F8F] =	sst lr;
	_ =	strace $0xD0000000  }
0x3: {  	_ = 	snop  }
0x4: {  	_ = 	snop  }
0x5: {  	_ = 	snop  }
0x6: {  	_ = 	snop  }
0x7: {  	_ = 	snop  }
__scs_overlays_trampoline_lowered:
0x8: {  	[smem:$0x3F9E] =	sst s0  }
0x9: {  	[smem:$0x3F9F] =	sst s1  }
0xa: {  	[smem:$0x3FA0] =	sst s2  }
0xb: {  	[smem:$0x3FA1] =	sst s3  }
0xc: {  	[smem:$0x3FA2] =	sst s4  }
0xd: {  	[smem:$0x3FA3] =	sst s5  }
0xe: {  	[smem:$0x3FA4] =	sst s6  }
0xf: {  	[smem:$0x3FA5] =	sst s7  }
0x10: {  	[smem:$0x3FA6] =	sst s8  }
0x11: {  	[smem:$0x3FA7] =	sst s9;
	s0 =	simm.s32 @!p0 $0x0  }
0x12: {  	s1 =	sld [smem:$0x3F8D];
	s0 =	simm.s32 @p0 $0x1  }
0x13: {  	[smem:$0x3FA8] =	sst s0;
	s0 =	simm.s32 @!p1 $0x0  }
0x14: {  	s2 =	sld [smem:$0x3F8C];
	s0 =	simm.s32 @p1 $0x1  }
0x15: {  	[smem:$0x3FA9] =	sst s0;
	s0 =	simm.s32 @!p2 $0x0  }
0x16: {  	s3 =	sld [smem:$0x3FDB];
	s0 =	simm.s32 @p2 $0x1  }
0x17: {  	s4 =	simm.s32 $0x1BF5;
	[smem:$0x3FAB] =	sst s0  }
0x18: {  	s0 =	sld [smem:$0x3F8E];
	_ =	swait.ge [sflag:s4], $0x0  }
0x19: {  	s7 =	sld [smem:$0x3F8F]  }
0x1a: {  	s8 =	sadd.s32 $0xFFFFE003, lr  }
0x1b: {  	s9 =	sadd.s32 $0xFFFFFEF7, lr;
	s5 =	simm.s32 $0xFFFFFFFF;
	p2 =	slt.u32 s8, $0xFFFFF086  }
0x1c: {  	p1 =	slt.u32 s9, $0xF7A;
	s5 =	simm.s32 @!p2 $0x0  }
0x1d: {  	s5 =	simm.s32 @p1 $0x1;
	p0 =	seq.s32 s7, s2  }
0x1e: {  	s7 =	smul.u32 @!p0 $0xF7A, s2;
	p2 =	seq.s32 @!p0 s5, $0x0  }
0x1f: {  	s9 =	smul.u32 $0xF7A, s1;
	s8 =	simm.s32 @!p0 $0x1BF5;
	p2 =	por !p2, p0  }
0x20: {  	[sflag:s8] =	ssyncset.s32 @!p0 $0xFFFFF086;
	s6 =	sadd.s32 @!p0 s3, s7;
	s7 =	simm.s32 @!p0 $0x108  }
0x21: {  	s3 =	sadd.s32 s3, s9;
	s6 =	sadd.s32 @!p0 $0x88, s6;
	s7 =	simm.s32 @p2 $0x1082  }
0x22: {  	[simem:s7], [sflag:s8] =	dma.local @!p0 [hbm:s6], $0xF7A  }
0x23: {  	s9 =	sor.u32 $0xD0000000, s2;
	s6 =	simm.s32 $0x108;
	_ =	swait.ge @!p0 [sflag:s8], $0x0  }
0x24: {  	s3 =	sadd.s32 $0x88, s3;
	s6 =	simm.s32 @!p1 $0x1082;
	[sflag:s4] =	ssyncset.s32 $0xFFFFF086  }
0x25: {  	[simem:s6], [sflag:s4] =	dma.local [hbm:s3], $0xF7A  }
0x26: {  	[smem:$0x3F8F] =	sst s1;
	(tag) =	ssettag s2;
	_ =	strace s9  }
0x27: {  	s1 =	sld [smem:$0x3F9F]  }
0x28: {  	s2 =	sld [smem:$0x3FA0]  }
0x29: {  	s4 =	sld [smem:$0x3FA2]  }
0x2a: {  	p0 =	seq.s32 s5, $0x0;
	s5 =	sld [smem:$0x3FA3]  }
0x2b: {  	s6 =	sld [smem:$0x3FA4]  }
0x2c: {  	s7 =	sld [smem:$0x3FA5]  }
0x2d: {  	s3 =	simm.s32 $0x108;
	s8 =	sld [smem:$0x3FA6]  }
0x2e: {  	s3 =	simm.s32 @!p0 $0x1082;
	s9 =	sld [smem:$0x3FA7]  }
0x2f: {  	lr =	sadd.s32 s0, s3;
	s0 =	sld [smem:$0x3F9E]  }
0x30: {  	s3 =	sld [smem:$0x3FA1]  }
0x31: {  	[smem:$0x3FAA] =	sst s10  }
0x32: {  	s10 =	sld [smem:$0x3FA8];
	_ =	sdelay $0x3  }
0x33: {  	p0 =	seq.s32 s10, $0x1;
	s10 =	sld [smem:$0x3FAA];
	_ =	sdelay $0x3  }
0x34: {  	[smem:$0x3FAA] =	sst s10  }
0x35: {  	s10 =	sld [smem:$0x3FA9];
	_ =	sdelay $0x3  }
0x36: {  	p1 =	seq.s32 s10, $0x1;
	s10 =	sld [smem:$0x3FAA];
	_ =	sdelay $0x3  }
0x37: {  	[smem:$0x3FAA] =	sst s10  }
0x38: {  	s10 =	sld [smem:$0x3FAB]  }
0x39: {  	_ = 	snop;
	(pc) =	sbr.ind lr, $3  }
0x3a: {  	_ = 	snop  }
0x3b: {  	_ = 	snop  }
0x3c: {  	p2 =	seq.s32 s10, $0x1;
	s10 =	sld [smem:$0x3FAA]  }
0x3d: {  	_ =	shalt  }
0x3e: {  	_ =	shalt  }
0x3f: {  	_ =	shalt  }
0x40: {  	_ =	shalt  }
0x41: {  	_ =	shalt  }
0x42: {  	_ =	shalt  }
0x43: {  	_ =	shalt  }
0x44: {  	_ =	shalt  }
0x45: {  	_ =	shalt  }
0x46: {  	_ =	shalt  }
0x47: {  	_ =	shalt  }
0x48: {  	_ =	shalt  }
0x49: {  	_ =	shalt  }
0x4a: {  	_ =	shalt  }
0x4b: {  	_ =	shalt  }
0x4c: {  	_ =	shalt  }
0x4d: {  	_ =	shalt  }
0x4e: {  	_ =	shalt  }
0x4f: {  	_ =	shalt  }
0x50: {  	_ =	shalt  }
0x51: {  	_ =	shalt  }
0x52: {  	_ =	shalt  }
0x53: {  	_ =	shalt  }
0x54: {  	_ =	shalt  }
0x55: {  	_ =	shalt  }
0x56: {  	_ =	shalt  }
0x57: {  	_ =	shalt  }
0x58: {  	_ =	shalt  }
0x59: {  	_ =	shalt  }
0x5a: {  	_ =	shalt  }
0x5b: {  	_ =	shalt  }
0x5c: {  	_ =	shalt  }
0x5d: {  	_ =	shalt  }
0x5e: {  	_ =	shalt  }
0x5f: {  	_ =	shalt  }
0x60: {  	_ =	shalt  }
0x61: {  	_ =	shalt  }
0x62: {  	_ =	shalt  }
0x63: {  	_ =	shalt  }
0x64: {  	_ =	shalt  }
0x65: {  	_ =	shalt  }
0x66: {  	_ =	shalt  }
0x67: {  	_ =	shalt  }
0x68: {  	_ =	shalt  }
0x69: {  	_ =	shalt  }
0x6a: {  	_ =	shalt  }
0x6b: {  	_ =	shalt  }
0x6c: {  	_ =	shalt  }
0x6d: {  	_ =	shalt  }
0x6e: {  	_ =	shalt  }
0x6f: {  	_ =	shalt  }
0x70: {  	_ =	shalt  }
0x71: {  	_ =	shalt  }
0x72: {  	_ =	shalt  }
0x73: {  	_ =	shalt  }
0x74: {  	_ =	shalt  }
0x75: {  	_ =	shalt  }
0x76: {  	_ =	shalt  }
0x77: {  	_ =	shalt  }
0x78: {  	_ =	shalt  }
0x79: {  	_ =	shalt  }
0x7a: {  	_ =	shalt  }
0x7b: {  	_ =	shalt  }
0x7c: {  	_ =	shalt  }
0x7d: {  	_ =	shalt  }
0x7e: {  	_ =	shalt  }
0x7f: {  	_ =	shalt  }
0x80: {  	_ =	shalt  }
0x81: {  	_ =	shalt  }
0x82: {  	_ =	shalt  }
0x83: {  	_ =	shalt  }
0x84: {  	_ =	shalt  }
0x85: {  	_ =	shalt  }
0x86: {  	_ =	shalt  }
0x87: {  	_ =	shalt  }
.Lfunc_end0:
.L_simem_size_0:
called_computation.1_lowered:
.L_overlay_start_0:
0x88: {  	s2 =	sld [smem:$0x3FD9]  }
0x89: {  	s3 =	sld [smem:$0x3FFE];
	_ =	sdelay $0x1  }
0x8a: {  	s1 =	srdreg.scid  }
0x8b: {  	s0 =	sand.u32 $0x1, s1  }
0x8c: {  	s15 =	sshll.u32 s0, $0xA;
	s2 =	sadd.s32 s3, s2  }
0x8d: {  	s2 =	sadd.s32 s2, s15  }
0x8e: {  	[smem:$0x3FB6] =	sst s2  }
0x8f: {  	_ = 	snop  }
0x90: {  	s2 =	sld [smem:$0x3FD0];
	_ =	sdelay $0x2  }
0x91: {  	s16 =	simm.s32 $0xB;
	s4 =	simm.s32 $0x10  }
0x92: {  	[smem:s4], [sflag:s16] =	dma.local [hbm:s2], $0x1  }
0x93: {  	_ =	swait.eq [sflag:s16], $0x1  }
0x94: {  	[sflag:s16] =	ssyncset.done $0x0  }
0x95: {  	[sflag:s16] =	ssyncadd.s32 $0xFFFFFFFF  }
0x96: {  	s17 =	sld [smem:$0x12];
	(tm) =	ssettm $0x1  }
0x97: {  	s18 =	sld [smem:$0x3FFB];
	_ =	sdelay $0x3  }
0x98: {  	_ =	strace s18  }
0x99: {  	s2 =	sld [smem:$0x3FFC];
	_ =	sdelay $0x3  }
0x9a: {  	_ =	strace s2  }
0x9b: {  	s2 =	sld [smem:$0x3FFD];
	_ =	sdelay $0x3  }
0x9c: {  	_ =	strace s2  }
0x9d: {  	_ =	strace $0x8FFFFFFF  }
0x9e: {  	s19 =	sld [smem:$0x3FDB];
	_ =	sdelay $0x1  }
0x9f: {  	s20 =	simm.s32 $_scs_section_size  }
0xa0: {  	s5 =	simm.s32 $_size__tile_overlayer_lowered;
	s6 =	simm.s32 $_tile_overlayer_lowered  }
0xa1: {  	s7 =	simm.s32 $0x1BFF;
	s21 =	sshll.u32 s6, $0x1;
	s4 =	sadd.s32 s20, s19  }
0xa2: {  	s22 =	simm.s32 $0x0;
	s5 =	sshll.u32 s5, $0x1;
	s6 =	sadd.s32 s21, s4  }
0xa3: {  	[timem:s22], [sflag:s7] =	dma.local [hbm:s6], s5  }
0xa4: {  	_ =	swait.ge [sflag:s7], s5  }
0xa5: {  	s5 =	ssub.s32 $0x0, s5;
	[sflag:s7] =	ssyncset.done $0x0  }
0xa6: {  	[sflag:s7] =	ssyncadd.s32 s5;
	_ =	sdelay $0x1  }
0xa7: {  	s23 =	simm.s32 $0x1B8B  }
0xa8: {  	_ =	swait.ge [sflag:s23], $0x1  }
0xa9: {  	[sflag:s23] =	ssyncset.done $0x0  }
0xaa: {  	[sflag:s23] =	ssyncadd.s32 $0xFFFFFFFF  }
0xab: {  	s5 =	sld [smem:$0x0]  }
0xac: {  	s6 =	sand.u32 $0xFFFFFFFE, s1  }
0xad: {  	p0 =	sne.s32 s1, s6  }
0xae: {  	s6 =	sshll.u32 @p0 s6, $0xE  }
0xaf: {  	s6 =	sadd.s32 @p0 $0x11B8D, s6;
	s7 =	sshll.u32 @p0 s5, $0x11  }
0xb0: {  	s6 =	sor.u32 @p0 s7, s6  }
0xb1: {  	[sflag:s6] =	ssyncadd.remote.s32 @p0 $0x1;
	_ =	sdelay $0x1  }
0xb2: {  	s6 =	simm.s32 @p0 $0x1B8D  }
0xb3: {  	_ =	swait.eq @p0 [sflag:s6], $0x1  }
0xb4: {  	[sflag:s6] =	ssyncadd.s32 @p0 $0xFFFFFFFF  }
0xb5: {  	s7 =	sshll.u32 @!p0 s1, $0xE  }
0xb6: {  	s7 =	sor.u32 @!p0 $0x4000, s7;
	s6 =	simm.s32 @!p0 $0x1B8D  }
0xb7: {  	s5 =	sshll.u32 @!p0 s5, $0x11;
	s7 =	sadd.s32 @!p0 $0x11B8D, s7;
	_ =	swait.eq @!p0 [sflag:s6], $0x1  }
0xb8: {  	s5 =	sor.u32 @!p0 s5, s7;
	[sflag:s6] =	ssyncadd.s32 @!p0 $0xFFFFFFFF  }
0xb9: {  	s25 =	simm.s32 $0x1B8E;
	s24 =	sld [smem:$0x3FFE];
	[sflag:s5] =	ssyncadd.remote.s32 @!p0 $0x1  }
0xba: {  	s26 =	simm.s32 $execute0_lowered;
	[smem:$0x3FD2] =	sst s25  }
0xbb: {  	s6 =	sshll.u32 s26, $0x1;
	_ =	strace $0x8000004C;
	[dreg:$0x1] =	wrdreg $0xFFFFFFFF  }
0xbc: {  	s28 =	simm.s32 $_size_execute0_lowered;
	s4 =	sadd.s32 s4, s6;
	[dreg:$0x0] =	wrdreg $0x0  }
0xbd: {  	s6 =	sshll.u32 s28, $0x1;
	[dreg:$0x2] =	wrdreg s4  }
0xbe: {  	[dreg:$0x3] =	wrdreg s6  }
0xbf: {  	[dreg:$0x4] =	wrdreg $0xC0  }
0xc0: {  	_ =	task [dreg:s22], $0x5FFFF  }
0xc1: {  	[dreg:$0x1] =	wrdreg $0xFFFFFFFF  }
0xc2: {  	[dreg:$0x0] =	wrdreg $0x60  }
0xc3: {  	[dreg:$0x2] =	wrdreg s24  }
0xc4: {  	[dreg:$0x3] =	wrdreg s17  }
0xc5: {  	[dreg:$0x4] =	wrdreg $0x0  }
0xc6: {  	[dreg:$0x5] =	wrdreg $0x9  }
0xc7: {  	_ =	task.clear_ibuf [dreg:s22], $0x6FFFF;
	_ =	strace $0x9000004C  }
0xc8: {  	s29 =	simm.s32 $0x9;
	_ =	strace $0x8000004E  }
0xc9: {  	_ =	swait.ge [sflag:s29], $0x1  }
0xca: {  	[sflag:s29] =	ssyncadd.s32 $0xFFFFFFFF  }
0xcb: {  	_ =	strace $0x9000004E  }
0xcc: {  	_ =	sfence  }
0xcd: {  	s30 =	sld [smem:$0x0];
	_ =	sdelay $0x2  }
0xce: {  	s31 =	sshll.u32 s1, $0xD;
	s1 =	sshrl.u32 s1, $0x2  }
0xcf: {  	s4 =	sand.u32 $0x4000, s31;
	s1 =	sadd.s32 s1, s30  }
0xd0: {  	s0 =	sor.u32 s4, s0;
	s1 =	sshll.u32 s1, $0x11  }
0xd1: {  	s0 =	sor.u32 s1, s0  }
0xd2: {  	s0 =	sadd.s32 $0x8F2B, s0  }
0xd3: {  	[sflag:s0] =	ssyncadd.remote.s32 $0x1  }
0xd4: {  	_ =	sfence.sel $0xFFFF  }
0xd5: {  	[dreg:$0x0] =	wrdreg $0xFFFFFFFF;
	(pc) =	sbr.abs _section_cstart, $3  }
0xd6: {  	[dreg:$0x1] =	wrdreg $0xFFFFFFFF  }
0xd7: {  	_ =	task.clear_ibuf [dreg:s22], $0x2FFFF;
	_ =	strace $0x9FFFFFFF  }
0xd8: {  	(tm) =	ssettm $0x7FFFFFFF  }
0xd9: {  	_ =	shalt  }
tec
execute0_lowered:
.L_overlay_start_1:
0x0: {  	(tag) =	ssettag $0x1  }
0x1: {  	s0 =	rddreg [dreg:$0x0]  }
0x2: {  	s1 =	rddreg [dreg:$0x1]  }
0x3: {  	s2 =	rddreg [dreg:$0x2]  }
0x4: {  	s3 =	simm.s32 $0x0;
	s4 =	srdreg.scid;
	s12 =	stileid.u32  }
0x5: {  	s28 =	simm.s32 $0x13C80;
	s29 =	simm.s32 $0x13E80;
	s30 =	simm.s32 $0x13D00  }
0x6: {  	s31 =	simm.s32 $0x13F00;
	[smem:$0x7FF] =	sst s3;
	s7 =	smul.u32 $0x4F000, s12  }
0x7: {  	s4 =	sand.u32 $0x1, s4;
	s6 =	sadd.s32 $0x2D000, s0;
	s10 =	smul.u32 $0x5000, s12  }
0x8: {  	s8 =	sadd.s32 $0x4C00, s0;
	s11 =	sadd.s32 $0x41200, s0;
	s13 =	smul.u32 $0x2780, s12  }
0x9: {  	s24 =	sshll.u32 s12, $0x6;
	p0 =	seq.s32 s12, $0xF;
	s12 =	simm.s32 $0x13D80  }
0xa: {  	_ =	strace $0x8000004D;
	s5 =	smul.u32 $0x27100, s4;
	s9 =	ssub.s32 $0x2, s4  }
0xb: {  	s4 =	smul.u32 $0x50000, s4;
	[dreg:$0x7] =	wrdreg s11;
	s23 =	sshrl.u32 s9, $0x1  }
0xc: {  	s7 =	sshrl.u32 s7, $0x2;
	[dreg:$0x8] =	wrdreg s13;
	s25 =	sadd.s32 s11, s13  }
0xd: {  	s13 =	simm.s32 $0x0;
	s0 =	sadd.s32 s5, s0;
	s5 =	ssub.s32 s9, s23  }
0xe: {  	s7 =	sadd.s32 s7, s2;
	s4 =	sadd.s32 s10, s4;
	[dreg:$0x9] =	wrdreg s25  }
0xf: {  	s9 =	sor.u32 $0x1C04, s24;
	s26 =	sshrl.u32 s4, $0x3;
	s19 =	sor.u32 $0x300, s4  }
0x10: {  	s5 =	smax.u32 s5, $0x1;
	s21 =	sor.u32 $0x280, s4;
	s25 =	sor.u32 $0x200, s4  }
0x11: {  	s4 =	sor.u32 $0x180, s4;
	s14 =	sadd.s32 s6, s26;
	s15 =	sadd.s32 s8, s26  }
0x12: {  	s16 =	sor.u32 $0x10, s26;
	s10 =	sor.u32 $0x20, s26;
	[dreg:$0x10] =	wrdreg s5  }
0x13: {  	s23 =	sshrl.u32 s21, $0x3;
	s26 =	sshrl.u32 s25, $0x3;
	[dreg:$0xa] =	wrdreg s14  }
0x14: {  	s4 =	sshrl.u32 s4, $0x3;
	[dreg:$0xb] =	wrdreg s15;
	s17 =	sadd.s32 s6, s16  }
0x15: {  	s5 =	simm.s32 $0x80;
	s11 =	sadd.s32 s8, s16;
	[dreg:$0xc] =	wrdreg s17  }
0x16: {  	s18 =	sadd.s32 s6, s10;
	s10 =	sadd.s32 s8, s10;
	[dreg:$0xd] =	wrdreg s11  }
0x17: {  	s16 =	sadd.s32 $0x68A00, s0;
	s0 =	sadd.s32 $0x128400, s2;
	[dreg:$0xe] =	wrdreg s18  }
0x18: {  	s24 =	sadd.s32 s23, s8;
	s21 =	sadd.s32 s4, s8;
	[dreg:$0xf] =	wrdreg s10  }
0x19: {  	s10 =	sshrl.u32 s19, $0x3;
	[dreg:$0x6] =	wrdreg s24;
	s18 =	sadd.s32 s23, s6  }
0x1a: {  	s19 =	sadd.s32 s26, s8;
	s23 =	simm.s32 $0x4;
	s24 =	simm.s32 $0x13C00  }
0x1b: {  	s0 =	sshrl.u32 @p0 s0, $0x3;
	s11 =	simm.s32 $0x3;
	s20 =	sadd.s32 s10, s8  }
0x1c: {  	s22 =	sadd.s32 s10, s6;
	[dreg:$0x11] =	wrdreg s0;
	s0 =	simm.s32 $0x18000  }
0x1d: {  	s8 =	simm.s32 $0x14000;
	s10 =	simm.s32 $0x2;
	[dreg:$0x4] =	wrdreg s20  }
0x1e: {  	[dreg:$0x5] =	wrdreg s22;
	s20 =	sadd.s32 s26, s6;
	s22 =	sadd.s32 s4, s6  }
0x1f: {  	s26 =	simm.s32 $0x13E00;
	s4 =	simm.s32 $0x1;
	s6 =	simm.s32 $0x13F80  }
.LBB2_1:
0x20: {  	s14 =	sshrl.u32 s7, $0x3;
	s15 =	rddreg [dreg:$0x9]  }
0x21: {  	[spmem:s14], [sflag:s9] =	dma.local [hbm:s15], $0x2780  }
0x22: {  	_ =	swait.ge [sflag:s23], $0x2780  }
0x23: {  	[sflag:s23] =	ssyncset.done $0x0  }
0x24: {  	[sflag:s23] =	ssyncadd.s32 $0xFFFFD880  }
0x25: {  	[bflag:$0x0] =	sbarrier.arrive $0xFFFF  }
0x26: {  	s25 =	rddreg [dreg:$0xa]  }
0x27: {  	[tilespmem:s24], [sflag:$0x1] =	stream.linear.gather [hbm4b:s25+s3], $0x80, $0x38;
	[tilespmem:$0x1C000] =	vst v63  }
0x28: {  	s15 =	rddreg [dreg:$0xb]  }
0x29: {  	[tilespmem:s26], [sflag:$0x1] =	stream.linear.gather [hbm4b:s15+s3], $0x80, $0x38;
	[tilespmem:$0x1C000] =	vst v63  }
0x2a: {  	s17 =	rddreg [dreg:$0xc]  }
0x2b: {  	[tilespmem:s28], [sflag:$0x1] =	stream.linear.gather [hbm4b:s17+s3], $0x80, $0x38;
	[tilespmem:$0x1C000] =	vst v63  }
0x2c: {  	s25 =	rddreg [dreg:$0xd]  }
0x2d: {  	[tilespmem:s29], [sflag:$0x1] =	stream.linear.gather [hbm4b:s25+s3], $0x80, $0x38;
	[tilespmem:$0x1C000] =	vst v63  }
0x2e: {  	s15 =	rddreg [dreg:$0xe]  }
0x2f: {  	[tilespmem:s30], [sflag:$0x1] =	stream.linear.gather [hbm4b:s15+s3], $0x80, $0x38;
	[tilespmem:$0x1C000] =	vst v63  }
0x30: {  	s17 =	rddreg [dreg:$0xf]  }
0x31: {  	[tilespmem:s31], [sflag:$0x1] =	stream.linear.gather [hbm4b:s17+s3], $0x80, $0x38;
	[tilespmem:$0x1C000] =	vst v63  }
0x32: {  	s25 =	rddreg [dreg:$0x7]  }
0x33: {  	[tilespmem:s0], [sflag:$0x4] =	stream.linear.gather [hbm4b:s25+s3], $0x4000, $0x38;
	[tilespmem:$0x1C000] =	vst v63  }
0x34: {  	_ =	swait.ge [sflag:s23], $0x4000  }
0x35: {  	[sflag:s23] =	ssyncset.done $0x0  }
0x36: {  	[sflag:s23] =	ssyncadd.s32 $0xFFFFC000  }
0x37: {  	_ =	swait.ge [sflag:s4], $0x80  }
0x38: {  	[sflag:s4] =	ssyncset.done $0x0  }
0x39: {  	[sflag:s4] =	ssyncadd.s32 $0xFFFFFF80  }
0x3a: {  	_ =	swait.ge [sflag:s4], $0x80  }
0x3b: {  	[sflag:s4] =	ssyncset.done $0x0  }
0x3c: {  	[sflag:s4] =	ssyncadd.s32 $0xFFFFFF80  }
0x3d: {  	[tilespmem:s8], [sflag:$0x2] =	stream.indirect.gather [hbm4b:s1+s5], $0x80, s24, s5, $0xb8;
	[tilespmem:$0x1C000] =	vst v63  }
0x3e: {  	_ = 	snop  }
0x3f: {  	[spmem:s2] =	stream.indirect.scatter.add.f32 [tilespmem:s0], [sflag:$0x3], $0x80, s26, s5, $0xb8;
	[tilespmem:$0x1C000] =	vst v63  }
0x40: {  	_ =	swait.ge [sflag:s10], $0x4000  }
0x41: {  	[sflag:s10] =	ssyncset.done $0x0  }
0x42: {  	[sflag:s10] =	ssyncadd.s32 $0xFFFFC000  }
0x43: {  	[spmem:s2] =	stream.indirect.scatter.add.f32 [tilespmem:s8], [sflag:$0x3], $0x80, s26, s5, $0xb8;
	[tilespmem:$0x1C000] =	vst v63  }
0x44: {  	_ =	swait.ge [sflag:s11], $0x4000  }
0x45: {  	[sflag:s11] =	ssyncset.done $0x0  }
0x46: {  	[sflag:s11] =	ssyncadd.s32 $0xFFFFC000  }
0x47: {  	_ =	swait.ge [sflag:s4], $0x80  }
0x48: {  	[sflag:s4] =	ssyncset.done $0x0  }
0x49: {  	[sflag:s4] =	ssyncadd.s32 $0xFFFFFF80  }
0x4a: {  	_ =	swait.ge [sflag:s4], $0x80  }
0x4b: {  	[sflag:s4] =	ssyncset.done $0x0  }
0x4c: {  	[sflag:s4] =	ssyncadd.s32 $0xFFFFFF80  }
0x4d: {  	[tilespmem:s0], [sflag:$0x2] =	stream.indirect.gather [hbm4b:s1+s5], $0x80, s28, s5, $0xb8;
	[tilespmem:$0x1C000] =	vst v63  }
0x4e: {  	s15 =	sadd.s32 $0x0, s22  }
0x4f: {  	[tilespmem:s12], [sflag:$0x1] =	stream.linear.gather [hbm4b:s15+s3], $0x80, $0x38;
	[tilespmem:$0x1C000] =	vst v63  }
0x50: {  	s17 =	sadd.s32 $0x0, s21  }
0x51: {  	[tilespmem:s6], [sflag:$0x1] =	stream.linear.gather [hbm4b:s17+s3], $0x80, $0x38;
	[tilespmem:$0x1C000] =	vst v63  }
0x52: {  	_ =	swait.ge [sflag:s10], $0x4000  }
0x53: {  	[sflag:s10] =	ssyncset.done $0x0  }
0x54: {  	[sflag:s10] =	ssyncadd.s32 $0xFFFFC000  }
0x55: {  	[spmem:s2] =	stream.indirect.scatter.add.f32 [tilespmem:s0], [sflag:$0x3], $0x80, s29, s5, $0xb8;
	[tilespmem:$0x1C000] =	vst v63  }
0x56: {  	_ =	swait.ge [sflag:s11], $0x4000  }
0x57: {  	[sflag:s11] =	ssyncset.done $0x0  }
0x58: {  	[sflag:s11] =	ssyncadd.s32 $0xFFFFC000  }
0x59: {  	_ =	swait.ge [sflag:s4], $0x80  }
0x5a: {  	[sflag:s4] =	ssyncset.done $0x0  }
0x5b: {  	[sflag:s4] =	ssyncadd.s32 $0xFFFFFF80  }
0x5c: {  	_ =	swait.ge [sflag:s4], $0x80  }
0x5d: {  	[sflag:s4] =	ssyncset.done $0x0  }
0x5e: {  	[sflag:s4] =	ssyncadd.s32 $0xFFFFFF80  }
0x5f: {  	[tilespmem:s8], [sflag:$0x2] =	stream.indirect.gather [hbm4b:s1+s5], $0x80, s30, s5, $0xb8;
	[tilespmem:$0x1C000] =	vst v63  }
0x60: {  	s25 =	sadd.s32 $0x0, s20  }
0x61: {  	[tilespmem:s24], [sflag:$0x1] =	stream.linear.gather [hbm4b:s25+s3], $0x80, $0x38;
	[tilespmem:$0x1C000] =	vst v63  }
0x62: {  	s15 =	sadd.s32 $0x0, s19  }
0x63: {  	[tilespmem:s26], [sflag:$0x1] =	stream.linear.gather [hbm4b:s15+s3], $0x80, $0x38;
	[tilespmem:$0x1C000] =	vst v63  }
0x64: {  	_ =	swait.ge [sflag:s10], $0x4000  }
0x65: {  	[sflag:s10] =	ssyncset.done $0x0  }
0x66: {  	[sflag:s10] =	ssyncadd.s32 $0xFFFFC000  }
0x67: {  	[spmem:s2] =	stream.indirect.scatter.add.f32 [tilespmem:s8], [sflag:$0x3], $0x80, s31, s5, $0xb8;
	[tilespmem:$0x1C000] =	vst v63  }
0x68: {  	_ =	swait.ge [sflag:s11], $0x4000  }
0x69: {  	[sflag:s11] =	ssyncset.done $0x0  }
0x6a: {  	[sflag:s11] =	ssyncadd.s32 $0xFFFFC000  }
0x6b: {  	_ =	swait.ge [sflag:s4], $0x80  }
0x6c: {  	[sflag:s4] =	ssyncset.done $0x0  }
0x6d: {  	[sflag:s4] =	ssyncadd.s32 $0xFFFFFF80  }
0x6e: {  	_ =	swait.ge [sflag:s4], $0x80  }
0x6f: {  	[sflag:s4] =	ssyncset.done $0x0  }
0x70: {  	[sflag:s4] =	ssyncadd.s32 $0xFFFFFF80  }
0x71: {  	[tilespmem:s0], [sflag:$0x2] =	stream.indirect.gather [hbm4b:s1+s5], $0x80, s12, s5, $0xb8;
	[tilespmem:$0x1C000] =	vst v63  }
0x72: {  	s25 =	sadd.s32 $0x0, s18;
	s17 =	rddreg [dreg:$0x6]  }
0x73: {  	[tilespmem:s28], [sflag:$0x1] =	stream.linear.gather [hbm4b:s25+s3], $0x80, $0x38;
	[tilespmem:$0x1C000] =	vst v63  }
0x74: {  	s14 =	sadd.s32 $0x0, s17  }
0x75: {  	[tilespmem:s29], [sflag:$0x1] =	stream.linear.gather [hbm4b:s14+s3], $0x80, $0x38;
	[tilespmem:$0x1C000] =	vst v63  }
0x76: {  	_ =	swait.ge [sflag:s10], $0x4000  }
0x77: {  	[sflag:s10] =	ssyncset.done $0x0  }
0x78: {  	[sflag:s10] =	ssyncadd.s32 $0xFFFFC000  }
0x79: {  	[spmem:s2] =	stream.indirect.scatter.add.f32 [tilespmem:s0], [sflag:$0x3], $0x80, s6, s5, $0xb8;
	[tilespmem:$0x1C000] =	vst v63  }
0x7a: {  	_ =	swait.ge [sflag:s11], $0x4000  }
0x7b: {  	[sflag:s11] =	ssyncset.done $0x0  }
0x7c: {  	[sflag:s11] =	ssyncadd.s32 $0xFFFFC000  }
0x7d: {  	_ =	swait.ge [sflag:s4], $0x80  }
0x7e: {  	[sflag:s4] =	ssyncset.done $0x0  }
0x7f: {  	[sflag:s4] =	ssyncadd.s32 $0xFFFFFF80  }
0x80: {  	_ =	swait.ge [sflag:s4], $0x80  }
0x81: {  	[sflag:s4] =	ssyncset.done $0x0  }
0x82: {  	s17 =	rddreg [dreg:$0x5];
	[sflag:s4] =	ssyncadd.s32 $0xFFFFFF80  }
0x83: {  	[tilespmem:s8], [sflag:$0x2] =	stream.indirect.gather [hbm4b:s1+s5], $0x80, s24, s5, $0xb8;
	[tilespmem:$0x1C000] =	vst v63  }
0x84: {  	s25 =	rddreg [dreg:$0x4];
	s14 =	sadd.s32 $0x0, s17  }
0x85: {  	[tilespmem:s30], [sflag:$0x1] =	stream.linear.gather [hbm4b:s14+s3], $0x80, $0x38;
	[tilespmem:$0x1C000] =	vst v63  }
0x86: {  	s15 =	sadd.s32 $0x0, s25;
	s14 =	simm.s32 $0x40  }
.LBB2_2:
0x87: {  	[tilespmem:s31], [sflag:$0x1] =	stream.linear.gather [hbm4b:s15+s3], $0x80, $0x38;
	[tilespmem:$0x1C000] =	vst v63  }
0x88: {  	_ =	swait.ge [sflag:s10], $0x4000  }
0x89: {  	[sflag:s10] =	ssyncset.done $0x0  }
0x8a: {  	[sflag:s10] =	ssyncadd.s32 $0xFFFFC000  }
0x8b: {  	[spmem:s2] =	stream.indirect.scatter.add.f32 [tilespmem:s8], [sflag:$0x3], $0x80, s26, s5, $0xb8;
	[tilespmem:$0x1C000] =	vst v63  }
0x8c: {  	_ =	swait.ge [sflag:s11], $0x4000  }
0x8d: {  	[sflag:s11] =	ssyncset.done $0x0  }
0x8e: {  	[sflag:s11] =	ssyncadd.s32 $0xFFFFC000  }
0x8f: {  	_ =	swait.ge [sflag:s4], $0x80  }
0x90: {  	[sflag:s4] =	ssyncset.done $0x0  }
0x91: {  	[sflag:s4] =	ssyncadd.s32 $0xFFFFFF80  }
0x92: {  	_ =	swait.ge [sflag:s4], $0x80  }
0x93: {  	[sflag:s4] =	ssyncset.done $0x0  }
0x94: {  	s15 =	smov.u32 s14;
	[sflag:s4] =	ssyncadd.s32 $0xFFFFFF80  }
0x95: {  	[tilespmem:s0], [sflag:$0x2] =	stream.indirect.gather [hbm4b:s1+s5], $0x80, s28, s5, $0xb8;
	[tilespmem:$0x1C000] =	vst v63  }
0x96: {  	s17 =	sadd.s32 s15, s22  }
0x97: {  	[tilespmem:s12], [sflag:$0x1] =	stream.linear.gather [hbm4b:s17+s3], $0x80, $0x38;
	[tilespmem:$0x1C000] =	vst v63  }
0x98: {  	s25 =	sadd.s32 s15, s21  }
0x99: {  	[tilespmem:s6], [sflag:$0x1] =	stream.linear.gather [hbm4b:s25+s3], $0x80, $0x38;
	[tilespmem:$0x1C000] =	vst v63  }
0x9a: {  	_ =	swait.ge [sflag:s10], $0x4000  }
0x9b: {  	[sflag:s10] =	ssyncset.done $0x0  }
0x9c: {  	[sflag:s10] =	ssyncadd.s32 $0xFFFFC000  }
0x9d: {  	[spmem:s2] =	stream.indirect.scatter.add.f32 [tilespmem:s0], [sflag:$0x3], $0x80, s29, s5, $0xb8;
	[tilespmem:$0x1C000] =	vst v63  }
0x9e: {  	_ =	swait.ge [sflag:s11], $0x4000  }
0x9f: {  	[sflag:s11] =	ssyncset.done $0x0  }
0xa0: {  	[sflag:s11] =	ssyncadd.s32 $0xFFFFC000  }
0xa1: {  	_ =	swait.ge [sflag:s4], $0x80  }
0xa2: {  	[sflag:s4] =	ssyncset.done $0x0  }
0xa3: {  	[sflag:s4] =	ssyncadd.s32 $0xFFFFFF80  }
0xa4: {  	_ =	swait.ge [sflag:s4], $0x80  }
0xa5: {  	[sflag:s4] =	ssyncset.done $0x0  }
0xa6: {  	[sflag:s4] =	ssyncadd.s32 $0xFFFFFF80  }
0xa7: {  	[tilespmem:s8], [sflag:$0x2] =	stream.indirect.gather [hbm4b:s1+s5], $0x80, s30, s5, $0xb8;
	[tilespmem:$0x1C000] =	vst v63  }
0xa8: {  	s25 =	sadd.s32 s15, s20  }
0xa9: {  	[tilespmem:s24], [sflag:$0x1] =	stream.linear.gather [hbm4b:s25+s3], $0x80, $0x38;
	[tilespmem:$0x1C000] =	vst v63  }
0xaa: {  	s25 =	sadd.s32 s15, s19  }
0xab: {  	[tilespmem:s26], [sflag:$0x1] =	stream.linear.gather [hbm4b:s25+s3], $0x80, $0x38;
	[tilespmem:$0x1C000] =	vst v63  }
0xac: {  	_ =	swait.ge [sflag:s10], $0x4000  }
0xad: {  	[sflag:s10] =	ssyncset.done $0x0  }
0xae: {  	[sflag:s10] =	ssyncadd.s32 $0xFFFFC000  }
0xaf: {  	[spmem:s2] =	stream.indirect.scatter.add.f32 [tilespmem:s8], [sflag:$0x3], $0x80, s31, s5, $0xb8;
	[tilespmem:$0x1C000] =	vst v63  }
0xb0: {  	_ =	swait.ge [sflag:s11], $0x4000  }
0xb1: {  	[sflag:s11] =	ssyncset.done $0x0  }
0xb2: {  	[sflag:s11] =	ssyncadd.s32 $0xFFFFC000  }
0xb3: {  	_ =	swait.ge [sflag:s4], $0x80  }
0xb4: {  	[sflag:s4] =	ssyncset.done $0x0  }
0xb5: {  	[sflag:s4] =	ssyncadd.s32 $0xFFFFFF80  }
0xb6: {  	_ =	swait.ge [sflag:s4], $0x80  }
0xb7: {  	[sflag:s4] =	ssyncset.done $0x0  }
0xb8: {  	[sflag:s4] =	ssyncadd.s32 $0xFFFFFF80  }
0xb9: {  	[tilespmem:s0], [sflag:$0x2] =	stream.indirect.gather [hbm4b:s1+s5], $0x80, s12, s5, $0xb8;
	[tilespmem:$0x1C000] =	vst v63  }
0xba: {  	s25 =	sadd.s32 s15, s18;
	s17 =	rddreg [dreg:$0x6]  }
0xbb: {  	[tilespmem:s28], [sflag:$0x1] =	stream.linear.gather [hbm4b:s25+s3], $0x80, $0x38;
	[tilespmem:$0x1C000] =	vst v63  }
0xbc: {  	s17 =	sadd.s32 s15, s17  }
0xbd: {  	[tilespmem:s29], [sflag:$0x1] =	stream.linear.gather [hbm4b:s17+s3], $0x80, $0x38;
	[tilespmem:$0x1C000] =	vst v63  }
0xbe: {  	_ =	swait.ge [sflag:s10], $0x4000  }
0xbf: {  	[sflag:s10] =	ssyncset.done $0x0  }
0xc0: {  	[sflag:s10] =	ssyncadd.s32 $0xFFFFC000  }
0xc1: {  	[spmem:s2] =	stream.indirect.scatter.add.f32 [tilespmem:s0], [sflag:$0x3], $0x80, s6, s5, $0xb8;
	[tilespmem:$0x1C000] =	vst v63  }
0xc2: {  	_ =	swait.ge [sflag:s11], $0x4000  }
0xc3: {  	[sflag:s11] =	ssyncset.done $0x0  }
0xc4: {  	[sflag:s11] =	ssyncadd.s32 $0xFFFFC000  }
0xc5: {  	_ =	swait.ge [sflag:s4], $0x80  }
0xc6: {  	[sflag:s4] =	ssyncset.done $0x0  }
0xc7: {  	[sflag:s4] =	ssyncadd.s32 $0xFFFFFF80  }
0xc8: {  	p1 =	sne.s32 s14, $0x9C0;
	_ =	swait.ge [sflag:s4], $0x80  }
.Ltmp0:
0xc9: {  	[sflag:s4] =	ssyncset.done $0x0;
	s17 =	rddreg [dreg:$0x5];
	(pc) =	sbr.rel @p1 .LBB2_2-.Ltmp0, $4  }
0xca: {  	s25 =	rddreg [dreg:$0x4];
	[sflag:s4] =	ssyncadd.s32 $0xFFFFFF80  }
0xcb: {  	[tilespmem:s8], [sflag:$0x2] =	stream.indirect.gather [hbm4b:s1+s5], $0x80, s24, s5, $0xb8;
	[tilespmem:$0x1C000] =	vst v63  }
0xcc: {  	s14 =	sadd.s32 $0x40, s14;
	s17 =	sadd.s32 s15, s17;
	s15 =	sadd.s32 s15, s25  }
0xcd: {  	[tilespmem:s30], [sflag:$0x1] =	stream.linear.gather [hbm4b:s17+s3], $0x80, $0x38;
	[tilespmem:$0x1C000] =	vst v63  }
0xce: {  	[tilespmem:s31], [sflag:$0x1] =	stream.linear.gather [hbm4b:s15+s3], $0x80, $0x38;
	[tilespmem:$0x1C000] =	vst v63  }
0xcf: {  	_ =	swait.ge [sflag:s10], $0x4000  }
0xd0: {  	[sflag:s10] =	ssyncset.done $0x0  }
0xd1: {  	[sflag:s10] =	ssyncadd.s32 $0xFFFFC000  }
0xd2: {  	_ =	swait.ge [sflag:s11], $0x4000  }
0xd3: {  	[sflag:s11] =	ssyncset.done $0x0  }
0xd4: {  	[sflag:s11] =	ssyncadd.s32 $0xFFFFC000  }
0xd5: {  	_ =	swait.ge [sflag:s4], $0x80  }
0xd6: {  	[sflag:s4] =	ssyncset.done $0x0  }
0xd7: {  	[sflag:s4] =	ssyncadd.s32 $0xFFFFFF80  }
0xd8: {  	_ =	swait.ge [sflag:s4], $0x80  }
0xd9: {  	[sflag:s4] =	ssyncset.done $0x0  }
0xda: {  	[sflag:s4] =	ssyncadd.s32 $0xFFFFFF80  }
0xdb: {  	_ =	swait.ge [sflag:s4], $0x80  }
0xdc: {  	[sflag:s4] =	ssyncset.done $0x0  }
0xdd: {  	[sflag:s4] =	ssyncadd.s32 $0xFFFFFF80  }
0xde: {  	_ =	swait.ge [sflag:s4], $0x80  }
0xdf: {  	[sflag:s4] =	ssyncset.done $0x0  }
0xe0: {  	[sflag:s4] =	ssyncadd.s32 $0xFFFFFF80  }
0xe1: {  	[bflag:$0x0] =	sbarrier.arrive $0xFFFF  }
0xe2: {  	s14 =	sadd.s32 @p0 $0x25080, s16;
	s15 =	rddreg [dreg:$0x11]  }
0xe3: {  	[hbm:s14], [sflag:s9] =	dma.local @p0 [spmem:s15], $0x2080  }
0xe4: {  	s14 =	simm.s32 @p0 $0x4  }
0xe5: {  	_ =	swait.ge @p0 [sflag:s14], $0x2080  }
0xe6: {  	[sflag:s14] =	ssyncset.done @p0 $0x0  }
0xe7: {  	[sflag:s14] =	ssyncadd.s32 @p0 $0xFFFFDF80;
	s14 =	rddreg [dreg:$0x8]  }
0xe8: {  	s15 =	sshrl.u32 @!p0 s7, $0x3;
	s14 =	sadd.s32 @!p0 s14, s16  }
0xe9: {  	[hbm:s14], [sflag:s9] =	dma.local @!p0 [spmem:s15], $0x2780  }
0xea: {  	s14 =	simm.s32 @!p0 $0x4  }
0xeb: {  	_ =	swait.ge @!p0 [sflag:s14], $0x2780  }
0xec: {  	s13 =	sadd.s32 $0x1, s13;
	s25 =	rddreg [dreg:$0x10]  }
0xed: {  	p1 =	sne.s32 s13, s25  }
.Ltmp1:
0xee: {  	_ = 	snop;
	(pc) =	sbr.rel @p1 .LBB2_1-.Ltmp1, $3  }
0xef: {  	_ =	sdelay $0x1  }
0xf0: {  	[sflag:s14] =	ssyncset.done @!p0 $0x0  }
0xf1: {  	[sflag:s14] =	ssyncadd.s32 @!p0 $0xFFFFD880  }
0xf2: {  	_ =	sfence.sel $0x180000  }
0xf3: {  	[bflag:$0x0] =	sbarrier.arrive $0xFFFF  }
0xf4: {  	_ =	strace $0x9000004D  }
0xf5: {  	s0 =	stileid.u32;
	[bflag:$0x2] =	sbarrier.arrive $0xFFFF  }
0xf6: {  	p0 =	sne.s32 s0, $0x0;
	s0 =	rddreg [dreg:$0x3]  }
0xf7: {  	s0 =	sadd.s32 @!p0 $0x100000, s0  }
0xf8: {  	[sflag:s0] =	ssyncadd.tile.s32 @!p0 $0x1;
	_ =	shalt  }
.Lfunc_end2:
_tile_overlayer_lowered:
.L_overlay_start_2:
0xf9: {  	(tag) =	ssettag $0x2  }
0xfa: {  	s0 =	rddreg [dreg:$0x0];
	s2 =	stileid.u32  }
0xfb: {  	s1 =	rddreg [dreg:$0x1];
	p0 =	sne.s32 s2, $0x0  }
0xfc: {  	s3 =	rddreg [dreg:$0x2];
	[bflag:$0x3] =	sbarrier.arrive $0xFFFF;
	s2 =	simm.s32 @!p0 $0x1C04  }
0xfd: {  	[timem:s3], [sflag:s2] =	dma.local @!p0 [hbm:s0], s1  }
0xfe: {  	s0 =	simm.s32 @!p0 $0x4  }
0xff: {  	_ =	swait.ge @!p0 [sflag:s0], s1  }
0x100: {  	s1 =	ssub.s32 @!p0 $0x0, s1;
	[sflag:s0] =	ssyncset.done @!p0 $0x0  }
0x101: {  	[sflag:s0] =	ssyncadd.s32 @!p0 s1  }
0x102: {  	[bflag:$0x3] =	sbarrier.arrive $0xFFFF  }
0x103: {  	_ =	shalt  }

// kernel: kernel.15.cloned.1.call-start
scs
__scs_entry_jumppad:
0x0: {  	(pc) =	sbr.rel $0x88, $3  }
0x1: {  	(tag) =	ssettag $0x0;
	lr =	simm.s32 $0x1  }
0x2: {  	[smem:$0x3F8F] =	sst lr;
	_ =	strace $0xD0000000  }
0x3: {  	_ = 	snop  }
0x4: {  	_ = 	snop  }
0x5: {  	_ = 	snop  }
0x6: {  	_ = 	snop  }
0x7: {  	_ = 	snop  }
__scs_overlays_trampoline_lowered:
0x8: {  	[smem:$0x3F9E] =	sst s0  }
0x9: {  	[smem:$0x3F9F] =	sst s1  }
0xa: {  	[smem:$0x3FA0] =	sst s2  }
0xb: {  	[smem:$0x3FA1] =	sst s3  }
0xc: {  	[smem:$0x3FA2] =	sst s4  }
0xd: {  	[smem:$0x3FA3] =	sst s5  }
0xe: {  	[smem:$0x3FA4] =	sst s6  }
0xf: {  	[smem:$0x3FA5] =	sst s7  }
0x10: {  	[smem:$0x3FA6] =	sst s8  }
0x11: {  	[smem:$0x3FA7] =	sst s9;
	s0 =	simm.s32 @!p0 $0x0  }
0x12: {  	s1 =	sld [smem:$0x3F8D];
	s0 =	simm.s32 @p0 $0x1  }
0x13: {  	[smem:$0x3FA8] =	sst s0;
	s0 =	simm.s32 @!p1 $0x0  }
0x14: {  	s2 =	sld [smem:$0x3F8C];
	s0 =	simm.s32 @p1 $0x1  }
0x15: {  	[smem:$0x3FA9] =	sst s0;
	s0 =	simm.s32 @!p2 $0x0  }
0x16: {  	s3 =	sld [smem:$0x3FDB];
	s0 =	simm.s32 @p2 $0x1  }
0x17: {  	s4 =	simm.s32 $0x1BF5;
	[smem:$0x3FAB] =	sst s0  }
0x18: {  	s0 =	sld [smem:$0x3F8E];
	_ =	swait.ge [sflag:s4], $0x0  }
0x19: {  	s7 =	sld [smem:$0x3F8F]  }
0x1a: {  	s8 =	sadd.s32 $0xFFFFE003, lr  }
0x1b: {  	s9 =	sadd.s32 $0xFFFFFEF7, lr;
	s5 =	simm.s32 $0xFFFFFFFF;
	p2 =	slt.u32 s8, $0xFFFFF086  }
0x1c: {  	p1 =	slt.u32 s9, $0xF7A;
	s5 =	simm.s32 @!p2 $0x0  }
0x1d: {  	s5 =	simm.s32 @p1 $0x1;
	p0 =	seq.s32 s7, s2  }
0x1e: {  	s7 =	smul.u32 @!p0 $0xF7A, s2;
	p2 =	seq.s32 @!p0 s5, $0x0  }
0x1f: {  	s9 =	smul.u32 $0xF7A, s1;
	s8 =	simm.s32 @!p0 $0x1BF5;
	p2 =	por !p2, p0  }
0x20: {  	[sflag:s8] =	ssyncset.s32 @!p0 $0xFFFFF086;
	s6 =	sadd.s32 @!p0 s3, s7;
	s7 =	simm.s32 @!p0 $0x108  }
0x21: {  	s3 =	sadd.s32 s3, s9;
	s6 =	sadd.s32 @!p0 $0x88, s6;
	s7 =	simm.s32 @p2 $0x1082  }
0x22: {  	[simem:s7], [sflag:s8] =	dma.local @!p0 [hbm:s6], $0xF7A  }
0x23: {  	s9 =	sor.u32 $0xD0000000, s2;
	s6 =	simm.s32 $0x108;
	_ =	swait.ge @!p0 [sflag:s8], $0x0  }
0x24: {  	s3 =	sadd.s32 $0x88, s3;
	s6 =	simm.s32 @!p1 $0x1082;
	[sflag:s4] =	ssyncset.s32 $0xFFFFF086  }
0x25: {  	[simem:s6], [sflag:s4] =	dma.local [hbm:s3], $0xF7A  }
0x26: {  	[smem:$0x3F8F] =	sst s1;
	(tag) =	ssettag s2;
	_ =	strace s9  }
0x27: {  	s1 =	sld [smem:$0x3F9F]  }
0x28: {  	s2 =	sld [smem:$0x3FA0]  }
0x29: {  	s4 =	sld [smem:$0x3FA2]  }
0x2a: {  	p0 =	seq.s32 s5, $0x0;
	s5 =	sld [smem:$0x3FA3]  }
0x2b: {  	s6 =	sld [smem:$0x3FA4]  }
0x2c: {  	s7 =	sld [smem:$0x3FA5]  }
0x2d: {  	s3 =	simm.s32 $0x108;
	s8 =	sld [smem:$0x3FA6]  }
0x2e: {  	s3 =	simm.s32 @!p0 $0x1082;
	s9 =	sld [smem:$0x3FA7]  }
0x2f: {  	lr =	sadd.s32 s0, s3;
	s0 =	sld [smem:$0x3F9E]  }
0x30: {  	s3 =	sld [smem:$0x3FA1]  }
0x31: {  	[smem:$0x3FAA] =	sst s10  }
0x32: {  	s10 =	sld [smem:$0x3FA8];
	_ =	sdelay $0x3  }
0x33: {  	p0 =	seq.s32 s10, $0x1;
	s10 =	sld [smem:$0x3FAA];
	_ =	sdelay $0x3  }
0x34: {  	[smem:$0x3FAA] =	sst s10  }
0x35: {  	s10 =	sld [smem:$0x3FA9];
	_ =	sdelay $0x3  }
0x36: {  	p1 =	seq.s32 s10, $0x1;
	s10 =	sld [smem:$0x3FAA];
	_ =	sdelay $0x3  }
0x37: {  	[smem:$0x3FAA] =	sst s10  }
0x38: {  	s10 =	sld [smem:$0x3FAB]  }
0x39: {  	_ = 	snop;
	(pc) =	sbr.ind lr, $3  }
0x3a: {  	_ = 	snop  }
0x3b: {  	_ = 	snop  }
0x3c: {  	p2 =	seq.s32 s10, $0x1;
	s10 =	sld [smem:$0x3FAA]  }
0x3d: {  	_ =	shalt  }
0x3e: {  	_ =	shalt  }
0x3f: {  	_ =	shalt  }
0x40: {  	_ =	shalt  }
0x41: {  	_ =	shalt  }
0x42: {  	_ =	shalt  }
0x43: {  	_ =	shalt  }
0x44: {  	_ =	shalt  }
0x45: {  	_ =	shalt  }
0x46: {  	_ =	shalt  }
0x47: {  	_ =	shalt  }
0x48: {  	_ =	shalt  }
0x49: {  	_ =	shalt  }
0x4a: {  	_ =	shalt  }
0x4b: {  	_ =	shalt  }
0x4c: {  	_ =	shalt  }
0x4d: {  	_ =	shalt  }
0x4e: {  	_ =	shalt  }
0x4f: {  	_ =	shalt  }
0x50: {  	_ =	shalt  }
0x51: {  	_ =	shalt  }
0x52: {  	_ =	shalt  }
0x53: {  	_ =	shalt  }
0x54: {  	_ =	shalt  }
0x55: {  	_ =	shalt  }
0x56: {  	_ =	shalt  }
0x57: {  	_ =	shalt  }
0x58: {  	_ =	shalt  }
0x59: {  	_ =	shalt  }
0x5a: {  	_ =	shalt  }
0x5b: {  	_ =	shalt  }
0x5c: {  	_ =	shalt  }
0x5d: {  	_ =	shalt  }
0x5e: {  	_ =	shalt  }
0x5f: {  	_ =	shalt  }
0x60: {  	_ =	shalt  }
0x61: {  	_ =	shalt  }
0x62: {  	_ =	shalt  }
0x63: {  	_ =	shalt  }
0x64: {  	_ =	shalt  }
0x65: {  	_ =	shalt  }
0x66: {  	_ =	shalt  }
0x67: {  	_ =	shalt  }
0x68: {  	_ =	shalt  }
0x69: {  	_ =	shalt  }
0x6a: {  	_ =	shalt  }
0x6b: {  	_ =	shalt  }
0x6c: {  	_ =	shalt  }
0x6d: {  	_ =	shalt  }
0x6e: {  	_ =	shalt  }
0x6f: {  	_ =	shalt  }
0x70: {  	_ =	shalt  }
0x71: {  	_ =	shalt  }
0x72: {  	_ =	shalt  }
0x73: {  	_ =	shalt  }
0x74: {  	_ =	shalt  }
0x75: {  	_ =	shalt  }
0x76: {  	_ =	shalt  }
0x77: {  	_ =	shalt  }
0x78: {  	_ =	shalt  }
0x79: {  	_ =	shalt  }
0x7a: {  	_ =	shalt  }
0x7b: {  	_ =	shalt  }
0x7c: {  	_ =	shalt  }
0x7d: {  	_ =	shalt  }
0x7e: {  	_ =	shalt  }
0x7f: {  	_ =	shalt  }
0x80: {  	_ =	shalt  }
0x81: {  	_ =	shalt  }
0x82: {  	_ =	shalt  }
0x83: {  	_ =	shalt  }
0x84: {  	_ =	shalt  }
0x85: {  	_ =	shalt  }
0x86: {  	_ =	shalt  }
0x87: {  	_ =	shalt  }
.Lfunc_end0:
.L_simem_size_0:
called_computation.2_lowered:
.L_overlay_start_0:
0x88: {  	s2 =	sld [smem:$0x3FD9]  }
0x89: {  	s3 =	sld [smem:$0x3FFE];
	_ =	sdelay $0x1  }
0x8a: {  	s1 =	srdreg.scid  }
0x8b: {  	s0 =	sand.u32 $0x1, s1  }
0x8c: {  	s14 =	sshll.u32 s0, $0xA;
	s2 =	sadd.s32 s3, s2  }
0x8d: {  	s2 =	sadd.s32 s2, s14  }
0x8e: {  	[smem:$0x3FB6] =	sst s2  }
0x8f: {  	_ = 	snop  }
0x90: {  	s2 =	sld [smem:$0x3FD0];
	_ =	sdelay $0x2  }
0x91: {  	s15 =	simm.s32 $0xB;
	s4 =	simm.s32 $0x10  }
0x92: {  	[smem:s4], [sflag:s15] =	dma.local [hbm:s2], $0x1  }
0x93: {  	_ =	swait.eq [sflag:s15], $0x1  }
0x94: {  	[sflag:s15] =	ssyncset.done $0x0  }
0x95: {  	[sflag:s15] =	ssyncadd.s32 $0xFFFFFFFF  }
0x96: {  	s16 =	sld [smem:$0x11];
	(tm) =	ssettm $0x1  }
0x97: {  	s17 =	sld [smem:$0x3FFB];
	_ =	sdelay $0x3  }
0x98: {  	_ =	strace s17  }
0x99: {  	s3 =	sld [smem:$0x3FFC];
	_ =	sdelay $0x3  }
0x9a: {  	_ =	strace s3  }
0x9b: {  	s3 =	sld [smem:$0x3FFD];
	_ =	sdelay $0x3  }
0x9c: {  	_ =	strace s3  }
0x9d: {  	_ =	strace $0x8FFFFFFF  }
0x9e: {  	s18 =	sld [smem:$0x3FDB];
	_ =	sdelay $0x1  }
0x9f: {  	s19 =	simm.s32 $_scs_section_size  }
0xa0: {  	s5 =	simm.s32 $_size__tile_overlayer_lowered;
	s6 =	simm.s32 $_tile_overlayer_lowered  }
0xa1: {  	s22 =	simm.s32 $0x1BFF;
	s21 =	sshll.u32 s6, $0x1;
	s3 =	sadd.s32 s19, s18  }
0xa2: {  	s7 =	simm.s32 $0x0;
	s20 =	sshll.u32 s5, $0x1;
	s5 =	sadd.s32 s21, s3  }
0xa3: {  	[timem:s7], [sflag:s22] =	dma.local [hbm:s5], s20  }
0xa4: {  	_ =	swait.ge [sflag:s22], s20  }
0xa5: {  	s4 =	ssub.s32 $0x0, s20;
	[sflag:s22] =	ssyncset.done $0x0  }
0xa6: {  	[sflag:s22] =	ssyncadd.s32 s4;
	_ =	sdelay $0x1  }
0xa7: {  	s23 =	simm.s32 $0x1B8B  }
0xa8: {  	_ =	swait.ge [sflag:s23], $0x1  }
0xa9: {  	[sflag:s23] =	ssyncset.done $0x0  }
0xaa: {  	s25 =	simm.s32 $0x1B8E;
	s24 =	sld [smem:$0x3FFE];
	[sflag:s23] =	ssyncadd.s32 $0xFFFFFFFF  }
0xab: {  	s26 =	simm.s32 $execute0_lowered;
	[smem:$0x3FD2] =	sst s25  }
0xac: {  	s5 =	sshll.u32 s26, $0x1;
	_ =	strace $0x80000049;
	[dreg:$0x1] =	wrdreg $0xFFFFFFFF  }
0xad: {  	s28 =	simm.s32 $_size_execute0_lowered;
	s3 =	sadd.s32 s3, s5;
	[dreg:$0x0] =	wrdreg $0x0  }
0xae: {  	s5 =	sshll.u32 s28, $0x1;
	[dreg:$0x2] =	wrdreg s3  }
0xaf: {  	[dreg:$0x3] =	wrdreg s5  }
0xb0: {  	[dreg:$0x4] =	wrdreg $0xC0  }
0xb1: {  	_ =	task [dreg:s7], $0x5FFFF  }
0xb2: {  	[dreg:$0x1] =	wrdreg $0xFFFFFFFF  }
0xb3: {  	[dreg:$0x0] =	wrdreg $0x60  }
0xb4: {  	[dreg:$0x2] =	wrdreg s24  }
0xb5: {  	[dreg:$0x3] =	wrdreg s16  }
0xb6: {  	[dreg:$0x4] =	wrdreg $0x0  }
0xb7: {  	[dreg:$0x5] =	wrdreg $0xA  }
0xb8: {  	_ =	task.clear_ibuf [dreg:s7], $0x6FFFF;
	_ =	strace $0x90000049  }
0xb9: {  	s29 =	simm.s32 $0xA;
	_ =	strace $0x8000004B  }
0xba: {  	_ =	swait.ge [sflag:s29], $0x1  }
0xbb: {  	[sflag:s29] =	ssyncadd.s32 $0xFFFFFFFF  }
0xbc: {  	_ =	strace $0x9000004B  }
0xbd: {  	_ =	sfence  }
0xbe: {  	s30 =	sld [smem:$0x0];
	_ =	sdelay $0x2  }
0xbf: {  	s31 =	sshll.u32 s1, $0xD;
	s1 =	sshrl.u32 s1, $0x2  }
0xc0: {  	s3 =	sand.u32 $0x4000, s31;
	s1 =	sadd.s32 s1, s30  }
0xc1: {  	s0 =	sor.u32 s3, s0;
	s1 =	sshll.u32 s1, $0x11  }
0xc2: {  	s0 =	sor.u32 s1, s0  }
0xc3: {  	s0 =	sadd.s32 $0x8F2B, s0  }
0xc4: {  	[sflag:s0] =	ssyncadd.remote.s32 $0x1  }
0xc5: {  	_ =	sfence.sel $0xFFFF  }
0xc6: {  	[dreg:$0x0] =	wrdreg $0xFFFFFFFF;
	(pc) =	sbr.abs _section_cstart, $3  }
0xc7: {  	[dreg:$0x1] =	wrdreg $0xFFFFFFFF  }
0xc8: {  	_ =	task.clear_ibuf [dreg:s7], $0x2FFFF;
	_ =	strace $0x9FFFFFFF  }
0xc9: {  	(tm) =	ssettm $0x7FFFFFFF  }
tec
execute0_lowered:
.L_overlay_start_1:
0x0: {  	(tag) =	ssettag $0x1  }
0x1: {  	s0 =	rddreg [dreg:$0x0]  }
0x2: {  	s2 =	rddreg [dreg:$0x1]  }
0x3: {  	s1 =	rddreg [dreg:$0x2]  }
0x4: {  	s3 =	simm.s32 $0x0;
	s4 =	srdreg.scid;
	s13 =	stileid.u32  }
0x5: {  	s28 =	simm.s32 $0x13C80;
	s29 =	simm.s32 $0x13E80;
	s30 =	simm.s32 $0x13D00  }
0x6: {  	s31 =	simm.s32 $0x13F00;
	[smem:$0x7FF] =	sst s3;
	s5 =	sand.u32 $0x1, s4  }
0x7: {  	s6 =	smul.u32 $0x4F000, s13;
	s8 =	sadd.s32 $0x18E00, s0;
	s10 =	sadd.s32 $0x104E00, s0  }
0x8: {  	s12 =	smul.u32 $0x5000, s13;
	s4 =	sadd.s32 $0x119000, s0;
	s14 =	sadd.s32 $0x41200, s0  }
0x9: {  	s15 =	smul.u32 $0x2780, s13;
	s21 =	sshll.u32 s13, $0x6;
	p0 =	seq.s32 s13, $0xF  }
0xa: {  	s13 =	simm.s32 $0x0;
	_ =	strace $0x8000004A;
	s9 =	smul.u32 $0x50000, s5  }
0xb: {  	s7 =	ssub.s32 $0x2, s5;
	[dreg:$0x7] =	wrdreg s14;
	s5 =	smul.u32 $0x27100, s5  }
0xc: {  	s11 =	sshrl.u32 s7, $0x1;
	s6 =	sshrl.u32 s6, $0x2;
	[dreg:$0x8] =	wrdreg s15  }
0xd: {  	s22 =	sadd.s32 s14, s15;
	s20 =	ssub.s32 s7, s11;
	s11 =	sadd.s32 s12, s9  }
0xe: {  	s7 =	sadd.s32 s6, s1;
	[dreg:$0x9] =	wrdreg s22;
	s9 =	sor.u32 $0x1C04, s21  }
0xf: {  	s16 =	sadd.s32 s2, s5;
	s2 =	sadd.s32 $0x128400, s1;
	s5 =	simm.s32 $0x2  }
0x10: {  	s12 =	sshrl.u32 s11, $0x3;
	s15 =	sor.u32 $0x300, s11;
	s0 =	smax.u32 s20, $0x1  }
0x11: {  	s19 =	sor.u32 $0x280, s11;
	s24 =	sadd.s32 s8, s12;
	[dreg:$0x10] =	wrdreg s0  }
0x12: {  	s23 =	sor.u32 $0x10, s12;
	s25 =	sadd.s32 s10, s12;
	[dreg:$0xa] =	wrdreg s24  }
0x13: {  	s14 =	sor.u32 $0x20, s12;
	s0 =	sshrl.u32 @p0 s2, $0x3;
	[dreg:$0xb] =	wrdreg s25  }
0x14: {  	s17 =	sshrl.u32 s15, $0x3;
	s26 =	sadd.s32 s8, s23;
	[dreg:$0x11] =	wrdreg s0  }
0x15: {  	s21 =	sshrl.u32 s19, $0x3;
	s6 =	sadd.s32 s10, s23;
	[dreg:$0xc] =	wrdreg s26  }
0x16: {  	s2 =	simm.s32 $0x1;
	s12 =	sadd.s32 s8, s14;
	[dreg:$0xd] =	wrdreg s6  }
0x17: {  	s18 =	sadd.s32 s17, s10;
	s20 =	sadd.s32 s17, s8;
	[dreg:$0xe] =	wrdreg s12  }
0x18: {  	s22 =	sadd.s32 s21, s10;
	s23 =	sor.u32 $0x200, s11;
	[dreg:$0x4] =	wrdreg s18  }
0x19: {  	s25 =	sor.u32 $0x180, s11;
	s0 =	simm.s32 $0x18000;
	[dreg:$0x5] =	wrdreg s20  }
0x1a: {  	s11 =	simm.s32 $0x3;
	s6 =	sadd.s32 s10, s14;
	[dreg:$0x6] =	wrdreg s22  }
0x1b: {  	s24 =	sshrl.u32 s23, $0x3;
	s18 =	sadd.s32 s21, s8;
	s26 =	sshrl.u32 s25, $0x3  }
0x1c: {  	s23 =	simm.s32 $0x4;
	s12 =	simm.s32 $0x13D80;
	[dreg:$0xf] =	wrdreg s6  }
0x1d: {  	s19 =	sadd.s32 s24, s10;
	s20 =	sadd.s32 s24, s8;
	s21 =	sadd.s32 s26, s10  }
0x1e: {  	s22 =	sadd.s32 s26, s8;
	s24 =	simm.s32 $0x13C00;
	s26 =	simm.s32 $0x13E00  }
0x1f: {  	s8 =	simm.s32 $0x80;
	s10 =	simm.s32 $0x14000;
	s6 =	simm.s32 $0x13F80  }
.LBB2_1:
0x20: {  	s14 =	sshrl.u32 s7, $0x3;
	s15 =	rddreg [dreg:$0x9]  }
0x21: {  	[spmem:s14], [sflag:s9] =	dma.local [hbm:s15], $0x2780  }
0x22: {  	_ =	swait.ge [sflag:s23], $0x2780  }
0x23: {  	[sflag:s23] =	ssyncset.done $0x0  }
0x24: {  	[sflag:s23] =	ssyncadd.s32 $0xFFFFD880  }
0x25: {  	[bflag:$0x0] =	sbarrier.arrive $0xFFFF  }
0x26: {  	s25 =	rddreg [dreg:$0xa]  }
0x27: {  	[tilespmem:s24], [sflag:$0x1] =	stream.linear.gather [hbm4b:s25+s3], $0x80, $0x38;
	[tilespmem:$0x1C000] =	vst v63  }
0x28: {  	s15 =	rddreg [dreg:$0xb]  }
0x29: {  	[tilespmem:s26], [sflag:$0x1] =	stream.linear.gather [hbm4b:s15+s3], $0x80, $0x38;
	[tilespmem:$0x1C000] =	vst v63  }
0x2a: {  	s17 =	rddreg [dreg:$0xc]  }
0x2b: {  	[tilespmem:s28], [sflag:$0x1] =	stream.linear.gather [hbm4b:s17+s3], $0x80, $0x38;
	[tilespmem:$0x1C000] =	vst v63  }
0x2c: {  	s25 =	rddreg [dreg:$0xd]  }
0x2d: {  	[tilespmem:s29], [sflag:$0x1] =	stream.linear.gather [hbm4b:s25+s3], $0x80, $0x38;
	[tilespmem:$0x1C000] =	vst v63  }
0x2e: {  	s15 =	rddreg [dreg:$0xe]  }
0x2f: {  	[tilespmem:s30], [sflag:$0x1] =	stream.linear.gather [hbm4b:s15+s3], $0x80, $0x38;
	[tilespmem:$0x1C000] =	vst v63  }
0x30: {  	s17 =	rddreg [dreg:$0xf]  }
0x31: {  	[tilespmem:s31], [sflag:$0x1] =	stream.linear.gather [hbm4b:s17+s3], $0x80, $0x38;
	[tilespmem:$0x1C000] =	vst v63  }
0x32: {  	s25 =	rddreg [dreg:$0x7]  }
0x33: {  	[tilespmem:s0], [sflag:$0x4] =	stream.linear.gather [hbm4b:s25+s3], $0x4000, $0x38;
	[tilespmem:$0x1C000] =	vst v63  }
0x34: {  	_ =	swait.ge [sflag:s23], $0x4000  }
0x35: {  	[sflag:s23] =	ssyncset.done $0x0  }
0x36: {  	[sflag:s23] =	ssyncadd.s32 $0xFFFFC000  }
0x37: {  	_ =	swait.ge [sflag:s2], $0x80  }
0x38: {  	[sflag:s2] =	ssyncset.done $0x0  }
0x39: {  	[sflag:s2] =	ssyncadd.s32 $0xFFFFFF80  }
0x3a: {  	_ =	swait.ge [sflag:s2], $0x80  }
0x3b: {  	[sflag:s2] =	ssyncset.done $0x0  }
0x3c: {  	[sflag:s2] =	ssyncadd.s32 $0xFFFFFF80  }
0x3d: {  	[tilespmem:s10], [sflag:$0x2] =	stream.indirect.gather [hbm4b:s4+s8], $0x80, s24, s8, $0xb8;
	[tilespmem:$0x1C000] =	vst v63  }
0x3e: {  	_ = 	snop  }
0x3f: {  	[spmem:s1] =	stream.indirect.scatter.add.f32 [tilespmem:s0], [sflag:$0x3], $0x80, s26, s8, $0xb8;
	[tilespmem:$0x1C000] =	vst v63  }
0x40: {  	_ =	swait.ge [sflag:s5], $0x4000  }
0x41: {  	[sflag:s5] =	ssyncset.done $0x0  }
0x42: {  	[sflag:s5] =	ssyncadd.s32 $0xFFFFC000  }
0x43: {  	[spmem:s1] =	stream.indirect.scatter.add.f32 [tilespmem:s10], [sflag:$0x3], $0x80, s26, s8, $0xb8;
	[tilespmem:$0x1C000] =	vst v63  }
0x44: {  	_ =	swait.ge [sflag:s11], $0x4000  }
0x45: {  	[sflag:s11] =	ssyncset.done $0x0  }
0x46: {  	[sflag:s11] =	ssyncadd.s32 $0xFFFFC000  }
0x47: {  	_ =	swait.ge [sflag:s2], $0x80  }
0x48: {  	[sflag:s2] =	ssyncset.done $0x0  }
0x49: {  	[sflag:s2] =	ssyncadd.s32 $0xFFFFFF80  }
0x4a: {  	_ =	swait.ge [sflag:s2], $0x80  }
0x4b: {  	[sflag:s2] =	ssyncset.done $0x0  }
0x4c: {  	[sflag:s2] =	ssyncadd.s32 $0xFFFFFF80  }
0x4d: {  	[tilespmem:s0], [sflag:$0x2] =	stream.indirect.gather [hbm4b:s4+s8], $0x80, s28, s8, $0xb8;
	[tilespmem:$0x1C000] =	vst v63  }
0x4e: {  	s15 =	sadd.s32 $0x0, s22  }
0x4f: {  	[tilespmem:s12], [sflag:$0x1] =	stream.linear.gather [hbm4b:s15+s3], $0x80, $0x38;
	[tilespmem:$0x1C000] =	vst v63  }
0x50: {  	s17 =	sadd.s32 $0x0, s21  }
0x51: {  	[tilespmem:s6], [sflag:$0x1] =	stream.linear.gather [hbm4b:s17+s3], $0x80, $0x38;
	[tilespmem:$0x1C000] =	vst v63  }
0x52: {  	_ =	swait.ge [sflag:s5], $0x4000  }
0x53: {  	[sflag:s5] =	ssyncset.done $0x0  }
0x54: {  	[sflag:s5] =	ssyncadd.s32 $0xFFFFC000  }
0x55: {  	[spmem:s1] =	stream.indirect.scatter.add.f32 [tilespmem:s0], [sflag:$0x3], $0x80, s29, s8, $0xb8;
	[tilespmem:$0x1C000] =	vst v63  }
0x56: {  	_ =	swait.ge [sflag:s11], $0x4000  }
0x57: {  	[sflag:s11] =	ssyncset.done $0x0  }
0x58: {  	[sflag:s11] =	ssyncadd.s32 $0xFFFFC000  }
0x59: {  	_ =	swait.ge [sflag:s2], $0x80  }
0x5a: {  	[sflag:s2] =	ssyncset.done $0x0  }
0x5b: {  	[sflag:s2] =	ssyncadd.s32 $0xFFFFFF80  }
0x5c: {  	_ =	swait.ge [sflag:s2], $0x80  }
0x5d: {  	[sflag:s2] =	ssyncset.done $0x0  }
0x5e: {  	[sflag:s2] =	ssyncadd.s32 $0xFFFFFF80  }
0x5f: {  	[tilespmem:s10], [sflag:$0x2] =	stream.indirect.gather [hbm4b:s4+s8], $0x80, s30, s8, $0xb8;
	[tilespmem:$0x1C000] =	vst v63  }
0x60: {  	s25 =	sadd.s32 $0x0, s20  }
0x61: {  	[tilespmem:s24], [sflag:$0x1] =	stream.linear.gather [hbm4b:s25+s3], $0x80, $0x38;
	[tilespmem:$0x1C000] =	vst v63  }
0x62: {  	s15 =	sadd.s32 $0x0, s19  }
0x63: {  	[tilespmem:s26], [sflag:$0x1] =	stream.linear.gather [hbm4b:s15+s3], $0x80, $0x38;
	[tilespmem:$0x1C000] =	vst v63  }
0x64: {  	_ =	swait.ge [sflag:s5], $0x4000  }
0x65: {  	[sflag:s5] =	ssyncset.done $0x0  }
0x66: {  	[sflag:s5] =	ssyncadd.s32 $0xFFFFC000  }
0x67: {  	[spmem:s1] =	stream.indirect.scatter.add.f32 [tilespmem:s10], [sflag:$0x3], $0x80, s31, s8, $0xb8;
	[tilespmem:$0x1C000] =	vst v63  }
0x68: {  	_ =	swait.ge [sflag:s11], $0x4000  }
0x69: {  	[sflag:s11] =	ssyncset.done $0x0  }
0x6a: {  	[sflag:s11] =	ssyncadd.s32 $0xFFFFC000  }
0x6b: {  	_ =	swait.ge [sflag:s2], $0x80  }
0x6c: {  	[sflag:s2] =	ssyncset.done $0x0  }
0x6d: {  	[sflag:s2] =	ssyncadd.s32 $0xFFFFFF80  }
0x6e: {  	_ =	swait.ge [sflag:s2], $0x80  }
0x6f: {  	[sflag:s2] =	ssyncset.done $0x0  }
0x70: {  	[sflag:s2] =	ssyncadd.s32 $0xFFFFFF80  }
0x71: {  	[tilespmem:s0], [sflag:$0x2] =	stream.indirect.gather [hbm4b:s4+s8], $0x80, s12, s8, $0xb8;
	[tilespmem:$0x1C000] =	vst v63  }
0x72: {  	s25 =	sadd.s32 $0x0, s18;
	s17 =	rddreg [dreg:$0x6]  }
0x73: {  	[tilespmem:s28], [sflag:$0x1] =	stream.linear.gather [hbm4b:s25+s3], $0x80, $0x38;
	[tilespmem:$0x1C000] =	vst v63  }
0x74: {  	s14 =	sadd.s32 $0x0, s17  }
0x75: {  	[tilespmem:s29], [sflag:$0x1] =	stream.linear.gather [hbm4b:s14+s3], $0x80, $0x38;
	[tilespmem:$0x1C000] =	vst v63  }
0x76: {  	_ =	swait.ge [sflag:s5], $0x4000  }
0x77: {  	[sflag:s5] =	ssyncset.done $0x0  }
0x78: {  	[sflag:s5] =	ssyncadd.s32 $0xFFFFC000  }
0x79: {  	[spmem:s1] =	stream.indirect.scatter.add.f32 [tilespmem:s0], [sflag:$0x3], $0x80, s6, s8, $0xb8;
	[tilespmem:$0x1C000] =	vst v63  }
0x7a: {  	_ =	swait.ge [sflag:s11], $0x4000  }
0x7b: {  	[sflag:s11] =	ssyncset.done $0x0  }
0x7c: {  	[sflag:s11] =	ssyncadd.s32 $0xFFFFC000  }
0x7d: {  	_ =	swait.ge [sflag:s2], $0x80  }
0x7e: {  	[sflag:s2] =	ssyncset.done $0x0  }
0x7f: {  	[sflag:s2] =	ssyncadd.s32 $0xFFFFFF80  }
0x80: {  	_ =	swait.ge [sflag:s2], $0x80  }
0x81: {  	[sflag:s2] =	ssyncset.done $0x0  }
0x82: {  	s17 =	rddreg [dreg:$0x5];
	[sflag:s2] =	ssyncadd.s32 $0xFFFFFF80  }
0x83: {  	[tilespmem:s10], [sflag:$0x2] =	stream.indirect.gather [hbm4b:s4+s8], $0x80, s24, s8, $0xb8;
	[tilespmem:$0x1C000] =	vst v63  }
0x84: {  	s25 =	rddreg [dreg:$0x4];
	s14 =	sadd.s32 $0x0, s17  }
0x85: {  	[tilespmem:s30], [sflag:$0x1] =	stream.linear.gather [hbm4b:s14+s3], $0x80, $0x38;
	[tilespmem:$0x1C000] =	vst v63  }
0x86: {  	s15 =	sadd.s32 $0x0, s25;
	s14 =	simm.s32 $0x40  }
.LBB2_2:
0x87: {  	[tilespmem:s31], [sflag:$0x1] =	stream.linear.gather [hbm4b:s15+s3], $0x80, $0x38;
	[tilespmem:$0x1C000] =	vst v63  }
0x88: {  	_ =	swait.ge [sflag:s5], $0x4000  }
0x89: {  	[sflag:s5] =	ssyncset.done $0x0  }
0x8a: {  	[sflag:s5] =	ssyncadd.s32 $0xFFFFC000  }
0x8b: {  	[spmem:s1] =	stream.indirect.scatter.add.f32 [tilespmem:s10], [sflag:$0x3], $0x80, s26, s8, $0xb8;
	[tilespmem:$0x1C000] =	vst v63  }
0x8c: {  	_ =	swait.ge [sflag:s11], $0x4000  }
0x8d: {  	[sflag:s11] =	ssyncset.done $0x0  }
0x8e: {  	[sflag:s11] =	ssyncadd.s32 $0xFFFFC000  }
0x8f: {  	_ =	swait.ge [sflag:s2], $0x80  }
0x90: {  	[sflag:s2] =	ssyncset.done $0x0  }
0x91: {  	[sflag:s2] =	ssyncadd.s32 $0xFFFFFF80  }
0x92: {  	_ =	swait.ge [sflag:s2], $0x80  }
0x93: {  	[sflag:s2] =	ssyncset.done $0x0  }
0x94: {  	s15 =	smov.u32 s14;
	[sflag:s2] =	ssyncadd.s32 $0xFFFFFF80  }
0x95: {  	[tilespmem:s0], [sflag:$0x2] =	stream.indirect.gather [hbm4b:s4+s8], $0x80, s28, s8, $0xb8;
	[tilespmem:$0x1C000] =	vst v63  }
0x96: {  	s17 =	sadd.s32 s15, s22  }
0x97: {  	[tilespmem:s12], [sflag:$0x1] =	stream.linear.gather [hbm4b:s17+s3], $0x80, $0x38;
	[tilespmem:$0x1C000] =	vst v63  }
0x98: {  	s25 =	sadd.s32 s15, s21  }
0x99: {  	[tilespmem:s6], [sflag:$0x1] =	stream.linear.gather [hbm4b:s25+s3], $0x80, $0x38;
	[tilespmem:$0x1C000] =	vst v63  }
0x9a: {  	_ =	swait.ge [sflag:s5], $0x4000  }
0x9b: {  	[sflag:s5] =	ssyncset.done $0x0  }
0x9c: {  	[sflag:s5] =	ssyncadd.s32 $0xFFFFC000  }
0x9d: {  	[spmem:s1] =	stream.indirect.scatter.add.f32 [tilespmem:s0], [sflag:$0x3], $0x80, s29, s8, $0xb8;
	[tilespmem:$0x1C000] =	vst v63  }
0x9e: {  	_ =	swait.ge [sflag:s11], $0x4000  }
0x9f: {  	[sflag:s11] =	ssyncset.done $0x0  }
0xa0: {  	[sflag:s11] =	ssyncadd.s32 $0xFFFFC000  }
0xa1: {  	_ =	swait.ge [sflag:s2], $0x80  }
0xa2: {  	[sflag:s2] =	ssyncset.done $0x0  }
0xa3: {  	[sflag:s2] =	ssyncadd.s32 $0xFFFFFF80  }
0xa4: {  	_ =	swait.ge [sflag:s2], $0x80  }
0xa5: {  	[sflag:s2] =	ssyncset.done $0x0  }
0xa6: {  	[sflag:s2] =	ssyncadd.s32 $0xFFFFFF80  }
0xa7: {  	[tilespmem:s10], [sflag:$0x2] =	stream.indirect.gather [hbm4b:s4+s8], $0x80, s30, s8, $0xb8;
	[tilespmem:$0x1C000] =	vst v63  }
0xa8: {  	s25 =	sadd.s32 s15, s20  }
0xa9: {  	[tilespmem:s24], [sflag:$0x1] =	stream.linear.gather [hbm4b:s25+s3], $0x80, $0x38;
	[tilespmem:$0x1C000] =	vst v63  }
0xaa: {  	s25 =	sadd.s32 s15, s19  }
0xab: {  	[tilespmem:s26], [sflag:$0x1] =	stream.linear.gather [hbm4b:s25+s3], $0x80, $0x38;
	[tilespmem:$0x1C000] =	vst v63  }
0xac: {  	_ =	swait.ge [sflag:s5], $0x4000  }
0xad: {  	[sflag:s5] =	ssyncset.done $0x0  }
0xae: {  	[sflag:s5] =	ssyncadd.s32 $0xFFFFC000  }
0xaf: {  	[spmem:s1] =	stream.indirect.scatter.add.f32 [tilespmem:s10], [sflag:$0x3], $0x80, s31, s8, $0xb8;
	[tilespmem:$0x1C000] =	vst v63  }
0xb0: {  	_ =	swait.ge [sflag:s11], $0x4000  }
0xb1: {  	[sflag:s11] =	ssyncset.done $0x0  }
0xb2: {  	[sflag:s11] =	ssyncadd.s32 $0xFFFFC000  }
0xb3: {  	_ =	swait.ge [sflag:s2], $0x80  }
0xb4: {  	[sflag:s2] =	ssyncset.done $0x0  }
0xb5: {  	[sflag:s2] =	ssyncadd.s32 $0xFFFFFF80  }
0xb6: {  	_ =	swait.ge [sflag:s2], $0x80  }
0xb7: {  	[sflag:s2] =	ssyncset.done $0x0  }
0xb8: {  	[sflag:s2] =	ssyncadd.s32 $0xFFFFFF80  }
0xb9: {  	[tilespmem:s0], [sflag:$0x2] =	stream.indirect.gather [hbm4b:s4+s8], $0x80, s12, s8, $0xb8;
	[tilespmem:$0x1C000] =	vst v63  }
0xba: {  	s25 =	sadd.s32 s15, s18;
	s17 =	rddreg [dreg:$0x6]  }
0xbb: {  	[tilespmem:s28], [sflag:$0x1] =	stream.linear.gather [hbm4b:s25+s3], $0x80, $0x38;
	[tilespmem:$0x1C000] =	vst v63  }
0xbc: {  	s17 =	sadd.s32 s15, s17  }
0xbd: {  	[tilespmem:s29], [sflag:$0x1] =	stream.linear.gather [hbm4b:s17+s3], $0x80, $0x38;
	[tilespmem:$0x1C000] =	vst v63  }
0xbe: {  	_ =	swait.ge [sflag:s5], $0x4000  }
0xbf: {  	[sflag:s5] =	ssyncset.done $0x0  }
0xc0: {  	[sflag:s5] =	ssyncadd.s32 $0xFFFFC000  }
0xc1: {  	[spmem:s1] =	stream.indirect.scatter.add.f32 [tilespmem:s0], [sflag:$0x3], $0x80, s6, s8, $0xb8;
	[tilespmem:$0x1C000] =	vst v63  }
0xc2: {  	_ =	swait.ge [sflag:s11], $0x4000  }
0xc3: {  	[sflag:s11] =	ssyncset.done $0x0  }
0xc4: {  	[sflag:s11] =	ssyncadd.s32 $0xFFFFC000  }
0xc5: {  	_ =	swait.ge [sflag:s2], $0x80  }
0xc6: {  	[sflag:s2] =	ssyncset.done $0x0  }
0xc7: {  	[sflag:s2] =	ssyncadd.s32 $0xFFFFFF80  }
0xc8: {  	p1 =	sne.s32 s14, $0x9C0;
	_ =	swait.ge [sflag:s2], $0x80  }
.Ltmp0:
0xc9: {  	[sflag:s2] =	ssyncset.done $0x0;
	s17 =	rddreg [dreg:$0x5];
	(pc) =	sbr.rel @p1 .LBB2_2-.Ltmp0, $4  }
0xca: {  	s25 =	rddreg [dreg:$0x4];
	[sflag:s2] =	ssyncadd.s32 $0xFFFFFF80  }
0xcb: {  	[tilespmem:s10], [sflag:$0x2] =	stream.indirect.gather [hbm4b:s4+s8], $0x80, s24, s8, $0xb8;
	[tilespmem:$0x1C000] =	vst v63  }
0xcc: {  	s14 =	sadd.s32 $0x40, s14;
	s17 =	sadd.s32 s15, s17;
	s15 =	sadd.s32 s15, s25  }
0xcd: {  	[tilespmem:s30], [sflag:$0x1] =	stream.linear.gather [hbm4b:s17+s3], $0x80, $0x38;
	[tilespmem:$0x1C000] =	vst v63  }
0xce: {  	[tilespmem:s31], [sflag:$0x1] =	stream.linear.gather [hbm4b:s15+s3], $0x80, $0x38;
	[tilespmem:$0x1C000] =	vst v63  }
0xcf: {  	_ =	swait.ge [sflag:s5], $0x4000  }
0xd0: {  	[sflag:s5] =	ssyncset.done $0x0  }
0xd1: {  	[sflag:s5] =	ssyncadd.s32 $0xFFFFC000  }
0xd2: {  	_ =	swait.ge [sflag:s11], $0x4000  }
0xd3: {  	[sflag:s11] =	ssyncset.done $0x0  }
0xd4: {  	[sflag:s11] =	ssyncadd.s32 $0xFFFFC000  }
0xd5: {  	_ =	swait.ge [sflag:s2], $0x80  }
0xd6: {  	[sflag:s2] =	ssyncset.done $0x0  }
0xd7: {  	[sflag:s2] =	ssyncadd.s32 $0xFFFFFF80  }
0xd8: {  	_ =	swait.ge [sflag:s2], $0x80  }
0xd9: {  	[sflag:s2] =	ssyncset.done $0x0  }
0xda: {  	[sflag:s2] =	ssyncadd.s32 $0xFFFFFF80  }
0xdb: {  	_ =	swait.ge [sflag:s2], $0x80  }
0xdc: {  	[sflag:s2] =	ssyncset.done $0x0  }
0xdd: {  	[sflag:s2] =	ssyncadd.s32 $0xFFFFFF80  }
0xde: {  	_ =	swait.ge [sflag:s2], $0x80  }
0xdf: {  	[sflag:s2] =	ssyncset.done $0x0  }
0xe0: {  	[sflag:s2] =	ssyncadd.s32 $0xFFFFFF80  }
0xe1: {  	[bflag:$0x0] =	sbarrier.arrive $0xFFFF  }
0xe2: {  	s14 =	sadd.s32 @p0 $0x25080, s16;
	s15 =	rddreg [dreg:$0x11]  }
0xe3: {  	[hbm:s14], [sflag:s9] =	dma.local @p0 [spmem:s15], $0x2080  }
0xe4: {  	s14 =	simm.s32 @p0 $0x4  }
0xe5: {  	_ =	swait.ge @p0 [sflag:s14], $0x2080  }
0xe6: {  	[sflag:s14] =	ssyncset.done @p0 $0x0  }
0xe7: {  	[sflag:s14] =	ssyncadd.s32 @p0 $0xFFFFDF80;
	s14 =	rddreg [dreg:$0x8]  }
0xe8: {  	s15 =	sshrl.u32 @!p0 s7, $0x3;
	s14 =	sadd.s32 @!p0 s14, s16  }
0xe9: {  	[hbm:s14], [sflag:s9] =	dma.local @!p0 [spmem:s15], $0x2780  }
0xea: {  	s14 =	simm.s32 @!p0 $0x4  }
0xeb: {  	_ =	swait.ge @!p0 [sflag:s14], $0x2780  }
0xec: {  	s13 =	sadd.s32 $0x1, s13;
	s25 =	rddreg [dreg:$0x10]  }
0xed: {  	p1 =	sne.s32 s13, s25  }
.Ltmp1:
0xee: {  	_ = 	snop;
	(pc) =	sbr.rel @p1 .LBB2_1-.Ltmp1, $3  }
0xef: {  	_ =	sdelay $0x1  }
0xf0: {  	[sflag:s14] =	ssyncset.done @!p0 $0x0  }
0xf1: {  	[sflag:s14] =	ssyncadd.s32 @!p0 $0xFFFFD880  }
0xf2: {  	_ =	sfence.sel $0x180000  }
0xf3: {  	[bflag:$0x0] =	sbarrier.arrive $0xFFFF  }
0xf4: {  	_ =	strace $0x9000004A  }
0xf5: {  	s0 =	stileid.u32;
	[bflag:$0x2] =	sbarrier.arrive $0xFFFF  }
0xf6: {  	p0 =	sne.s32 s0, $0x0;
	s0 =	rddreg [dreg:$0x3]  }
0xf7: {  	s0 =	sadd.s32 @!p0 $0x100000, s0  }
0xf8: {  	[sflag:s0] =	ssyncadd.tile.s32 @!p0 $0x1;
	_ =	shalt  }
.Lfunc_end2:
_tile_overlayer_lowered:
.L_overlay_start_2:
0xf9: {  	(tag) =	ssettag $0x2  }
0xfa: {  	s0 =	rddreg [dreg:$0x0];
	s2 =	stileid.u32  }
0xfb: {  	s1 =	rddreg [dreg:$0x1];
	p0 =	sne.s32 s2, $0x0  }
0xfc: {  	s3 =	rddreg [dreg:$0x2];
	[bflag:$0x3] =	sbarrier.arrive $0xFFFF;
	s2 =	simm.s32 @!p0 $0x1C04  }
0xfd: {  	[timem:s3], [sflag:s2] =	dma.local @!p0 [hbm:s0], s1  }
0xfe: {  	s0 =	simm.s32 @!p0 $0x4  }
0xff: {  	_ =	swait.ge @!p0 [sflag:s0], s1  }
0x100: {  	s1 =	ssub.s32 @!p0 $0x0, s1;
	[sflag:s0] =	ssyncset.done @!p0 $0x0  }
0x101: {  	[sflag:s0] =	ssyncadd.s32 @!p0 s1  }
0x102: {  	[bflag:$0x3] =	sbarrier.arrive $0xFFFF  }
0x103: {  	_ =	shalt  }

// kernel: kernel.9.cloned.1.call-start
scs
__scs_entry_jumppad:
0x0: {  	(pc) =	sbr.rel $0x88, $3  }
0x1: {  	(tag) =	ssettag $0x0;
	lr =	simm.s32 $0x1  }
0x2: {  	[smem:$0x3F8F] =	sst lr;
	_ =	strace $0xD0000000  }
0x3: {  	_ = 	snop  }
0x4: {  	_ = 	snop  }
0x5: {  	_ = 	snop  }
0x6: {  	_ = 	snop  }
0x7: {  	_ = 	snop  }
__scs_overlays_trampoline_lowered:
0x8: {  	[smem:$0x3F9E] =	sst s0  }
0x9: {  	[smem:$0x3F9F] =	sst s1  }
0xa: {  	[smem:$0x3FA0] =	sst s2  }
0xb: {  	[smem:$0x3FA1] =	sst s3  }
0xc: {  	[smem:$0x3FA2] =	sst s4  }
0xd: {  	[smem:$0x3FA3] =	sst s5  }
0xe: {  	[smem:$0x3FA4] =	sst s6  }
0xf: {  	[smem:$0x3FA5] =	sst s7  }
0x10: {  	[smem:$0x3FA6] =	sst s8  }
0x11: {  	[smem:$0x3FA7] =	sst s9;
	s0 =	simm.s32 @!p0 $0x0  }
0x12: {  	s1 =	sld [smem:$0x3F8D];
	s0 =	simm.s32 @p0 $0x1  }
0x13: {  	[smem:$0x3FA8] =	sst s0;
	s0 =	simm.s32 @!p1 $0x0  }
0x14: {  	s2 =	sld [smem:$0x3F8C];
	s0 =	simm.s32 @p1 $0x1  }
0x15: {  	[smem:$0x3FA9] =	sst s0;
	s0 =	simm.s32 @!p2 $0x0  }
0x16: {  	s3 =	sld [smem:$0x3FDB];
	s0 =	simm.s32 @p2 $0x1  }
0x17: {  	s4 =	simm.s32 $0x1BF5;
	[smem:$0x3FAB] =	sst s0  }
0x18: {  	s0 =	sld [smem:$0x3F8E];
	_ =	swait.ge [sflag:s4], $0x0  }
0x19: {  	s7 =	sld [smem:$0x3F8F]  }
0x1a: {  	s8 =	sadd.s32 $0xFFFFE003, lr  }
0x1b: {  	s9 =	sadd.s32 $0xFFFFFEF7, lr;
	s5 =	simm.s32 $0xFFFFFFFF;
	p2 =	slt.u32 s8, $0xFFFFF086  }
0x1c: {  	p1 =	slt.u32 s9, $0xF7A;
	s5 =	simm.s32 @!p2 $0x0  }
0x1d: {  	s5 =	simm.s32 @p1 $0x1;
	p0 =	seq.s32 s7, s2  }
0x1e: {  	s7 =	smul.u32 @!p0 $0xF7A, s2;
	p2 =	seq.s32 @!p0 s5, $0x0  }
0x1f: {  	s9 =	smul.u32 $0xF7A, s1;
	s8 =	simm.s32 @!p0 $0x1BF5;
	p2 =	por !p2, p0  }
0x20: {  	[sflag:s8] =	ssyncset.s32 @!p0 $0xFFFFF086;
	s6 =	sadd.s32 @!p0 s3, s7;
	s7 =	simm.s32 @!p0 $0x108  }
0x21: {  	s3 =	sadd.s32 s3, s9;
	s6 =	sadd.s32 @!p0 $0x88, s6;
	s7 =	simm.s32 @p2 $0x1082  }
0x22: {  	[simem:s7], [sflag:s8] =	dma.local @!p0 [hbm:s6], $0xF7A  }
0x23: {  	s9 =	sor.u32 $0xD0000000, s2;
	s6 =	simm.s32 $0x108;
	_ =	swait.ge @!p0 [sflag:s8], $0x0  }
0x24: {  	s3 =	sadd.s32 $0x88, s3;
	s6 =	simm.s32 @!p1 $0x1082;
	[sflag:s4] =	ssyncset.s32 $0xFFFFF086  }
0x25: {  	[simem:s6], [sflag:s4] =	dma.local [hbm:s3], $0xF7A  }
0x26: {  	[smem:$0x3F8F] =	sst s1;
	(tag) =	ssettag s2;
	_ =	strace s9  }
0x27: {  	s1 =	sld [smem:$0x3F9F]  }
0x28: {  	s2 =	sld [smem:$0x3FA0]  }
0x29: {  	s4 =	sld [smem:$0x3FA2]  }
0x2a: {  	p0 =	seq.s32 s5, $0x0;
	s5 =	sld [smem:$0x3FA3]  }
0x2b: {  	s6 =	sld [smem:$0x3FA4]  }
0x2c: {  	s7 =	sld [smem:$0x3FA5]  }
0x2d: {  	s3 =	simm.s32 $0x108;
	s8 =	sld [smem:$0x3FA6]  }
0x2e: {  	s3 =	simm.s32 @!p0 $0x1082;
	s9 =	sld [smem:$0x3FA7]  }
0x2f: {  	lr =	sadd.s32 s0, s3;
	s0 =	sld [smem:$0x3F9E]  }
0x30: {  	s3 =	sld [smem:$0x3FA1]  }
0x31: {  	[smem:$0x3FAA] =	sst s10  }
0x32: {  	s10 =	sld [smem:$0x3FA8];
	_ =	sdelay $0x3  }
0x33: {  	p0 =	seq.s32 s10, $0x1;
	s10 =	sld [smem:$0x3FAA];
	_ =	sdelay $0x3  }
0x34: {  	[smem:$0x3FAA] =	sst s10  }
0x35: {  	s10 =	sld [smem:$0x3FA9];
	_ =	sdelay $0x3  }
0x36: {  	p1 =	seq.s32 s10, $0x1;
	s10 =	sld [smem:$0x3FAA];
	_ =	sdelay $0x3  }
0x37: {  	[smem:$0x3FAA] =	sst s10  }
0x38: {  	s10 =	sld [smem:$0x3FAB]  }
0x39: {  	_ = 	snop;
	(pc) =	sbr.ind lr, $3  }
0x3a: {  	_ = 	snop  }
0x3b: {  	_ = 	snop  }
0x3c: {  	p2 =	seq.s32 s10, $0x1;
	s10 =	sld [smem:$0x3FAA]  }
0x3d: {  	_ =	shalt  }
0x3e: {  	_ =	shalt  }
0x3f: {  	_ =	shalt  }
0x40: {  	_ =	shalt  }
0x41: {  	_ =	shalt  }
0x42: {  	_ =	shalt  }
0x43: {  	_ =	shalt  }
0x44: {  	_ =	shalt  }
0x45: {  	_ =	shalt  }
0x46: {  	_ =	shalt  }
0x47: {  	_ =	shalt  }
0x48: {  	_ =	shalt  }
0x49: {  	_ =	shalt  }
0x4a: {  	_ =	shalt  }
0x4b: {  	_ =	shalt  }
0x4c: {  	_ =	shalt  }
0x4d: {  	_ =	shalt  }
0x4e: {  	_ =	shalt  }
0x4f: {  	_ =	shalt  }
0x50: {  	_ =	shalt  }
0x51: {  	_ =	shalt  }
0x52: {  	_ =	shalt  }
0x53: {  	_ =	shalt  }
0x54: {  	_ =	shalt  }
0x55: {  	_ =	shalt  }
0x56: {  	_ =	shalt  }
0x57: {  	_ =	shalt  }
0x58: {  	_ =	shalt  }
0x59: {  	_ =	shalt  }
0x5a: {  	_ =	shalt  }
0x5b: {  	_ =	shalt  }
0x5c: {  	_ =	shalt  }
0x5d: {  	_ =	shalt  }
0x5e: {  	_ =	shalt  }
0x5f: {  	_ =	shalt  }
0x60: {  	_ =	shalt  }
0x61: {  	_ =	shalt  }
0x62: {  	_ =	shalt  }
0x63: {  	_ =	shalt  }
0x64: {  	_ =	shalt  }
0x65: {  	_ =	shalt  }
0x66: {  	_ =	shalt  }
0x67: {  	_ =	shalt  }
0x68: {  	_ =	shalt  }
0x69: {  	_ =	shalt  }
0x6a: {  	_ =	shalt  }
0x6b: {  	_ =	shalt  }
0x6c: {  	_ =	shalt  }
0x6d: {  	_ =	shalt  }
0x6e: {  	_ =	shalt  }
0x6f: {  	_ =	shalt  }
0x70: {  	_ =	shalt  }
0x71: {  	_ =	shalt  }
0x72: {  	_ =	shalt  }
0x73: {  	_ =	shalt  }
0x74: {  	_ =	shalt  }
0x75: {  	_ =	shalt  }
0x76: {  	_ =	shalt  }
0x77: {  	_ =	shalt  }
0x78: {  	_ =	shalt  }
0x79: {  	_ =	shalt  }
0x7a: {  	_ =	shalt  }
0x7b: {  	_ =	shalt  }
0x7c: {  	_ =	shalt  }
0x7d: {  	_ =	shalt  }
0x7e: {  	_ =	shalt  }
0x7f: {  	_ =	shalt  }
0x80: {  	_ =	shalt  }
0x81: {  	_ =	shalt  }
0x82: {  	_ =	shalt  }
0x83: {  	_ =	shalt  }
0x84: {  	_ =	shalt  }
0x85: {  	_ =	shalt  }
0x86: {  	_ =	shalt  }
0x87: {  	_ =	shalt  }
.Lfunc_end0:
.L_simem_size_0:
called_computation_lowered:
.L_overlay_start_0:
0x88: {  	s2 =	sld [smem:$0x3FD9]  }
0x89: {  	s3 =	sld [smem:$0x3FFE];
	_ =	sdelay $0x1  }
0x8a: {  	s1 =	srdreg.scid  }
0x8b: {  	s0 =	sand.u32 $0x1, s1  }
0x8c: {  	s14 =	sshll.u32 s0, $0xA;
	s2 =	sadd.s32 s3, s2  }
0x8d: {  	s2 =	sadd.s32 s2, s14  }
0x8e: {  	[smem:$0x3FB6] =	sst s2  }
0x8f: {  	_ = 	snop  }
0x90: {  	s2 =	sld [smem:$0x3FD0];
	_ =	sdelay $0x2  }
0x91: {  	s15 =	simm.s32 $0xB;
	s4 =	simm.s32 $0x10  }
0x92: {  	[smem:s4], [sflag:s15] =	dma.local [hbm:s2], $0x1  }
0x93: {  	_ =	swait.eq [sflag:s15], $0x1  }
0x94: {  	s16 =	sld [smem:$0x10];
	[sflag:s15] =	ssyncset.done $0x0  }
0x95: {  	s17 =	sld [smem:$0x11];
	[sflag:s15] =	ssyncadd.s32 $0xFFFFFFFF  }
0x96: {  	s18 =	sld [smem:$0x12];
	(tm) =	ssettm $0x1  }
0x97: {  	s5 =	sld [smem:$0x3FFB];
	_ =	sdelay $0x3  }
0x98: {  	_ =	strace s5  }
0x99: {  	s5 =	sld [smem:$0x3FFC];
	_ =	sdelay $0x3  }
0x9a: {  	_ =	strace s5  }
0x9b: {  	s5 =	sld [smem:$0x3FFD];
	_ =	sdelay $0x3  }
0x9c: {  	_ =	strace s5  }
0x9d: {  	_ =	strace $0x8FFFFFFF  }
0x9e: {  	s19 =	sld [smem:$0x3FDB];
	_ =	sdelay $0x1  }
0x9f: {  	s6 =	simm.s32 $_scs_section_size  }
0xa0: {  	s7 =	simm.s32 $_size__tile_overlayer_lowered;
	s8 =	simm.s32 $_tile_overlayer_lowered  }
0xa1: {  	s22 =	simm.s32 $0x1BFF;
	s21 =	sshll.u32 s8, $0x1;
	s5 =	sadd.s32 s6, s19  }
0xa2: {  	s9 =	simm.s32 $0x0;
	s20 =	sshll.u32 s7, $0x1;
	s7 =	sadd.s32 s21, s5  }
0xa3: {  	[timem:s9], [sflag:s22] =	dma.local [hbm:s7], s20  }
0xa4: {  	_ =	swait.ge [sflag:s22], s20  }
0xa5: {  	s6 =	ssub.s32 $0x0, s20;
	[sflag:s22] =	ssyncset.done $0x0  }
0xa6: {  	[sflag:s22] =	ssyncadd.s32 s6;
	_ =	sdelay $0x1  }
0xa7: {  	s23 =	simm.s32 $0x1B8B  }
0xa8: {  	_ =	swait.ge [sflag:s23], $0x1  }
0xa9: {  	[sflag:s23] =	ssyncset.done $0x0  }
0xaa: {  	s25 =	simm.s32 $0x1B8E;
	s24 =	sld [smem:$0x3FFE];
	[sflag:s23] =	ssyncadd.s32 $0xFFFFFFFF  }
0xab: {  	s26 =	simm.s32 $execute0_lowered;
	[smem:$0x3FD2] =	sst s25  }
0xac: {  	s7 =	sshll.u32 s26, $0x1;
	_ =	strace $0x80000046;
	[dreg:$0x1] =	wrdreg $0xFFFFFFFF  }
0xad: {  	s28 =	simm.s32 $_size_execute0_lowered;
	s5 =	sadd.s32 s5, s7;
	[dreg:$0x0] =	wrdreg $0x0  }
0xae: {  	s7 =	sshll.u32 s28, $0x1;
	[dreg:$0x2] =	wrdreg s5  }
0xaf: {  	[dreg:$0x3] =	wrdreg s7  }
0xb0: {  	[dreg:$0x4] =	wrdreg $0xC0  }
0xb1: {  	_ =	task [dreg:s9], $0x5FFFF  }
0xb2: {  	[dreg:$0x1] =	wrdreg $0xFFFFFFFF  }
0xb3: {  	[dreg:$0x0] =	wrdreg $0x60  }
0xb4: {  	[dreg:$0x2] =	wrdreg s17  }
0xb5: {  	[dreg:$0x3] =	wrdreg s24  }
0xb6: {  	[dreg:$0x4] =	wrdreg s18  }
0xb7: {  	[dreg:$0x5] =	wrdreg s16  }
0xb8: {  	[dreg:$0x6] =	wrdreg $0x0  }
0xb9: {  	[dreg:$0x7] =	wrdreg $0x9  }
0xba: {  	_ =	task.clear_ibuf [dreg:s9], $0x8FFFF;
	_ =	strace $0x90000046  }
0xbb: {  	s29 =	simm.s32 $0x9;
	_ =	strace $0x80000048  }
0xbc: {  	_ =	swait.ge [sflag:s29], $0x1  }
0xbd: {  	[sflag:s29] =	ssyncadd.s32 $0xFFFFFFFF  }
0xbe: {  	_ =	strace $0x90000048  }
0xbf: {  	_ =	sfence  }
0xc0: {  	s30 =	sld [smem:$0x0];
	_ =	sdelay $0x2  }
0xc1: {  	s31 =	sshll.u32 s1, $0xD;
	s1 =	sshrl.u32 s1, $0x2  }
0xc2: {  	s3 =	sand.u32 $0x4000, s31;
	s1 =	sadd.s32 s1, s30  }
0xc3: {  	s0 =	sor.u32 s3, s0;
	s1 =	sshll.u32 s1, $0x11  }
0xc4: {  	s0 =	sor.u32 s1, s0  }
0xc5: {  	s0 =	sadd.s32 $0x8F2B, s0  }
0xc6: {  	[sflag:s0] =	ssyncadd.remote.s32 $0x1  }
0xc7: {  	_ =	sfence.sel $0xFFFF  }
0xc8: {  	[dreg:$0x0] =	wrdreg $0xFFFFFFFF;
	(pc) =	sbr.abs _section_cstart, $3  }
0xc9: {  	[dreg:$0x1] =	wrdreg $0xFFFFFFFF  }
0xca: {  	_ =	task.clear_ibuf [dreg:s9], $0x2FFFF;
	_ =	strace $0x9FFFFFFF  }
0xcb: {  	(tm) =	ssettm $0x7FFFFFFF  }
tec
execute0_lowered:
.L_overlay_start_1:
0x0: {  	(tag) =	ssettag $0x1  }
0x1: {  	s0 =	rddreg [dreg:$0x0]  }
0x2: {  	s2 =	rddreg [dreg:$0x1]  }
0x3: {  	s1 =	rddreg [dreg:$0x2]  }
0x4: {  	s3 =	rddreg [dreg:$0x4];
	s4 =	simm.s32 $0x0;
	s5 =	srdreg.scid  }
0x5: {  	s12 =	stileid.u32;
	s28 =	simm.s32 $0x4;
	s29 =	simm.s32 $0x13C00  }
0x6: {  	s30 =	simm.s32 $0x13E00;
	s31 =	simm.s32 $0x13C80;
	s8 =	smul.u32 $0x4F000, s12  }
0x7: {  	[smem:$0x7FF] =	sst s4;
	s5 =	sand.u32 $0x1, s5;
	s10 =	smul.u32 $0x5000, s12  }
0x8: {  	s7 =	sadd.s32 $0x4C00, s2;
	s11 =	sadd.s32 $0x41200, s2;
	s18 =	smul.u32 $0x2780, s12  }
0x9: {  	s19 =	sshll.u32 s12, $0x6;
	p0 =	seq.s32 s12, $0xF;
	s6 =	smul.u32 $0x27100, s5  }
0xa: {  	_ =	strace $0x80000047;
	s9 =	ssub.s32 $0x2, s5;
	s5 =	smul.u32 $0x50000, s5  }
0xb: {  	[dreg:$0x9] =	wrdreg s11;
	s17 =	sshrl.u32 s9, $0x1;
	s8 =	sshrl.u32 s8, $0x2  }
0xc: {  	[dreg:$0xa] =	wrdreg s18;
	s2 =	sadd.s32 s6, s2;
	s6 =	ssub.s32 s9, s17  }
0xd: {  	s8 =	sadd.s32 s8, s3;
	s5 =	sadd.s32 s10, s5;
	s9 =	sadd.s32 s11, s18  }
0xe: {  	s10 =	sor.u32 $0x1C04, s19;
	s11 =	simm.s32 $0x18000;
	[dreg:$0xb] =	wrdreg s8  }
0xf: {  	[dreg:$0xc] =	wrdreg s9;
	s20 =	sshrl.u32 s5, $0x3;
	s25 =	sor.u32 $0x300, s5  }
0x10: {  	s15 =	sor.u32 $0x280, s5;
	s19 =	sor.u32 $0x200, s5;
	s21 =	sadd.s32 s0, s20  }
0x11: {  	s22 =	sadd.s32 s7, s20;
	s23 =	sor.u32 $0x10, s20;
	s8 =	sor.u32 $0x20, s20  }
0x12: {  	s13 =	sshrl.u32 s25, $0x3;
	s17 =	sshrl.u32 s15, $0x3;
	[dreg:$0xd] =	wrdreg s21  }
0x13: {  	s20 =	sshrl.u32 s19, $0x3;
	s25 =	smax.u32 s6, $0x1;
	[dreg:$0xe] =	wrdreg s22  }
0x14: {  	s6 =	simm.s32 $0x1;
	s24 =	sadd.s32 s0, s23;
	[dreg:$0x15] =	wrdreg s25  }
0x15: {  	s15 =	simm.s32 $0x14000;
	s9 =	sadd.s32 s7, s23;
	[dreg:$0xf] =	wrdreg s24  }
0x16: {  	s26 =	sadd.s32 s0, s8;
	s8 =	sadd.s32 s7, s8;
	[dreg:$0x10] =	wrdreg s9  }
0x17: {  	s14 =	sadd.s32 s13, s7;
	s16 =	sadd.s32 s13, s0;
	[dreg:$0x11] =	wrdreg s26  }
0x18: {  	s18 =	sadd.s32 s17, s0;
	s17 =	sadd.s32 s17, s7;
	[dreg:$0x12] =	wrdreg s8  }
0x19: {  	s21 =	sor.u32 $0x180, s5;
	s5 =	sor.u32 $0x100, s5;
	[dreg:$0x6] =	wrdreg s14  }
0x1a: {  	s19 =	sadd.s32 s20, s0;
	s23 =	sadd.s32 $0x68A00, s2;
	[dreg:$0x7] =	wrdreg s16  }
0x1b: {  	s13 =	simm.s32 $0x80;
	s25 =	simm.s32 $0x3;
	[dreg:$0x8] =	wrdreg s18  }
0x1c: {  	s18 =	sadd.s32 s20, s7;
	s22 =	sshrl.u32 s21, $0x3;
	s5 =	sshrl.u32 s5, $0x3  }
0x1d: {  	[dreg:$0x13] =	wrdreg s23;
	s24 =	sadd.s32 $0xB6C00, s2;
	s26 =	sadd.s32 $0x128400, s3  }
0x1e: {  	s2 =	simm.s32 $0x13F00;
	s16 =	simm.s32 $0x2;
	s8 =	simm.s32 $0x13F80  }
0x1f: {  	s9 =	simm.s32 $0x0;
	s20 =	sadd.s32 s22, s0;
	[dreg:$0x14] =	wrdreg s24  }
0x20: {  	s21 =	sadd.s32 s22, s7;
	s22 =	sadd.s32 s5, s7;
	[dreg:$0x16] =	wrdreg s26  }
0x21: {  	s0 =	simm.s32 $0x13E80;
	s5 =	simm.s32 $0x13D00;
	s26 =	simm.s32 $0x13D80  }
.LBB2_1:
0x22: {  	s7 =	rddreg [dreg:$0xb]  }
0x23: {  	s12 =	rddreg [dreg:$0xc];
	s7 =	sshrl.u32 s7, $0x3  }
0x24: {  	[spmem:s7], [sflag:s10] =	dma.local [hbm:s12], $0x2780  }
0x25: {  	_ =	swait.ge [sflag:s28], $0x2780  }
0x26: {  	[sflag:s28] =	ssyncset.done $0x0  }
0x27: {  	[sflag:s28] =	ssyncadd.s32 $0xFFFFD880  }
0x28: {  	[bflag:$0x0] =	sbarrier.arrive $0xFFFF  }
0x29: {  	s23 =	rddreg [dreg:$0xd]  }
0x2a: {  	[tilespmem:s29], [sflag:$0x1] =	stream.linear.gather [hbm4b:s23+s4], $0x80, $0x38;
	[tilespmem:$0x1C000] =	vst v63  }
0x2b: {  	s24 =	rddreg [dreg:$0xe]  }
0x2c: {  	[tilespmem:s30], [sflag:$0x1] =	stream.linear.gather [hbm4b:s24+s4], $0x80, $0x38;
	[tilespmem:$0x1C000] =	vst v63  }
0x2d: {  	s14 =	rddreg [dreg:$0xf]  }
0x2e: {  	[tilespmem:s31], [sflag:$0x1] =	stream.linear.gather [hbm4b:s14+s4], $0x80, $0x38;
	[tilespmem:$0x1C000] =	vst v63  }
0x2f: {  	s23 =	rddreg [dreg:$0x10]  }
0x30: {  	[tilespmem:s0], [sflag:$0x1] =	stream.linear.gather [hbm4b:s23+s4], $0x80, $0x38;
	[tilespmem:$0x1C000] =	vst v63  }
0x31: {  	s24 =	rddreg [dreg:$0x11]  }
0x32: {  	[tilespmem:s5], [sflag:$0x1] =	stream.linear.gather [hbm4b:s24+s4], $0x80, $0x38;
	[tilespmem:$0x1C000] =	vst v63  }
0x33: {  	s14 =	rddreg [dreg:$0x12]  }
0x34: {  	[tilespmem:s2], [sflag:$0x1] =	stream.linear.gather [hbm4b:s14+s4], $0x80, $0x38;
	[tilespmem:$0x1C000] =	vst v63  }
0x35: {  	s23 =	rddreg [dreg:$0x9]  }
0x36: {  	[tilespmem:s11], [sflag:$0x4] =	stream.linear.gather [hbm4b:s23+s4], $0x4000, $0x38;
	[tilespmem:$0x1C000] =	vst v63  }
0x37: {  	_ =	swait.ge [sflag:s28], $0x4000  }
0x38: {  	[sflag:s28] =	ssyncset.done $0x0  }
0x39: {  	[sflag:s28] =	ssyncadd.s32 $0xFFFFC000  }
0x3a: {  	_ =	swait.ge [sflag:s6], $0x80  }
0x3b: {  	[sflag:s6] =	ssyncset.done $0x0  }
0x3c: {  	[sflag:s6] =	ssyncadd.s32 $0xFFFFFF80  }
0x3d: {  	_ =	swait.ge [sflag:s6], $0x80  }
0x3e: {  	[sflag:s6] =	ssyncset.done $0x0  }
0x3f: {  	[sflag:s6] =	ssyncadd.s32 $0xFFFFFF80  }
0x40: {  	[tilespmem:s15], [sflag:$0x2] =	stream.indirect.gather [hbm4b:s1+s13], $0x80, s29, s13, $0xb8;
	[tilespmem:$0x1C000] =	vst v63  }
0x41: {  	_ = 	snop  }
0x42: {  	[spmem:s3] =	stream.indirect.scatter.add.f32 [tilespmem:s11], [sflag:$0x3], $0x80, s30, s13, $0xb8;
	[tilespmem:$0x1C000] =	vst v63  }
0x43: {  	_ =	swait.ge [sflag:s16], $0x4000  }
0x44: {  	[sflag:s16] =	ssyncset.done $0x0  }
0x45: {  	[sflag:s16] =	ssyncadd.s32 $0xFFFFC000  }
0x46: {  	[spmem:s3] =	stream.indirect.scatter.add.f32 [tilespmem:s15], [sflag:$0x3], $0x80, s30, s13, $0xb8;
	[tilespmem:$0x1C000] =	vst v63  }
0x47: {  	_ =	swait.ge [sflag:s25], $0x4000  }
0x48: {  	[sflag:s25] =	ssyncset.done $0x0  }
0x49: {  	[sflag:s25] =	ssyncadd.s32 $0xFFFFC000  }
0x4a: {  	_ =	swait.ge [sflag:s6], $0x80  }
0x4b: {  	[sflag:s6] =	ssyncset.done $0x0  }
0x4c: {  	[sflag:s6] =	ssyncadd.s32 $0xFFFFFF80  }
0x4d: {  	_ =	swait.ge [sflag:s6], $0x80  }
0x4e: {  	[sflag:s6] =	ssyncset.done $0x0  }
0x4f: {  	[sflag:s6] =	ssyncadd.s32 $0xFFFFFF80  }
0x50: {  	[tilespmem:s11], [sflag:$0x2] =	stream.indirect.gather [hbm4b:s1+s13], $0x80, s31, s13, $0xb8;
	[tilespmem:$0x1C000] =	vst v63  }
0x51: {  	s24 =	sadd.s32 $0x0, s20  }
0x52: {  	[tilespmem:s26], [sflag:$0x1] =	stream.linear.gather [hbm4b:s24+s4], $0x80, $0x38;
	[tilespmem:$0x1C000] =	vst v63  }
0x53: {  	s14 =	sadd.s32 $0x0, s21  }
0x54: {  	[tilespmem:s8], [sflag:$0x1] =	stream.linear.gather [hbm4b:s14+s4], $0x80, $0x38;
	[tilespmem:$0x1C000] =	vst v63  }
0x55: {  	_ =	swait.ge [sflag:s16], $0x4000  }
0x56: {  	[sflag:s16] =	ssyncset.done $0x0  }
0x57: {  	[sflag:s16] =	ssyncadd.s32 $0xFFFFC000  }
0x58: {  	[spmem:s3] =	stream.indirect.scatter.add.f32 [tilespmem:s11], [sflag:$0x3], $0x80, s0, s13, $0xb8;
	[tilespmem:$0x1C000] =	vst v63  }
0x59: {  	_ =	swait.ge [sflag:s25], $0x4000  }
0x5a: {  	[sflag:s25] =	ssyncset.done $0x0  }
0x5b: {  	[sflag:s25] =	ssyncadd.s32 $0xFFFFC000  }
0x5c: {  	_ =	swait.ge [sflag:s6], $0x80  }
0x5d: {  	[sflag:s6] =	ssyncset.done $0x0  }
0x5e: {  	[sflag:s6] =	ssyncadd.s32 $0xFFFFFF80  }
0x5f: {  	_ =	swait.ge [sflag:s6], $0x80  }
0x60: {  	[sflag:s6] =	ssyncset.done $0x0  }
0x61: {  	[sflag:s6] =	ssyncadd.s32 $0xFFFFFF80  }
0x62: {  	[tilespmem:s15], [sflag:$0x2] =	stream.indirect.gather [hbm4b:s1+s13], $0x80, s5, s13, $0xb8;
	[tilespmem:$0x1C000] =	vst v63  }
0x63: {  	s23 =	sadd.s32 $0x0, s19  }
0x64: {  	[tilespmem:s29], [sflag:$0x1] =	stream.linear.gather [hbm4b:s23+s4], $0x80, $0x38;
	[tilespmem:$0x1C000] =	vst v63  }
0x65: {  	s24 =	sadd.s32 $0x0, s18  }
0x66: {  	[tilespmem:s30], [sflag:$0x1] =	stream.linear.gather [hbm4b:s24+s4], $0x80, $0x38;
	[tilespmem:$0x1C000] =	vst v63  }
0x67: {  	_ =	swait.ge [sflag:s16], $0x4000  }
0x68: {  	[sflag:s16] =	ssyncset.done $0x0  }
0x69: {  	[sflag:s16] =	ssyncadd.s32 $0xFFFFC000  }
0x6a: {  	[spmem:s3] =	stream.indirect.scatter.add.f32 [tilespmem:s15], [sflag:$0x3], $0x80, s2, s13, $0xb8;
	[tilespmem:$0x1C000] =	vst v63  }
0x6b: {  	_ =	swait.ge [sflag:s25], $0x4000  }
0x6c: {  	[sflag:s25] =	ssyncset.done $0x0  }
0x6d: {  	[sflag:s25] =	ssyncadd.s32 $0xFFFFC000  }
0x6e: {  	_ =	swait.ge [sflag:s6], $0x80  }
0x6f: {  	[sflag:s6] =	ssyncset.done $0x0  }
0x70: {  	[sflag:s6] =	ssyncadd.s32 $0xFFFFFF80  }
0x71: {  	_ =	swait.ge [sflag:s6], $0x80  }
0x72: {  	[sflag:s6] =	ssyncset.done $0x0  }
0x73: {  	s14 =	rddreg [dreg:$0x8];
	[sflag:s6] =	ssyncadd.s32 $0xFFFFFF80  }
0x74: {  	[tilespmem:s11], [sflag:$0x2] =	stream.indirect.gather [hbm4b:s1+s13], $0x80, s26, s13, $0xb8;
	[tilespmem:$0x1C000] =	vst v63  }
0x75: {  	s12 =	sadd.s32 $0x0, s14  }
0x76: {  	[tilespmem:s31], [sflag:$0x1] =	stream.linear.gather [hbm4b:s12+s4], $0x80, $0x38;
	[tilespmem:$0x1C000] =	vst v63  }
0x77: {  	s23 =	sadd.s32 $0x0, s17  }
0x78: {  	[tilespmem:s0], [sflag:$0x1] =	stream.linear.gather [hbm4b:s23+s4], $0x80, $0x38;
	[tilespmem:$0x1C000] =	vst v63  }
0x79: {  	_ =	swait.ge [sflag:s16], $0x4000  }
0x7a: {  	[sflag:s16] =	ssyncset.done $0x0  }
0x7b: {  	[sflag:s16] =	ssyncadd.s32 $0xFFFFC000  }
0x7c: {  	[spmem:s3] =	stream.indirect.scatter.add.f32 [tilespmem:s11], [sflag:$0x3], $0x80, s8, s13, $0xb8;
	[tilespmem:$0x1C000] =	vst v63  }
0x7d: {  	_ =	swait.ge [sflag:s25], $0x4000  }
0x7e: {  	[sflag:s25] =	ssyncset.done $0x0  }
0x7f: {  	[sflag:s25] =	ssyncadd.s32 $0xFFFFC000  }
0x80: {  	_ =	swait.ge [sflag:s6], $0x80  }
0x81: {  	[sflag:s6] =	ssyncset.done $0x0  }
0x82: {  	[sflag:s6] =	ssyncadd.s32 $0xFFFFFF80  }
0x83: {  	_ =	swait.ge [sflag:s6], $0x80  }
0x84: {  	[sflag:s6] =	ssyncset.done $0x0  }
0x85: {  	s24 =	rddreg [dreg:$0x7];
	[sflag:s6] =	ssyncadd.s32 $0xFFFFFF80  }
0x86: {  	[tilespmem:s15], [sflag:$0x2] =	stream.indirect.gather [hbm4b:s1+s13], $0x80, s29, s13, $0xb8;
	[tilespmem:$0x1C000] =	vst v63  }
0x87: {  	s14 =	rddreg [dreg:$0x6];
	s12 =	sadd.s32 $0x0, s24  }
0x88: {  	[tilespmem:s5], [sflag:$0x1] =	stream.linear.gather [hbm4b:s12+s4], $0x80, $0x38;
	[tilespmem:$0x1C000] =	vst v63  }
0x89: {  	s14 =	sadd.s32 $0x0, s14;
	s12 =	simm.s32 $0x40  }
.LBB2_2:
0x8a: {  	[tilespmem:s2], [sflag:$0x1] =	stream.linear.gather [hbm4b:s14+s4], $0x80, $0x38;
	[tilespmem:$0x1C000] =	vst v63  }
0x8b: {  	_ =	swait.ge [sflag:s16], $0x4000  }
0x8c: {  	[sflag:s16] =	ssyncset.done $0x0  }
0x8d: {  	[sflag:s16] =	ssyncadd.s32 $0xFFFFC000  }
0x8e: {  	[spmem:s3] =	stream.indirect.scatter.add.f32 [tilespmem:s15], [sflag:$0x3], $0x80, s30, s13, $0xb8;
	[tilespmem:$0x1C000] =	vst v63  }
0x8f: {  	_ =	swait.ge [sflag:s25], $0x4000  }
0x90: {  	[sflag:s25] =	ssyncset.done $0x0  }
0x91: {  	[sflag:s25] =	ssyncadd.s32 $0xFFFFC000  }
0x92: {  	_ =	swait.ge [sflag:s6], $0x80  }
0x93: {  	[sflag:s6] =	ssyncset.done $0x0  }
0x94: {  	[sflag:s6] =	ssyncadd.s32 $0xFFFFFF80  }
0x95: {  	_ =	swait.ge [sflag:s6], $0x80  }
0x96: {  	[sflag:s6] =	ssyncset.done $0x0  }
0x97: {  	s14 =	smov.u32 s12;
	[sflag:s6] =	ssyncadd.s32 $0xFFFFFF80  }
0x98: {  	[tilespmem:s11], [sflag:$0x2] =	stream.indirect.gather [hbm4b:s1+s13], $0x80, s31, s13, $0xb8;
	[tilespmem:$0x1C000] =	vst v63  }
0x99: {  	s23 =	sadd.s32 s14, s20  }
0x9a: {  	[tilespmem:s26], [sflag:$0x1] =	stream.linear.gather [hbm4b:s23+s4], $0x80, $0x38;
	[tilespmem:$0x1C000] =	vst v63  }
0x9b: {  	s24 =	sadd.s32 s14, s21  }
0x9c: {  	[tilespmem:s8], [sflag:$0x1] =	stream.linear.gather [hbm4b:s24+s4], $0x80, $0x38;
	[tilespmem:$0x1C000] =	vst v63  }
0x9d: {  	_ =	swait.ge [sflag:s16], $0x4000  }
0x9e: {  	[sflag:s16] =	ssyncset.done $0x0  }
0x9f: {  	[sflag:s16] =	ssyncadd.s32 $0xFFFFC000  }
0xa0: {  	[spmem:s3] =	stream.indirect.scatter.add.f32 [tilespmem:s11], [sflag:$0x3], $0x80, s0, s13, $0xb8;
	[tilespmem:$0x1C000] =	vst v63  }
0xa1: {  	_ =	swait.ge [sflag:s25], $0x4000  }
0xa2: {  	[sflag:s25] =	ssyncset.done $0x0  }
0xa3: {  	[sflag:s25] =	ssyncadd.s32 $0xFFFFC000  }
0xa4: {  	_ =	swait.ge [sflag:s6], $0x80  }
0xa5: {  	[sflag:s6] =	ssyncset.done $0x0  }
0xa6: {  	[sflag:s6] =	ssyncadd.s32 $0xFFFFFF80  }
0xa7: {  	_ =	swait.ge [sflag:s6], $0x80  }
0xa8: {  	[sflag:s6] =	ssyncset.done $0x0  }
0xa9: {  	[sflag:s6] =	ssyncadd.s32 $0xFFFFFF80  }
0xaa: {  	[tilespmem:s15], [sflag:$0x2] =	stream.indirect.gather [hbm4b:s1+s13], $0x80, s5, s13, $0xb8;
	[tilespmem:$0x1C000] =	vst v63  }
0xab: {  	s24 =	sadd.s32 s14, s19  }
0xac: {  	[tilespmem:s29], [sflag:$0x1] =	stream.linear.gather [hbm4b:s24+s4], $0x80, $0x38;
	[tilespmem:$0x1C000] =	vst v63  }
0xad: {  	s24 =	sadd.s32 s14, s18  }
0xae: {  	[tilespmem:s30], [sflag:$0x1] =	stream.linear.gather [hbm4b:s24+s4], $0x80, $0x38;
	[tilespmem:$0x1C000] =	vst v63  }
0xaf: {  	_ =	swait.ge [sflag:s16], $0x4000  }
0xb0: {  	[sflag:s16] =	ssyncset.done $0x0  }
0xb1: {  	[sflag:s16] =	ssyncadd.s32 $0xFFFFC000  }
0xb2: {  	[spmem:s3] =	stream.indirect.scatter.add.f32 [tilespmem:s15], [sflag:$0x3], $0x80, s2, s13, $0xb8;
	[tilespmem:$0x1C000] =	vst v63  }
0xb3: {  	_ =	swait.ge [sflag:s25], $0x4000  }
0xb4: {  	[sflag:s25] =	ssyncset.done $0x0  }
0xb5: {  	[sflag:s25] =	ssyncadd.s32 $0xFFFFC000  }
0xb6: {  	_ =	swait.ge [sflag:s6], $0x80  }
0xb7: {  	[sflag:s6] =	ssyncset.done $0x0  }
0xb8: {  	[sflag:s6] =	ssyncadd.s32 $0xFFFFFF80  }
0xb9: {  	_ =	swait.ge [sflag:s6], $0x80  }
0xba: {  	[sflag:s6] =	ssyncset.done $0x0  }
0xbb: {  	s24 =	rddreg [dreg:$0x8];
	[sflag:s6] =	ssyncadd.s32 $0xFFFFFF80  }
0xbc: {  	[tilespmem:s11], [sflag:$0x2] =	stream.indirect.gather [hbm4b:s1+s13], $0x80, s26, s13, $0xb8;
	[tilespmem:$0x1C000] =	vst v63  }
0xbd: {  	s23 =	sadd.s32 s14, s24  }
0xbe: {  	[tilespmem:s31], [sflag:$0x1] =	stream.linear.gather [hbm4b:s23+s4], $0x80, $0x38;
	[tilespmem:$0x1C000] =	vst v63  }
0xbf: {  	s24 =	sadd.s32 s14, s17  }
0xc0: {  	[tilespmem:s0], [sflag:$0x1] =	stream.linear.gather [hbm4b:s24+s4], $0x80, $0x38;
	[tilespmem:$0x1C000] =	vst v63  }
0xc1: {  	_ =	swait.ge [sflag:s16], $0x4000  }
0xc2: {  	[sflag:s16] =	ssyncset.done $0x0  }
0xc3: {  	[sflag:s16] =	ssyncadd.s32 $0xFFFFC000  }
0xc4: {  	[spmem:s3] =	stream.indirect.scatter.add.f32 [tilespmem:s11], [sflag:$0x3], $0x80, s8, s13, $0xb8;
	[tilespmem:$0x1C000] =	vst v63  }
0xc5: {  	_ =	swait.ge [sflag:s25], $0x4000  }
0xc6: {  	[sflag:s25] =	ssyncset.done $0x0  }
0xc7: {  	[sflag:s25] =	ssyncadd.s32 $0xFFFFC000  }
0xc8: {  	_ =	swait.ge [sflag:s6], $0x80  }
0xc9: {  	[sflag:s6] =	ssyncset.done $0x0  }
0xca: {  	[sflag:s6] =	ssyncadd.s32 $0xFFFFFF80  }
0xcb: {  	p1 =	sne.s32 s12, $0x9C0;
	_ =	swait.ge [sflag:s6], $0x80  }
.Ltmp0:
0xcc: {  	[sflag:s6] =	ssyncset.done $0x0;
	s23 =	rddreg [dreg:$0x7];
	(pc) =	sbr.rel @p1 .LBB2_2-.Ltmp0, $4  }
0xcd: {  	s24 =	rddreg [dreg:$0x6];
	[sflag:s6] =	ssyncadd.s32 $0xFFFFFF80  }
0xce: {  	[tilespmem:s15], [sflag:$0x2] =	stream.indirect.gather [hbm4b:s1+s13], $0x80, s29, s13, $0xb8;
	[tilespmem:$0x1C000] =	vst v63  }
0xcf: {  	s12 =	sadd.s32 $0x40, s12;
	s23 =	sadd.s32 s14, s23;
	s14 =	sadd.s32 s14, s24  }
0xd0: {  	[tilespmem:s5], [sflag:$0x1] =	stream.linear.gather [hbm4b:s23+s4], $0x80, $0x38;
	[tilespmem:$0x1C000] =	vst v63  }
0xd1: {  	[tilespmem:s2], [sflag:$0x1] =	stream.linear.gather [hbm4b:s14+s4], $0x80, $0x38;
	[tilespmem:$0x1C000] =	vst v63  }
0xd2: {  	_ =	swait.ge [sflag:s16], $0x4000  }
0xd3: {  	[sflag:s16] =	ssyncset.done $0x0  }
0xd4: {  	[sflag:s16] =	ssyncadd.s32 $0xFFFFC000  }
0xd5: {  	_ =	swait.ge [sflag:s25], $0x4000  }
0xd6: {  	[sflag:s25] =	ssyncset.done $0x0  }
0xd7: {  	[sflag:s25] =	ssyncadd.s32 $0xFFFFC000  }
0xd8: {  	_ =	swait.ge [sflag:s6], $0x80  }
0xd9: {  	[sflag:s6] =	ssyncset.done $0x0  }
0xda: {  	[sflag:s6] =	ssyncadd.s32 $0xFFFFFF80  }
0xdb: {  	_ =	swait.ge [sflag:s6], $0x80  }
0xdc: {  	[sflag:s6] =	ssyncset.done $0x0  }
0xdd: {  	[sflag:s6] =	ssyncadd.s32 $0xFFFFFF80  }
0xde: {  	_ =	swait.ge [sflag:s6], $0x80  }
0xdf: {  	[sflag:s6] =	ssyncset.done $0x0  }
0xe0: {  	[sflag:s6] =	ssyncadd.s32 $0xFFFFFF80  }
0xe1: {  	_ =	swait.ge [sflag:s6], $0x80  }
0xe2: {  	[sflag:s6] =	ssyncset.done $0x0  }
0xe3: {  	[sflag:s6] =	ssyncadd.s32 $0xFFFFFF80  }
0xe4: {  	[bflag:$0x0] =	sbarrier.arrive $0xFFFF  }
0xe5: {  	s23 =	rddreg [dreg:$0x13]  }
0xe6: {  	s12 =	rddreg [dreg:$0x16]  }
0xe7: {  	s14 =	sadd.s32 @p0 $0x25080, s23;
	s12 =	sshrl.u32 @p0 s12, $0x3  }
0xe8: {  	[hbm:s14], [sflag:s10] =	dma.local @p0 [spmem:s12], $0x2080  }
0xe9: {  	s14 =	simm.s32 @p0 $0x4  }
0xea: {  	_ =	swait.ge @p0 [sflag:s14], $0x2080  }
0xeb: {  	[sflag:s14] =	ssyncset.done @p0 $0x0  }
0xec: {  	[sflag:s14] =	ssyncadd.s32 @p0 $0xFFFFDF80;
	s14 =	rddreg [dreg:$0xa]  }
0xed: {  	s23 =	sadd.s32 @!p0 s14, s23;
	s14 =	rddreg [dreg:$0xb]  }
0xee: {  	s14 =	sshrl.u32 @!p0 s14, $0x3  }
0xef: {  	[hbm:s23], [sflag:s10] =	dma.local @!p0 [spmem:s14], $0x2780  }
0xf0: {  	s23 =	simm.s32 @!p0 $0x4  }
0xf1: {  	_ =	swait.ge @!p0 [sflag:s23], $0x2780  }
0xf2: {  	[sflag:s23] =	ssyncset.done @!p0 $0x0  }
0xf3: {  	[sflag:s23] =	ssyncadd.s32 @!p0 $0xFFFFD880  }
0xf4: {  	[bflag:$0x0] =	sbarrier.arrive $0xFFFF  }
0xf5: {  	s24 =	rddreg [dreg:$0xc]  }
0xf6: {  	[spmem:s7], [sflag:s10] =	dma.local [hbm:s24], $0x2780  }
0xf7: {  	_ =	swait.ge [sflag:s28], $0x2780  }
0xf8: {  	[sflag:s28] =	ssyncset.done $0x0  }
0xf9: {  	[sflag:s28] =	ssyncadd.s32 $0xFFFFD880  }
0xfa: {  	s7 =	simm.s32 $0x0;
	s24 =	rddreg [dreg:$0x3]  }
0xfb: {  	[tilespmem:s15], [sflag:$0x4] =	stream.linear.gather [hbm4b:s24+s7], $0x4000, $0x38;
	[tilespmem:$0x1C000] =	vst v63  }
0xfc: {  	_ =	swait.ge [sflag:s28], $0x4000  }
0xfd: {  	[sflag:s28] =	ssyncset.done $0x0  }
0xfe: {  	[sflag:s28] =	ssyncadd.s32 $0xFFFFC000  }
0xff: {  	[bflag:$0x0] =	sbarrier.arrive $0xFFFF  }
0x100: {  	s24 =	rddreg [dreg:$0xe]  }
0x101: {  	[tilespmem:s30], [sflag:$0x1] =	stream.linear.gather [hbm4b:s24+s7], $0x80, $0x38;
	[tilespmem:$0x1C000] =	vst v63  }
0x102: {  	s24 =	rddreg [dreg:$0x10]  }
0x103: {  	[tilespmem:s0], [sflag:$0x1] =	stream.linear.gather [hbm4b:s24+s7], $0x80, $0x38;
	[tilespmem:$0x1C000] =	vst v63  }
0x104: {  	_ =	swait.ge [sflag:s6], $0x80  }
0x105: {  	[sflag:s6] =	ssyncset.done $0x0  }
0x106: {  	[sflag:s6] =	ssyncadd.s32 $0xFFFFFF80  }
0x107: {  	_ =	swait.ge [sflag:s6], $0x80  }
0x108: {  	[sflag:s6] =	ssyncset.done $0x0  }
0x109: {  	s23 =	sadd.s32 $0x0, s22;
	[sflag:s6] =	ssyncadd.s32 $0xFFFFFF80  }
0x10a: {  	[tilespmem:s2], [sflag:$0x1] =	stream.linear.gather [hbm4b:s23+s4], $0x80, $0x38;
	[tilespmem:$0x1C000] =	vst v63  }
0x10b: {  	s24 =	sadd.s32 $0x0, s21  }
0x10c: {  	[tilespmem:s8], [sflag:$0x1] =	stream.linear.gather [hbm4b:s24+s4], $0x80, $0x38;
	[tilespmem:$0x1C000] =	vst v63  }
0x10d: {  	_ = 	snop  }
0x10e: {  	[spmem:s3] =	stream.indirect.scatter.add.f32 [tilespmem:s15], [sflag:$0x3], $0x80, s30, s13, $0xb8;
	[tilespmem:$0x1C000] =	vst v63  }
0x10f: {  	_ = 	snop  }
0x110: {  	[spmem:s3] =	stream.indirect.scatter.add.f32 [tilespmem:s15], [sflag:$0x3], $0x80, s0, s13, $0xb8;
	[tilespmem:$0x1C000] =	vst v63  }
0x111: {  	_ =	swait.ge [sflag:s25], $0x4000  }
0x112: {  	[sflag:s25] =	ssyncset.done $0x0  }
0x113: {  	[sflag:s25] =	ssyncadd.s32 $0xFFFFC000  }
0x114: {  	_ =	swait.ge [sflag:s25], $0x4000  }
0x115: {  	[sflag:s25] =	ssyncset.done $0x0  }
0x116: {  	[sflag:s25] =	ssyncadd.s32 $0xFFFFC000  }
0x117: {  	_ =	swait.ge [sflag:s6], $0x80  }
0x118: {  	[sflag:s6] =	ssyncset.done $0x0  }
0x119: {  	[sflag:s6] =	ssyncadd.s32 $0xFFFFFF80  }
0x11a: {  	_ =	swait.ge [sflag:s6], $0x80  }
0x11b: {  	[sflag:s6] =	ssyncset.done $0x0  }
0x11c: {  	s23 =	sadd.s32 $0x0, s18;
	[sflag:s6] =	ssyncadd.s32 $0xFFFFFF80  }
0x11d: {  	[tilespmem:s30], [sflag:$0x1] =	stream.linear.gather [hbm4b:s23+s4], $0x80, $0x38;
	[tilespmem:$0x1C000] =	vst v63  }
0x11e: {  	s24 =	sadd.s32 $0x0, s17  }
0x11f: {  	[tilespmem:s0], [sflag:$0x1] =	stream.linear.gather [hbm4b:s24+s4], $0x80, $0x38;
	[tilespmem:$0x1C000] =	vst v63  }
0x120: {  	_ = 	snop  }
0x121: {  	[spmem:s3] =	stream.indirect.scatter.add.f32 [tilespmem:s15], [sflag:$0x3], $0x80, s2, s13, $0xb8;
	[tilespmem:$0x1C000] =	vst v63  }
0x122: {  	_ = 	snop  }
0x123: {  	[spmem:s3] =	stream.indirect.scatter.add.f32 [tilespmem:s15], [sflag:$0x3], $0x80, s8, s13, $0xb8;
	[tilespmem:$0x1C000] =	vst v63  }
0x124: {  	_ =	swait.ge [sflag:s25], $0x4000  }
0x125: {  	[sflag:s25] =	ssyncset.done $0x0  }
0x126: {  	[sflag:s25] =	ssyncadd.s32 $0xFFFFC000  }
0x127: {  	_ =	swait.ge [sflag:s25], $0x4000  }
0x128: {  	s7 =	simm.s32 $0x40;
	[sflag:s25] =	ssyncset.done $0x0  }
.LBB2_4:
0x129: {  	p1 =	sne.s32 s7, $0x9C0  }
0x12a: {  	[sflag:s25] =	ssyncadd.s32 $0xFFFFC000;
	s23 =	smov.u32 s7;
	s7 =	sadd.s32 $0x40, s7  }
0x12b: {  	_ =	swait.ge [sflag:s6], $0x80  }
0x12c: {  	[sflag:s6] =	ssyncset.done $0x0  }
0x12d: {  	[sflag:s6] =	ssyncadd.s32 $0xFFFFFF80  }
0x12e: {  	_ =	swait.ge [sflag:s6], $0x80  }
0x12f: {  	[sflag:s6] =	ssyncset.done $0x0  }
0x130: {  	s24 =	sadd.s32 s23, s22;
	[sflag:s6] =	ssyncadd.s32 $0xFFFFFF80  }
0x131: {  	[tilespmem:s2], [sflag:$0x1] =	stream.linear.gather [hbm4b:s24+s4], $0x80, $0x38;
	[tilespmem:$0x1C000] =	vst v63  }
0x132: {  	s24 =	sadd.s32 s23, s21  }
0x133: {  	[tilespmem:s8], [sflag:$0x1] =	stream.linear.gather [hbm4b:s24+s4], $0x80, $0x38;
	[tilespmem:$0x1C000] =	vst v63  }
0x134: {  	_ = 	snop  }
0x135: {  	[spmem:s3] =	stream.indirect.scatter.add.f32 [tilespmem:s15], [sflag:$0x3], $0x80, s30, s13, $0xb8;
	[tilespmem:$0x1C000] =	vst v63  }
0x136: {  	_ = 	snop  }
0x137: {  	[spmem:s3] =	stream.indirect.scatter.add.f32 [tilespmem:s15], [sflag:$0x3], $0x80, s0, s13, $0xb8;
	[tilespmem:$0x1C000] =	vst v63  }
0x138: {  	_ =	swait.ge [sflag:s25], $0x4000  }
0x139: {  	[sflag:s25] =	ssyncset.done $0x0  }
0x13a: {  	[sflag:s25] =	ssyncadd.s32 $0xFFFFC000  }
0x13b: {  	_ =	swait.ge [sflag:s25], $0x4000  }
0x13c: {  	[sflag:s25] =	ssyncset.done $0x0  }
0x13d: {  	[sflag:s25] =	ssyncadd.s32 $0xFFFFC000  }
0x13e: {  	_ =	swait.ge [sflag:s6], $0x80  }
0x13f: {  	[sflag:s6] =	ssyncset.done $0x0  }
0x140: {  	[sflag:s6] =	ssyncadd.s32 $0xFFFFFF80  }
0x141: {  	_ =	swait.ge [sflag:s6], $0x80  }
0x142: {  	[sflag:s6] =	ssyncset.done $0x0  }
0x143: {  	s24 =	sadd.s32 s23, s18;
	[sflag:s6] =	ssyncadd.s32 $0xFFFFFF80  }
0x144: {  	[tilespmem:s30], [sflag:$0x1] =	stream.linear.gather [hbm4b:s24+s4], $0x80, $0x38;
	[tilespmem:$0x1C000] =	vst v63  }
0x145: {  	s23 =	sadd.s32 s23, s17  }
0x146: {  	[tilespmem:s0], [sflag:$0x1] =	stream.linear.gather [hbm4b:s23+s4], $0x80, $0x38;
	[tilespmem:$0x1C000] =	vst v63  }
0x147: {  	_ = 	snop  }
0x148: {  	[spmem:s3] =	stream.indirect.scatter.add.f32 [tilespmem:s15], [sflag:$0x3], $0x80, s2, s13, $0xb8;
	[tilespmem:$0x1C000] =	vst v63  }
0x149: {  	_ = 	snop  }
0x14a: {  	[spmem:s3] =	stream.indirect.scatter.add.f32 [tilespmem:s15], [sflag:$0x3], $0x80, s8, s13, $0xb8;
	[tilespmem:$0x1C000] =	vst v63  }
.Ltmp1:
0x14b: {  	_ =	swait.ge [sflag:s25], $0x4000;
	(pc) =	sbr.rel @p1 .LBB2_4-.Ltmp1, $4  }
0x14c: {  	[sflag:s25] =	ssyncset.done $0x0  }
0x14d: {  	[sflag:s25] =	ssyncadd.s32 $0xFFFFC000  }
0x14e: {  	_ =	swait.ge [sflag:s25], $0x4000  }
0x14f: {  	[sflag:s25] =	ssyncset.done $0x0  }
0x150: {  	[sflag:s25] =	ssyncadd.s32 $0xFFFFC000  }
0x151: {  	_ =	swait.ge [sflag:s6], $0x80  }
0x152: {  	[sflag:s6] =	ssyncset.done $0x0  }
0x153: {  	[sflag:s6] =	ssyncadd.s32 $0xFFFFFF80  }
0x154: {  	_ =	swait.ge [sflag:s6], $0x80  }
0x155: {  	[sflag:s6] =	ssyncset.done $0x0  }
0x156: {  	[sflag:s6] =	ssyncadd.s32 $0xFFFFFF80  }
0x157: {  	[bflag:$0x0] =	sbarrier.arrive $0xFFFF  }
0x158: {  	s23 =	rddreg [dreg:$0x14]  }
0x159: {  	s7 =	sadd.s32 @p0 $0x25080, s23  }
0x15a: {  	[hbm:s7], [sflag:s10] =	dma.local @p0 [spmem:s12], $0x2080  }
0x15b: {  	s7 =	simm.s32 @p0 $0x4  }
0x15c: {  	_ =	swait.ge @p0 [sflag:s7], $0x2080  }
0x15d: {  	[sflag:s7] =	ssyncset.done @p0 $0x0  }
0x15e: {  	[sflag:s7] =	ssyncadd.s32 @p0 $0xFFFFDF80;
	s7 =	rddreg [dreg:$0xa]  }
0x15f: {  	s7 =	sadd.s32 @!p0 s7, s23  }
0x160: {  	[hbm:s7], [sflag:s10] =	dma.local @!p0 [spmem:s14], $0x2780  }
0x161: {  	s7 =	simm.s32 @!p0 $0x4  }
0x162: {  	_ =	swait.ge @!p0 [sflag:s7], $0x2780  }
0x163: {  	s9 =	sadd.s32 $0x1, s9;
	s24 =	rddreg [dreg:$0x15]  }
0x164: {  	p1 =	sne.s32 s9, s24  }
.Ltmp2:
0x165: {  	_ = 	snop;
	(pc) =	sbr.rel @p1 .LBB2_1-.Ltmp2, $3  }
0x166: {  	_ =	sdelay $0x1  }
0x167: {  	[sflag:s7] =	ssyncset.done @!p0 $0x0  }
0x168: {  	[sflag:s7] =	ssyncadd.s32 @!p0 $0xFFFFD880  }
0x169: {  	_ =	sfence.sel $0x180000  }
0x16a: {  	[bflag:$0x0] =	sbarrier.arrive $0xFFFF  }
0x16b: {  	_ =	strace $0x90000047  }
0x16c: {  	s0 =	stileid.u32;
	[bflag:$0x2] =	sbarrier.arrive $0xFFFF  }
0x16d: {  	p0 =	sne.s32 s0, $0x0;
	s0 =	rddreg [dreg:$0x5]  }
0x16e: {  	s0 =	sadd.s32 @!p0 $0x100000, s0  }
0x16f: {  	[sflag:s0] =	ssyncadd.tile.s32 @!p0 $0x1;
	_ =	shalt  }
.Lfunc_end2:
_tile_overlayer_lowered:
.L_overlay_start_2:
0x170: {  	(tag) =	ssettag $0x2  }
0x171: {  	s0 =	rddreg [dreg:$0x0];
	s2 =	stileid.u32  }
0x172: {  	s1 =	rddreg [dreg:$0x1];
	p0 =	sne.s32 s2, $0x0  }
0x173: {  	s3 =	rddreg [dreg:$0x2];
	[bflag:$0x3] =	sbarrier.arrive $0xFFFF;
	s2 =	simm.s32 @!p0 $0x1C04  }
0x174: {  	[timem:s3], [sflag:s2] =	dma.local @!p0 [hbm:s0], s1  }
0x175: {  	s0 =	simm.s32 @!p0 $0x4  }
0x176: {  	_ =	swait.ge @!p0 [sflag:s0], s1  }
0x177: {  	s1 =	ssub.s32 @!p0 $0x0, s1;
	[sflag:s0] =	ssyncset.done @!p0 $0x0  }
0x178: {  	[sflag:s0] =	ssyncadd.s32 @!p0 s1  }
0x179: {  	[bflag:$0x3] =	sbarrier.arrive $0xFFFF  }
0x17a: {  	_ =	shalt  }

</sc_bundles>
